<compile_context>
chip_gen: v7x
topology: tpu7x:2x2x1
jax: 0.10.2.dev20260603
libtpu: 0.0.44.dev20260713+nightly
codegen_flags: <defaults>
</compile_context>

<pallas_src>
import functools

import jax
import jax.numpy as jnp
from jax import lax
from jax.experimental import pallas as pl
from jax.experimental.pallas import tpu as pltpu
from jax.experimental.pallas import tpu_sc as plsc

N = 10000
E = 320000
NC = 2
NS = 16
NW = NC * NS
EPW = E // NW
RPS = 624
TAIL = N - NS * RPS
DEG_W = 8
DBLK = 1000
DNB = EPW // DBLK
_EDGE_BLK = {64: 200, 32: 400, 16: 1000}

_MESH = plsc.VectorSubcoreMesh(core_axis_name="c", subcore_axis_name="s")
_SC_PARAMS = pltpu.CompilerParams(use_tc_tiling_on_sc=False)


def _striped(s, mk):
    mk(s * RPS, RPS)

    @pl.when(s == NS - 1)
    def _():
        mk(NS * RPS, TAIL)


def _blk(base, j, blk):
    return pl.ds(pl.multiple_of(base + j * blk, 8), blk)


def _deg_body(e1_hbm, e2_hbm, e3_hbm, ones_hbm, zeros_hbm, out_hbm,
              ones_v, col_a, col_b, acc0, acc1, acc2, sem_a, sem_b):
    c = lax.axis_index("c")
    s = lax.axis_index("s")
    wid = c * NS + s
    ebase = wid * EPW
    for acc in (acc0, acc1, acc2):
        _striped(s, lambda o, n, acc=acc: pltpu.sync_copy(
            zeros_hbm.at[pl.ds(o, n)], acc.at[pl.ds(o, n)]))
    pltpu.sync_copy(ones_hbm, ones_v)
    plsc.subcore_barrier()

    for e_hbm, acc in ((e1_hbm, acc0), (e2_hbm, acc1), (e3_hbm, acc2)):
        def start(j, buf, sem, e_hbm=e_hbm):
            pltpu.async_copy(e_hbm.at[1, _blk(ebase, j, DBLK)], buf, sem)

        def proc(j, buf, sem, obuf, osem, e_hbm=e_hbm, acc=acc,
                 start=start):
            @pl.when(j + 1 < DNB)
            def _():
                start(j + 1, obuf, osem)

            pltpu.make_async_copy(
                e_hbm.at[1, _blk(ebase, j, DBLK)], buf, sem).wait()
            pltpu.sync_copy(ones_v, acc.at[buf], add=True)

        start(0, col_a, sem_a)

        def body(j, carry, proc=proc):
            @pl.when(lax.rem(j, 2) == 0)
            def _():
                proc(j, col_a, sem_a, col_b, sem_b)

            @pl.when(lax.rem(j, 2) == 1)
            def _():
                proc(j, col_b, sem_b, col_a, sem_a)

            return carry

        lax.fori_loop(0, DNB, body, 0)
    plsc.subcore_barrier()
    for cc in range(NC):
        @pl.when(c == cc)
        def _(cc=cc):
            for i, acc in enumerate((acc0, acc1, acc2)):
                co = 64 * cc + 16 * i
                _striped(s, lambda o, n, co=co, acc=acc: pltpu.sync_copy(
                    acc.at[pl.ds(o, n)],
                    out_hbm.at[pl.ds(o, n), pl.ds(co, DEG_W)]))


_deg_call = pl.kernel(
    _deg_body,
    out_type=jax.ShapeDtypeStruct((N, 128), jnp.float32),
    mesh=_MESH,
    compiler_params=_SC_PARAMS,
    scratch_types=[
        pltpu.VMEM((DBLK, DEG_W), jnp.float32),
        pltpu.VMEM((DBLK,), jnp.int32),
        pltpu.VMEM((DBLK,), jnp.int32),
        pltpu.VMEM_SHARED((N, DEG_W), jnp.float32),
        pltpu.VMEM_SHARED((N, DEG_W), jnp.float32),
        pltpu.VMEM_SHARED((N, DEG_W), jnp.float32),
        pltpu.SemaphoreType.DMA,
        pltpu.SemaphoreType.DMA,
    ],
)


def _make_edge_body(d, blk, nb):
    R = 4

    def body_fn(y_hbm, e_hbm, zeros_hbm, out_hbm,
                row_all, col0, col1, col2, col3, dat0, dat1, dat2, dat3,
                acc_sh, sl0, sl1, sl2, sl3, ss0, ss1, ss2, ss3):
        cols = (col0, col1, col2, col3)
        dats = (dat0, dat1, dat2, dat3)
        sls = (sl0, sl1, sl2, sl3)
        sss = (ss0, ss1, ss2, ss3)
        c = lax.axis_index("c")
        s = lax.axis_index("s")
        wid = c * NS + s
        ebase = wid * EPW
        pltpu.sync_copy(e_hbm.at[0, pl.ds(ebase, EPW)], row_all)

        @pl.when(c == 0)
        def _():
            _striped(s, lambda o, n: pltpu.sync_copy(
                y_hbm.at[pl.ds(o, n)], acc_sh.at[pl.ds(o, n)]))

        @pl.when(c != 0)
        def _():
            _striped(s, lambda o, n: pltpu.sync_copy(
                zeros_hbm.at[pl.ds(o, n)], acc_sh.at[pl.ds(o, n)]))

        plsc.subcore_barrier()

        def col_desc(j, r):
            return (e_hbm.at[1, _blk(ebase, j, blk)], cols[r], sls[r])

        def g_desc(j, r):
            return (y_hbm.at[row_all.at[_blk(0, j, blk)]], dats[r], sls[r])

        def s_desc(r):
            return (dats[r], acc_sh.at[cols[r]], sss[r])

        def fire_loads(j, r):
            pltpu.async_copy(*col_desc(j, r))
            pltpu.async_copy(*g_desc(j, r))

        fire_loads(0, 0)
        fire_loads(1, 1)

        def step(j, r):
            r2 = (r + 2) % R

            @pl.when(j + 2 < nb)
            def _():
                fire_loads(j + 2, r2)

            pltpu.make_async_copy(*col_desc(j, r)).wait()
            pltpu.make_async_copy(*g_desc(j, r)).wait()
            pltpu.sync_copy(dats[r], acc_sh.at[cols[r]], add=True)

        def body(j, carry):
            for r in range(R):
                @pl.when(lax.rem(j, R) == r)
                def _(r=r):
                    step(j, r)

            return carry

        lax.fori_loop(0, nb, body, 0)
        plsc.subcore_barrier()
        for cc in range(NC):
            @pl.when(c == cc)
            def _(cc=cc):
                _striped(s, lambda o, n: pltpu.sync_copy(
                    acc_sh.at[pl.ds(o, n)],
                    out_hbm.at[pl.ds(o, n), pl.ds(64 * cc, d)]))

    return body_fn


@functools.cache
def _edge_call(d):
    blk = _EDGE_BLK[d]
    nb = EPW // blk
    return pl.kernel(
        _make_edge_body(d, blk, nb),
        out_type=jax.ShapeDtypeStruct((N, 128), jnp.float32),
        mesh=_MESH,
        compiler_params=_SC_PARAMS,
        scratch_types=(
            [pltpu.VMEM((EPW,), jnp.int32)]
            + [pltpu.VMEM((blk,), jnp.int32) for _ in range(4)]
            + [pltpu.VMEM((blk, d), jnp.float32) for _ in range(4)]
            + [pltpu.VMEM_SHARED((N, d), jnp.float32)]
            + [pltpu.SemaphoreType.DMA for _ in range(8)]
        ),
    )


def _dis(deg_ref, i):
    d = (deg_ref[:, 16 * i:16 * i + 1]
         + deg_ref[:, 64 + 16 * i:64 + 16 * i + 1] + 1.0)
    return lax.rsqrt(d)


def _first_body(x_ref, w_ref, degp_ref, y_ref):
    y_ref[...] = jnp.dot(x_ref[...], w_ref[...],
                         preferred_element_type=jnp.float32) * _dis(degp_ref, 0)


def _make_mid_body(i):
    def body(p_ref, degp_ref, b_ref, w_ref, y_ref):
        d = w_ref.shape[0]
        h = jnp.maximum(
            (p_ref[:, 0:d] + p_ref[:, 64:64 + d]) * _dis(degp_ref, i)
            + b_ref[...], 0.0)
        y_ref[...] = jnp.dot(h, w_ref[...],
                             preferred_element_type=jnp.float32) * _dis(
                                 degp_ref, i + 1)
    return body


def _final_body(p_ref, degp_ref, b_ref, out_ref):
    out_ref[...] = jnp.maximum(
        (p_ref[:, 0:16] + p_ref[:, 64:80]) * _dis(degp_ref, 2)
        + b_ref[...], 0.0)


def _tc(body, out_shape, *args):
    return pl.pallas_call(
        body, out_shape=jax.ShapeDtypeStruct(out_shape, jnp.float32))(*args)


def kernel(features, edge_indexes_1, edge_indexes_3, edge_indexes_9,
           W1, b1, W2, b2, W3, b3):
    ones = jnp.ones((DBLK, DEG_W), jnp.float32)
    zeros64 = jnp.zeros((N, 64), jnp.float32)

    degp = _deg_call(edge_indexes_1, edge_indexes_3, edge_indexes_9,
                     ones, zeros64[:, :DEG_W])

    y1 = _tc(_first_body, (N, 64), features, W1, degp)
    p1 = _edge_call(64)(y1, edge_indexes_1, zeros64)
    y2 = _tc(_make_mid_body(0), (N, 32), p1, degp, b1, W2)
    p2 = _edge_call(32)(y2, edge_indexes_3, zeros64[:, :32])
    y3 = _tc(_make_mid_body(1), (N, 16), p2, degp, b2, W3)
    p3 = _edge_call(16)(y3, edge_indexes_9, zeros64[:, :16])
    h3 = _tc(_final_body, (N, 16), p3, degp, b3)
    return h3

# --- scband reference (transcript-rebuilt; emitter-appended) ---
"""Pipeline reference for scband-dcgcnencoder-28578712388230 (READ-ONLY COPY).

The authoritative reference and input builder live on the scoring server;
editing this copy changes nothing except your own understanding.
"""

import jax, jax.numpy as jnp
import numpy as np

N_NODES = 10000
N_EDGES = 320000


def _gcn_conv(x, edge_index, W, b, num_nodes):
    # x: [N, d_in], edge_index: [2, E] (row=source, col=target)
    x = x @ W
    loop = jnp.arange(num_nodes, dtype=edge_index.dtype)
    row = jnp.concatenate([edge_index[0], loop])
    col = jnp.concatenate([edge_index[1], loop])
    ones = jnp.ones(row.shape[0], dtype=x.dtype)
    deg = jnp.zeros((num_nodes,), dtype=x.dtype).at[col].add(ones)
    deg_inv_sqrt = jnp.where(deg > 0, jax.lax.rsqrt(deg), 0.0)
    norm = deg_inv_sqrt[row] * deg_inv_sqrt[col]
    msg = x[row] * norm[:, None]
    out = jnp.zeros((num_nodes, x.shape[1]), dtype=x.dtype).at[col].add(msg)
    return out + b


def _glorot(key, shape):
    limit = float(np.sqrt(6.0 / (shape[0] + shape[1])))
    return jax.random.uniform(key, shape, dtype=jnp.float32, minval=-limit, maxval=limit)


def setup_inputs(seed: int = 0) -> dict:
    key = jax.random.key(seed)
    ks = jax.random.split(key, 8)
    features = jax.random.normal(ks[0], (N_NODES, 128), dtype=jnp.float32)
    edge_indexes_1 = jax.random.randint(ks[1], (2, N_EDGES), 0, N_NODES, dtype=jnp.int32)
    edge_indexes_3 = jax.random.randint(ks[2], (2, N_EDGES), 0, N_NODES, dtype=jnp.int32)
    edge_indexes_9 = jax.random.randint(ks[3], (2, N_EDGES), 0, N_NODES, dtype=jnp.int32)
    W1 = _glorot(ks[4], (128, 64))
    b1 = jnp.zeros((64,), dtype=jnp.float32)
    W2 = _glorot(ks[5], (64, 32))
    b2 = jnp.zeros((32,), dtype=jnp.float32)
    W3 = _glorot(ks[6], (32, 16))
    b3 = jnp.zeros((16,), dtype=jnp.float32)
    return {
        "features": features,
        "edge_indexes_1": edge_indexes_1,
        "edge_indexes_3": edge_indexes_3,
        "edge_indexes_9": edge_indexes_9,
        "W1": W1, "b1": b1, "W2": W2, "b2": b2, "W3": W3, "b3": b3,
    }


def reference(features, edge_indexes_1, edge_indexes_3, edge_indexes_9, W1, b1, W2, b2, W3, b3):
    # DCGCNEncoder.forward: dilated GCN stack over hops 1, 3, 9 with ReLU
    h = jax.nn.relu(_gcn_conv(features, edge_indexes_1, W1, b1, N_NODES))
    h = jax.nn.relu(_gcn_conv(h, edge_indexes_3, W2, b2, N_NODES))
    h = jax.nn.relu(_gcn_conv(h, edge_indexes_9, W3, b3, N_NODES))
    return h

if __name__ == "__main__":
    import jax
    _d = setup_inputs()
    print(jax.jit(kernel)(*tuple(_d.values())))

</pallas_src>

<mosaic_0001>
#map = affine_map<(d0, d1) -> (0, 0)>
module attributes {stable_mosaic.version = 14 : i64} {
  func.func @body_fn(%arg0: i32, %arg1: i32, %arg2: memref<10000x64xf32, #tpu.memory_space<hbm>>, %arg3: memref<2x320000xi32, #tpu.memory_space<hbm>>, %arg4: memref<10000x64xf32, #tpu.memory_space<hbm>>, %arg5: memref<10000x128xf32, #tpu.memory_space<hbm>>, %arg6: memref<10000xi32, #tpu.memory_space<vmem>>, %arg7: memref<200xi32, #tpu.memory_space<vmem>>, %arg8: memref<200xi32, #tpu.memory_space<vmem>>, %arg9: memref<200xi32, #tpu.memory_space<vmem>>, %arg10: memref<200xi32, #tpu.memory_space<vmem>>, %arg11: memref<200x64xf32, #tpu.memory_space<vmem>>, %arg12: memref<200x64xf32, #tpu.memory_space<vmem>>, %arg13: memref<200x64xf32, #tpu.memory_space<vmem>>, %arg14: memref<200x64xf32, #tpu.memory_space<vmem>>, %arg15: memref<10000x64xf32, #tpu.memory_space<vmem_shared>>, %arg16: memref<!tpu.dma_semaphore, #tpu.memory_space<semaphore_mem>>, %arg17: memref<!tpu.dma_semaphore, #tpu.memory_space<semaphore_mem>>, %arg18: memref<!tpu.dma_semaphore, #tpu.memory_space<semaphore_mem>>, %arg19: memref<!tpu.dma_semaphore, #tpu.memory_space<semaphore_mem>>, %arg20: memref<!tpu.dma_semaphore, #tpu.memory_space<semaphore_mem>>, %arg21: memref<!tpu.dma_semaphore, #tpu.memory_space<semaphore_mem>>, %arg22: memref<!tpu.dma_semaphore, #tpu.memory_space<semaphore_mem>>, %arg23: memref<!tpu.dma_semaphore, #tpu.memory_space<semaphore_mem>>) attributes {dimension_semantics = [#tpu.dimension_semantics<core_parallel>, #tpu.dimension_semantics<subcore_parallel>], iteration_bounds = array<i64: 2, 16>, scalar_prefetch = 0 : i64, scratch_operands = 18 : i64, tpu.core_type = #tpu.core_type<sc_vector_subcore>, window_params = [{transform_indices = #map}, {transform_indices = #map}, {transform_indices = #map}, {transform_indices = #map}]} {
    %mul3A = arith.constant 16 : i32
    %mul3A_0 = arith.muli %arg0, %mul3A : i32
    %add3A = arith.addi %mul3A_0, %arg1 : i32
    %mul3A_1 = arith.constant 10000 : i32
    %mul3A_2 = arith.muli %add3A, %mul3A_1 : i32
    %run_scoped3A = arith.constant 0 : i32
    "tpu.region"() ({
      %run_scoped3A_51 = tpu.sem_alloc : memref<!tpu.dma_semaphore, #tpu.memory_space<semaphore_mem>>
      %dma_start3A_52 = tpu.memref_slice %arg3[%run_scoped3A, %mul3A_2] : memref<2x320000xi32, #tpu.memory_space<hbm>> -> memref<1x10000xi32, #tpu.memory_space<hbm>>
      %dma_start3A_53 = tpu.memref_squeeze %dma_start3A_52 : memref<1x10000xi32, #tpu.memory_space<hbm>> -> memref<10000xi32, #tpu.memory_space<hbm>>
      %dma_start3A_54 = tpu.memref_slice %arg3[%run_scoped3A, %mul3A_2] : memref<2x320000xi32, #tpu.memory_space<hbm>> -> memref<1x10000xi32, #tpu.memory_space<hbm>>
      %dma_start3A_55 = tpu.memref_squeeze %dma_start3A_54 : memref<1x10000xi32, #tpu.memory_space<hbm>> -> memref<10000xi32, #tpu.memory_space<hbm>>
      tpu.enqueue_dma source(%dma_start3A_55 : memref<10000xi32, #tpu.memory_space<hbm>>) target(%arg6 : memref<10000xi32, #tpu.memory_space<vmem>>) target_semaphore(%run_scoped3A_51 : memref<!tpu.dma_semaphore, #tpu.memory_space<semaphore_mem>>)
      %dma_wait3A = tpu.memref_slice %arg3[%run_scoped3A, %mul3A_2] : memref<2x320000xi32, #tpu.memory_space<hbm>> -> memref<1x10000xi32, #tpu.memory_space<hbm>>
      %dma_wait3A_56 = tpu.memref_squeeze %dma_wait3A : memref<1x10000xi32, #tpu.memory_space<hbm>> -> memref<10000xi32, #tpu.memory_space<hbm>>
      %dma_wait3A_57 = tpu.memref_slice %arg3[%run_scoped3A, %mul3A_2] : memref<2x320000xi32, #tpu.memory_space<hbm>> -> memref<1x10000xi32, #tpu.memory_space<hbm>>
      %dma_wait3A_58 = tpu.memref_squeeze %dma_wait3A_57 : memref<1x10000xi32, #tpu.memory_space<hbm>> -> memref<10000xi32, #tpu.memory_space<hbm>>
      tpu.wait_dma2 semaphore(%run_scoped3A_51 : memref<!tpu.dma_semaphore, #tpu.memory_space<semaphore_mem>>) src(%dma_wait3A_58 : memref<10000xi32, #tpu.memory_space<hbm>>) dst(%arg6 : memref<10000xi32, #tpu.memory_space<vmem>>)
      tpu.yield
    }) : () -> ()
    %eq3A = arith.constant 0 : i32
    %eq3A_3 = arith.cmpi eq, %arg0, %eq3A : i32
    %convert_element_type3A = arith.extui %eq3A_3 : i1 to i32
    %cond3A = arith.constant 0 : i32
    %cond3A_4 = arith.cmpi ne, %convert_element_type3A, %cond3A : i32
    scf.if %cond3A_4 {
      %mul3A_51 = arith.constant 624 : i32
      %mul3A_52 = arith.muli %arg1, %mul3A_51 : i32
      "tpu.region"() ({
        %run_scoped3A_58 = tpu.sem_alloc : memref<!tpu.dma_semaphore, #tpu.memory_space<semaphore_mem>>
        %dma_start3A_59 = arith.constant 0 : i32
        %dma_start3A_60 = tpu.memref_slice %arg15[%mul3A_52, %dma_start3A_59] : memref<10000x64xf32, #tpu.memory_space<vmem_shared>> -> memref<624x64xf32, #tpu.memory_space<vmem_shared>>
        %dma_start3A_61 = arith.constant 0 : i32
        %dma_start3A_62 = tpu.memref_slice %arg2[%mul3A_52, %dma_start3A_61] : memref<10000x64xf32, #tpu.memory_space<hbm>> -> memref<624x64xf32, #tpu.memory_space<hbm>>
        tpu.enqueue_dma source(%dma_start3A_62 : memref<624x64xf32, #tpu.memory_space<hbm>>) target(%dma_start3A_60 : memref<624x64xf32, #tpu.memory_space<vmem_shared>>) target_semaphore(%run_scoped3A_58 : memref<!tpu.dma_semaphore, #tpu.memory_space<semaphore_mem>>)
        %dma_wait3A = arith.constant 0 : i32
        %dma_wait3A_63 = tpu.memref_slice %arg15[%mul3A_52, %dma_wait3A] : memref<10000x64xf32, #tpu.memory_space<vmem_shared>> -> memref<624x64xf32, #tpu.memory_space<vmem_shared>>
        %dma_wait3A_64 = arith.constant 0 : i32
        %dma_wait3A_65 = tpu.memref_slice %arg2[%mul3A_52, %dma_wait3A_64] : memref<10000x64xf32, #tpu.memory_space<hbm>> -> memref<624x64xf32, #tpu.memory_space<hbm>>
        tpu.wait_dma2 semaphore(%run_scoped3A_58 : memref<!tpu.dma_semaphore, #tpu.memory_space<semaphore_mem>>) src(%dma_wait3A_65 : memref<624x64xf32, #tpu.memory_space<hbm>>) dst(%dma_wait3A_63 : memref<624x64xf32, #tpu.memory_space<vmem_shared>>)
        tpu.yield
      }) : () -> ()
      %eq3A_53 = arith.constant 15 : i32
      %eq3A_54 = arith.cmpi eq, %arg1, %eq3A_53 : i32
      %convert_element_type3A_55 = arith.extui %eq3A_54 : i1 to i32
      %cond3A_56 = arith.constant 0 : i32
      %cond3A_57 = arith.cmpi ne, %convert_element_type3A_55, %cond3A_56 : i32
      scf.if %cond3A_57 {
        "tpu.region"() ({
          %run_scoped3A_58 = tpu.sem_alloc : memref<!tpu.dma_semaphore, #tpu.memory_space<semaphore_mem>>
          %dma_start3A_59 = arith.constant 9984 : i32
          %dma_start3A_60 = arith.constant 0 : i32
          %dma_start3A_61 = tpu.memref_slice %arg15[%dma_start3A_59, %dma_start3A_60] : memref<10000x64xf32, #tpu.memory_space<vmem_shared>> -> memref<16x64xf32, #tpu.memory_space<vmem_shared>>
          %dma_start3A_62 = arith.constant 9984 : i32
          %dma_start3A_63 = arith.constant 0 : i32
          %dma_start3A_64 = tpu.memref_slice %arg2[%dma_start3A_62, %dma_start3A_63] : memref<10000x64xf32, #tpu.memory_space<hbm>> -> memref<16x64xf32, #tpu.memory_space<hbm>>
          tpu.enqueue_dma source(%dma_start3A_64 : memref<16x64xf32, #tpu.memory_space<hbm>>) target(%dma_start3A_61 : memref<16x64xf32, #tpu.memory_space<vmem_shared>>) target_semaphore(%run_scoped3A_58 : memref<!tpu.dma_semaphore, #tpu.memory_space<semaphore_mem>>)
          %dma_wait3A = arith.constant 9984 : i32
          %dma_wait3A_65 = arith.constant 0 : i32
          %dma_wait3A_66 = tpu.memref_slice %arg15[%dma_wait3A, %dma_wait3A_65] : memref<10000x64xf32, #tpu.memory_space<vmem_shared>> -> memref<16x64xf32, #tpu.memory_space<vmem_shared>>
          %dma_wait3A_67 = arith.constant 9984 : i32
          %dma_wait3A_68 = arith.constant 0 : i32
          %dma_wait3A_69 = tpu.memref_slice %arg2[%dma_wait3A_67, %dma_wait3A_68] : memref<10000x64xf32, #tpu.memory_space<hbm>> -> memref<16x64xf32, #tpu.memory_space<hbm>>
          tpu.wait_dma2 semaphore(%run_scoped3A_58 : memref<!tpu.dma_semaphore, #tpu.memory_space<semaphore_mem>>) src(%dma_wait3A_69 : memref<16x64xf32, #tpu.memory_space<hbm>>) dst(%dma_wait3A_66 : memref<16x64xf32, #tpu.memory_space<vmem_shared>>)
          tpu.yield
        }) : () -> ()
      } else {
      }
    } else {
    }
    %ne3A = arith.constant 0 : i32
    %ne3A_5 = arith.cmpi ne, %arg0, %ne3A : i32
    %convert_element_type3A_6 = arith.extui %ne3A_5 : i1 to i32
    %cond3A_7 = arith.constant 0 : i32
    %cond3A_8 = arith.cmpi ne, %convert_element_type3A_6, %cond3A_7 : i32
    scf.if %cond3A_8 {
      %mul3A_51 = arith.constant 624 : i32
      %mul3A_52 = arith.muli %arg1, %mul3A_51 : i32
      "tpu.region"() ({
        %run_scoped3A_58 = tpu.sem_alloc : memref<!tpu.dma_semaphore, #tpu.memory_space<semaphore_mem>>
        %dma_start3A_59 = arith.constant 0 : i32
        %dma_start3A_60 = tpu.memref_slice %arg15[%mul3A_52, %dma_start3A_59] : memref<10000x64xf32, #tpu.memory_space<vmem_shared>> -> memref<624x64xf32, #tpu.memory_space<vmem_shared>>
        %dma_start3A_61 = arith.constant 0 : i32
        %dma_start3A_62 = tpu.memref_slice %arg4[%mul3A_52, %dma_start3A_61] : memref<10000x64xf32, #tpu.memory_space<hbm>> -> memref<624x64xf32, #tpu.memory_space<hbm>>
        tpu.enqueue_dma source(%dma_start3A_62 : memref<624x64xf32, #tpu.memory_space<hbm>>) target(%dma_start3A_60 : memref<624x64xf32, #tpu.memory_space<vmem_shared>>) target_semaphore(%run_scoped3A_58 : memref<!tpu.dma_semaphore, #tpu.memory_space<semaphore_mem>>)
        %dma_wait3A = arith.constant 0 : i32
        %dma_wait3A_63 = tpu.memref_slice %arg15[%mul3A_52, %dma_wait3A] : memref<10000x64xf32, #tpu.memory_space<vmem_shared>> -> memref<624x64xf32, #tpu.memory_space<vmem_shared>>
        %dma_wait3A_64 = arith.constant 0 : i32
        %dma_wait3A_65 = tpu.memref_slice %arg4[%mul3A_52, %dma_wait3A_64] : memref<10000x64xf32, #tpu.memory_space<hbm>> -> memref<624x64xf32, #tpu.memory_space<hbm>>
        tpu.wait_dma2 semaphore(%run_scoped3A_58 : memref<!tpu.dma_semaphore, #tpu.memory_space<semaphore_mem>>) src(%dma_wait3A_65 : memref<624x64xf32, #tpu.memory_space<hbm>>) dst(%dma_wait3A_63 : memref<624x64xf32, #tpu.memory_space<vmem_shared>>)
        tpu.yield
      }) : () -> ()
      %eq3A_53 = arith.constant 15 : i32
      %eq3A_54 = arith.cmpi eq, %arg1, %eq3A_53 : i32
      %convert_element_type3A_55 = arith.extui %eq3A_54 : i1 to i32
      %cond3A_56 = arith.constant 0 : i32
      %cond3A_57 = arith.cmpi ne, %convert_element_type3A_55, %cond3A_56 : i32
      scf.if %cond3A_57 {
        "tpu.region"() ({
          %run_scoped3A_58 = tpu.sem_alloc : memref<!tpu.dma_semaphore, #tpu.memory_space<semaphore_mem>>
          %dma_start3A_59 = arith.constant 9984 : i32
          %dma_start3A_60 = arith.constant 0 : i32
          %dma_start3A_61 = tpu.memref_slice %arg15[%dma_start3A_59, %dma_start3A_60] : memref<10000x64xf32, #tpu.memory_space<vmem_shared>> -> memref<16x64xf32, #tpu.memory_space<vmem_shared>>
          %dma_start3A_62 = arith.constant 9984 : i32
          %dma_start3A_63 = arith.constant 0 : i32
          %dma_start3A_64 = tpu.memref_slice %arg4[%dma_start3A_62, %dma_start3A_63] : memref<10000x64xf32, #tpu.memory_space<hbm>> -> memref<16x64xf32, #tpu.memory_space<hbm>>
          tpu.enqueue_dma source(%dma_start3A_64 : memref<16x64xf32, #tpu.memory_space<hbm>>) target(%dma_start3A_61 : memref<16x64xf32, #tpu.memory_space<vmem_shared>>) target_semaphore(%run_scoped3A_58 : memref<!tpu.dma_semaphore, #tpu.memory_space<semaphore_mem>>)
          %dma_wait3A = arith.constant 9984 : i32
          %dma_wait3A_65 = arith.constant 0 : i32
          %dma_wait3A_66 = tpu.memref_slice %arg15[%dma_wait3A, %dma_wait3A_65] : memref<10000x64xf32, #tpu.memory_space<vmem_shared>> -> memref<16x64xf32, #tpu.memory_space<vmem_shared>>
          %dma_wait3A_67 = arith.constant 9984 : i32
          %dma_wait3A_68 = arith.constant 0 : i32
          %dma_wait3A_69 = tpu.memref_slice %arg4[%dma_wait3A_67, %dma_wait3A_68] : memref<10000x64xf32, #tpu.memory_space<hbm>> -> memref<16x64xf32, #tpu.memory_space<hbm>>
          tpu.wait_dma2 semaphore(%run_scoped3A_58 : memref<!tpu.dma_semaphore, #tpu.memory_space<semaphore_mem>>) src(%dma_wait3A_69 : memref<16x64xf32, #tpu.memory_space<hbm>>) dst(%dma_wait3A_66 : memref<16x64xf32, #tpu.memory_space<vmem_shared>>)
          tpu.yield
        }) : () -> ()
      } else {
      }
    } else {
    }
    %barrier3A = arith.constant 0 : index
    tpu.barrier barrier_id(%barrier3A)
    %add3A_9 = arith.constant 0 : i32
    %add3A_10 = arith.addi %mul3A_2, %add3A_9 : i32
    %multiple_of3A = tpu.assume_multiple %add3A_10, 8 : i32
    %dma_start3A = arith.constant 1 : i32
    %dma_start3A_11 = tpu.memref_slice %arg3[%dma_start3A, %multiple_of3A] : memref<2x320000xi32, #tpu.memory_space<hbm>> -> memref<1x200xi32, #tpu.memory_space<hbm>>
    %dma_start3A_12 = tpu.memref_squeeze %dma_start3A_11 : memref<1x200xi32, #tpu.memory_space<hbm>> -> memref<200xi32, #tpu.memory_space<hbm>>
    %dma_start3A_13 = tpu.memref_slice %arg3[%dma_start3A, %multiple_of3A] : memref<2x320000xi32, #tpu.memory_space<hbm>> -> memref<1x200xi32, #tpu.memory_space<hbm>>
    %dma_start3A_14 = tpu.memref_squeeze %dma_start3A_13 : memref<1x200xi32, #tpu.memory_space<hbm>> -> memref<200xi32, #tpu.memory_space<hbm>>
    tpu.enqueue_dma source(%dma_start3A_14 : memref<200xi32, #tpu.memory_space<hbm>>) target(%arg7 : memref<200xi32, #tpu.memory_space<vmem>>) target_semaphore(%arg16 : memref<!tpu.dma_semaphore, #tpu.memory_space<semaphore_mem>>)
    %multiple_of3A_15 = arith.constant 0 : i32
    %multiple_of3A_16 = tpu.assume_multiple %multiple_of3A_15, 8 : i32
    %dma_start3A_17 = tpu.memref_slice %arg6[%multiple_of3A_16] : memref<10000xi32, #tpu.memory_space<vmem>> -> memref<200xi32, #tpu.memory_space<vmem>>
    %dma_start3A_18 = arith.constant 0 : i32
    %dma_start3A_19 = arith.constant 0 : i32
    %dma_start3A_20 = tpu.memref_slice %arg2[%dma_start3A_18, %dma_start3A_19] : memref<10000x64xf32, #tpu.memory_space<hbm>> -> memref<10000x64xf32, #tpu.memory_space<hbm>>
    tpu.enqueue_indirect_dma source(%dma_start3A_20 : memref<10000x64xf32, #tpu.memory_space<hbm>>) target(%arg11 : memref<200x64xf32, #tpu.memory_space<vmem>>) offsets(%dma_start3A_17 : memref<200xi32, #tpu.memory_space<vmem>>) semaphore(%arg16 : memref<!tpu.dma_semaphore, #tpu.memory_space<semaphore_mem>>)
    %add3A_21 = arith.constant 200 : i32
    %add3A_22 = arith.addi %mul3A_2, %add3A_21 : i32
    %multiple_of3A_23 = tpu.assume_multiple %add3A_22, 8 : i32
    %dma_start3A_24 = arith.constant 1 : i32
    %dma_start3A_25 = tpu.memref_slice %arg3[%dma_start3A_24, %multiple_of3A_23] : memref<2x320000xi32, #tpu.memory_space<hbm>> -> memref<1x200xi32, #tpu.memory_space<hbm>>
    %dma_start3A_26 = tpu.memref_squeeze %dma_start3A_25 : memref<1x200xi32, #tpu.memory_space<hbm>> -> memref<200xi32, #tpu.memory_space<hbm>>
    %dma_start3A_27 = tpu.memref_slice %arg3[%dma_start3A_24, %multiple_of3A_23] : memref<2x320000xi32, #tpu.memory_space<hbm>> -> memref<1x200xi32, #tpu.memory_space<hbm>>
    %dma_start3A_28 = tpu.memref_squeeze %dma_start3A_27 : memref<1x200xi32, #tpu.memory_space<hbm>> -> memref<200xi32, #tpu.memory_space<hbm>>
    tpu.enqueue_dma source(%dma_start3A_28 : memref<200xi32, #tpu.memory_space<hbm>>) target(%arg8 : memref<200xi32, #tpu.memory_space<vmem>>) target_semaphore(%arg17 : memref<!tpu.dma_semaphore, #tpu.memory_space<semaphore_mem>>)
    %multiple_of3A_29 = arith.constant 200 : i32
    %multiple_of3A_30 = tpu.assume_multiple %multiple_of3A_29, 8 : i32
    %dma_start3A_31 = tpu.memref_slice %arg6[%multiple_of3A_30] : memref<10000xi32, #tpu.memory_space<vmem>> -> memref<200xi32, #tpu.memory_space<vmem>>
    %dma_start3A_32 = arith.constant 0 : i32
    %dma_start3A_33 = arith.constant 0 : i32
    %dma_start3A_34 = tpu.memref_slice %arg2[%dma_start3A_32, %dma_start3A_33] : memref<10000x64xf32, #tpu.memory_space<hbm>> -> memref<10000x64xf32, #tpu.memory_space<hbm>>
    tpu.enqueue_indirect_dma source(%dma_start3A_34 : memref<10000x64xf32, #tpu.memory_space<hbm>>) target(%arg12 : memref<200x64xf32, #tpu.memory_space<vmem>>) offsets(%dma_start3A_31 : memref<200xi32, #tpu.memory_space<vmem>>) semaphore(%arg17 : memref<!tpu.dma_semaphore, #tpu.memory_space<semaphore_mem>>)
    %scan3A = arith.constant 0 : i32
    %scan3A_35 = arith.constant 0 : i32
    %scan3A_36 = arith.constant 50 : i32
    %scan3A_37 = arith.addi %scan3A_35, %scan3A_36 : i32
    %scan3A_38 = arith.constant 1 : i32
    scf.for %scan3A_51 = %scan3A_35 to %scan3A_37 step %scan3A_38  : i32 {
      %rem3A = arith.constant 4 : i32
      %rem3A_52 = arith.remsi %scan3A_51, %rem3A : i32
      %eq3A_53 = arith.constant 0 : i32
      %eq3A_54 = arith.cmpi eq, %rem3A_52, %eq3A_53 : i32
      %convert_element_type3A_55 = arith.extui %eq3A_54 : i1 to i32
      %cond3A_56 = arith.constant 0 : i32
      %cond3A_57 = arith.cmpi ne, %convert_element_type3A_55, %cond3A_56 : i32
      scf.if %cond3A_57 {
        %add3A_79 = arith.constant 2 : i32
        %add3A_80 = arith.addi %scan3A_51, %add3A_79 : i32
        %lt3A = arith.constant 50 : i32
        %lt3A_81 = arith.cmpi slt, %add3A_80, %lt3A : i32
        %convert_element_type3A_82 = arith.extui %lt3A_81 : i1 to i32
        %cond3A_83 = arith.constant 0 : i32
        %cond3A_84 = arith.cmpi ne, %convert_element_type3A_82, %cond3A_83 : i32
        scf.if %cond3A_84 {
          %add3A_102 = arith.constant 2 : i32
          %add3A_103 = arith.addi %scan3A_51, %add3A_102 : i32
          %mul3A_104 = arith.constant 200 : i32
          %mul3A_105 = arith.muli %add3A_103, %mul3A_104 : i32
          %add3A_106 = arith.addi %mul3A_2, %mul3A_105 : i32
          %multiple_of3A_107 = tpu.assume_multiple %add3A_106, 8 : i32
          %dma_start3A_108 = arith.constant 1 : i32
          %dma_start3A_109 = tpu.memref_slice %arg3[%dma_start3A_108, %multiple_of3A_107] : memref<2x320000xi32, #tpu.memory_space<hbm>> -> memref<1x200xi32, #tpu.memory_space<hbm>>
          %dma_start3A_110 = tpu.memref_squeeze %dma_start3A_109 : memref<1x200xi32, #tpu.memory_space<hbm>> -> memref<200xi32, #tpu.memory_space<hbm>>
          %dma_start3A_111 = tpu.memref_slice %arg3[%dma_start3A_108, %multiple_of3A_107] : memref<2x320000xi32, #tpu.memory_space<hbm>> -> memref<1x200xi32, #tpu.memory_space<hbm>>
          %dma_start3A_112 = tpu.memref_squeeze %dma_start3A_111 : memref<1x200xi32, #tpu.memory_space<hbm>> -> memref<200xi32, #tpu.memory_space<hbm>>
          tpu.enqueue_dma source(%dma_start3A_112 : memref<200xi32, #tpu.memory_space<hbm>>) target(%arg9 : memref<200xi32, #tpu.memory_space<vmem>>) target_semaphore(%arg18 : memref<!tpu.dma_semaphore, #tpu.memory_space<semaphore_mem>>)
          %mul3A_113 = arith.constant 200 : i32
          %mul3A_114 = arith.muli %add3A_103, %mul3A_113 : i32
          %add3A_115 = arith.constant 0 : i32
          %add3A_116 = arith.addi %add3A_115, %mul3A_114 : i32
          %multiple_of3A_117 = tpu.assume_multiple %add3A_116, 8 : i32
          %dma_start3A_118 = tpu.memref_slice %arg6[%multiple_of3A_117] : memref<10000xi32, #tpu.memory_space<vmem>> -> memref<200xi32, #tpu.memory_space<vmem>>
          %dma_start3A_119 = arith.constant 0 : i32
          %dma_start3A_120 = arith.constant 0 : i32
          %dma_start3A_121 = tpu.memref_slice %arg2[%dma_start3A_119, %dma_start3A_120] : memref<10000x64xf32, #tpu.memory_space<hbm>> -> memref<10000x64xf32, #tpu.memory_space<hbm>>
          tpu.enqueue_indirect_dma source(%dma_start3A_121 : memref<10000x64xf32, #tpu.memory_space<hbm>>) target(%arg13 : memref<200x64xf32, #tpu.memory_space<vmem>>) offsets(%dma_start3A_118 : memref<200xi32, #tpu.memory_space<vmem>>) semaphore(%arg18 : memref<!tpu.dma_semaphore, #tpu.memory_space<semaphore_mem>>)
        } else {
        }
        %mul3A_85 = arith.constant 200 : i32
        %mul3A_86 = arith.muli %scan3A_51, %mul3A_85 : i32
        %add3A_87 = arith.addi %mul3A_2, %mul3A_86 : i32
        %multiple_of3A_88 = tpu.assume_multiple %add3A_87, 8 : i32
        %dma_wait3A = arith.constant 1 : i32
        %dma_wait3A_89 = tpu.memref_slice %arg3[%dma_wait3A, %multiple_of3A_88] : memref<2x320000xi32, #tpu.memory_space<hbm>> -> memref<1x200xi32, #tpu.memory_space<hbm>>
        %dma_wait3A_90 = tpu.memref_squeeze %dma_wait3A_89 : memref<1x200xi32, #tpu.memory_space<hbm>> -> memref<200xi32, #tpu.memory_space<hbm>>
        %dma_wait3A_91 = tpu.memref_slice %arg3[%dma_wait3A, %multiple_of3A_88] : memref<2x320000xi32, #tpu.memory_space<hbm>> -> memref<1x200xi32, #tpu.memory_space<hbm>>
        %dma_wait3A_92 = tpu.memref_squeeze %dma_wait3A_91 : memref<1x200xi32, #tpu.memory_space<hbm>> -> memref<200xi32, #tpu.memory_space<hbm>>
        tpu.wait_dma2 semaphore(%arg16 : memref<!tpu.dma_semaphore, #tpu.memory_space<semaphore_mem>>) src(%dma_wait3A_92 : memref<200xi32, #tpu.memory_space<hbm>>) dst(%arg7 : memref<200xi32, #tpu.memory_space<vmem>>)
        %mul3A_93 = arith.constant 200 : i32
        %mul3A_94 = arith.muli %scan3A_51, %mul3A_93 : i32
        %add3A_95 = arith.constant 0 : i32
        %add3A_96 = arith.addi %add3A_95, %mul3A_94 : i32
        %multiple_of3A_97 = tpu.assume_multiple %add3A_96, 8 : i32
        %dma_wait3A_98 = tpu.memref_slice %arg6[%multiple_of3A_97] : memref<10000xi32, #tpu.memory_space<vmem>> -> memref<200xi32, #tpu.memory_space<vmem>>
        %dma_wait3A_99 = arith.constant 0 : i32
        %dma_wait3A_100 = arith.constant 0 : i32
        %dma_wait3A_101 = tpu.memref_slice %arg2[%dma_wait3A_99, %dma_wait3A_100] : memref<10000x64xf32, #tpu.memory_space<hbm>> -> memref<10000x64xf32, #tpu.memory_space<hbm>>
        tpu.wait_indirect_dma semaphore(%arg16 : memref<!tpu.dma_semaphore, #tpu.memory_space<semaphore_mem>>) src(%dma_wait3A_101 : memref<10000x64xf32, #tpu.memory_space<hbm>>) dst(%arg11 : memref<200x64xf32, #tpu.memory_space<vmem>>)
        "tpu.region"() ({
          %run_scoped3A_102 = tpu.sem_alloc : memref<!tpu.dma_semaphore, #tpu.memory_space<semaphore_mem>>
          %dma_start3A_103 = arith.constant 0 : i32
          %dma_start3A_104 = arith.constant 0 : i32
          %dma_start3A_105 = tpu.memref_slice %arg15[%dma_start3A_103, %dma_start3A_104] : memref<10000x64xf32, #tpu.memory_space<vmem_shared>> -> memref<10000x64xf32, #tpu.memory_space<vmem_shared>>
          tpu.enqueue_indirect_dma source(%arg11 : memref<200x64xf32, #tpu.memory_space<vmem>>) target(%dma_start3A_105 : memref<10000x64xf32, #tpu.memory_space<vmem_shared>>) offsets(%arg7 : memref<200xi32, #tpu.memory_space<vmem>>) semaphore(%run_scoped3A_102 : memref<!tpu.dma_semaphore, #tpu.memory_space<semaphore_mem>>) {add = true}
          %dma_wait3A_106 = arith.constant 0 : i32
          %dma_wait3A_107 = arith.constant 0 : i32
          %dma_wait3A_108 = tpu.memref_slice %arg15[%dma_wait3A_106, %dma_wait3A_107] : memref<10000x64xf32, #tpu.memory_space<vmem_shared>> -> memref<10000x64xf32, #tpu.memory_space<vmem_shared>>
          tpu.wait_indirect_dma semaphore(%run_scoped3A_102 : memref<!tpu.dma_semaphore, #tpu.memory_space<semaphore_mem>>) src(%arg11 : memref<200x64xf32, #tpu.memory_space<vmem>>) dst(%dma_wait3A_108 : memref<10000x64xf32, #tpu.memory_space<vmem_shared>>)
          tpu.yield
        }) : () -> ()
      } else {
      }
      %rem3A_58 = arith.constant 4 : i32
      %rem3A_59 = arith.remsi %scan3A_51, %rem3A_58 : i32
      %eq3A_60 = arith.constant 1 : i32
      %eq3A_61 = arith.cmpi eq, %rem3A_59, %eq3A_60 : i32
      %convert_element_type3A_62 = arith.extui %eq3A_61 : i1 to i32
      %cond3A_63 = arith.constant 0 : i32
      %cond3A_64 = arith.cmpi ne, %convert_element_type3A_62, %cond3A_63 : i32
      scf.if %cond3A_64 {
        %add3A_79 = arith.constant 2 : i32
        %add3A_80 = arith.addi %scan3A_51, %add3A_79 : i32
        %lt3A = arith.constant 50 : i32
        %lt3A_81 = arith.cmpi slt, %add3A_80, %lt3A : i32
        %convert_element_type3A_82 = arith.extui %lt3A_81 : i1 to i32
        %cond3A_83 = arith.constant 0 : i32
        %cond3A_84 = arith.cmpi ne, %convert_element_type3A_82, %cond3A_83 : i32
        scf.if %cond3A_84 {
          %add3A_102 = arith.constant 2 : i32
          %add3A_103 = arith.addi %scan3A_51, %add3A_102 : i32
          %mul3A_104 = arith.constant 200 : i32
          %mul3A_105 = arith.muli %add3A_103, %mul3A_104 : i32
          %add3A_106 = arith.addi %mul3A_2, %mul3A_105 : i32
          %multiple_of3A_107 = tpu.assume_multiple %add3A_106, 8 : i32
          %dma_start3A_108 = arith.constant 1 : i32
          %dma_start3A_109 = tpu.memref_slice %arg3[%dma_start3A_108, %multiple_of3A_107] : memref<2x320000xi32, #tpu.memory_space<hbm>> -> memref<1x200xi32, #tpu.memory_space<hbm>>
          %dma_start3A_110 = tpu.memref_squeeze %dma_start3A_109 : memref<1x200xi32, #tpu.memory_space<hbm>> -> memref<200xi32, #tpu.memory_space<hbm>>
          %dma_start3A_111 = tpu.memref_slice %arg3[%dma_start3A_108, %multiple_of3A_107] : memref<2x320000xi32, #tpu.memory_space<hbm>> -> memref<1x200xi32, #tpu.memory_space<hbm>>
          %dma_start3A_112 = tpu.memref_squeeze %dma_start3A_111 : memref<1x200xi32, #tpu.memory_space<hbm>> -> memref<200xi32, #tpu.memory_space<hbm>>
          tpu.enqueue_dma source(%dma_start3A_112 : memref<200xi32, #tpu.memory_space<hbm>>) target(%arg10 : memref<200xi32, #tpu.memory_space<vmem>>) target_semaphore(%arg19 : memref<!tpu.dma_semaphore, #tpu.memory_space<semaphore_mem>>)
          %mul3A_113 = arith.constant 200 : i32
          %mul3A_114 = arith.muli %add3A_103, %mul3A_113 : i32
          %add3A_115 = arith.constant 0 : i32
          %add3A_116 = arith.addi %add3A_115, %mul3A_114 : i32
          %multiple_of3A_117 = tpu.assume_multiple %add3A_116, 8 : i32
          %dma_start3A_118 = tpu.memref_slice %arg6[%multiple_of3A_117] : memref<10000xi32, #tpu.memory_space<vmem>> -> memref<200xi32, #tpu.memory_space<vmem>>
          %dma_start3A_119 = arith.constant 0 : i32
          %dma_start3A_120 = arith.constant 0 : i32
          %dma_start3A_121 = tpu.memref_slice %arg2[%dma_start3A_119, %dma_start3A_120] : memref<10000x64xf32, #tpu.memory_space<hbm>> -> memref<10000x64xf32, #tpu.memory_space<hbm>>
          tpu.enqueue_indirect_dma source(%dma_start3A_121 : memref<10000x64xf32, #tpu.memory_space<hbm>>) target(%arg14 : memref<200x64xf32, #tpu.memory_space<vmem>>) offsets(%dma_start3A_118 : memref<200xi32, #tpu.memory_space<vmem>>) semaphore(%arg19 : memref<!tpu.dma_semaphore, #tpu.memory_space<semaphore_mem>>)
        } else {
        }
        %mul3A_85 = arith.constant 200 : i32
        %mul3A_86 = arith.muli %scan3A_51, %mul3A_85 : i32
        %add3A_87 = arith.addi %mul3A_2, %mul3A_86 : i32
        %multiple_of3A_88 = tpu.assume_multiple %add3A_87, 8 : i32
        %dma_wait3A = arith.constant 1 : i32
        %dma_wait3A_89 = tpu.memref_slice %arg3[%dma_wait3A, %multiple_of3A_88] : memref<2x320000xi32, #tpu.memory_space<hbm>> -> memref<1x200xi32, #tpu.memory_space<hbm>>
        %dma_wait3A_90 = tpu.memref_squeeze %dma_wait3A_89 : memref<1x200xi32, #tpu.memory_space<hbm>> -> memref<200xi32, #tpu.memory_space<hbm>>
        %dma_wait3A_91 = tpu.memref_slice %arg3[%dma_wait3A, %multiple_of3A_88] : memref<2x320000xi32, #tpu.memory_space<hbm>> -> memref<1x200xi32, #tpu.memory_space<hbm>>
        %dma_wait3A_92 = tpu.memref_squeeze %dma_wait3A_91 : memref<1x200xi32, #tpu.memory_space<hbm>> -> memref<200xi32, #tpu.memory_space<hbm>>
        tpu.wait_dma2 semaphore(%arg17 : memref<!tpu.dma_semaphore, #tpu.memory_space<semaphore_mem>>) src(%dma_wait3A_92 : memref<200xi32, #tpu.memory_space<hbm>>) dst(%arg8 : memref<200xi32, #tpu.memory_space<vmem>>)
        %mul3A_93 = arith.constant 200 : i32
        %mul3A_94 = arith.muli %scan3A_51, %mul3A_93 : i32
        %add3A_95 = arith.constant 0 : i32
        %add3A_96 = arith.addi %add3A_95, %mul3A_94 : i32
        %multiple_of3A_97 = tpu.assume_multiple %add3A_96, 8 : i32
        %dma_wait3A_98 = tpu.memref_slice %arg6[%multiple_of3A_97] : memref<10000xi32, #tpu.memory_space<vmem>> -> memref<200xi32, #tpu.memory_space<vmem>>
        %dma_wait3A_99 = arith.constant 0 : i32
        %dma_wait3A_100 = arith.constant 0 : i32
        %dma_wait3A_101 = tpu.memref_slice %arg2[%dma_wait3A_99, %dma_wait3A_100] : memref<10000x64xf32, #tpu.memory_space<hbm>> -> memref<10000x64xf32, #tpu.memory_space<hbm>>
        tpu.wait_indirect_dma semaphore(%arg17 : memref<!tpu.dma_semaphore, #tpu.memory_space<semaphore_mem>>) src(%dma_wait3A_101 : memref<10000x64xf32, #tpu.memory_space<hbm>>) dst(%arg12 : memref<200x64xf32, #tpu.memory_space<vmem>>)
        "tpu.region"() ({
          %run_scoped3A_102 = tpu.sem_alloc : memref<!tpu.dma_semaphore, #tpu.memory_space<semaphore_mem>>
          %dma_start3A_103 = arith.constant 0 : i32
          %dma_start3A_104 = arith.constant 0 : i32
          %dma_start3A_105 = tpu.memref_slice %arg15[%dma_start3A_103, %dma_start3A_104] : memref<10000x64xf32, #tpu.memory_space<vmem_shared>> -> memref<10000x64xf32, #tpu.memory_space<vmem_shared>>
          tpu.enqueue_indirect_dma source(%arg12 : memref<200x64xf32, #tpu.memory_space<vmem>>) target(%dma_start3A_105 : memref<10000x64xf32, #tpu.memory_space<vmem_shared>>) offsets(%arg8 : memref<200xi32, #tpu.memory_space<vmem>>) semaphore(%run_scoped3A_102 : memref<!tpu.dma_semaphore, #tpu.memory_space<semaphore_mem>>) {add = true}
          %dma_wait3A_106 = arith.constant 0 : i32
          %dma_wait3A_107 = arith.constant 0 : i32
          %dma_wait3A_108 = tpu.memref_slice %arg15[%dma_wait3A_106, %dma_wait3A_107] : memref<10000x64xf32, #tpu.memory_space<vmem_shared>> -> memref<10000x64xf32, #tpu.memory_space<vmem_shared>>
          tpu.wait_indirect_dma semaphore(%run_scoped3A_102 : memref<!tpu.dma_semaphore, #tpu.memory_space<semaphore_mem>>) src(%arg12 : memref<200x64xf32, #tpu.memory_space<vmem>>) dst(%dma_wait3A_108 : memref<10000x64xf32, #tpu.memory_space<vmem_shared>>)
          tpu.yield
        }) : () -> ()
      } else {
      }
      %rem3A_65 = arith.constant 4 : i32
      %rem3A_66 = arith.remsi %scan3A_51, %rem3A_65 : i32
      %eq3A_67 = arith.constant 2 : i32
      %eq3A_68 = arith.cmpi eq, %rem3A_66, %eq3A_67 : i32
      %convert_element_type3A_69 = arith.extui %eq3A_68 : i1 to i32
      %cond3A_70 = arith.constant 0 : i32
      %cond3A_71 = arith.cmpi ne, %convert_element_type3A_69, %cond3A_70 : i32
      scf.if %cond3A_71 {
        %add3A_79 = arith.constant 2 : i32
        %add3A_80 = arith.addi %scan3A_51, %add3A_79 : i32
        %lt3A = arith.constant 50 : i32
        %lt3A_81 = arith.cmpi slt, %add3A_80, %lt3A : i32
        %convert_element_type3A_82 = arith.extui %lt3A_81 : i1 to i32
        %cond3A_83 = arith.constant 0 : i32
        %cond3A_84 = arith.cmpi ne, %convert_element_type3A_82, %cond3A_83 : i32
        scf.if %cond3A_84 {
          %add3A_102 = arith.constant 2 : i32
          %add3A_103 = arith.addi %scan3A_51, %add3A_102 : i32
          %mul3A_104 = arith.constant 200 : i32
          %mul3A_105 = arith.muli %add3A_103, %mul3A_104 : i32
          %add3A_106 = arith.addi %mul3A_2, %mul3A_105 : i32
          %multiple_of3A_107 = tpu.assume_multiple %add3A_106, 8 : i32
          %dma_start3A_108 = arith.constant 1 : i32
          %dma_start3A_109 = tpu.memref_slice %arg3[%dma_start3A_108, %multiple_of3A_107] : memref<2x320000xi32, #tpu.memory_space<hbm>> -> memref<1x200xi32, #tpu.memory_space<hbm>>
          %dma_start3A_110 = tpu.memref_squeeze %dma_start3A_109 : memref<1x200xi32, #tpu.memory_space<hbm>> -> memref<200xi32, #tpu.memory_space<hbm>>
          %dma_start3A_111 = tpu.memref_slice %arg3[%dma_start3A_108, %multiple_of3A_107] : memref<2x320000xi32, #tpu.memory_space<hbm>> -> memref<1x200xi32, #tpu.memory_space<hbm>>
          %dma_start3A_112 = tpu.memref_squeeze %dma_start3A_111 : memref<1x200xi32, #tpu.memory_space<hbm>> -> memref<200xi32, #tpu.memory_space<hbm>>
          tpu.enqueue_dma source(%dma_start3A_112 : memref<200xi32, #tpu.memory_space<hbm>>) target(%arg7 : memref<200xi32, #tpu.memory_space<vmem>>) target_semaphore(%arg16 : memref<!tpu.dma_semaphore, #tpu.memory_space<semaphore_mem>>)
          %mul3A_113 = arith.constant 200 : i32
          %mul3A_114 = arith.muli %add3A_103, %mul3A_113 : i32
          %add3A_115 = arith.constant 0 : i32
          %add3A_116 = arith.addi %add3A_115, %mul3A_114 : i32
          %multiple_of3A_117 = tpu.assume_multiple %add3A_116, 8 : i32
          %dma_start3A_118 = tpu.memref_slice %arg6[%multiple_of3A_117] : memref<10000xi32, #tpu.memory_space<vmem>> -> memref<200xi32, #tpu.memory_space<vmem>>
          %dma_start3A_119 = arith.constant 0 : i32
          %dma_start3A_120 = arith.constant 0 : i32
          %dma_start3A_121 = tpu.memref_slice %arg2[%dma_start3A_119, %dma_start3A_120] : memref<10000x64xf32, #tpu.memory_space<hbm>> -> memref<10000x64xf32, #tpu.memory_space<hbm>>
          tpu.enqueue_indirect_dma source(%dma_start3A_121 : memref<10000x64xf32, #tpu.memory_space<hbm>>) target(%arg11 : memref<200x64xf32, #tpu.memory_space<vmem>>) offsets(%dma_start3A_118 : memref<200xi32, #tpu.memory_space<vmem>>) semaphore(%arg16 : memref<!tpu.dma_semaphore, #tpu.memory_space<semaphore_mem>>)
        } else {
        }
        %mul3A_85 = arith.constant 200 : i32
        %mul3A_86 = arith.muli %scan3A_51, %mul3A_85 : i32
        %add3A_87 = arith.addi %mul3A_2, %mul3A_86 : i32
        %multiple_of3A_88 = tpu.assume_multiple %add3A_87, 8 : i32
        %dma_wait3A = arith.constant 1 : i32
        %dma_wait3A_89 = tpu.memref_slice %arg3[%dma_wait3A, %multiple_of3A_88] : memref<2x320000xi32, #tpu.memory_space<hbm>> -> memref<1x200xi32, #tpu.memory_space<hbm>>
        %dma_wait3A_90 = tpu.memref_squeeze %dma_wait3A_89 : memref<1x200xi32, #tpu.memory_space<hbm>> -> memref<200xi32, #tpu.memory_space<hbm>>
        %dma_wait3A_91 = tpu.memref_slice %arg3[%dma_wait3A, %multiple_of3A_88] : memref<2x320000xi32, #tpu.memory_space<hbm>> -> memref<1x200xi32, #tpu.memory_space<hbm>>
        %dma_wait3A_92 = tpu.memref_squeeze %dma_wait3A_91 : memref<1x200xi32, #tpu.memory_space<hbm>> -> memref<200xi32, #tpu.memory_space<hbm>>
        tpu.wait_dma2 semaphore(%arg18 : memref<!tpu.dma_semaphore, #tpu.memory_space<semaphore_mem>>) src(%dma_wait3A_92 : memref<200xi32, #tpu.memory_space<hbm>>) dst(%arg9 : memref<200xi32, #tpu.memory_space<vmem>>)
        %mul3A_93 = arith.constant 200 : i32
        %mul3A_94 = arith.muli %scan3A_51, %mul3A_93 : i32
        %add3A_95 = arith.constant 0 : i32
        %add3A_96 = arith.addi %add3A_95, %mul3A_94 : i32
        %multiple_of3A_97 = tpu.assume_multiple %add3A_96, 8 : i32
        %dma_wait3A_98 = tpu.memref_slice %arg6[%multiple_of3A_97] : memref<10000xi32, #tpu.memory_space<vmem>> -> memref<200xi32, #tpu.memory_space<vmem>>
        %dma_wait3A_99 = arith.constant 0 : i32
        %dma_wait3A_100 = arith.constant 0 : i32
        %dma_wait3A_101 = tpu.memref_slice %arg2[%dma_wait3A_99, %dma_wait3A_100] : memref<10000x64xf32, #tpu.memory_space<hbm>> -> memref<10000x64xf32, #tpu.memory_space<hbm>>
        tpu.wait_indirect_dma semaphore(%arg18 : memref<!tpu.dma_semaphore, #tpu.memory_space<semaphore_mem>>) src(%dma_wait3A_101 : memref<10000x64xf32, #tpu.memory_space<hbm>>) dst(%arg13 : memref<200x64xf32, #tpu.memory_space<vmem>>)
        "tpu.region"() ({
          %run_scoped3A_102 = tpu.sem_alloc : memref<!tpu.dma_semaphore, #tpu.memory_space<semaphore_mem>>
          %dma_start3A_103 = arith.constant 0 : i32
          %dma_start3A_104 = arith.constant 0 : i32
          %dma_start3A_105 = tpu.memref_slice %arg15[%dma_start3A_103, %dma_start3A_104] : memref<10000x64xf32, #tpu.memory_space<vmem_shared>> -> memref<10000x64xf32, #tpu.memory_space<vmem_shared>>
          tpu.enqueue_indirect_dma source(%arg13 : memref<200x64xf32, #tpu.memory_space<vmem>>) target(%dma_start3A_105 : memref<10000x64xf32, #tpu.memory_space<vmem_shared>>) offsets(%arg9 : memref<200xi32, #tpu.memory_space<vmem>>) semaphore(%run_scoped3A_102 : memref<!tpu.dma_semaphore, #tpu.memory_space<semaphore_mem>>) {add = true}
          %dma_wait3A_106 = arith.constant 0 : i32
          %dma_wait3A_107 = arith.constant 0 : i32
          %dma_wait3A_108 = tpu.memref_slice %arg15[%dma_wait3A_106, %dma_wait3A_107] : memref<10000x64xf32, #tpu.memory_space<vmem_shared>> -> memref<10000x64xf32, #tpu.memory_space<vmem_shared>>
          tpu.wait_indirect_dma semaphore(%run_scoped3A_102 : memref<!tpu.dma_semaphore, #tpu.memory_space<semaphore_mem>>) src(%arg13 : memref<200x64xf32, #tpu.memory_space<vmem>>) dst(%dma_wait3A_108 : memref<10000x64xf32, #tpu.memory_space<vmem_shared>>)
          tpu.yield
        }) : () -> ()
      } else {
      }
      %rem3A_72 = arith.constant 4 : i32
      %rem3A_73 = arith.remsi %scan3A_51, %rem3A_72 : i32
      %eq3A_74 = arith.constant 3 : i32
      %eq3A_75 = arith.cmpi eq, %rem3A_73, %eq3A_74 : i32
      %convert_element_type3A_76 = arith.extui %eq3A_75 : i1 to i32
      %cond3A_77 = arith.constant 0 : i32
      %cond3A_78 = arith.cmpi ne, %convert_element_type3A_76, %cond3A_77 : i32
      scf.if %cond3A_78 {
        %add3A_79 = arith.constant 2 : i32
        %add3A_80 = arith.addi %scan3A_51, %add3A_79 : i32
        %lt3A = arith.constant 50 : i32
        %lt3A_81 = arith.cmpi slt, %add3A_80, %lt3A : i32
        %convert_element_type3A_82 = arith.extui %lt3A_81 : i1 to i32
        %cond3A_83 = arith.constant 0 : i32
        %cond3A_84 = arith.cmpi ne, %convert_element_type3A_82, %cond3A_83 : i32
        scf.if %cond3A_84 {
          %add3A_102 = arith.constant 2 : i32
          %add3A_103 = arith.addi %scan3A_51, %add3A_102 : i32
          %mul3A_104 = arith.constant 200 : i32
          %mul3A_105 = arith.muli %add3A_103, %mul3A_104 : i32
          %add3A_106 = arith.addi %mul3A_2, %mul3A_105 : i32
          %multiple_of3A_107 = tpu.assume_multiple %add3A_106, 8 : i32
          %dma_start3A_108 = arith.constant 1 : i32
          %dma_start3A_109 = tpu.memref_slice %arg3[%dma_start3A_108, %multiple_of3A_107] : memref<2x320000xi32, #tpu.memory_space<hbm>> -> memref<1x200xi32, #tpu.memory_space<hbm>>
          %dma_start3A_110 = tpu.memref_squeeze %dma_start3A_109 : memref<1x200xi32, #tpu.memory_space<hbm>> -> memref<200xi32, #tpu.memory_space<hbm>>
          %dma_start3A_111 = tpu.memref_slice %arg3[%dma_start3A_108, %multiple_of3A_107] : memref<2x320000xi32, #tpu.memory_space<hbm>> -> memref<1x200xi32, #tpu.memory_space<hbm>>
          %dma_start3A_112 = tpu.memref_squeeze %dma_start3A_111 : memref<1x200xi32, #tpu.memory_space<hbm>> -> memref<200xi32, #tpu.memory_space<hbm>>
          tpu.enqueue_dma source(%dma_start3A_112 : memref<200xi32, #tpu.memory_space<hbm>>) target(%arg8 : memref<200xi32, #tpu.memory_space<vmem>>) target_semaphore(%arg17 : memref<!tpu.dma_semaphore, #tpu.memory_space<semaphore_mem>>)
          %mul3A_113 = arith.constant 200 : i32
          %mul3A_114 = arith.muli %add3A_103, %mul3A_113 : i32
          %add3A_115 = arith.constant 0 : i32
          %add3A_116 = arith.addi %add3A_115, %mul3A_114 : i32
          %multiple_of3A_117 = tpu.assume_multiple %add3A_116, 8 : i32
          %dma_start3A_118 = tpu.memref_slice %arg6[%multiple_of3A_117] : memref<10000xi32, #tpu.memory_space<vmem>> -> memref<200xi32, #tpu.memory_space<vmem>>
          %dma_start3A_119 = arith.constant 0 : i32
          %dma_start3A_120 = arith.constant 0 : i32
          %dma_start3A_121 = tpu.memref_slice %arg2[%dma_start3A_119, %dma_start3A_120] : memref<10000x64xf32, #tpu.memory_space<hbm>> -> memref<10000x64xf32, #tpu.memory_space<hbm>>
          tpu.enqueue_indirect_dma source(%dma_start3A_121 : memref<10000x64xf32, #tpu.memory_space<hbm>>) target(%arg12 : memref<200x64xf32, #tpu.memory_space<vmem>>) offsets(%dma_start3A_118 : memref<200xi32, #tpu.memory_space<vmem>>) semaphore(%arg17 : memref<!tpu.dma_semaphore, #tpu.memory_space<semaphore_mem>>)
        } else {
        }
        %mul3A_85 = arith.constant 200 : i32
        %mul3A_86 = arith.muli %scan3A_51, %mul3A_85 : i32
        %add3A_87 = arith.addi %mul3A_2, %mul3A_86 : i32
        %multiple_of3A_88 = tpu.assume_multiple %add3A_87, 8 : i32
        %dma_wait3A = arith.constant 1 : i32
        %dma_wait3A_89 = tpu.memref_slice %arg3[%dma_wait3A, %multiple_of3A_88] : memref<2x320000xi32, #tpu.memory_space<hbm>> -> memref<1x200xi32, #tpu.memory_space<hbm>>
        %dma_wait3A_90 = tpu.memref_squeeze %dma_wait3A_89 : memref<1x200xi32, #tpu.memory_space<hbm>> -> memref<200xi32, #tpu.memory_space<hbm>>
        %dma_wait3A_91 = tpu.memref_slice %arg3[%dma_wait3A, %multiple_of3A_88] : memref<2x320000xi32, #tpu.memory_space<hbm>> -> memref<1x200xi32, #tpu.memory_space<hbm>>
        %dma_wait3A_92 = tpu.memref_squeeze %dma_wait3A_91 : memref<1x200xi32, #tpu.memory_space<hbm>> -> memref<200xi32, #tpu.memory_space<hbm>>
        tpu.wait_dma2 semaphore(%arg19 : memref<!tpu.dma_semaphore, #tpu.memory_space<semaphore_mem>>) src(%dma_wait3A_92 : memref<200xi32, #tpu.memory_space<hbm>>) dst(%arg10 : memref<200xi32, #tpu.memory_space<vmem>>)
        %mul3A_93 = arith.constant 200 : i32
        %mul3A_94 = arith.muli %scan3A_51, %mul3A_93 : i32
        %add3A_95 = arith.constant 0 : i32
        %add3A_96 = arith.addi %add3A_95, %mul3A_94 : i32
        %multiple_of3A_97 = tpu.assume_multiple %add3A_96, 8 : i32
        %dma_wait3A_98 = tpu.memref_slice %arg6[%multiple_of3A_97] : memref<10000xi32, #tpu.memory_space<vmem>> -> memref<200xi32, #tpu.memory_space<vmem>>
        %dma_wait3A_99 = arith.constant 0 : i32
        %dma_wait3A_100 = arith.constant 0 : i32
        %dma_wait3A_101 = tpu.memref_slice %arg2[%dma_wait3A_99, %dma_wait3A_100] : memref<10000x64xf32, #tpu.memory_space<hbm>> -> memref<10000x64xf32, #tpu.memory_space<hbm>>
        tpu.wait_indirect_dma semaphore(%arg19 : memref<!tpu.dma_semaphore, #tpu.memory_space<semaphore_mem>>) src(%dma_wait3A_101 : memref<10000x64xf32, #tpu.memory_space<hbm>>) dst(%arg14 : memref<200x64xf32, #tpu.memory_space<vmem>>)
        "tpu.region"() ({
          %run_scoped3A_102 = tpu.sem_alloc : memref<!tpu.dma_semaphore, #tpu.memory_space<semaphore_mem>>
          %dma_start3A_103 = arith.constant 0 : i32
          %dma_start3A_104 = arith.constant 0 : i32
          %dma_start3A_105 = tpu.memref_slice %arg15[%dma_start3A_103, %dma_start3A_104] : memref<10000x64xf32, #tpu.memory_space<vmem_shared>> -> memref<10000x64xf32, #tpu.memory_space<vmem_shared>>
          tpu.enqueue_indirect_dma source(%arg14 : memref<200x64xf32, #tpu.memory_space<vmem>>) target(%dma_start3A_105 : memref<10000x64xf32, #tpu.memory_space<vmem_shared>>) offsets(%arg10 : memref<200xi32, #tpu.memory_space<vmem>>) semaphore(%run_scoped3A_102 : memref<!tpu.dma_semaphore, #tpu.memory_space<semaphore_mem>>) {add = true}
          %dma_wait3A_106 = arith.constant 0 : i32
          %dma_wait3A_107 = arith.constant 0 : i32
          %dma_wait3A_108 = tpu.memref_slice %arg15[%dma_wait3A_106, %dma_wait3A_107] : memref<10000x64xf32, #tpu.memory_space<vmem_shared>> -> memref<10000x64xf32, #tpu.memory_space<vmem_shared>>
          tpu.wait_indirect_dma semaphore(%run_scoped3A_102 : memref<!tpu.dma_semaphore, #tpu.memory_space<semaphore_mem>>) src(%arg14 : memref<200x64xf32, #tpu.memory_space<vmem>>) dst(%dma_wait3A_108 : memref<10000x64xf32, #tpu.memory_space<vmem_shared>>)
          tpu.yield
        }) : () -> ()
      } else {
      }
    }
    %scan3A_39 = arith.constant 50 : i32
    %barrier3A_40 = arith.constant 0 : index
    tpu.barrier barrier_id(%barrier3A_40)
    %eq3A_41 = arith.constant 0 : i32
    %eq3A_42 = arith.cmpi eq, %arg0, %eq3A_41 : i32
    %convert_element_type3A_43 = arith.extui %eq3A_42 : i1 to i32
    %cond3A_44 = arith.constant 0 : i32
    %cond3A_45 = arith.cmpi ne, %convert_element_type3A_43, %cond3A_44 : i32
    scf.if %cond3A_45 {
      %mul3A_51 = arith.constant 624 : i32
      %mul3A_52 = arith.muli %arg1, %mul3A_51 : i32
      "tpu.region"() ({
        %run_scoped3A_58 = tpu.sem_alloc : memref<!tpu.dma_semaphore, #tpu.memory_space<semaphore_mem>>
        %dma_start3A_59 = arith.constant 0 : i32
        %dma_start3A_60 = tpu.memref_slice %arg5[%mul3A_52, %dma_start3A_59] : memref<10000x128xf32, #tpu.memory_space<hbm>> -> memref<624x64xf32, #tpu.memory_space<hbm>>
        %dma_start3A_61 = arith.constant 0 : i32
        %dma_start3A_62 = tpu.memref_slice %arg15[%mul3A_52, %dma_start3A_61] : memref<10000x64xf32, #tpu.memory_space<vmem_shared>> -> memref<624x64xf32, #tpu.memory_space<vmem_shared>>
        tpu.enqueue_dma source(%dma_start3A_62 : memref<624x64xf32, #tpu.memory_space<vmem_shared>>) target(%dma_start3A_60 : memref<624x64xf32, #tpu.memory_space<hbm>>) target_semaphore(%run_scoped3A_58 : memref<!tpu.dma_semaphore, #tpu.memory_space<semaphore_mem>>)
        %dma_wait3A = arith.constant 0 : i32
        %dma_wait3A_63 = tpu.memref_slice %arg5[%mul3A_52, %dma_wait3A] : memref<10000x128xf32, #tpu.memory_space<hbm>> -> memref<624x64xf32, #tpu.memory_space<hbm>>
        %dma_wait3A_64 = arith.constant 0 : i32
        %dma_wait3A_65 = tpu.memref_slice %arg15[%mul3A_52, %dma_wait3A_64] : memref<10000x64xf32, #tpu.memory_space<vmem_shared>> -> memref<624x64xf32, #tpu.memory_space<vmem_shared>>
        tpu.wait_dma2 semaphore(%run_scoped3A_58 : memref<!tpu.dma_semaphore, #tpu.memory_space<semaphore_mem>>) src(%dma_wait3A_65 : memref<624x64xf32, #tpu.memory_space<vmem_shared>>) dst(%dma_wait3A_63 : memref<624x64xf32, #tpu.memory_space<hbm>>)
        tpu.yield
      }) : () -> ()
      %eq3A_53 = arith.constant 15 : i32
      %eq3A_54 = arith.cmpi eq, %arg1, %eq3A_53 : i32
      %convert_element_type3A_55 = arith.extui %eq3A_54 : i1 to i32
      %cond3A_56 = arith.constant 0 : i32
      %cond3A_57 = arith.cmpi ne, %convert_element_type3A_55, %cond3A_56 : i32
      scf.if %cond3A_57 {
        "tpu.region"() ({
          %run_scoped3A_58 = tpu.sem_alloc : memref<!tpu.dma_semaphore, #tpu.memory_space<semaphore_mem>>
          %dma_start3A_59 = arith.constant 9984 : i32
          %dma_start3A_60 = arith.constant 0 : i32
          %dma_start3A_61 = tpu.memref_slice %arg5[%dma_start3A_59, %dma_start3A_60] : memref<10000x128xf32, #tpu.memory_space<hbm>> -> memref<16x64xf32, #tpu.memory_space<hbm>>
          %dma_start3A_62 = arith.constant 9984 : i32
          %dma_start3A_63 = arith.constant 0 : i32
          %dma_start3A_64 = tpu.memref_slice %arg15[%dma_start3A_62, %dma_start3A_63] : memref<10000x64xf32, #tpu.memory_space<vmem_shared>> -> memref<16x64xf32, #tpu.memory_space<vmem_shared>>
          tpu.enqueue_dma source(%dma_start3A_64 : memref<16x64xf32, #tpu.memory_space<vmem_shared>>) target(%dma_start3A_61 : memref<16x64xf32, #tpu.memory_space<hbm>>) target_semaphore(%run_scoped3A_58 : memref<!tpu.dma_semaphore, #tpu.memory_space<semaphore_mem>>)
          %dma_wait3A = arith.constant 9984 : i32
          %dma_wait3A_65 = arith.constant 0 : i32
          %dma_wait3A_66 = tpu.memref_slice %arg5[%dma_wait3A, %dma_wait3A_65] : memref<10000x128xf32, #tpu.memory_space<hbm>> -> memref<16x64xf32, #tpu.memory_space<hbm>>
          %dma_wait3A_67 = arith.constant 9984 : i32
          %dma_wait3A_68 = arith.constant 0 : i32
          %dma_wait3A_69 = tpu.memref_slice %arg15[%dma_wait3A_67, %dma_wait3A_68] : memref<10000x64xf32, #tpu.memory_space<vmem_shared>> -> memref<16x64xf32, #tpu.memory_space<vmem_shared>>
          tpu.wait_dma2 semaphore(%run_scoped3A_58 : memref<!tpu.dma_semaphore, #tpu.memory_space<semaphore_mem>>) src(%dma_wait3A_69 : memref<16x64xf32, #tpu.memory_space<vmem_shared>>) dst(%dma_wait3A_66 : memref<16x64xf32, #tpu.memory_space<hbm>>)
          tpu.yield
        }) : () -> ()
      } else {
      }
    } else {
    }
    %eq3A_46 = arith.constant 1 : i32
    %eq3A_47 = arith.cmpi eq, %arg0, %eq3A_46 : i32
    %convert_element_type3A_48 = arith.extui %eq3A_47 : i1 to i32
    %cond3A_49 = arith.constant 0 : i32
    %cond3A_50 = arith.cmpi ne, %convert_element_type3A_48, %cond3A_49 : i32
    scf.if %cond3A_50 {
      %mul3A_51 = arith.constant 624 : i32
      %mul3A_52 = arith.muli %arg1, %mul3A_51 : i32
      "tpu.region"() ({
        %run_scoped3A_58 = tpu.sem_alloc : memref<!tpu.dma_semaphore, #tpu.memory_space<semaphore_mem>>
        %dma_start3A_59 = arith.constant 64 : i32
        %dma_start3A_60 = tpu.memref_slice %arg5[%mul3A_52, %dma_start3A_59] : memref<10000x128xf32, #tpu.memory_space<hbm>> -> memref<624x64xf32, #tpu.memory_space<hbm>>
        %dma_start3A_61 = arith.constant 0 : i32
        %dma_start3A_62 = tpu.memref_slice %arg15[%mul3A_52, %dma_start3A_61] : memref<10000x64xf32, #tpu.memory_space<vmem_shared>> -> memref<624x64xf32, #tpu.memory_space<vmem_shared>>
        tpu.enqueue_dma source(%dma_start3A_62 : memref<624x64xf32, #tpu.memory_space<vmem_shared>>) target(%dma_start3A_60 : memref<624x64xf32, #tpu.memory_space<hbm>>) target_semaphore(%run_scoped3A_58 : memref<!tpu.dma_semaphore, #tpu.memory_space<semaphore_mem>>)
        %dma_wait3A = arith.constant 64 : i32
        %dma_wait3A_63 = tpu.memref_slice %arg5[%mul3A_52, %dma_wait3A] : memref<10000x128xf32, #tpu.memory_space<hbm>> -> memref<624x64xf32, #tpu.memory_space<hbm>>
        %dma_wait3A_64 = arith.constant 0 : i32
        %dma_wait3A_65 = tpu.memref_slice %arg15[%mul3A_52, %dma_wait3A_64] : memref<10000x64xf32, #tpu.memory_space<vmem_shared>> -> memref<624x64xf32, #tpu.memory_space<vmem_shared>>
        tpu.wait_dma2 semaphore(%run_scoped3A_58 : memref<!tpu.dma_semaphore, #tpu.memory_space<semaphore_mem>>) src(%dma_wait3A_65 : memref<624x64xf32, #tpu.memory_space<vmem_shared>>) dst(%dma_wait3A_63 : memref<624x64xf32, #tpu.memory_space<hbm>>)
        tpu.yield
      }) : () -> ()
      %eq3A_53 = arith.constant 15 : i32
      %eq3A_54 = arith.cmpi eq, %arg1, %eq3A_53 : i32
      %convert_element_type3A_55 = arith.extui %eq3A_54 : i1 to i32
      %cond3A_56 = arith.constant 0 : i32
      %cond3A_57 = arith.cmpi ne, %convert_element_type3A_55, %cond3A_56 : i32
      scf.if %cond3A_57 {
        "tpu.region"() ({
          %run_scoped3A_58 = tpu.sem_alloc : memref<!tpu.dma_semaphore, #tpu.memory_space<semaphore_mem>>
          %dma_start3A_59 = arith.constant 9984 : i32
          %dma_start3A_60 = arith.constant 64 : i32
          %dma_start3A_61 = tpu.memref_slice %arg5[%dma_start3A_59, %dma_start3A_60] : memref<10000x128xf32, #tpu.memory_space<hbm>> -> memref<16x64xf32, #tpu.memory_space<hbm>>
          %dma_start3A_62 = arith.constant 9984 : i32
          %dma_start3A_63 = arith.constant 0 : i32
          %dma_start3A_64 = tpu.memref_slice %arg15[%dma_start3A_62, %dma_start3A_63] : memref<10000x64xf32, #tpu.memory_space<vmem_shared>> -> memref<16x64xf32, #tpu.memory_space<vmem_shared>>
          tpu.enqueue_dma source(%dma_start3A_64 : memref<16x64xf32, #tpu.memory_space<vmem_shared>>) target(%dma_start3A_61 : memref<16x64xf32, #tpu.memory_space<hbm>>) target_semaphore(%run_scoped3A_58 : memref<!tpu.dma_semaphore, #tpu.memory_space<semaphore_mem>>)
          %dma_wait3A = arith.constant 9984 : i32
          %dma_wait3A_65 = arith.constant 64 : i32
          %dma_wait3A_66 = tpu.memref_slice %arg5[%dma_wait3A, %dma_wait3A_65] : memref<10000x128xf32, #tpu.memory_space<hbm>> -> memref<16x64xf32, #tpu.memory_space<hbm>>
          %dma_wait3A_67 = arith.constant 9984 : i32
          %dma_wait3A_68 = arith.constant 0 : i32
          %dma_wait3A_69 = tpu.memref_slice %arg15[%dma_wait3A_67, %dma_wait3A_68] : memref<10000x64xf32, #tpu.memory_space<vmem_shared>> -> memref<16x64xf32, #tpu.memory_space<vmem_shared>>
          tpu.wait_dma2 semaphore(%run_scoped3A_58 : memref<!tpu.dma_semaphore, #tpu.memory_space<semaphore_mem>>) src(%dma_wait3A_69 : memref<16x64xf32, #tpu.memory_space<vmem_shared>>) dst(%dma_wait3A_66 : memref<16x64xf32, #tpu.memory_space<hbm>>)
          tpu.yield
        }) : () -> ()
      } else {
      }
    } else {
    }
    return
  }
}

#map = affine_map<(d0, d1) -> (0, 0)>
module attributes {stable_mosaic.version = 14 : i64} {
  func.func @_deg_body(%arg0: i32, %arg1: i32, %arg2: memref<2x320000xi32, #tpu.memory_space<hbm>>, %arg3: memref<2x320000xi32, #tpu.memory_space<hbm>>, %arg4: memref<2x320000xi32, #tpu.memory_space<hbm>>, %arg5: memref<1000x8xf32, #tpu.memory_space<hbm>>, %arg6: memref<10000x8xf32, #tpu.memory_space<hbm>>, %arg7: memref<10000x128xf32, #tpu.memory_space<hbm>>, %arg8: memref<1000x8xf32, #tpu.memory_space<vmem>>, %arg9: memref<1000xi32, #tpu.memory_space<vmem>>, %arg10: memref<1000xi32, #tpu.memory_space<vmem>>, %arg11: memref<10000x8xf32, #tpu.memory_space<vmem_shared>>, %arg12: memref<10000x8xf32, #tpu.memory_space<vmem_shared>>, %arg13: memref<10000x8xf32, #tpu.memory_space<vmem_shared>>, %arg14: memref<!tpu.dma_semaphore, #tpu.memory_space<semaphore_mem>>, %arg15: memref<!tpu.dma_semaphore, #tpu.memory_space<semaphore_mem>>) attributes {dimension_semantics = [#tpu.dimension_semantics<core_parallel>, #tpu.dimension_semantics<subcore_parallel>], iteration_bounds = array<i64: 2, 16>, scalar_prefetch = 0 : i64, scratch_operands = 8 : i64, tpu.core_type = #tpu.core_type<sc_vector_subcore>, window_params = [{transform_indices = #map}, {transform_indices = #map}, {transform_indices = #map}, {transform_indices = #map}, {transform_indices = #map}, {transform_indices = #map}]} {
    %mul3A = arith.constant 16 : i32
    %mul3A_0 = arith.muli %arg0, %mul3A : i32
    %add3A = arith.addi %mul3A_0, %arg1 : i32
    %mul3A_1 = arith.constant 10000 : i32
    %mul3A_2 = arith.muli %add3A, %mul3A_1 : i32
    %mul3A_3 = arith.constant 624 : i32
    %mul3A_4 = arith.muli %arg1, %mul3A_3 : i32
    "tpu.region"() ({
      %run_scoped3A = tpu.sem_alloc : memref<!tpu.dma_semaphore, #tpu.memory_space<semaphore_mem>>
      %dma_start3A_71 = arith.constant 0 : i32
      %dma_start3A_72 = tpu.memref_slice %arg11[%mul3A_4, %dma_start3A_71] : memref<10000x8xf32, #tpu.memory_space<vmem_shared>> -> memref<624x8xf32, #tpu.memory_space<vmem_shared>>
      %dma_start3A_73 = arith.constant 0 : i32
      %dma_start3A_74 = tpu.memref_slice %arg6[%mul3A_4, %dma_start3A_73] : memref<10000x8xf32, #tpu.memory_space<hbm>> -> memref<624x8xf32, #tpu.memory_space<hbm>>
      tpu.enqueue_dma source(%dma_start3A_74 : memref<624x8xf32, #tpu.memory_space<hbm>>) target(%dma_start3A_72 : memref<624x8xf32, #tpu.memory_space<vmem_shared>>) target_semaphore(%run_scoped3A : memref<!tpu.dma_semaphore, #tpu.memory_space<semaphore_mem>>)
      %dma_wait3A = arith.constant 0 : i32
      %dma_wait3A_75 = tpu.memref_slice %arg11[%mul3A_4, %dma_wait3A] : memref<10000x8xf32, #tpu.memory_space<vmem_shared>> -> memref<624x8xf32, #tpu.memory_space<vmem_shared>>
      %dma_wait3A_76 = arith.constant 0 : i32
      %dma_wait3A_77 = tpu.memref_slice %arg6[%mul3A_4, %dma_wait3A_76] : memref<10000x8xf32, #tpu.memory_space<hbm>> -> memref<624x8xf32, #tpu.memory_space<hbm>>
      tpu.wait_dma2 semaphore(%run_scoped3A : memref<!tpu.dma_semaphore, #tpu.memory_space<semaphore_mem>>) src(%dma_wait3A_77 : memref<624x8xf32, #tpu.memory_space<hbm>>) dst(%dma_wait3A_75 : memref<624x8xf32, #tpu.memory_space<vmem_shared>>)
      tpu.yield
    }) : () -> ()
    %eq3A = arith.constant 15 : i32
    %eq3A_5 = arith.cmpi eq, %arg1, %eq3A : i32
    %convert_element_type3A = arith.extui %eq3A_5 : i1 to i32
    %cond3A = arith.constant 0 : i32
    %cond3A_6 = arith.cmpi ne, %convert_element_type3A, %cond3A : i32
    scf.if %cond3A_6 {
      "tpu.region"() ({
        %run_scoped3A = tpu.sem_alloc : memref<!tpu.dma_semaphore, #tpu.memory_space<semaphore_mem>>
        %dma_start3A_71 = arith.constant 9984 : i32
        %dma_start3A_72 = arith.constant 0 : i32
        %dma_start3A_73 = tpu.memref_slice %arg11[%dma_start3A_71, %dma_start3A_72] : memref<10000x8xf32, #tpu.memory_space<vmem_shared>> -> memref<16x8xf32, #tpu.memory_space<vmem_shared>>
        %dma_start3A_74 = arith.constant 9984 : i32
        %dma_start3A_75 = arith.constant 0 : i32
        %dma_start3A_76 = tpu.memref_slice %arg6[%dma_start3A_74, %dma_start3A_75] : memref<10000x8xf32, #tpu.memory_space<hbm>> -> memref<16x8xf32, #tpu.memory_space<hbm>>
        tpu.enqueue_dma source(%dma_start3A_76 : memref<16x8xf32, #tpu.memory_space<hbm>>) target(%dma_start3A_73 : memref<16x8xf32, #tpu.memory_space<vmem_shared>>) target_semaphore(%run_scoped3A : memref<!tpu.dma_semaphore, #tpu.memory_space<semaphore_mem>>)
        %dma_wait3A = arith.constant 9984 : i32
        %dma_wait3A_77 = arith.constant 0 : i32
        %dma_wait3A_78 = tpu.memref_slice %arg11[%dma_wait3A, %dma_wait3A_77] : memref<10000x8xf32, #tpu.memory_space<vmem_shared>> -> memref<16x8xf32, #tpu.memory_space<vmem_shared>>
        %dma_wait3A_79 = arith.constant 9984 : i32
        %dma_wait3A_80 = arith.constant 0 : i32
        %dma_wait3A_81 = tpu.memref_slice %arg6[%dma_wait3A_79, %dma_wait3A_80] : memref<10000x8xf32, #tpu.memory_space<hbm>> -> memref<16x8xf32, #tpu.memory_space<hbm>>
        tpu.wait_dma2 semaphore(%run_scoped3A : memref<!tpu.dma_semaphore, #tpu.memory_space<semaphore_mem>>) src(%dma_wait3A_81 : memref<16x8xf32, #tpu.memory_space<hbm>>) dst(%dma_wait3A_78 : memref<16x8xf32, #tpu.memory_space<vmem_shared>>)
        tpu.yield
      }) : () -> ()
    } else {
    }
    %mul3A_7 = arith.constant 624 : i32
    %mul3A_8 = arith.muli %arg1, %mul3A_7 : i32
    "tpu.region"() ({
      %run_scoped3A = tpu.sem_alloc : memref<!tpu.dma_semaphore, #tpu.memory_space<semaphore_mem>>
      %dma_start3A_71 = arith.constant 0 : i32
      %dma_start3A_72 = tpu.memref_slice %arg12[%mul3A_8, %dma_start3A_71] : memref<10000x8xf32, #tpu.memory_space<vmem_shared>> -> memref<624x8xf32, #tpu.memory_space<vmem_shared>>
      %dma_start3A_73 = arith.constant 0 : i32
      %dma_start3A_74 = tpu.memref_slice %arg6[%mul3A_8, %dma_start3A_73] : memref<10000x8xf32, #tpu.memory_space<hbm>> -> memref<624x8xf32, #tpu.memory_space<hbm>>
      tpu.enqueue_dma source(%dma_start3A_74 : memref<624x8xf32, #tpu.memory_space<hbm>>) target(%dma_start3A_72 : memref<624x8xf32, #tpu.memory_space<vmem_shared>>) target_semaphore(%run_scoped3A : memref<!tpu.dma_semaphore, #tpu.memory_space<semaphore_mem>>)
      %dma_wait3A = arith.constant 0 : i32
      %dma_wait3A_75 = tpu.memref_slice %arg12[%mul3A_8, %dma_wait3A] : memref<10000x8xf32, #tpu.memory_space<vmem_shared>> -> memref<624x8xf32, #tpu.memory_space<vmem_shared>>
      %dma_wait3A_76 = arith.constant 0 : i32
      %dma_wait3A_77 = tpu.memref_slice %arg6[%mul3A_8, %dma_wait3A_76] : memref<10000x8xf32, #tpu.memory_space<hbm>> -> memref<624x8xf32, #tpu.memory_space<hbm>>
      tpu.wait_dma2 semaphore(%run_scoped3A : memref<!tpu.dma_semaphore, #tpu.memory_space<semaphore_mem>>) src(%dma_wait3A_77 : memref<624x8xf32, #tpu.memory_space<hbm>>) dst(%dma_wait3A_75 : memref<624x8xf32, #tpu.memory_space<vmem_shared>>)
      tpu.yield
    }) : () -> ()
    %eq3A_9 = arith.constant 15 : i32
    %eq3A_10 = arith.cmpi eq, %arg1, %eq3A_9 : i32
    %convert_element_type3A_11 = arith.extui %eq3A_10 : i1 to i32
    %cond3A_12 = arith.constant 0 : i32
    %cond3A_13 = arith.cmpi ne, %convert_element_type3A_11, %cond3A_12 : i32
    scf.if %cond3A_13 {
      "tpu.region"() ({
        %run_scoped3A = tpu.sem_alloc : memref<!tpu.dma_semaphore, #tpu.memory_space<semaphore_mem>>
        %dma_start3A_71 = arith.constant 9984 : i32
        %dma_start3A_72 = arith.constant 0 : i32
        %dma_start3A_73 = tpu.memref_slice %arg12[%dma_start3A_71, %dma_start3A_72] : memref<10000x8xf32, #tpu.memory_space<vmem_shared>> -> memref<16x8xf32, #tpu.memory_space<vmem_shared>>
        %dma_start3A_74 = arith.constant 9984 : i32
        %dma_start3A_75 = arith.constant 0 : i32
        %dma_start3A_76 = tpu.memref_slice %arg6[%dma_start3A_74, %dma_start3A_75] : memref<10000x8xf32, #tpu.memory_space<hbm>> -> memref<16x8xf32, #tpu.memory_space<hbm>>
        tpu.enqueue_dma source(%dma_start3A_76 : memref<16x8xf32, #tpu.memory_space<hbm>>) target(%dma_start3A_73 : memref<16x8xf32, #tpu.memory_space<vmem_shared>>) target_semaphore(%run_scoped3A : memref<!tpu.dma_semaphore, #tpu.memory_space<semaphore_mem>>)
        %dma_wait3A = arith.constant 9984 : i32
        %dma_wait3A_77 = arith.constant 0 : i32
        %dma_wait3A_78 = tpu.memref_slice %arg12[%dma_wait3A, %dma_wait3A_77] : memref<10000x8xf32, #tpu.memory_space<vmem_shared>> -> memref<16x8xf32, #tpu.memory_space<vmem_shared>>
        %dma_wait3A_79 = arith.constant 9984 : i32
        %dma_wait3A_80 = arith.constant 0 : i32
        %dma_wait3A_81 = tpu.memref_slice %arg6[%dma_wait3A_79, %dma_wait3A_80] : memref<10000x8xf32, #tpu.memory_space<hbm>> -> memref<16x8xf32, #tpu.memory_space<hbm>>
        tpu.wait_dma2 semaphore(%run_scoped3A : memref<!tpu.dma_semaphore, #tpu.memory_space<semaphore_mem>>) src(%dma_wait3A_81 : memref<16x8xf32, #tpu.memory_space<hbm>>) dst(%dma_wait3A_78 : memref<16x8xf32, #tpu.memory_space<vmem_shared>>)
        tpu.yield
      }) : () -> ()
    } else {
    }
    %mul3A_14 = arith.constant 624 : i32
    %mul3A_15 = arith.muli %arg1, %mul3A_14 : i32
    "tpu.region"() ({
      %run_scoped3A = tpu.sem_alloc : memref<!tpu.dma_semaphore, #tpu.memory_space<semaphore_mem>>
      %dma_start3A_71 = arith.constant 0 : i32
      %dma_start3A_72 = tpu.memref_slice %arg13[%mul3A_15, %dma_start3A_71] : memref<10000x8xf32, #tpu.memory_space<vmem_shared>> -> memref<624x8xf32, #tpu.memory_space<vmem_shared>>
      %dma_start3A_73 = arith.constant 0 : i32
      %dma_start3A_74 = tpu.memref_slice %arg6[%mul3A_15, %dma_start3A_73] : memref<10000x8xf32, #tpu.memory_space<hbm>> -> memref<624x8xf32, #tpu.memory_space<hbm>>
      tpu.enqueue_dma source(%dma_start3A_74 : memref<624x8xf32, #tpu.memory_space<hbm>>) target(%dma_start3A_72 : memref<624x8xf32, #tpu.memory_space<vmem_shared>>) target_semaphore(%run_scoped3A : memref<!tpu.dma_semaphore, #tpu.memory_space<semaphore_mem>>)
      %dma_wait3A = arith.constant 0 : i32
      %dma_wait3A_75 = tpu.memref_slice %arg13[%mul3A_15, %dma_wait3A] : memref<10000x8xf32, #tpu.memory_space<vmem_shared>> -> memref<624x8xf32, #tpu.memory_space<vmem_shared>>
      %dma_wait3A_76 = arith.constant 0 : i32
      %dma_wait3A_77 = tpu.memref_slice %arg6[%mul3A_15, %dma_wait3A_76] : memref<10000x8xf32, #tpu.memory_space<hbm>> -> memref<624x8xf32, #tpu.memory_space<hbm>>
      tpu.wait_dma2 semaphore(%run_scoped3A : memref<!tpu.dma_semaphore, #tpu.memory_space<semaphore_mem>>) src(%dma_wait3A_77 : memref<624x8xf32, #tpu.memory_space<hbm>>) dst(%dma_wait3A_75 : memref<624x8xf32, #tpu.memory_space<vmem_shared>>)
      tpu.yield
    }) : () -> ()
    %eq3A_16 = arith.constant 15 : i32
    %eq3A_17 = arith.cmpi eq, %arg1, %eq3A_16 : i32
    %convert_element_type3A_18 = arith.extui %eq3A_17 : i1 to i32
    %cond3A_19 = arith.constant 0 : i32
    %cond3A_20 = arith.cmpi ne, %convert_element_type3A_18, %cond3A_19 : i32
    scf.if %cond3A_20 {
      "tpu.region"() ({
        %run_scoped3A = tpu.sem_alloc : memref<!tpu.dma_semaphore, #tpu.memory_space<semaphore_mem>>
        %dma_start3A_71 = arith.constant 9984 : i32
        %dma_start3A_72 = arith.constant 0 : i32
        %dma_start3A_73 = tpu.memref_slice %arg13[%dma_start3A_71, %dma_start3A_72] : memref<10000x8xf32, #tpu.memory_space<vmem_shared>> -> memref<16x8xf32, #tpu.memory_space<vmem_shared>>
        %dma_start3A_74 = arith.constant 9984 : i32
        %dma_start3A_75 = arith.constant 0 : i32
        %dma_start3A_76 = tpu.memref_slice %arg6[%dma_start3A_74, %dma_start3A_75] : memref<10000x8xf32, #tpu.memory_space<hbm>> -> memref<16x8xf32, #tpu.memory_space<hbm>>
        tpu.enqueue_dma source(%dma_start3A_76 : memref<16x8xf32, #tpu.memory_space<hbm>>) target(%dma_start3A_73 : memref<16x8xf32, #tpu.memory_space<vmem_shared>>) target_semaphore(%run_scoped3A : memref<!tpu.dma_semaphore, #tpu.memory_space<semaphore_mem>>)
        %dma_wait3A = arith.constant 9984 : i32
        %dma_wait3A_77 = arith.constant 0 : i32
        %dma_wait3A_78 = tpu.memref_slice %arg13[%dma_wait3A, %dma_wait3A_77] : memref<10000x8xf32, #tpu.memory_space<vmem_shared>> -> memref<16x8xf32, #tpu.memory_space<vmem_shared>>
        %dma_wait3A_79 = arith.constant 9984 : i32
        %dma_wait3A_80 = arith.constant 0 : i32
        %dma_wait3A_81 = tpu.memref_slice %arg6[%dma_wait3A_79, %dma_wait3A_80] : memref<10000x8xf32, #tpu.memory_space<hbm>> -> memref<16x8xf32, #tpu.memory_space<hbm>>
        tpu.wait_dma2 semaphore(%run_scoped3A : memref<!tpu.dma_semaphore, #tpu.memory_space<semaphore_mem>>) src(%dma_wait3A_81 : memref<16x8xf32, #tpu.memory_space<hbm>>) dst(%dma_wait3A_78 : memref<16x8xf32, #tpu.memory_space<vmem_shared>>)
        tpu.yield
      }) : () -> ()
    } else {
    }
    "tpu.region"() ({
      %run_scoped3A = tpu.sem_alloc : memref<!tpu.dma_semaphore, #tpu.memory_space<semaphore_mem>>
      tpu.enqueue_dma source(%arg5 : memref<1000x8xf32, #tpu.memory_space<hbm>>) target(%arg8 : memref<1000x8xf32, #tpu.memory_space<vmem>>) target_semaphore(%run_scoped3A : memref<!tpu.dma_semaphore, #tpu.memory_space<semaphore_mem>>)
      tpu.wait_dma2 semaphore(%run_scoped3A : memref<!tpu.dma_semaphore, #tpu.memory_space<semaphore_mem>>) src(%arg5 : memref<1000x8xf32, #tpu.memory_space<hbm>>) dst(%arg8 : memref<1000x8xf32, #tpu.memory_space<vmem>>)
      tpu.yield
    }) : () -> ()
    %barrier3A = arith.constant 0 : index
    tpu.barrier barrier_id(%barrier3A)
    %add3A_21 = arith.constant 0 : i32
    %add3A_22 = arith.addi %mul3A_2, %add3A_21 : i32
    %multiple_of3A = tpu.assume_multiple %add3A_22, 8 : i32
    %dma_start3A = arith.constant 1 : i32
    %dma_start3A_23 = tpu.memref_slice %arg2[%dma_start3A, %multiple_of3A] : memref<2x320000xi32, #tpu.memory_space<hbm>> -> memref<1x1000xi32, #tpu.memory_space<hbm>>
    %dma_start3A_24 = tpu.memref_squeeze %dma_start3A_23 : memref<1x1000xi32, #tpu.memory_space<hbm>> -> memref<1000xi32, #tpu.memory_space<hbm>>
    %dma_start3A_25 = tpu.memref_slice %arg2[%dma_start3A, %multiple_of3A] : memref<2x320000xi32, #tpu.memory_space<hbm>> -> memref<1x1000xi32, #tpu.memory_space<hbm>>
    %dma_start3A_26 = tpu.memref_squeeze %dma_start3A_25 : memref<1x1000xi32, #tpu.memory_space<hbm>> -> memref<1000xi32, #tpu.memory_space<hbm>>
    tpu.enqueue_dma source(%dma_start3A_26 : memref<1000xi32, #tpu.memory_space<hbm>>) target(%arg9 : memref<1000xi32, #tpu.memory_space<vmem>>) target_semaphore(%arg14 : memref<!tpu.dma_semaphore, #tpu.memory_space<semaphore_mem>>)
    %scan3A = arith.constant 0 : i32
    %scan3A_27 = arith.constant 0 : i32
    %scan3A_28 = arith.constant 10 : i32
    %scan3A_29 = arith.addi %scan3A_27, %scan3A_28 : i32
    %scan3A_30 = arith.constant 1 : i32
    scf.for %scan3A_71 = %scan3A_27 to %scan3A_29 step %scan3A_30  : i32 {
      %rem3A = arith.constant 2 : i32
      %rem3A_72 = arith.remsi %scan3A_71, %rem3A : i32
      %eq3A_73 = arith.constant 0 : i32
      %eq3A_74 = arith.cmpi eq, %rem3A_72, %eq3A_73 : i32
      %convert_element_type3A_75 = arith.extui %eq3A_74 : i1 to i32
      %cond3A_76 = arith.constant 0 : i32
      %cond3A_77 = arith.cmpi ne, %convert_element_type3A_75, %cond3A_76 : i32
      scf.if %cond3A_77 {
        %add3A_85 = arith.constant 1 : i32
        %add3A_86 = arith.addi %scan3A_71, %add3A_85 : i32
        %lt3A = arith.constant 10 : i32
        %lt3A_87 = arith.cmpi slt, %add3A_86, %lt3A : i32
        %convert_element_type3A_88 = arith.extui %lt3A_87 : i1 to i32
        %cond3A_89 = arith.constant 0 : i32
        %cond3A_90 = arith.cmpi ne, %convert_element_type3A_88, %cond3A_89 : i32
        scf.if %cond3A_90 {
          %add3A_99 = arith.constant 1 : i32
          %add3A_100 = arith.addi %scan3A_71, %add3A_99 : i32
          %mul3A_101 = arith.constant 1000 : i32
          %mul3A_102 = arith.muli %add3A_100, %mul3A_101 : i32
          %add3A_103 = arith.addi %mul3A_2, %mul3A_102 : i32
          %multiple_of3A_104 = tpu.assume_multiple %add3A_103, 8 : i32
          %dma_start3A_105 = arith.constant 1 : i32
          %dma_start3A_106 = tpu.memref_slice %arg2[%dma_start3A_105, %multiple_of3A_104] : memref<2x320000xi32, #tpu.memory_space<hbm>> -> memref<1x1000xi32, #tpu.memory_space<hbm>>
          %dma_start3A_107 = tpu.memref_squeeze %dma_start3A_106 : memref<1x1000xi32, #tpu.memory_space<hbm>> -> memref<1000xi32, #tpu.memory_space<hbm>>
          %dma_start3A_108 = tpu.memref_slice %arg2[%dma_start3A_105, %multiple_of3A_104] : memref<2x320000xi32, #tpu.memory_space<hbm>> -> memref<1x1000xi32, #tpu.memory_space<hbm>>
          %dma_start3A_109 = tpu.memref_squeeze %dma_start3A_108 : memref<1x1000xi32, #tpu.memory_space<hbm>> -> memref<1000xi32, #tpu.memory_space<hbm>>
          tpu.enqueue_dma source(%dma_start3A_109 : memref<1000xi32, #tpu.memory_space<hbm>>) target(%arg10 : memref<1000xi32, #tpu.memory_space<vmem>>) target_semaphore(%arg15 : memref<!tpu.dma_semaphore, #tpu.memory_space<semaphore_mem>>)
        } else {
        }
        %mul3A_91 = arith.constant 1000 : i32
        %mul3A_92 = arith.muli %scan3A_71, %mul3A_91 : i32
        %add3A_93 = arith.addi %mul3A_2, %mul3A_92 : i32
        %multiple_of3A_94 = tpu.assume_multiple %add3A_93, 8 : i32
        %dma_wait3A = arith.constant 1 : i32
        %dma_wait3A_95 = tpu.memref_slice %arg2[%dma_wait3A, %multiple_of3A_94] : memref<2x320000xi32, #tpu.memory_space<hbm>> -> memref<1x1000xi32, #tpu.memory_space<hbm>>
        %dma_wait3A_96 = tpu.memref_squeeze %dma_wait3A_95 : memref<1x1000xi32, #tpu.memory_space<hbm>> -> memref<1000xi32, #tpu.memory_space<hbm>>
        %dma_wait3A_97 = tpu.memref_slice %arg2[%dma_wait3A, %multiple_of3A_94] : memref<2x320000xi32, #tpu.memory_space<hbm>> -> memref<1x1000xi32, #tpu.memory_space<hbm>>
        %dma_wait3A_98 = tpu.memref_squeeze %dma_wait3A_97 : memref<1x1000xi32, #tpu.memory_space<hbm>> -> memref<1000xi32, #tpu.memory_space<hbm>>
        tpu.wait_dma2 semaphore(%arg14 : memref<!tpu.dma_semaphore, #tpu.memory_space<semaphore_mem>>) src(%dma_wait3A_98 : memref<1000xi32, #tpu.memory_space<hbm>>) dst(%arg9 : memref<1000xi32, #tpu.memory_space<vmem>>)
        "tpu.region"() ({
          %run_scoped3A = tpu.sem_alloc : memref<!tpu.dma_semaphore, #tpu.memory_space<semaphore_mem>>
          %dma_start3A_99 = arith.constant 0 : i32
          %dma_start3A_100 = arith.constant 0 : i32
          %dma_start3A_101 = tpu.memref_slice %arg11[%dma_start3A_99, %dma_start3A_100] : memref<10000x8xf32, #tpu.memory_space<vmem_shared>> -> memref<10000x8xf32, #tpu.memory_space<vmem_shared>>
          tpu.enqueue_indirect_dma source(%arg8 : memref<1000x8xf32, #tpu.memory_space<vmem>>) target(%dma_start3A_101 : memref<10000x8xf32, #tpu.memory_space<vmem_shared>>) offsets(%arg9 : memref<1000xi32, #tpu.memory_space<vmem>>) semaphore(%run_scoped3A : memref<!tpu.dma_semaphore, #tpu.memory_space<semaphore_mem>>) {add = true}
          %dma_wait3A_102 = arith.constant 0 : i32
          %dma_wait3A_103 = arith.constant 0 : i32
          %dma_wait3A_104 = tpu.memref_slice %arg11[%dma_wait3A_102, %dma_wait3A_103] : memref<10000x8xf32, #tpu.memory_space<vmem_shared>> -> memref<10000x8xf32, #tpu.memory_space<vmem_shared>>
          tpu.wait_indirect_dma semaphore(%run_scoped3A : memref<!tpu.dma_semaphore, #tpu.memory_space<semaphore_mem>>) src(%arg8 : memref<1000x8xf32, #tpu.memory_space<vmem>>) dst(%dma_wait3A_104 : memref<10000x8xf32, #tpu.memory_space<vmem_shared>>)
          tpu.yield
        }) : () -> ()
      } else {
      }
      %rem3A_78 = arith.constant 2 : i32
      %rem3A_79 = arith.remsi %scan3A_71, %rem3A_78 : i32
      %eq3A_80 = arith.constant 1 : i32
      %eq3A_81 = arith.cmpi eq, %rem3A_79, %eq3A_80 : i32
      %convert_element_type3A_82 = arith.extui %eq3A_81 : i1 to i32
      %cond3A_83 = arith.constant 0 : i32
      %cond3A_84 = arith.cmpi ne, %convert_element_type3A_82, %cond3A_83 : i32
      scf.if %cond3A_84 {
        %add3A_85 = arith.constant 1 : i32
        %add3A_86 = arith.addi %scan3A_71, %add3A_85 : i32
        %lt3A = arith.constant 10 : i32
        %lt3A_87 = arith.cmpi slt, %add3A_86, %lt3A : i32
        %convert_element_type3A_88 = arith.extui %lt3A_87 : i1 to i32
        %cond3A_89 = arith.constant 0 : i32
        %cond3A_90 = arith.cmpi ne, %convert_element_type3A_88, %cond3A_89 : i32
        scf.if %cond3A_90 {
          %add3A_99 = arith.constant 1 : i32
          %add3A_100 = arith.addi %scan3A_71, %add3A_99 : i32
          %mul3A_101 = arith.constant 1000 : i32
          %mul3A_102 = arith.muli %add3A_100, %mul3A_101 : i32
          %add3A_103 = arith.addi %mul3A_2, %mul3A_102 : i32
          %multiple_of3A_104 = tpu.assume_multiple %add3A_103, 8 : i32
          %dma_start3A_105 = arith.constant 1 : i32
          %dma_start3A_106 = tpu.memref_slice %arg2[%dma_start3A_105, %multiple_of3A_104] : memref<2x320000xi32, #tpu.memory_space<hbm>> -> memref<1x1000xi32, #tpu.memory_space<hbm>>
          %dma_start3A_107 = tpu.memref_squeeze %dma_start3A_106 : memref<1x1000xi32, #tpu.memory_space<hbm>> -> memref<1000xi32, #tpu.memory_space<hbm>>
          %dma_start3A_108 = tpu.memref_slice %arg2[%dma_start3A_105, %multiple_of3A_104] : memref<2x320000xi32, #tpu.memory_space<hbm>> -> memref<1x1000xi32, #tpu.memory_space<hbm>>
          %dma_start3A_109 = tpu.memref_squeeze %dma_start3A_108 : memref<1x1000xi32, #tpu.memory_space<hbm>> -> memref<1000xi32, #tpu.memory_space<hbm>>
          tpu.enqueue_dma source(%dma_start3A_109 : memref<1000xi32, #tpu.memory_space<hbm>>) target(%arg9 : memref<1000xi32, #tpu.memory_space<vmem>>) target_semaphore(%arg14 : memref<!tpu.dma_semaphore, #tpu.memory_space<semaphore_mem>>)
        } else {
        }
        %mul3A_91 = arith.constant 1000 : i32
        %mul3A_92 = arith.muli %scan3A_71, %mul3A_91 : i32
        %add3A_93 = arith.addi %mul3A_2, %mul3A_92 : i32
        %multiple_of3A_94 = tpu.assume_multiple %add3A_93, 8 : i32
        %dma_wait3A = arith.constant 1 : i32
        %dma_wait3A_95 = tpu.memref_slice %arg2[%dma_wait3A, %multiple_of3A_94] : memref<2x320000xi32, #tpu.memory_space<hbm>> -> memref<1x1000xi32, #tpu.memory_space<hbm>>
        %dma_wait3A_96 = tpu.memref_squeeze %dma_wait3A_95 : memref<1x1000xi32, #tpu.memory_space<hbm>> -> memref<1000xi32, #tpu.memory_space<hbm>>
        %dma_wait3A_97 = tpu.memref_slice %arg2[%dma_wait3A, %multiple_of3A_94] : memref<2x320000xi32, #tpu.memory_space<hbm>> -> memref<1x1000xi32, #tpu.memory_space<hbm>>
        %dma_wait3A_98 = tpu.memref_squeeze %dma_wait3A_97 : memref<1x1000xi32, #tpu.memory_space<hbm>> -> memref<1000xi32, #tpu.memory_space<hbm>>
        tpu.wait_dma2 semaphore(%arg15 : memref<!tpu.dma_semaphore, #tpu.memory_space<semaphore_mem>>) src(%dma_wait3A_98 : memref<1000xi32, #tpu.memory_space<hbm>>) dst(%arg10 : memref<1000xi32, #tpu.memory_space<vmem>>)
        "tpu.region"() ({
          %run_scoped3A = tpu.sem_alloc : memref<!tpu.dma_semaphore, #tpu.memory_space<semaphore_mem>>
          %dma_start3A_99 = arith.constant 0 : i32
          %dma_start3A_100 = arith.constant 0 : i32
          %dma_start3A_101 = tpu.memref_slice %arg11[%dma_start3A_99, %dma_start3A_100] : memref<10000x8xf32, #tpu.memory_space<vmem_shared>> -> memref<10000x8xf32, #tpu.memory_space<vmem_shared>>
          tpu.enqueue_indirect_dma source(%arg8 : memref<1000x8xf32, #tpu.memory_space<vmem>>) target(%dma_start3A_101 : memref<10000x8xf32, #tpu.memory_space<vmem_shared>>) offsets(%arg10 : memref<1000xi32, #tpu.memory_space<vmem>>) semaphore(%run_scoped3A : memref<!tpu.dma_semaphore, #tpu.memory_space<semaphore_mem>>) {add = true}
          %dma_wait3A_102 = arith.constant 0 : i32
          %dma_wait3A_103 = arith.constant 0 : i32
          %dma_wait3A_104 = tpu.memref_slice %arg11[%dma_wait3A_102, %dma_wait3A_103] : memref<10000x8xf32, #tpu.memory_space<vmem_shared>> -> memref<10000x8xf32, #tpu.memory_space<vmem_shared>>
          tpu.wait_indirect_dma semaphore(%run_scoped3A : memref<!tpu.dma_semaphore, #tpu.memory_space<semaphore_mem>>) src(%arg8 : memref<1000x8xf32, #tpu.memory_space<vmem>>) dst(%dma_wait3A_104 : memref<10000x8xf32, #tpu.memory_space<vmem_shared>>)
          tpu.yield
        }) : () -> ()
      } else {
      }
    }
    %scan3A_31 = arith.constant 10 : i32
    %add3A_32 = arith.constant 0 : i32
    %add3A_33 = arith.addi %mul3A_2, %add3A_32 : i32
    %multiple_of3A_34 = tpu.assume_multiple %add3A_33, 8 : i32
    %dma_start3A_35 = arith.constant 1 : i32
    %dma_start3A_36 = tpu.memref_slice %arg3[%dma_start3A_35, %multiple_of3A_34] : memref<2x320000xi32, #tpu.memory_space<hbm>> -> memref<1x1000xi32, #tpu.memory_space<hbm>>
    %dma_start3A_37 = tpu.memref_squeeze %dma_start3A_36 : memref<1x1000xi32, #tpu.memory_space<hbm>> -> memref<1000xi32, #tpu.memory_space<hbm>>
    %dma_start3A_38 = tpu.memref_slice %arg3[%dma_start3A_35, %multiple_of3A_34] : memref<2x320000xi32, #tpu.memory_space<hbm>> -> memref<1x1000xi32, #tpu.memory_space<hbm>>
    %dma_start3A_39 = tpu.memref_squeeze %dma_start3A_38 : memref<1x1000xi32, #tpu.memory_space<hbm>> -> memref<1000xi32, #tpu.memory_space<hbm>>
    tpu.enqueue_dma source(%dma_start3A_39 : memref<1000xi32, #tpu.memory_space<hbm>>) target(%arg9 : memref<1000xi32, #tpu.memory_space<vmem>>) target_semaphore(%arg14 : memref<!tpu.dma_semaphore, #tpu.memory_space<semaphore_mem>>)
    %scan3A_40 = arith.constant 0 : i32
    %scan3A_41 = arith.constant 0 : i32
    %scan3A_42 = arith.constant 10 : i32
    %scan3A_43 = arith.addi %scan3A_41, %scan3A_42 : i32
    %scan3A_44 = arith.constant 1 : i32
    scf.for %scan3A_71 = %scan3A_41 to %scan3A_43 step %scan3A_44  : i32 {
      %rem3A = arith.constant 2 : i32
      %rem3A_72 = arith.remsi %scan3A_71, %rem3A : i32
      %eq3A_73 = arith.constant 0 : i32
      %eq3A_74 = arith.cmpi eq, %rem3A_72, %eq3A_73 : i32
      %convert_element_type3A_75 = arith.extui %eq3A_74 : i1 to i32
      %cond3A_76 = arith.constant 0 : i32
      %cond3A_77 = arith.cmpi ne, %convert_element_type3A_75, %cond3A_76 : i32
      scf.if %cond3A_77 {
        %add3A_85 = arith.constant 1 : i32
        %add3A_86 = arith.addi %scan3A_71, %add3A_85 : i32
        %lt3A = arith.constant 10 : i32
        %lt3A_87 = arith.cmpi slt, %add3A_86, %lt3A : i32
        %convert_element_type3A_88 = arith.extui %lt3A_87 : i1 to i32
        %cond3A_89 = arith.constant 0 : i32
        %cond3A_90 = arith.cmpi ne, %convert_element_type3A_88, %cond3A_89 : i32
        scf.if %cond3A_90 {
          %add3A_99 = arith.constant 1 : i32
          %add3A_100 = arith.addi %scan3A_71, %add3A_99 : i32
          %mul3A_101 = arith.constant 1000 : i32
          %mul3A_102 = arith.muli %add3A_100, %mul3A_101 : i32
          %add3A_103 = arith.addi %mul3A_2, %mul3A_102 : i32
          %multiple_of3A_104 = tpu.assume_multiple %add3A_103, 8 : i32
          %dma_start3A_105 = arith.constant 1 : i32
          %dma_start3A_106 = tpu.memref_slice %arg3[%dma_start3A_105, %multiple_of3A_104] : memref<2x320000xi32, #tpu.memory_space<hbm>> -> memref<1x1000xi32, #tpu.memory_space<hbm>>
          %dma_start3A_107 = tpu.memref_squeeze %dma_start3A_106 : memref<1x1000xi32, #tpu.memory_space<hbm>> -> memref<1000xi32, #tpu.memory_space<hbm>>
          %dma_start3A_108 = tpu.memref_slice %arg3[%dma_start3A_105, %multiple_of3A_104] : memref<2x320000xi32, #tpu.memory_space<hbm>> -> memref<1x1000xi32, #tpu.memory_space<hbm>>
          %dma_start3A_109 = tpu.memref_squeeze %dma_start3A_108 : memref<1x1000xi32, #tpu.memory_space<hbm>> -> memref<1000xi32, #tpu.memory_space<hbm>>
          tpu.enqueue_dma source(%dma_start3A_109 : memref<1000xi32, #tpu.memory_space<hbm>>) target(%arg10 : memref<1000xi32, #tpu.memory_space<vmem>>) target_semaphore(%arg15 : memref<!tpu.dma_semaphore, #tpu.memory_space<semaphore_mem>>)
        } else {
        }
        %mul3A_91 = arith.constant 1000 : i32
        %mul3A_92 = arith.muli %scan3A_71, %mul3A_91 : i32
        %add3A_93 = arith.addi %mul3A_2, %mul3A_92 : i32
        %multiple_of3A_94 = tpu.assume_multiple %add3A_93, 8 : i32
        %dma_wait3A = arith.constant 1 : i32
        %dma_wait3A_95 = tpu.memref_slice %arg3[%dma_wait3A, %multiple_of3A_94] : memref<2x320000xi32, #tpu.memory_space<hbm>> -> memref<1x1000xi32, #tpu.memory_space<hbm>>
        %dma_wait3A_96 = tpu.memref_squeeze %dma_wait3A_95 : memref<1x1000xi32, #tpu.memory_space<hbm>> -> memref<1000xi32, #tpu.memory_space<hbm>>
        %dma_wait3A_97 = tpu.memref_slice %arg3[%dma_wait3A, %multiple_of3A_94] : memref<2x320000xi32, #tpu.memory_space<hbm>> -> memref<1x1000xi32, #tpu.memory_space<hbm>>
        %dma_wait3A_98 = tpu.memref_squeeze %dma_wait3A_97 : memref<1x1000xi32, #tpu.memory_space<hbm>> -> memref<1000xi32, #tpu.memory_space<hbm>>
        tpu.wait_dma2 semaphore(%arg14 : memref<!tpu.dma_semaphore, #tpu.memory_space<semaphore_mem>>) src(%dma_wait3A_98 : memref<1000xi32, #tpu.memory_space<hbm>>) dst(%arg9 : memref<1000xi32, #tpu.memory_space<vmem>>)
        "tpu.region"() ({
          %run_scoped3A = tpu.sem_alloc : memref<!tpu.dma_semaphore, #tpu.memory_space<semaphore_mem>>
          %dma_start3A_99 = arith.constant 0 : i32
          %dma_start3A_100 = arith.constant 0 : i32
          %dma_start3A_101 = tpu.memref_slice %arg12[%dma_start3A_99, %dma_start3A_100] : memref<10000x8xf32, #tpu.memory_space<vmem_shared>> -> memref<10000x8xf32, #tpu.memory_space<vmem_shared>>
          tpu.enqueue_indirect_dma source(%arg8 : memref<1000x8xf32, #tpu.memory_space<vmem>>) target(%dma_start3A_101 : memref<10000x8xf32, #tpu.memory_space<vmem_shared>>) offsets(%arg9 : memref<1000xi32, #tpu.memory_space<vmem>>) semaphore(%run_scoped3A : memref<!tpu.dma_semaphore, #tpu.memory_space<semaphore_mem>>) {add = true}
          %dma_wait3A_102 = arith.constant 0 : i32
          %dma_wait3A_103 = arith.constant 0 : i32
          %dma_wait3A_104 = tpu.memref_slice %arg12[%dma_wait3A_102, %dma_wait3A_103] : memref<10000x8xf32, #tpu.memory_space<vmem_shared>> -> memref<10000x8xf32, #tpu.memory_space<vmem_shared>>
          tpu.wait_indirect_dma semaphore(%run_scoped3A : memref<!tpu.dma_semaphore, #tpu.memory_space<semaphore_mem>>) src(%arg8 : memref<1000x8xf32, #tpu.memory_space<vmem>>) dst(%dma_wait3A_104 : memref<10000x8xf32, #tpu.memory_space<vmem_shared>>)
          tpu.yield
        }) : () -> ()
      } else {
      }
      %rem3A_78 = arith.constant 2 : i32
      %rem3A_79 = arith.remsi %scan3A_71, %rem3A_78 : i32
      %eq3A_80 = arith.constant 1 : i32
      %eq3A_81 = arith.cmpi eq, %rem3A_79, %eq3A_80 : i32
      %convert_element_type3A_82 = arith.extui %eq3A_81 : i1 to i32
      %cond3A_83 = arith.constant 0 : i32
      %cond3A_84 = arith.cmpi ne, %convert_element_type3A_82, %cond3A_83 : i32
      scf.if %cond3A_84 {
        %add3A_85 = arith.constant 1 : i32
        %add3A_86 = arith.addi %scan3A_71, %add3A_85 : i32
        %lt3A = arith.constant 10 : i32
        %lt3A_87 = arith.cmpi slt, %add3A_86, %lt3A : i32
        %convert_element_type3A_88 = arith.extui %lt3A_87 : i1 to i32
        %cond3A_89 = arith.constant 0 : i32
        %cond3A_90 = arith.cmpi ne, %convert_element_type3A_88, %cond3A_89 : i32
        scf.if %cond3A_90 {
          %add3A_99 = arith.constant 1 : i32
          %add3A_100 = arith.addi %scan3A_71, %add3A_99 : i32
          %mul3A_101 = arith.constant 1000 : i32
          %mul3A_102 = arith.muli %add3A_100, %mul3A_101 : i32
          %add3A_103 = arith.addi %mul3A_2, %mul3A_102 : i32
          %multiple_of3A_104 = tpu.assume_multiple %add3A_103, 8 : i32
          %dma_start3A_105 = arith.constant 1 : i32
          %dma_start3A_106 = tpu.memref_slice %arg3[%dma_start3A_105, %multiple_of3A_104] : memref<2x320000xi32, #tpu.memory_space<hbm>> -> memref<1x1000xi32, #tpu.memory_space<hbm>>
          %dma_start3A_107 = tpu.memref_squeeze %dma_start3A_106 : memref<1x1000xi32, #tpu.memory_space<hbm>> -> memref<1000xi32, #tpu.memory_space<hbm>>
          %dma_start3A_108 = tpu.memref_slice %arg3[%dma_start3A_105, %multiple_of3A_104] : memref<2x320000xi32, #tpu.memory_space<hbm>> -> memref<1x1000xi32, #tpu.memory_space<hbm>>
          %dma_start3A_109 = tpu.memref_squeeze %dma_start3A_108 : memref<1x1000xi32, #tpu.memory_space<hbm>> -> memref<1000xi32, #tpu.memory_space<hbm>>
          tpu.enqueue_dma source(%dma_start3A_109 : memref<1000xi32, #tpu.memory_space<hbm>>) target(%arg9 : memref<1000xi32, #tpu.memory_space<vmem>>) target_semaphore(%arg14 : memref<!tpu.dma_semaphore, #tpu.memory_space<semaphore_mem>>)
        } else {
        }
        %mul3A_91 = arith.constant 1000 : i32
        %mul3A_92 = arith.muli %scan3A_71, %mul3A_91 : i32
        %add3A_93 = arith.addi %mul3A_2, %mul3A_92 : i32
        %multiple_of3A_94 = tpu.assume_multiple %add3A_93, 8 : i32
        %dma_wait3A = arith.constant 1 : i32
        %dma_wait3A_95 = tpu.memref_slice %arg3[%dma_wait3A, %multiple_of3A_94] : memref<2x320000xi32, #tpu.memory_space<hbm>> -> memref<1x1000xi32, #tpu.memory_space<hbm>>
        %dma_wait3A_96 = tpu.memref_squeeze %dma_wait3A_95 : memref<1x1000xi32, #tpu.memory_space<hbm>> -> memref<1000xi32, #tpu.memory_space<hbm>>
        %dma_wait3A_97 = tpu.memref_slice %arg3[%dma_wait3A, %multiple_of3A_94] : memref<2x320000xi32, #tpu.memory_space<hbm>> -> memref<1x1000xi32, #tpu.memory_space<hbm>>
        %dma_wait3A_98 = tpu.memref_squeeze %dma_wait3A_97 : memref<1x1000xi32, #tpu.memory_space<hbm>> -> memref<1000xi32, #tpu.memory_space<hbm>>
        tpu.wait_dma2 semaphore(%arg15 : memref<!tpu.dma_semaphore, #tpu.memory_space<semaphore_mem>>) src(%dma_wait3A_98 : memref<1000xi32, #tpu.memory_space<hbm>>) dst(%arg10 : memref<1000xi32, #tpu.memory_space<vmem>>)
        "tpu.region"() ({
          %run_scoped3A = tpu.sem_alloc : memref<!tpu.dma_semaphore, #tpu.memory_space<semaphore_mem>>
          %dma_start3A_99 = arith.constant 0 : i32
          %dma_start3A_100 = arith.constant 0 : i32
          %dma_start3A_101 = tpu.memref_slice %arg12[%dma_start3A_99, %dma_start3A_100] : memref<10000x8xf32, #tpu.memory_space<vmem_shared>> -> memref<10000x8xf32, #tpu.memory_space<vmem_shared>>
          tpu.enqueue_indirect_dma source(%arg8 : memref<1000x8xf32, #tpu.memory_space<vmem>>) target(%dma_start3A_101 : memref<10000x8xf32, #tpu.memory_space<vmem_shared>>) offsets(%arg10 : memref<1000xi32, #tpu.memory_space<vmem>>) semaphore(%run_scoped3A : memref<!tpu.dma_semaphore, #tpu.memory_space<semaphore_mem>>) {add = true}
          %dma_wait3A_102 = arith.constant 0 : i32
          %dma_wait3A_103 = arith.constant 0 : i32
          %dma_wait3A_104 = tpu.memref_slice %arg12[%dma_wait3A_102, %dma_wait3A_103] : memref<10000x8xf32, #tpu.memory_space<vmem_shared>> -> memref<10000x8xf32, #tpu.memory_space<vmem_shared>>
          tpu.wait_indirect_dma semaphore(%run_scoped3A : memref<!tpu.dma_semaphore, #tpu.memory_space<semaphore_mem>>) src(%arg8 : memref<1000x8xf32, #tpu.memory_space<vmem>>) dst(%dma_wait3A_104 : memref<10000x8xf32, #tpu.memory_space<vmem_shared>>)
          tpu.yield
        }) : () -> ()
      } else {
      }
    }
    %scan3A_45 = arith.constant 10 : i32
    %add3A_46 = arith.constant 0 : i32
    %add3A_47 = arith.addi %mul3A_2, %add3A_46 : i32
    %multiple_of3A_48 = tpu.assume_multiple %add3A_47, 8 : i32
    %dma_start3A_49 = arith.constant 1 : i32
    %dma_start3A_50 = tpu.memref_slice %arg4[%dma_start3A_49, %multiple_of3A_48] : memref<2x320000xi32, #tpu.memory_space<hbm>> -> memref<1x1000xi32, #tpu.memory_space<hbm>>
    %dma_start3A_51 = tpu.memref_squeeze %dma_start3A_50 : memref<1x1000xi32, #tpu.memory_space<hbm>> -> memref<1000xi32, #tpu.memory_space<hbm>>
    %dma_start3A_52 = tpu.memref_slice %arg4[%dma_start3A_49, %multiple_of3A_48] : memref<2x320000xi32, #tpu.memory_space<hbm>> -> memref<1x1000xi32, #tpu.memory_space<hbm>>
    %dma_start3A_53 = tpu.memref_squeeze %dma_start3A_52 : memref<1x1000xi32, #tpu.memory_space<hbm>> -> memref<1000xi32, #tpu.memory_space<hbm>>
    tpu.enqueue_dma source(%dma_start3A_53 : memref<1000xi32, #tpu.memory_space<hbm>>) target(%arg9 : memref<1000xi32, #tpu.memory_space<vmem>>) target_semaphore(%arg14 : memref<!tpu.dma_semaphore, #tpu.memory_space<semaphore_mem>>)
    %scan3A_54 = arith.constant 0 : i32
    %scan3A_55 = arith.constant 0 : i32
    %scan3A_56 = arith.constant 10 : i32
    %scan3A_57 = arith.addi %scan3A_55, %scan3A_56 : i32
    %scan3A_58 = arith.constant 1 : i32
    scf.for %scan3A_71 = %scan3A_55 to %scan3A_57 step %scan3A_58  : i32 {
      %rem3A = arith.constant 2 : i32
      %rem3A_72 = arith.remsi %scan3A_71, %rem3A : i32
      %eq3A_73 = arith.constant 0 : i32
      %eq3A_74 = arith.cmpi eq, %rem3A_72, %eq3A_73 : i32
      %convert_element_type3A_75 = arith.extui %eq3A_74 : i1 to i32
      %cond3A_76 = arith.constant 0 : i32
      %cond3A_77 = arith.cmpi ne, %convert_element_type3A_75, %cond3A_76 : i32
      scf.if %cond3A_77 {
        %add3A_85 = arith.constant 1 : i32
        %add3A_86 = arith.addi %scan3A_71, %add3A_85 : i32
        %lt3A = arith.constant 10 : i32
        %lt3A_87 = arith.cmpi slt, %add3A_86, %lt3A : i32
        %convert_element_type3A_88 = arith.extui %lt3A_87 : i1 to i32
        %cond3A_89 = arith.constant 0 : i32
        %cond3A_90 = arith.cmpi ne, %convert_element_type3A_88, %cond3A_89 : i32
        scf.if %cond3A_90 {
          %add3A_99 = arith.constant 1 : i32
          %add3A_100 = arith.addi %scan3A_71, %add3A_99 : i32
          %mul3A_101 = arith.constant 1000 : i32
          %mul3A_102 = arith.muli %add3A_100, %mul3A_101 : i32
          %add3A_103 = arith.addi %mul3A_2, %mul3A_102 : i32
          %multiple_of3A_104 = tpu.assume_multiple %add3A_103, 8 : i32
          %dma_start3A_105 = arith.constant 1 : i32
          %dma_start3A_106 = tpu.memref_slice %arg4[%dma_start3A_105, %multiple_of3A_104] : memref<2x320000xi32, #tpu.memory_space<hbm>> -> memref<1x1000xi32, #tpu.memory_space<hbm>>
          %dma_start3A_107 = tpu.memref_squeeze %dma_start3A_106 : memref<1x1000xi32, #tpu.memory_space<hbm>> -> memref<1000xi32, #tpu.memory_space<hbm>>
          %dma_start3A_108 = tpu.memref_slice %arg4[%dma_start3A_105, %multiple_of3A_104] : memref<2x320000xi32, #tpu.memory_space<hbm>> -> memref<1x1000xi32, #tpu.memory_space<hbm>>
          %dma_start3A_109 = tpu.memref_squeeze %dma_start3A_108 : memref<1x1000xi32, #tpu.memory_space<hbm>> -> memref<1000xi32, #tpu.memory_space<hbm>>
          tpu.enqueue_dma source(%dma_start3A_109 : memref<1000xi32, #tpu.memory_space<hbm>>) target(%arg10 : memref<1000xi32, #tpu.memory_space<vmem>>) target_semaphore(%arg15 : memref<!tpu.dma_semaphore, #tpu.memory_space<semaphore_mem>>)
        } else {
        }
        %mul3A_91 = arith.constant 1000 : i32
        %mul3A_92 = arith.muli %scan3A_71, %mul3A_91 : i32
        %add3A_93 = arith.addi %mul3A_2, %mul3A_92 : i32
        %multiple_of3A_94 = tpu.assume_multiple %add3A_93, 8 : i32
        %dma_wait3A = arith.constant 1 : i32
        %dma_wait3A_95 = tpu.memref_slice %arg4[%dma_wait3A, %multiple_of3A_94] : memref<2x320000xi32, #tpu.memory_space<hbm>> -> memref<1x1000xi32, #tpu.memory_space<hbm>>
        %dma_wait3A_96 = tpu.memref_squeeze %dma_wait3A_95 : memref<1x1000xi32, #tpu.memory_space<hbm>> -> memref<1000xi32, #tpu.memory_space<hbm>>
        %dma_wait3A_97 = tpu.memref_slice %arg4[%dma_wait3A, %multiple_of3A_94] : memref<2x320000xi32, #tpu.memory_space<hbm>> -> memref<1x1000xi32, #tpu.memory_space<hbm>>
        %dma_wait3A_98 = tpu.memref_squeeze %dma_wait3A_97 : memref<1x1000xi32, #tpu.memory_space<hbm>> -> memref<1000xi32, #tpu.memory_space<hbm>>
        tpu.wait_dma2 semaphore(%arg14 : memref<!tpu.dma_semaphore, #tpu.memory_space<semaphore_mem>>) src(%dma_wait3A_98 : memref<1000xi32, #tpu.memory_space<hbm>>) dst(%arg9 : memref<1000xi32, #tpu.memory_space<vmem>>)
        "tpu.region"() ({
          %run_scoped3A = tpu.sem_alloc : memref<!tpu.dma_semaphore, #tpu.memory_space<semaphore_mem>>
          %dma_start3A_99 = arith.constant 0 : i32
          %dma_start3A_100 = arith.constant 0 : i32
          %dma_start3A_101 = tpu.memref_slice %arg13[%dma_start3A_99, %dma_start3A_100] : memref<10000x8xf32, #tpu.memory_space<vmem_shared>> -> memref<10000x8xf32, #tpu.memory_space<vmem_shared>>
          tpu.enqueue_indirect_dma source(%arg8 : memref<1000x8xf32, #tpu.memory_space<vmem>>) target(%dma_start3A_101 : memref<10000x8xf32, #tpu.memory_space<vmem_shared>>) offsets(%arg9 : memref<1000xi32, #tpu.memory_space<vmem>>) semaphore(%run_scoped3A : memref<!tpu.dma_semaphore, #tpu.memory_space<semaphore_mem>>) {add = true}
          %dma_wait3A_102 = arith.constant 0 : i32
          %dma_wait3A_103 = arith.constant 0 : i32
          %dma_wait3A_104 = tpu.memref_slice %arg13[%dma_wait3A_102, %dma_wait3A_103] : memref<10000x8xf32, #tpu.memory_space<vmem_shared>> -> memref<10000x8xf32, #tpu.memory_space<vmem_shared>>
          tpu.wait_indirect_dma semaphore(%run_scoped3A : memref<!tpu.dma_semaphore, #tpu.memory_space<semaphore_mem>>) src(%arg8 : memref<1000x8xf32, #tpu.memory_space<vmem>>) dst(%dma_wait3A_104 : memref<10000x8xf32, #tpu.memory_space<vmem_shared>>)
          tpu.yield
        }) : () -> ()
      } else {
      }
      %rem3A_78 = arith.constant 2 : i32
      %rem3A_79 = arith.remsi %scan3A_71, %rem3A_78 : i32
      %eq3A_80 = arith.constant 1 : i32
      %eq3A_81 = arith.cmpi eq, %rem3A_79, %eq3A_80 : i32
      %convert_element_type3A_82 = arith.extui %eq3A_81 : i1 to i32
      %cond3A_83 = arith.constant 0 : i32
      %cond3A_84 = arith.cmpi ne, %convert_element_type3A_82, %cond3A_83 : i32
      scf.if %cond3A_84 {
        %add3A_85 = arith.constant 1 : i32
        %add3A_86 = arith.addi %scan3A_71, %add3A_85 : i32
        %lt3A = arith.constant 10 : i32
        %lt3A_87 = arith.cmpi slt, %add3A_86, %lt3A : i32
        %convert_element_type3A_88 = arith.extui %lt3A_87 : i1 to i32
        %cond3A_89 = arith.constant 0 : i32
        %cond3A_90 = arith.cmpi ne, %convert_element_type3A_88, %cond3A_89 : i32
        scf.if %cond3A_90 {
          %add3A_99 = arith.constant 1 : i32
          %add3A_100 = arith.addi %scan3A_71, %add3A_99 : i32
          %mul3A_101 = arith.constant 1000 : i32
          %mul3A_102 = arith.muli %add3A_100, %mul3A_101 : i32
          %add3A_103 = arith.addi %mul3A_2, %mul3A_102 : i32
          %multiple_of3A_104 = tpu.assume_multiple %add3A_103, 8 : i32
          %dma_start3A_105 = arith.constant 1 : i32
          %dma_start3A_106 = tpu.memref_slice %arg4[%dma_start3A_105, %multiple_of3A_104] : memref<2x320000xi32, #tpu.memory_space<hbm>> -> memref<1x1000xi32, #tpu.memory_space<hbm>>
          %dma_start3A_107 = tpu.memref_squeeze %dma_start3A_106 : memref<1x1000xi32, #tpu.memory_space<hbm>> -> memref<1000xi32, #tpu.memory_space<hbm>>
          %dma_start3A_108 = tpu.memref_slice %arg4[%dma_start3A_105, %multiple_of3A_104] : memref<2x320000xi32, #tpu.memory_space<hbm>> -> memref<1x1000xi32, #tpu.memory_space<hbm>>
          %dma_start3A_109 = tpu.memref_squeeze %dma_start3A_108 : memref<1x1000xi32, #tpu.memory_space<hbm>> -> memref<1000xi32, #tpu.memory_space<hbm>>
          tpu.enqueue_dma source(%dma_start3A_109 : memref<1000xi32, #tpu.memory_space<hbm>>) target(%arg9 : memref<1000xi32, #tpu.memory_space<vmem>>) target_semaphore(%arg14 : memref<!tpu.dma_semaphore, #tpu.memory_space<semaphore_mem>>)
        } else {
        }
        %mul3A_91 = arith.constant 1000 : i32
        %mul3A_92 = arith.muli %scan3A_71, %mul3A_91 : i32
        %add3A_93 = arith.addi %mul3A_2, %mul3A_92 : i32
        %multiple_of3A_94 = tpu.assume_multiple %add3A_93, 8 : i32
        %dma_wait3A = arith.constant 1 : i32
        %dma_wait3A_95 = tpu.memref_slice %arg4[%dma_wait3A, %multiple_of3A_94] : memref<2x320000xi32, #tpu.memory_space<hbm>> -> memref<1x1000xi32, #tpu.memory_space<hbm>>
        %dma_wait3A_96 = tpu.memref_squeeze %dma_wait3A_95 : memref<1x1000xi32, #tpu.memory_space<hbm>> -> memref<1000xi32, #tpu.memory_space<hbm>>
        %dma_wait3A_97 = tpu.memref_slice %arg4[%dma_wait3A, %multiple_of3A_94] : memref<2x320000xi32, #tpu.memory_space<hbm>> -> memref<1x1000xi32, #tpu.memory_space<hbm>>
        %dma_wait3A_98 = tpu.memref_squeeze %dma_wait3A_97 : memref<1x1000xi32, #tpu.memory_space<hbm>> -> memref<1000xi32, #tpu.memory_space<hbm>>
        tpu.wait_dma2 semaphore(%arg15 : memref<!tpu.dma_semaphore, #tpu.memory_space<semaphore_mem>>) src(%dma_wait3A_98 : memref<1000xi32, #tpu.memory_space<hbm>>) dst(%arg10 : memref<1000xi32, #tpu.memory_space<vmem>>)
        "tpu.region"() ({
          %run_scoped3A = tpu.sem_alloc : memref<!tpu.dma_semaphore, #tpu.memory_space<semaphore_mem>>
          %dma_start3A_99 = arith.constant 0 : i32
          %dma_start3A_100 = arith.constant 0 : i32
          %dma_start3A_101 = tpu.memref_slice %arg13[%dma_start3A_99, %dma_start3A_100] : memref<10000x8xf32, #tpu.memory_space<vmem_shared>> -> memref<10000x8xf32, #tpu.memory_space<vmem_shared>>
          tpu.enqueue_indirect_dma source(%arg8 : memref<1000x8xf32, #tpu.memory_space<vmem>>) target(%dma_start3A_101 : memref<10000x8xf32, #tpu.memory_space<vmem_shared>>) offsets(%arg10 : memref<1000xi32, #tpu.memory_space<vmem>>) semaphore(%run_scoped3A : memref<!tpu.dma_semaphore, #tpu.memory_space<semaphore_mem>>) {add = true}
          %dma_wait3A_102 = arith.constant 0 : i32
          %dma_wait3A_103 = arith.constant 0 : i32
          %dma_wait3A_104 = tpu.memref_slice %arg13[%dma_wait3A_102, %dma_wait3A_103] : memref<10000x8xf32, #tpu.memory_space<vmem_shared>> -> memref<10000x8xf32, #tpu.memory_space<vmem_shared>>
          tpu.wait_indirect_dma semaphore(%run_scoped3A : memref<!tpu.dma_semaphore, #tpu.memory_space<semaphore_mem>>) src(%arg8 : memref<1000x8xf32, #tpu.memory_space<vmem>>) dst(%dma_wait3A_104 : memref<10000x8xf32, #tpu.memory_space<vmem_shared>>)
          tpu.yield
        }) : () -> ()
      } else {
      }
    }
    %scan3A_59 = arith.constant 10 : i32
    %barrier3A_60 = arith.constant 0 : index
    tpu.barrier barrier_id(%barrier3A_60)
    %eq3A_61 = arith.constant 0 : i32
    %eq3A_62 = arith.cmpi eq, %arg0, %eq3A_61 : i32
    %convert_element_type3A_63 = arith.extui %eq3A_62 : i1 to i32
    %cond3A_64 = arith.constant 0 : i32
    %cond3A_65 = arith.cmpi ne, %convert_element_type3A_63, %cond3A_64 : i32
    scf.if %cond3A_65 {
      %mul3A_71 = arith.constant 624 : i32
      %mul3A_72 = arith.muli %arg1, %mul3A_71 : i32
      "tpu.region"() ({
        %run_scoped3A = tpu.sem_alloc : memref<!tpu.dma_semaphore, #tpu.memory_space<semaphore_mem>>
        %dma_start3A_92 = arith.constant 0 : i32
        %dma_start3A_93 = tpu.memref_slice %arg7[%mul3A_72, %dma_start3A_92] : memref<10000x128xf32, #tpu.memory_space<hbm>> -> memref<624x8xf32, #tpu.memory_space<hbm>>
        %dma_start3A_94 = arith.constant 0 : i32
        %dma_start3A_95 = tpu.memref_slice %arg11[%mul3A_72, %dma_start3A_94] : memref<10000x8xf32, #tpu.memory_space<vmem_shared>> -> memref<624x8xf32, #tpu.memory_space<vmem_shared>>
        tpu.enqueue_dma source(%dma_start3A_95 : memref<624x8xf32, #tpu.memory_space<vmem_shared>>) target(%dma_start3A_93 : memref<624x8xf32, #tpu.memory_space<hbm>>) target_semaphore(%run_scoped3A : memref<!tpu.dma_semaphore, #tpu.memory_space<semaphore_mem>>)
        %dma_wait3A = arith.constant 0 : i32
        %dma_wait3A_96 = tpu.memref_slice %arg7[%mul3A_72, %dma_wait3A] : memref<10000x128xf32, #tpu.memory_space<hbm>> -> memref<624x8xf32, #tpu.memory_space<hbm>>
        %dma_wait3A_97 = arith.constant 0 : i32
        %dma_wait3A_98 = tpu.memref_slice %arg11[%mul3A_72, %dma_wait3A_97] : memref<10000x8xf32, #tpu.memory_space<vmem_shared>> -> memref<624x8xf32, #tpu.memory_space<vmem_shared>>
        tpu.wait_dma2 semaphore(%run_scoped3A : memref<!tpu.dma_semaphore, #tpu.memory_space<semaphore_mem>>) src(%dma_wait3A_98 : memref<624x8xf32, #tpu.memory_space<vmem_shared>>) dst(%dma_wait3A_96 : memref<624x8xf32, #tpu.memory_space<hbm>>)
        tpu.yield
      }) : () -> ()
      %eq3A_73 = arith.constant 15 : i32
      %eq3A_74 = arith.cmpi eq, %arg1, %eq3A_73 : i32
      %convert_element_type3A_75 = arith.extui %eq3A_74 : i1 to i32
      %cond3A_76 = arith.constant 0 : i32
      %cond3A_77 = arith.cmpi ne, %convert_element_type3A_75, %cond3A_76 : i32
      scf.if %cond3A_77 {
        "tpu.region"() ({
          %run_scoped3A = tpu.sem_alloc : memref<!tpu.dma_semaphore, #tpu.memory_space<semaphore_mem>>
          %dma_start3A_92 = arith.constant 9984 : i32
          %dma_start3A_93 = arith.constant 0 : i32
          %dma_start3A_94 = tpu.memref_slice %arg7[%dma_start3A_92, %dma_start3A_93] : memref<10000x128xf32, #tpu.memory_space<hbm>> -> memref<16x8xf32, #tpu.memory_space<hbm>>
          %dma_start3A_95 = arith.constant 9984 : i32
          %dma_start3A_96 = arith.constant 0 : i32
          %dma_start3A_97 = tpu.memref_slice %arg11[%dma_start3A_95, %dma_start3A_96] : memref<10000x8xf32, #tpu.memory_space<vmem_shared>> -> memref<16x8xf32, #tpu.memory_space<vmem_shared>>
          tpu.enqueue_dma source(%dma_start3A_97 : memref<16x8xf32, #tpu.memory_space<vmem_shared>>) target(%dma_start3A_94 : memref<16x8xf32, #tpu.memory_space<hbm>>) target_semaphore(%run_scoped3A : memref<!tpu.dma_semaphore, #tpu.memory_space<semaphore_mem>>)
          %dma_wait3A = arith.constant 9984 : i32
          %dma_wait3A_98 = arith.constant 0 : i32
          %dma_wait3A_99 = tpu.memref_slice %arg7[%dma_wait3A, %dma_wait3A_98] : memref<10000x128xf32, #tpu.memory_space<hbm>> -> memref<16x8xf32, #tpu.memory_space<hbm>>
          %dma_wait3A_100 = arith.constant 9984 : i32
          %dma_wait3A_101 = arith.constant 0 : i32
          %dma_wait3A_102 = tpu.memref_slice %arg11[%dma_wait3A_100, %dma_wait3A_101] : memref<10000x8xf32, #tpu.memory_space<vmem_shared>> -> memref<16x8xf32, #tpu.memory_space<vmem_shared>>
          tpu.wait_dma2 semaphore(%run_scoped3A : memref<!tpu.dma_semaphore, #tpu.memory_space<semaphore_mem>>) src(%dma_wait3A_102 : memref<16x8xf32, #tpu.memory_space<vmem_shared>>) dst(%dma_wait3A_99 : memref<16x8xf32, #tpu.memory_space<hbm>>)
          tpu.yield
        }) : () -> ()
      } else {
      }
      %mul3A_78 = arith.constant 624 : i32
      %mul3A_79 = arith.muli %arg1, %mul3A_78 : i32
      "tpu.region"() ({
        %run_scoped3A = tpu.sem_alloc : memref<!tpu.dma_semaphore, #tpu.memory_space<semaphore_mem>>
        %dma_start3A_92 = arith.constant 16 : i32
        %dma_start3A_93 = tpu.memref_slice %arg7[%mul3A_79, %dma_start3A_92] : memref<10000x128xf32, #tpu.memory_space<hbm>> -> memref<624x8xf32, #tpu.memory_space<hbm>>
        %dma_start3A_94 = arith.constant 0 : i32
        %dma_start3A_95 = tpu.memref_slice %arg12[%mul3A_79, %dma_start3A_94] : memref<10000x8xf32, #tpu.memory_space<vmem_shared>> -> memref<624x8xf32, #tpu.memory_space<vmem_shared>>
        tpu.enqueue_dma source(%dma_start3A_95 : memref<624x8xf32, #tpu.memory_space<vmem_shared>>) target(%dma_start3A_93 : memref<624x8xf32, #tpu.memory_space<hbm>>) target_semaphore(%run_scoped3A : memref<!tpu.dma_semaphore, #tpu.memory_space<semaphore_mem>>)
        %dma_wait3A = arith.constant 16 : i32
        %dma_wait3A_96 = tpu.memref_slice %arg7[%mul3A_79, %dma_wait3A] : memref<10000x128xf32, #tpu.memory_space<hbm>> -> memref<624x8xf32, #tpu.memory_space<hbm>>
        %dma_wait3A_97 = arith.constant 0 : i32
        %dma_wait3A_98 = tpu.memref_slice %arg12[%mul3A_79, %dma_wait3A_97] : memref<10000x8xf32, #tpu.memory_space<vmem_shared>> -> memref<624x8xf32, #tpu.memory_space<vmem_shared>>
        tpu.wait_dma2 semaphore(%run_scoped3A : memref<!tpu.dma_semaphore, #tpu.memory_space<semaphore_mem>>) src(%dma_wait3A_98 : memref<624x8xf32, #tpu.memory_space<vmem_shared>>) dst(%dma_wait3A_96 : memref<624x8xf32, #tpu.memory_space<hbm>>)
        tpu.yield
      }) : () -> ()
      %eq3A_80 = arith.constant 15 : i32
      %eq3A_81 = arith.cmpi eq, %arg1, %eq3A_80 : i32
      %convert_element_type3A_82 = arith.extui %eq3A_81 : i1 to i32
      %cond3A_83 = arith.constant 0 : i32
      %cond3A_84 = arith.cmpi ne, %convert_element_type3A_82, %cond3A_83 : i32
      scf.if %cond3A_84 {
        "tpu.region"() ({
          %run_scoped3A = tpu.sem_alloc : memref<!tpu.dma_semaphore, #tpu.memory_space<semaphore_mem>>
          %dma_start3A_92 = arith.constant 9984 : i32
          %dma_start3A_93 = arith.constant 16 : i32
          %dma_start3A_94 = tpu.memref_slice %arg7[%dma_start3A_92, %dma_start3A_93] : memref<10000x128xf32, #tpu.memory_space<hbm>> -> memref<16x8xf32, #tpu.memory_space<hbm>>
          %dma_start3A_95 = arith.constant 9984 : i32
          %dma_start3A_96 = arith.constant 0 : i32
          %dma_start3A_97 = tpu.memref_slice %arg12[%dma_start3A_95, %dma_start3A_96] : memref<10000x8xf32, #tpu.memory_space<vmem_shared>> -> memref<16x8xf32, #tpu.memory_space<vmem_shared>>
          tpu.enqueue_dma source(%dma_start3A_97 : memref<16x8xf32, #tpu.memory_space<vmem_shared>>) target(%dma_start3A_94 : memref<16x8xf32, #tpu.memory_space<hbm>>) target_semaphore(%run_scoped3A : memref<!tpu.dma_semaphore, #tpu.memory_space<semaphore_mem>>)
          %dma_wait3A = arith.constant 9984 : i32
          %dma_wait3A_98 = arith.constant 16 : i32
          %dma_wait3A_99 = tpu.memref_slice %arg7[%dma_wait3A, %dma_wait3A_98] : memref<10000x128xf32, #tpu.memory_space<hbm>> -> memref<16x8xf32, #tpu.memory_space<hbm>>
          %dma_wait3A_100 = arith.constant 9984 : i32
          %dma_wait3A_101 = arith.constant 0 : i32
          %dma_wait3A_102 = tpu.memref_slice %arg12[%dma_wait3A_100, %dma_wait3A_101] : memref<10000x8xf32, #tpu.memory_space<vmem_shared>> -> memref<16x8xf32, #tpu.memory_space<vmem_shared>>
          tpu.wait_dma2 semaphore(%run_scoped3A : memref<!tpu.dma_semaphore, #tpu.memory_space<semaphore_mem>>) src(%dma_wait3A_102 : memref<16x8xf32, #tpu.memory_space<vmem_shared>>) dst(%dma_wait3A_99 : memref<16x8xf32, #tpu.memory_space<hbm>>)
          tpu.yield
        }) : () -> ()
      } else {
      }
      %mul3A_85 = arith.constant 624 : i32
      %mul3A_86 = arith.muli %arg1, %mul3A_85 : i32
      "tpu.region"() ({
        %run_scoped3A = tpu.sem_alloc : memref<!tpu.dma_semaphore, #tpu.memory_space<semaphore_mem>>
        %dma_start3A_92 = arith.constant 32 : i32
        %dma_start3A_93 = tpu.memref_slice %arg7[%mul3A_86, %dma_start3A_92] : memref<10000x128xf32, #tpu.memory_space<hbm>> -> memref<624x8xf32, #tpu.memory_space<hbm>>
        %dma_start3A_94 = arith.constant 0 : i32
        %dma_start3A_95 = tpu.memref_slice %arg13[%mul3A_86, %dma_start3A_94] : memref<10000x8xf32, #tpu.memory_space<vmem_shared>> -> memref<624x8xf32, #tpu.memory_space<vmem_shared>>
        tpu.enqueue_dma source(%dma_start3A_95 : memref<624x8xf32, #tpu.memory_space<vmem_shared>>) target(%dma_start3A_93 : memref<624x8xf32, #tpu.memory_space<hbm>>) target_semaphore(%run_scoped3A : memref<!tpu.dma_semaphore, #tpu.memory_space<semaphore_mem>>)
        %dma_wait3A = arith.constant 32 : i32
        %dma_wait3A_96 = tpu.memref_slice %arg7[%mul3A_86, %dma_wait3A] : memref<10000x128xf32, #tpu.memory_space<hbm>> -> memref<624x8xf32, #tpu.memory_space<hbm>>
        %dma_wait3A_97 = arith.constant 0 : i32
        %dma_wait3A_98 = tpu.memref_slice %arg13[%mul3A_86, %dma_wait3A_97] : memref<10000x8xf32, #tpu.memory_space<vmem_shared>> -> memref<624x8xf32, #tpu.memory_space<vmem_shared>>
        tpu.wait_dma2 semaphore(%run_scoped3A : memref<!tpu.dma_semaphore, #tpu.memory_space<semaphore_mem>>) src(%dma_wait3A_98 : memref<624x8xf32, #tpu.memory_space<vmem_shared>>) dst(%dma_wait3A_96 : memref<624x8xf32, #tpu.memory_space<hbm>>)
        tpu.yield
      }) : () -> ()
      %eq3A_87 = arith.constant 15 : i32
      %eq3A_88 = arith.cmpi eq, %arg1, %eq3A_87 : i32
      %convert_element_type3A_89 = arith.extui %eq3A_88 : i1 to i32
      %cond3A_90 = arith.constant 0 : i32
      %cond3A_91 = arith.cmpi ne, %convert_element_type3A_89, %cond3A_90 : i32
      scf.if %cond3A_91 {
        "tpu.region"() ({
          %run_scoped3A = tpu.sem_alloc : memref<!tpu.dma_semaphore, #tpu.memory_space<semaphore_mem>>
          %dma_start3A_92 = arith.constant 9984 : i32
          %dma_start3A_93 = arith.constant 32 : i32
          %dma_start3A_94 = tpu.memref_slice %arg7[%dma_start3A_92, %dma_start3A_93] : memref<10000x128xf32, #tpu.memory_space<hbm>> -> memref<16x8xf32, #tpu.memory_space<hbm>>
          %dma_start3A_95 = arith.constant 9984 : i32
          %dma_start3A_96 = arith.constant 0 : i32
          %dma_start3A_97 = tpu.memref_slice %arg13[%dma_start3A_95, %dma_start3A_96] : memref<10000x8xf32, #tpu.memory_space<vmem_shared>> -> memref<16x8xf32, #tpu.memory_space<vmem_shared>>
          tpu.enqueue_dma source(%dma_start3A_97 : memref<16x8xf32, #tpu.memory_space<vmem_shared>>) target(%dma_start3A_94 : memref<16x8xf32, #tpu.memory_space<hbm>>) target_semaphore(%run_scoped3A : memref<!tpu.dma_semaphore, #tpu.memory_space<semaphore_mem>>)
          %dma_wait3A = arith.constant 9984 : i32
          %dma_wait3A_98 = arith.constant 32 : i32
          %dma_wait3A_99 = tpu.memref_slice %arg7[%dma_wait3A, %dma_wait3A_98] : memref<10000x128xf32, #tpu.memory_space<hbm>> -> memref<16x8xf32, #tpu.memory_space<hbm>>
          %dma_wait3A_100 = arith.constant 9984 : i32
          %dma_wait3A_101 = arith.constant 0 : i32
          %dma_wait3A_102 = tpu.memref_slice %arg13[%dma_wait3A_100, %dma_wait3A_101] : memref<10000x8xf32, #tpu.memory_space<vmem_shared>> -> memref<16x8xf32, #tpu.memory_space<vmem_shared>>
          tpu.wait_dma2 semaphore(%run_scoped3A : memref<!tpu.dma_semaphore, #tpu.memory_space<semaphore_mem>>) src(%dma_wait3A_102 : memref<16x8xf32, #tpu.memory_space<vmem_shared>>) dst(%dma_wait3A_99 : memref<16x8xf32, #tpu.memory_space<hbm>>)
          tpu.yield
        }) : () -> ()
      } else {
      }
    } else {
    }
    %eq3A_66 = arith.constant 1 : i32
    %eq3A_67 = arith.cmpi eq, %arg0, %eq3A_66 : i32
    %convert_element_type3A_68 = arith.extui %eq3A_67 : i1 to i32
    %cond3A_69 = arith.constant 0 : i32
    %cond3A_70 = arith.cmpi ne, %convert_element_type3A_68, %cond3A_69 : i32
    scf.if %cond3A_70 {
      %mul3A_71 = arith.constant 624 : i32
      %mul3A_72 = arith.muli %arg1, %mul3A_71 : i32
      "tpu.region"() ({
        %run_scoped3A = tpu.sem_alloc : memref<!tpu.dma_semaphore, #tpu.memory_space<semaphore_mem>>
        %dma_start3A_92 = arith.constant 64 : i32
        %dma_start3A_93 = tpu.memref_slice %arg7[%mul3A_72, %dma_start3A_92] : memref<10000x128xf32, #tpu.memory_space<hbm>> -> memref<624x8xf32, #tpu.memory_space<hbm>>
        %dma_start3A_94 = arith.constant 0 : i32
        %dma_start3A_95 = tpu.memref_slice %arg11[%mul3A_72, %dma_start3A_94] : memref<10000x8xf32, #tpu.memory_space<vmem_shared>> -> memref<624x8xf32, #tpu.memory_space<vmem_shared>>
        tpu.enqueue_dma source(%dma_start3A_95 : memref<624x8xf32, #tpu.memory_space<vmem_shared>>) target(%dma_start3A_93 : memref<624x8xf32, #tpu.memory_space<hbm>>) target_semaphore(%run_scoped3A : memref<!tpu.dma_semaphore, #tpu.memory_space<semaphore_mem>>)
        %dma_wait3A = arith.constant 64 : i32
        %dma_wait3A_96 = tpu.memref_slice %arg7[%mul3A_72, %dma_wait3A] : memref<10000x128xf32, #tpu.memory_space<hbm>> -> memref<624x8xf32, #tpu.memory_space<hbm>>
        %dma_wait3A_97 = arith.constant 0 : i32
        %dma_wait3A_98 = tpu.memref_slice %arg11[%mul3A_72, %dma_wait3A_97] : memref<10000x8xf32, #tpu.memory_space<vmem_shared>> -> memref<624x8xf32, #tpu.memory_space<vmem_shared>>
        tpu.wait_dma2 semaphore(%run_scoped3A : memref<!tpu.dma_semaphore, #tpu.memory_space<semaphore_mem>>) src(%dma_wait3A_98 : memref<624x8xf32, #tpu.memory_space<vmem_shared>>) dst(%dma_wait3A_96 : memref<624x8xf32, #tpu.memory_space<hbm>>)
        tpu.yield
      }) : () -> ()
      %eq3A_73 = arith.constant 15 : i32
      %eq3A_74 = arith.cmpi eq, %arg1, %eq3A_73 : i32
      %convert_element_type3A_75 = arith.extui %eq3A_74 : i1 to i32
      %cond3A_76 = arith.constant 0 : i32
      %cond3A_77 = arith.cmpi ne, %convert_element_type3A_75, %cond3A_76 : i32
      scf.if %cond3A_77 {
        "tpu.region"() ({
          %run_scoped3A = tpu.sem_alloc : memref<!tpu.dma_semaphore, #tpu.memory_space<semaphore_mem>>
          %dma_start3A_92 = arith.constant 9984 : i32
          %dma_start3A_93 = arith.constant 64 : i32
          %dma_start3A_94 = tpu.memref_slice %arg7[%dma_start3A_92, %dma_start3A_93] : memref<10000x128xf32, #tpu.memory_space<hbm>> -> memref<16x8xf32, #tpu.memory_space<hbm>>
          %dma_start3A_95 = arith.constant 9984 : i32
          %dma_start3A_96 = arith.constant 0 : i32
          %dma_start3A_97 = tpu.memref_slice %arg11[%dma_start3A_95, %dma_start3A_96] : memref<10000x8xf32, #tpu.memory_space<vmem_shared>> -> memref<16x8xf32, #tpu.memory_space<vmem_shared>>
          tpu.enqueue_dma source(%dma_start3A_97 : memref<16x8xf32, #tpu.memory_space<vmem_shared>>) target(%dma_start3A_94 : memref<16x8xf32, #tpu.memory_space<hbm>>) target_semaphore(%run_scoped3A : memref<!tpu.dma_semaphore, #tpu.memory_space<semaphore_mem>>)
          %dma_wait3A = arith.constant 9984 : i32
          %dma_wait3A_98 = arith.constant 64 : i32
          %dma_wait3A_99 = tpu.memref_slice %arg7[%dma_wait3A, %dma_wait3A_98] : memref<10000x128xf32, #tpu.memory_space<hbm>> -> memref<16x8xf32, #tpu.memory_space<hbm>>
          %dma_wait3A_100 = arith.constant 9984 : i32
          %dma_wait3A_101 = arith.constant 0 : i32
          %dma_wait3A_102 = tpu.memref_slice %arg11[%dma_wait3A_100, %dma_wait3A_101] : memref<10000x8xf32, #tpu.memory_space<vmem_shared>> -> memref<16x8xf32, #tpu.memory_space<vmem_shared>>
          tpu.wait_dma2 semaphore(%run_scoped3A : memref<!tpu.dma_semaphore, #tpu.memory_space<semaphore_mem>>) src(%dma_wait3A_102 : memref<16x8xf32, #tpu.memory_space<vmem_shared>>) dst(%dma_wait3A_99 : memref<16x8xf32, #tpu.memory_space<hbm>>)
          tpu.yield
        }) : () -> ()
      } else {
      }
      %mul3A_78 = arith.constant 624 : i32
      %mul3A_79 = arith.muli %arg1, %mul3A_78 : i32
      "tpu.region"() ({
        %run_scoped3A = tpu.sem_alloc : memref<!tpu.dma_semaphore, #tpu.memory_space<semaphore_mem>>
        %dma_start3A_92 = arith.constant 80 : i32
        %dma_start3A_93 = tpu.memref_slice %arg7[%mul3A_79, %dma_start3A_92] : memref<10000x128xf32, #tpu.memory_space<hbm>> -> memref<624x8xf32, #tpu.memory_space<hbm>>
        %dma_start3A_94 = arith.constant 0 : i32
        %dma_start3A_95 = tpu.memref_slice %arg12[%mul3A_79, %dma_start3A_94] : memref<10000x8xf32, #tpu.memory_space<vmem_shared>> -> memref<624x8xf32, #tpu.memory_space<vmem_shared>>
        tpu.enqueue_dma source(%dma_start3A_95 : memref<624x8xf32, #tpu.memory_space<vmem_shared>>) target(%dma_start3A_93 : memref<624x8xf32, #tpu.memory_space<hbm>>) target_semaphore(%run_scoped3A : memref<!tpu.dma_semaphore, #tpu.memory_space<semaphore_mem>>)
        %dma_wait3A = arith.constant 80 : i32
        %dma_wait3A_96 = tpu.memref_slice %arg7[%mul3A_79, %dma_wait3A] : memref<10000x128xf32, #tpu.memory_space<hbm>> -> memref<624x8xf32, #tpu.memory_space<hbm>>
        %dma_wait3A_97 = arith.constant 0 : i32
        %dma_wait3A_98 = tpu.memref_slice %arg12[%mul3A_79, %dma_wait3A_97] : memref<10000x8xf32, #tpu.memory_space<vmem_shared>> -> memref<624x8xf32, #tpu.memory_space<vmem_shared>>
        tpu.wait_dma2 semaphore(%run_scoped3A : memref<!tpu.dma_semaphore, #tpu.memory_space<semaphore_mem>>) src(%dma_wait3A_98 : memref<624x8xf32, #tpu.memory_space<vmem_shared>>) dst(%dma_wait3A_96 : memref<624x8xf32, #tpu.memory_space<hbm>>)
        tpu.yield
      }) : () -> ()
      %eq3A_80 = arith.constant 15 : i32
      %eq3A_81 = arith.cmpi eq, %arg1, %eq3A_80 : i32
      %convert_element_type3A_82 = arith.extui %eq3A_81 : i1 to i32
      %cond3A_83 = arith.constant 0 : i32
      %cond3A_84 = arith.cmpi ne, %convert_element_type3A_82, %cond3A_83 : i32
      scf.if %cond3A_84 {
        "tpu.region"() ({
          %run_scoped3A = tpu.sem_alloc : memref<!tpu.dma_semaphore, #tpu.memory_space<semaphore_mem>>
          %dma_start3A_92 = arith.constant 9984 : i32
          %dma_start3A_93 = arith.constant 80 : i32
          %dma_start3A_94 = tpu.memref_slice %arg7[%dma_start3A_92, %dma_start3A_93] : memref<10000x128xf32, #tpu.memory_space<hbm>> -> memref<16x8xf32, #tpu.memory_space<hbm>>
          %dma_start3A_95 = arith.constant 9984 : i32
          %dma_start3A_96 = arith.constant 0 : i32
          %dma_start3A_97 = tpu.memref_slice %arg12[%dma_start3A_95, %dma_start3A_96] : memref<10000x8xf32, #tpu.memory_space<vmem_shared>> -> memref<16x8xf32, #tpu.memory_space<vmem_shared>>
          tpu.enqueue_dma source(%dma_start3A_97 : memref<16x8xf32, #tpu.memory_space<vmem_shared>>) target(%dma_start3A_94 : memref<16x8xf32, #tpu.memory_space<hbm>>) target_semaphore(%run_scoped3A : memref<!tpu.dma_semaphore, #tpu.memory_space<semaphore_mem>>)
          %dma_wait3A = arith.constant 9984 : i32
          %dma_wait3A_98 = arith.constant 80 : i32
          %dma_wait3A_99 = tpu.memref_slice %arg7[%dma_wait3A, %dma_wait3A_98] : memref<10000x128xf32, #tpu.memory_space<hbm>> -> memref<16x8xf32, #tpu.memory_space<hbm>>
          %dma_wait3A_100 = arith.constant 9984 : i32
          %dma_wait3A_101 = arith.constant 0 : i32
          %dma_wait3A_102 = tpu.memref_slice %arg12[%dma_wait3A_100, %dma_wait3A_101] : memref<10000x8xf32, #tpu.memory_space<vmem_shared>> -> memref<16x8xf32, #tpu.memory_space<vmem_shared>>
          tpu.wait_dma2 semaphore(%run_scoped3A : memref<!tpu.dma_semaphore, #tpu.memory_space<semaphore_mem>>) src(%dma_wait3A_102 : memref<16x8xf32, #tpu.memory_space<vmem_shared>>) dst(%dma_wait3A_99 : memref<16x8xf32, #tpu.memory_space<hbm>>)
          tpu.yield
        }) : () -> ()
      } else {
      }
      %mul3A_85 = arith.constant 624 : i32
      %mul3A_86 = arith.muli %arg1, %mul3A_85 : i32
      "tpu.region"() ({
        %run_scoped3A = tpu.sem_alloc : memref<!tpu.dma_semaphore, #tpu.memory_space<semaphore_mem>>
        %dma_start3A_92 = arith.constant 96 : i32
        %dma_start3A_93 = tpu.memref_slice %arg7[%mul3A_86, %dma_start3A_92] : memref<10000x128xf32, #tpu.memory_space<hbm>> -> memref<624x8xf32, #tpu.memory_space<hbm>>
        %dma_start3A_94 = arith.constant 0 : i32
        %dma_start3A_95 = tpu.memref_slice %arg13[%mul3A_86, %dma_start3A_94] : memref<10000x8xf32, #tpu.memory_space<vmem_shared>> -> memref<624x8xf32, #tpu.memory_space<vmem_shared>>
        tpu.enqueue_dma source(%dma_start3A_95 : memref<624x8xf32, #tpu.memory_space<vmem_shared>>) target(%dma_start3A_93 : memref<624x8xf32, #tpu.memory_space<hbm>>) target_semaphore(%run_scoped3A : memref<!tpu.dma_semaphore, #tpu.memory_space<semaphore_mem>>)
        %dma_wait3A = arith.constant 96 : i32
        %dma_wait3A_96 = tpu.memref_slice %arg7[%mul3A_86, %dma_wait3A] : memref<10000x128xf32, #tpu.memory_space<hbm>> -> memref<624x8xf32, #tpu.memory_space<hbm>>
        %dma_wait3A_97 = arith.constant 0 : i32
        %dma_wait3A_98 = tpu.memref_slice %arg13[%mul3A_86, %dma_wait3A_97] : memref<10000x8xf32, #tpu.memory_space<vmem_shared>> -> memref<624x8xf32, #tpu.memory_space<vmem_shared>>
        tpu.wait_dma2 semaphore(%run_scoped3A : memref<!tpu.dma_semaphore, #tpu.memory_space<semaphore_mem>>) src(%dma_wait3A_98 : memref<624x8xf32, #tpu.memory_space<vmem_shared>>) dst(%dma_wait3A_96 : memref<624x8xf32, #tpu.memory_space<hbm>>)
        tpu.yield
      }) : () -> ()
      %eq3A_87 = arith.constant 15 : i32
      %eq3A_88 = arith.cmpi eq, %arg1, %eq3A_87 : i32
      %convert_element_type3A_89 = arith.extui %eq3A_88 : i1 to i32
      %cond3A_90 = arith.constant 0 : i32
      %cond3A_91 = arith.cmpi ne, %convert_element_type3A_89, %cond3A_90 : i32
      scf.if %cond3A_91 {
        "tpu.region"() ({
          %run_scoped3A = tpu.sem_alloc : memref<!tpu.dma_semaphore, #tpu.memory_space<semaphore_mem>>
          %dma_start3A_92 = arith.constant 9984 : i32
          %dma_start3A_93 = arith.constant 96 : i32
          %dma_start3A_94 = tpu.memref_slice %arg7[%dma_start3A_92, %dma_start3A_93] : memref<10000x128xf32, #tpu.memory_space<hbm>> -> memref<16x8xf32, #tpu.memory_space<hbm>>
          %dma_start3A_95 = arith.constant 9984 : i32
          %dma_start3A_96 = arith.constant 0 : i32
          %dma_start3A_97 = tpu.memref_slice %arg13[%dma_start3A_95, %dma_start3A_96] : memref<10000x8xf32, #tpu.memory_space<vmem_shared>> -> memref<16x8xf32, #tpu.memory_space<vmem_shared>>
          tpu.enqueue_dma source(%dma_start3A_97 : memref<16x8xf32, #tpu.memory_space<vmem_shared>>) target(%dma_start3A_94 : memref<16x8xf32, #tpu.memory_space<hbm>>) target_semaphore(%run_scoped3A : memref<!tpu.dma_semaphore, #tpu.memory_space<semaphore_mem>>)
          %dma_wait3A = arith.constant 9984 : i32
          %dma_wait3A_98 = arith.constant 96 : i32
          %dma_wait3A_99 = tpu.memref_slice %arg7[%dma_wait3A, %dma_wait3A_98] : memref<10000x128xf32, #tpu.memory_space<hbm>> -> memref<16x8xf32, #tpu.memory_space<hbm>>
          %dma_wait3A_100 = arith.constant 9984 : i32
          %dma_wait3A_101 = arith.constant 0 : i32
          %dma_wait3A_102 = tpu.memref_slice %arg13[%dma_wait3A_100, %dma_wait3A_101] : memref<10000x8xf32, #tpu.memory_space<vmem_shared>> -> memref<16x8xf32, #tpu.memory_space<vmem_shared>>
          tpu.wait_dma2 semaphore(%run_scoped3A : memref<!tpu.dma_semaphore, #tpu.memory_space<semaphore_mem>>) src(%dma_wait3A_102 : memref<16x8xf32, #tpu.memory_space<vmem_shared>>) dst(%dma_wait3A_99 : memref<16x8xf32, #tpu.memory_space<hbm>>)
          tpu.yield
        }) : () -> ()
      } else {
      }
    } else {
    }
    return
  }
}

#map = affine_map<(d0, d1) -> (0, 0)>
module attributes {stable_mosaic.version = 14 : i64} {
  func.func @body_fn(%arg0: i32, %arg1: i32, %arg2: memref<10000x32xf32, #tpu.memory_space<hbm>>, %arg3: memref<2x320000xi32, #tpu.memory_space<hbm>>, %arg4: memref<10000x32xf32, #tpu.memory_space<hbm>>, %arg5: memref<10000x128xf32, #tpu.memory_space<hbm>>, %arg6: memref<10000xi32, #tpu.memory_space<vmem>>, %arg7: memref<400xi32, #tpu.memory_space<vmem>>, %arg8: memref<400xi32, #tpu.memory_space<vmem>>, %arg9: memref<400xi32, #tpu.memory_space<vmem>>, %arg10: memref<400xi32, #tpu.memory_space<vmem>>, %arg11: memref<400x32xf32, #tpu.memory_space<vmem>>, %arg12: memref<400x32xf32, #tpu.memory_space<vmem>>, %arg13: memref<400x32xf32, #tpu.memory_space<vmem>>, %arg14: memref<400x32xf32, #tpu.memory_space<vmem>>, %arg15: memref<10000x32xf32, #tpu.memory_space<vmem_shared>>, %arg16: memref<!tpu.dma_semaphore, #tpu.memory_space<semaphore_mem>>, %arg17: memref<!tpu.dma_semaphore, #tpu.memory_space<semaphore_mem>>, %arg18: memref<!tpu.dma_semaphore, #tpu.memory_space<semaphore_mem>>, %arg19: memref<!tpu.dma_semaphore, #tpu.memory_space<semaphore_mem>>, %arg20: memref<!tpu.dma_semaphore, #tpu.memory_space<semaphore_mem>>, %arg21: memref<!tpu.dma_semaphore, #tpu.memory_space<semaphore_mem>>, %arg22: memref<!tpu.dma_semaphore, #tpu.memory_space<semaphore_mem>>, %arg23: memref<!tpu.dma_semaphore, #tpu.memory_space<semaphore_mem>>) attributes {dimension_semantics = [#tpu.dimension_semantics<core_parallel>, #tpu.dimension_semantics<subcore_parallel>], iteration_bounds = array<i64: 2, 16>, scalar_prefetch = 0 : i64, scratch_operands = 18 : i64, tpu.core_type = #tpu.core_type<sc_vector_subcore>, window_params = [{transform_indices = #map}, {transform_indices = #map}, {transform_indices = #map}, {transform_indices = #map}]} {
    %mul3A = arith.constant 16 : i32
    %mul3A_0 = arith.muli %arg0, %mul3A : i32
    %add3A = arith.addi %mul3A_0, %arg1 : i32
    %mul3A_1 = arith.constant 10000 : i32
    %mul3A_2 = arith.muli %add3A, %mul3A_1 : i32
    %run_scoped3A = arith.constant 0 : i32
    "tpu.region"() ({
      %run_scoped3A_51 = tpu.sem_alloc : memref<!tpu.dma_semaphore, #tpu.memory_space<semaphore_mem>>
      %dma_start3A_52 = tpu.memref_slice %arg3[%run_scoped3A, %mul3A_2] : memref<2x320000xi32, #tpu.memory_space<hbm>> -> memref<1x10000xi32, #tpu.memory_space<hbm>>
      %dma_start3A_53 = tpu.memref_squeeze %dma_start3A_52 : memref<1x10000xi32, #tpu.memory_space<hbm>> -> memref<10000xi32, #tpu.memory_space<hbm>>
      %dma_start3A_54 = tpu.memref_slice %arg3[%run_scoped3A, %mul3A_2] : memref<2x320000xi32, #tpu.memory_space<hbm>> -> memref<1x10000xi32, #tpu.memory_space<hbm>>
      %dma_start3A_55 = tpu.memref_squeeze %dma_start3A_54 : memref<1x10000xi32, #tpu.memory_space<hbm>> -> memref<10000xi32, #tpu.memory_space<hbm>>
      tpu.enqueue_dma source(%dma_start3A_55 : memref<10000xi32, #tpu.memory_space<hbm>>) target(%arg6 : memref<10000xi32, #tpu.memory_space<vmem>>) target_semaphore(%run_scoped3A_51 : memref<!tpu.dma_semaphore, #tpu.memory_space<semaphore_mem>>)
      %dma_wait3A = tpu.memref_slice %arg3[%run_scoped3A, %mul3A_2] : memref<2x320000xi32, #tpu.memory_space<hbm>> -> memref<1x10000xi32, #tpu.memory_space<hbm>>
      %dma_wait3A_56 = tpu.memref_squeeze %dma_wait3A : memref<1x10000xi32, #tpu.memory_space<hbm>> -> memref<10000xi32, #tpu.memory_space<hbm>>
      %dma_wait3A_57 = tpu.memref_slice %arg3[%run_scoped3A, %mul3A_2] : memref<2x320000xi32, #tpu.memory_space<hbm>> -> memref<1x10000xi32, #tpu.memory_space<hbm>>
      %dma_wait3A_58 = tpu.memref_squeeze %dma_wait3A_57 : memref<1x10000xi32, #tpu.memory_space<hbm>> -> memref<10000xi32, #tpu.memory_space<hbm>>
      tpu.wait_dma2 semaphore(%run_scoped3A_51 : memref<!tpu.dma_semaphore, #tpu.memory_space<semaphore_mem>>) src(%dma_wait3A_58 : memref<10000xi32, #tpu.memory_space<hbm>>) dst(%arg6 : memref<10000xi32, #tpu.memory_space<vmem>>)
      tpu.yield
    }) : () -> ()
    %eq3A = arith.constant 0 : i32
    %eq3A_3 = arith.cmpi eq, %arg0, %eq3A : i32
    %convert_element_type3A = arith.extui %eq3A_3 : i1 to i32
    %cond3A = arith.constant 0 : i32
    %cond3A_4 = arith.cmpi ne, %convert_element_type3A, %cond3A : i32
    scf.if %cond3A_4 {
      %mul3A_51 = arith.constant 624 : i32
      %mul3A_52 = arith.muli %arg1, %mul3A_51 : i32
      "tpu.region"() ({
        %run_scoped3A_58 = tpu.sem_alloc : memref<!tpu.dma_semaphore, #tpu.memory_space<semaphore_mem>>
        %dma_start3A_59 = arith.constant 0 : i32
        %dma_start3A_60 = tpu.memref_slice %arg15[%mul3A_52, %dma_start3A_59] : memref<10000x32xf32, #tpu.memory_space<vmem_shared>> -> memref<624x32xf32, #tpu.memory_space<vmem_shared>>
        %dma_start3A_61 = arith.constant 0 : i32
        %dma_start3A_62 = tpu.memref_slice %arg2[%mul3A_52, %dma_start3A_61] : memref<10000x32xf32, #tpu.memory_space<hbm>> -> memref<624x32xf32, #tpu.memory_space<hbm>>
        tpu.enqueue_dma source(%dma_start3A_62 : memref<624x32xf32, #tpu.memory_space<hbm>>) target(%dma_start3A_60 : memref<624x32xf32, #tpu.memory_space<vmem_shared>>) target_semaphore(%run_scoped3A_58 : memref<!tpu.dma_semaphore, #tpu.memory_space<semaphore_mem>>)
        %dma_wait3A = arith.constant 0 : i32
        %dma_wait3A_63 = tpu.memref_slice %arg15[%mul3A_52, %dma_wait3A] : memref<10000x32xf32, #tpu.memory_space<vmem_shared>> -> memref<624x32xf32, #tpu.memory_space<vmem_shared>>
        %dma_wait3A_64 = arith.constant 0 : i32
        %dma_wait3A_65 = tpu.memref_slice %arg2[%mul3A_52, %dma_wait3A_64] : memref<10000x32xf32, #tpu.memory_space<hbm>> -> memref<624x32xf32, #tpu.memory_space<hbm>>
        tpu.wait_dma2 semaphore(%run_scoped3A_58 : memref<!tpu.dma_semaphore, #tpu.memory_space<semaphore_mem>>) src(%dma_wait3A_65 : memref<624x32xf32, #tpu.memory_space<hbm>>) dst(%dma_wait3A_63 : memref<624x32xf32, #tpu.memory_space<vmem_shared>>)
        tpu.yield
      }) : () -> ()
      %eq3A_53 = arith.constant 15 : i32
      %eq3A_54 = arith.cmpi eq, %arg1, %eq3A_53 : i32
      %convert_element_type3A_55 = arith.extui %eq3A_54 : i1 to i32
      %cond3A_56 = arith.constant 0 : i32
      %cond3A_57 = arith.cmpi ne, %convert_element_type3A_55, %cond3A_56 : i32
      scf.if %cond3A_57 {
        "tpu.region"() ({
          %run_scoped3A_58 = tpu.sem_alloc : memref<!tpu.dma_semaphore, #tpu.memory_space<semaphore_mem>>
          %dma_start3A_59 = arith.constant 9984 : i32
          %dma_start3A_60 = arith.constant 0 : i32
          %dma_start3A_61 = tpu.memref_slice %arg15[%dma_start3A_59, %dma_start3A_60] : memref<10000x32xf32, #tpu.memory_space<vmem_shared>> -> memref<16x32xf32, #tpu.memory_space<vmem_shared>>
          %dma_start3A_62 = arith.constant 9984 : i32
          %dma_start3A_63 = arith.constant 0 : i32
          %dma_start3A_64 = tpu.memref_slice %arg2[%dma_start3A_62, %dma_start3A_63] : memref<10000x32xf32, #tpu.memory_space<hbm>> -> memref<16x32xf32, #tpu.memory_space<hbm>>
          tpu.enqueue_dma source(%dma_start3A_64 : memref<16x32xf32, #tpu.memory_space<hbm>>) target(%dma_start3A_61 : memref<16x32xf32, #tpu.memory_space<vmem_shared>>) target_semaphore(%run_scoped3A_58 : memref<!tpu.dma_semaphore, #tpu.memory_space<semaphore_mem>>)
          %dma_wait3A = arith.constant 9984 : i32
          %dma_wait3A_65 = arith.constant 0 : i32
          %dma_wait3A_66 = tpu.memref_slice %arg15[%dma_wait3A, %dma_wait3A_65] : memref<10000x32xf32, #tpu.memory_space<vmem_shared>> -> memref<16x32xf32, #tpu.memory_space<vmem_shared>>
          %dma_wait3A_67 = arith.constant 9984 : i32
          %dma_wait3A_68 = arith.constant 0 : i32
          %dma_wait3A_69 = tpu.memref_slice %arg2[%dma_wait3A_67, %dma_wait3A_68] : memref<10000x32xf32, #tpu.memory_space<hbm>> -> memref<16x32xf32, #tpu.memory_space<hbm>>
          tpu.wait_dma2 semaphore(%run_scoped3A_58 : memref<!tpu.dma_semaphore, #tpu.memory_space<semaphore_mem>>) src(%dma_wait3A_69 : memref<16x32xf32, #tpu.memory_space<hbm>>) dst(%dma_wait3A_66 : memref<16x32xf32, #tpu.memory_space<vmem_shared>>)
          tpu.yield
        }) : () -> ()
      } else {
      }
    } else {
    }
    %ne3A = arith.constant 0 : i32
    %ne3A_5 = arith.cmpi ne, %arg0, %ne3A : i32
    %convert_element_type3A_6 = arith.extui %ne3A_5 : i1 to i32
    %cond3A_7 = arith.constant 0 : i32
    %cond3A_8 = arith.cmpi ne, %convert_element_type3A_6, %cond3A_7 : i32
    scf.if %cond3A_8 {
      %mul3A_51 = arith.constant 624 : i32
      %mul3A_52 = arith.muli %arg1, %mul3A_51 : i32
      "tpu.region"() ({
        %run_scoped3A_58 = tpu.sem_alloc : memref<!tpu.dma_semaphore, #tpu.memory_space<semaphore_mem>>
        %dma_start3A_59 = arith.constant 0 : i32
        %dma_start3A_60 = tpu.memref_slice %arg15[%mul3A_52, %dma_start3A_59] : memref<10000x32xf32, #tpu.memory_space<vmem_shared>> -> memref<624x32xf32, #tpu.memory_space<vmem_shared>>
        %dma_start3A_61 = arith.constant 0 : i32
        %dma_start3A_62 = tpu.memref_slice %arg4[%mul3A_52, %dma_start3A_61] : memref<10000x32xf32, #tpu.memory_space<hbm>> -> memref<624x32xf32, #tpu.memory_space<hbm>>
        tpu.enqueue_dma source(%dma_start3A_62 : memref<624x32xf32, #tpu.memory_space<hbm>>) target(%dma_start3A_60 : memref<624x32xf32, #tpu.memory_space<vmem_shared>>) target_semaphore(%run_scoped3A_58 : memref<!tpu.dma_semaphore, #tpu.memory_space<semaphore_mem>>)
        %dma_wait3A = arith.constant 0 : i32
        %dma_wait3A_63 = tpu.memref_slice %arg15[%mul3A_52, %dma_wait3A] : memref<10000x32xf32, #tpu.memory_space<vmem_shared>> -> memref<624x32xf32, #tpu.memory_space<vmem_shared>>
        %dma_wait3A_64 = arith.constant 0 : i32
        %dma_wait3A_65 = tpu.memref_slice %arg4[%mul3A_52, %dma_wait3A_64] : memref<10000x32xf32, #tpu.memory_space<hbm>> -> memref<624x32xf32, #tpu.memory_space<hbm>>
        tpu.wait_dma2 semaphore(%run_scoped3A_58 : memref<!tpu.dma_semaphore, #tpu.memory_space<semaphore_mem>>) src(%dma_wait3A_65 : memref<624x32xf32, #tpu.memory_space<hbm>>) dst(%dma_wait3A_63 : memref<624x32xf32, #tpu.memory_space<vmem_shared>>)
        tpu.yield
      }) : () -> ()
      %eq3A_53 = arith.constant 15 : i32
      %eq3A_54 = arith.cmpi eq, %arg1, %eq3A_53 : i32
      %convert_element_type3A_55 = arith.extui %eq3A_54 : i1 to i32
      %cond3A_56 = arith.constant 0 : i32
      %cond3A_57 = arith.cmpi ne, %convert_element_type3A_55, %cond3A_56 : i32
      scf.if %cond3A_57 {
        "tpu.region"() ({
          %run_scoped3A_58 = tpu.sem_alloc : memref<!tpu.dma_semaphore, #tpu.memory_space<semaphore_mem>>
          %dma_start3A_59 = arith.constant 9984 : i32
          %dma_start3A_60 = arith.constant 0 : i32
          %dma_start3A_61 = tpu.memref_slice %arg15[%dma_start3A_59, %dma_start3A_60] : memref<10000x32xf32, #tpu.memory_space<vmem_shared>> -> memref<16x32xf32, #tpu.memory_space<vmem_shared>>
          %dma_start3A_62 = arith.constant 9984 : i32
          %dma_start3A_63 = arith.constant 0 : i32
          %dma_start3A_64 = tpu.memref_slice %arg4[%dma_start3A_62, %dma_start3A_63] : memref<10000x32xf32, #tpu.memory_space<hbm>> -> memref<16x32xf32, #tpu.memory_space<hbm>>
          tpu.enqueue_dma source(%dma_start3A_64 : memref<16x32xf32, #tpu.memory_space<hbm>>) target(%dma_start3A_61 : memref<16x32xf32, #tpu.memory_space<vmem_shared>>) target_semaphore(%run_scoped3A_58 : memref<!tpu.dma_semaphore, #tpu.memory_space<semaphore_mem>>)
          %dma_wait3A = arith.constant 9984 : i32
          %dma_wait3A_65 = arith.constant 0 : i32
          %dma_wait3A_66 = tpu.memref_slice %arg15[%dma_wait3A, %dma_wait3A_65] : memref<10000x32xf32, #tpu.memory_space<vmem_shared>> -> memref<16x32xf32, #tpu.memory_space<vmem_shared>>
          %dma_wait3A_67 = arith.constant 9984 : i32
          %dma_wait3A_68 = arith.constant 0 : i32
          %dma_wait3A_69 = tpu.memref_slice %arg4[%dma_wait3A_67, %dma_wait3A_68] : memref<10000x32xf32, #tpu.memory_space<hbm>> -> memref<16x32xf32, #tpu.memory_space<hbm>>
          tpu.wait_dma2 semaphore(%run_scoped3A_58 : memref<!tpu.dma_semaphore, #tpu.memory_space<semaphore_mem>>) src(%dma_wait3A_69 : memref<16x32xf32, #tpu.memory_space<hbm>>) dst(%dma_wait3A_66 : memref<16x32xf32, #tpu.memory_space<vmem_shared>>)
          tpu.yield
        }) : () -> ()
      } else {
      }
    } else {
    }
    %barrier3A = arith.constant 0 : index
    tpu.barrier barrier_id(%barrier3A)
    %add3A_9 = arith.constant 0 : i32
    %add3A_10 = arith.addi %mul3A_2, %add3A_9 : i32
    %multiple_of3A = tpu.assume_multiple %add3A_10, 8 : i32
    %dma_start3A = arith.constant 1 : i32
    %dma_start3A_11 = tpu.memref_slice %arg3[%dma_start3A, %multiple_of3A] : memref<2x320000xi32, #tpu.memory_space<hbm>> -> memref<1x400xi32, #tpu.memory_space<hbm>>
    %dma_start3A_12 = tpu.memref_squeeze %dma_start3A_11 : memref<1x400xi32, #tpu.memory_space<hbm>> -> memref<400xi32, #tpu.memory_space<hbm>>
    %dma_start3A_13 = tpu.memref_slice %arg3[%dma_start3A, %multiple_of3A] : memref<2x320000xi32, #tpu.memory_space<hbm>> -> memref<1x400xi32, #tpu.memory_space<hbm>>
    %dma_start3A_14 = tpu.memref_squeeze %dma_start3A_13 : memref<1x400xi32, #tpu.memory_space<hbm>> -> memref<400xi32, #tpu.memory_space<hbm>>
    tpu.enqueue_dma source(%dma_start3A_14 : memref<400xi32, #tpu.memory_space<hbm>>) target(%arg7 : memref<400xi32, #tpu.memory_space<vmem>>) target_semaphore(%arg16 : memref<!tpu.dma_semaphore, #tpu.memory_space<semaphore_mem>>)
    %multiple_of3A_15 = arith.constant 0 : i32
    %multiple_of3A_16 = tpu.assume_multiple %multiple_of3A_15, 8 : i32
    %dma_start3A_17 = tpu.memref_slice %arg6[%multiple_of3A_16] : memref<10000xi32, #tpu.memory_space<vmem>> -> memref<400xi32, #tpu.memory_space<vmem>>
    %dma_start3A_18 = arith.constant 0 : i32
    %dma_start3A_19 = arith.constant 0 : i32
    %dma_start3A_20 = tpu.memref_slice %arg2[%dma_start3A_18, %dma_start3A_19] : memref<10000x32xf32, #tpu.memory_space<hbm>> -> memref<10000x32xf32, #tpu.memory_space<hbm>>
    tpu.enqueue_indirect_dma source(%dma_start3A_20 : memref<10000x32xf32, #tpu.memory_space<hbm>>) target(%arg11 : memref<400x32xf32, #tpu.memory_space<vmem>>) offsets(%dma_start3A_17 : memref<400xi32, #tpu.memory_space<vmem>>) semaphore(%arg16 : memref<!tpu.dma_semaphore, #tpu.memory_space<semaphore_mem>>)
    %add3A_21 = arith.constant 400 : i32
    %add3A_22 = arith.addi %mul3A_2, %add3A_21 : i32
    %multiple_of3A_23 = tpu.assume_multiple %add3A_22, 8 : i32
    %dma_start3A_24 = arith.constant 1 : i32
    %dma_start3A_25 = tpu.memref_slice %arg3[%dma_start3A_24, %multiple_of3A_23] : memref<2x320000xi32, #tpu.memory_space<hbm>> -> memref<1x400xi32, #tpu.memory_space<hbm>>
    %dma_start3A_26 = tpu.memref_squeeze %dma_start3A_25 : memref<1x400xi32, #tpu.memory_space<hbm>> -> memref<400xi32, #tpu.memory_space<hbm>>
    %dma_start3A_27 = tpu.memref_slice %arg3[%dma_start3A_24, %multiple_of3A_23] : memref<2x320000xi32, #tpu.memory_space<hbm>> -> memref<1x400xi32, #tpu.memory_space<hbm>>
    %dma_start3A_28 = tpu.memref_squeeze %dma_start3A_27 : memref<1x400xi32, #tpu.memory_space<hbm>> -> memref<400xi32, #tpu.memory_space<hbm>>
    tpu.enqueue_dma source(%dma_start3A_28 : memref<400xi32, #tpu.memory_space<hbm>>) target(%arg8 : memref<400xi32, #tpu.memory_space<vmem>>) target_semaphore(%arg17 : memref<!tpu.dma_semaphore, #tpu.memory_space<semaphore_mem>>)
    %multiple_of3A_29 = arith.constant 400 : i32
    %multiple_of3A_30 = tpu.assume_multiple %multiple_of3A_29, 8 : i32
    %dma_start3A_31 = tpu.memref_slice %arg6[%multiple_of3A_30] : memref<10000xi32, #tpu.memory_space<vmem>> -> memref<400xi32, #tpu.memory_space<vmem>>
    %dma_start3A_32 = arith.constant 0 : i32
    %dma_start3A_33 = arith.constant 0 : i32
    %dma_start3A_34 = tpu.memref_slice %arg2[%dma_start3A_32, %dma_start3A_33] : memref<10000x32xf32, #tpu.memory_space<hbm>> -> memref<10000x32xf32, #tpu.memory_space<hbm>>
    tpu.enqueue_indirect_dma source(%dma_start3A_34 : memref<10000x32xf32, #tpu.memory_space<hbm>>) target(%arg12 : memref<400x32xf32, #tpu.memory_space<vmem>>) offsets(%dma_start3A_31 : memref<400xi32, #tpu.memory_space<vmem>>) semaphore(%arg17 : memref<!tpu.dma_semaphore, #tpu.memory_space<semaphore_mem>>)
    %scan3A = arith.constant 0 : i32
    %scan3A_35 = arith.constant 0 : i32
    %scan3A_36 = arith.constant 25 : i32
    %scan3A_37 = arith.addi %scan3A_35, %scan3A_36 : i32
    %scan3A_38 = arith.constant 1 : i32
    scf.for %scan3A_51 = %scan3A_35 to %scan3A_37 step %scan3A_38  : i32 {
      %rem3A = arith.constant 4 : i32
      %rem3A_52 = arith.remsi %scan3A_51, %rem3A : i32
      %eq3A_53 = arith.constant 0 : i32
      %eq3A_54 = arith.cmpi eq, %rem3A_52, %eq3A_53 : i32
      %convert_element_type3A_55 = arith.extui %eq3A_54 : i1 to i32
      %cond3A_56 = arith.constant 0 : i32
      %cond3A_57 = arith.cmpi ne, %convert_element_type3A_55, %cond3A_56 : i32
      scf.if %cond3A_57 {
        %add3A_79 = arith.constant 2 : i32
        %add3A_80 = arith.addi %scan3A_51, %add3A_79 : i32
        %lt3A = arith.constant 25 : i32
        %lt3A_81 = arith.cmpi slt, %add3A_80, %lt3A : i32
        %convert_element_type3A_82 = arith.extui %lt3A_81 : i1 to i32
        %cond3A_83 = arith.constant 0 : i32
        %cond3A_84 = arith.cmpi ne, %convert_element_type3A_82, %cond3A_83 : i32
        scf.if %cond3A_84 {
          %add3A_102 = arith.constant 2 : i32
          %add3A_103 = arith.addi %scan3A_51, %add3A_102 : i32
          %mul3A_104 = arith.constant 400 : i32
          %mul3A_105 = arith.muli %add3A_103, %mul3A_104 : i32
          %add3A_106 = arith.addi %mul3A_2, %mul3A_105 : i32
          %multiple_of3A_107 = tpu.assume_multiple %add3A_106, 8 : i32
          %dma_start3A_108 = arith.constant 1 : i32
          %dma_start3A_109 = tpu.memref_slice %arg3[%dma_start3A_108, %multiple_of3A_107] : memref<2x320000xi32, #tpu.memory_space<hbm>> -> memref<1x400xi32, #tpu.memory_space<hbm>>
          %dma_start3A_110 = tpu.memref_squeeze %dma_start3A_109 : memref<1x400xi32, #tpu.memory_space<hbm>> -> memref<400xi32, #tpu.memory_space<hbm>>
          %dma_start3A_111 = tpu.memref_slice %arg3[%dma_start3A_108, %multiple_of3A_107] : memref<2x320000xi32, #tpu.memory_space<hbm>> -> memref<1x400xi32, #tpu.memory_space<hbm>>
          %dma_start3A_112 = tpu.memref_squeeze %dma_start3A_111 : memref<1x400xi32, #tpu.memory_space<hbm>> -> memref<400xi32, #tpu.memory_space<hbm>>
          tpu.enqueue_dma source(%dma_start3A_112 : memref<400xi32, #tpu.memory_space<hbm>>) target(%arg9 : memref<400xi32, #tpu.memory_space<vmem>>) target_semaphore(%arg18 : memref<!tpu.dma_semaphore, #tpu.memory_space<semaphore_mem>>)
          %mul3A_113 = arith.constant 400 : i32
          %mul3A_114 = arith.muli %add3A_103, %mul3A_113 : i32
          %add3A_115 = arith.constant 0 : i32
          %add3A_116 = arith.addi %add3A_115, %mul3A_114 : i32
          %multiple_of3A_117 = tpu.assume_multiple %add3A_116, 8 : i32
          %dma_start3A_118 = tpu.memref_slice %arg6[%multiple_of3A_117] : memref<10000xi32, #tpu.memory_space<vmem>> -> memref<400xi32, #tpu.memory_space<vmem>>
          %dma_start3A_119 = arith.constant 0 : i32
          %dma_start3A_120 = arith.constant 0 : i32
          %dma_start3A_121 = tpu.memref_slice %arg2[%dma_start3A_119, %dma_start3A_120] : memref<10000x32xf32, #tpu.memory_space<hbm>> -> memref<10000x32xf32, #tpu.memory_space<hbm>>
          tpu.enqueue_indirect_dma source(%dma_start3A_121 : memref<10000x32xf32, #tpu.memory_space<hbm>>) target(%arg13 : memref<400x32xf32, #tpu.memory_space<vmem>>) offsets(%dma_start3A_118 : memref<400xi32, #tpu.memory_space<vmem>>) semaphore(%arg18 : memref<!tpu.dma_semaphore, #tpu.memory_space<semaphore_mem>>)
        } else {
        }
        %mul3A_85 = arith.constant 400 : i32
        %mul3A_86 = arith.muli %scan3A_51, %mul3A_85 : i32
        %add3A_87 = arith.addi %mul3A_2, %mul3A_86 : i32
        %multiple_of3A_88 = tpu.assume_multiple %add3A_87, 8 : i32
        %dma_wait3A = arith.constant 1 : i32
        %dma_wait3A_89 = tpu.memref_slice %arg3[%dma_wait3A, %multiple_of3A_88] : memref<2x320000xi32, #tpu.memory_space<hbm>> -> memref<1x400xi32, #tpu.memory_space<hbm>>
        %dma_wait3A_90 = tpu.memref_squeeze %dma_wait3A_89 : memref<1x400xi32, #tpu.memory_space<hbm>> -> memref<400xi32, #tpu.memory_space<hbm>>
        %dma_wait3A_91 = tpu.memref_slice %arg3[%dma_wait3A, %multiple_of3A_88] : memref<2x320000xi32, #tpu.memory_space<hbm>> -> memref<1x400xi32, #tpu.memory_space<hbm>>
        %dma_wait3A_92 = tpu.memref_squeeze %dma_wait3A_91 : memref<1x400xi32, #tpu.memory_space<hbm>> -> memref<400xi32, #tpu.memory_space<hbm>>
        tpu.wait_dma2 semaphore(%arg16 : memref<!tpu.dma_semaphore, #tpu.memory_space<semaphore_mem>>) src(%dma_wait3A_92 : memref<400xi32, #tpu.memory_space<hbm>>) dst(%arg7 : memref<400xi32, #tpu.memory_space<vmem>>)
        %mul3A_93 = arith.constant 400 : i32
        %mul3A_94 = arith.muli %scan3A_51, %mul3A_93 : i32
        %add3A_95 = arith.constant 0 : i32
        %add3A_96 = arith.addi %add3A_95, %mul3A_94 : i32
        %multiple_of3A_97 = tpu.assume_multiple %add3A_96, 8 : i32
        %dma_wait3A_98 = tpu.memref_slice %arg6[%multiple_of3A_97] : memref<10000xi32, #tpu.memory_space<vmem>> -> memref<400xi32, #tpu.memory_space<vmem>>
        %dma_wait3A_99 = arith.constant 0 : i32
        %dma_wait3A_100 = arith.constant 0 : i32
        %dma_wait3A_101 = tpu.memref_slice %arg2[%dma_wait3A_99, %dma_wait3A_100] : memref<10000x32xf32, #tpu.memory_space<hbm>> -> memref<10000x32xf32, #tpu.memory_space<hbm>>
        tpu.wait_indirect_dma semaphore(%arg16 : memref<!tpu.dma_semaphore, #tpu.memory_space<semaphore_mem>>) src(%dma_wait3A_101 : memref<10000x32xf32, #tpu.memory_space<hbm>>) dst(%arg11 : memref<400x32xf32, #tpu.memory_space<vmem>>)
        "tpu.region"() ({
          %run_scoped3A_102 = tpu.sem_alloc : memref<!tpu.dma_semaphore, #tpu.memory_space<semaphore_mem>>
          %dma_start3A_103 = arith.constant 0 : i32
          %dma_start3A_104 = arith.constant 0 : i32
          %dma_start3A_105 = tpu.memref_slice %arg15[%dma_start3A_103, %dma_start3A_104] : memref<10000x32xf32, #tpu.memory_space<vmem_shared>> -> memref<10000x32xf32, #tpu.memory_space<vmem_shared>>
          tpu.enqueue_indirect_dma source(%arg11 : memref<400x32xf32, #tpu.memory_space<vmem>>) target(%dma_start3A_105 : memref<10000x32xf32, #tpu.memory_space<vmem_shared>>) offsets(%arg7 : memref<400xi32, #tpu.memory_space<vmem>>) semaphore(%run_scoped3A_102 : memref<!tpu.dma_semaphore, #tpu.memory_space<semaphore_mem>>) {add = true}
          %dma_wait3A_106 = arith.constant 0 : i32
          %dma_wait3A_107 = arith.constant 0 : i32
          %dma_wait3A_108 = tpu.memref_slice %arg15[%dma_wait3A_106, %dma_wait3A_107] : memref<10000x32xf32, #tpu.memory_space<vmem_shared>> -> memref<10000x32xf32, #tpu.memory_space<vmem_shared>>
          tpu.wait_indirect_dma semaphore(%run_scoped3A_102 : memref<!tpu.dma_semaphore, #tpu.memory_space<semaphore_mem>>) src(%arg11 : memref<400x32xf32, #tpu.memory_space<vmem>>) dst(%dma_wait3A_108 : memref<10000x32xf32, #tpu.memory_space<vmem_shared>>)
          tpu.yield
        }) : () -> ()
      } else {
      }
      %rem3A_58 = arith.constant 4 : i32
      %rem3A_59 = arith.remsi %scan3A_51, %rem3A_58 : i32
      %eq3A_60 = arith.constant 1 : i32
      %eq3A_61 = arith.cmpi eq, %rem3A_59, %eq3A_60 : i32
      %convert_element_type3A_62 = arith.extui %eq3A_61 : i1 to i32
      %cond3A_63 = arith.constant 0 : i32
      %cond3A_64 = arith.cmpi ne, %convert_element_type3A_62, %cond3A_63 : i32
      scf.if %cond3A_64 {
        %add3A_79 = arith.constant 2 : i32
        %add3A_80 = arith.addi %scan3A_51, %add3A_79 : i32
        %lt3A = arith.constant 25 : i32
        %lt3A_81 = arith.cmpi slt, %add3A_80, %lt3A : i32
        %convert_element_type3A_82 = arith.extui %lt3A_81 : i1 to i32
        %cond3A_83 = arith.constant 0 : i32
        %cond3A_84 = arith.cmpi ne, %convert_element_type3A_82, %cond3A_83 : i32
        scf.if %cond3A_84 {
          %add3A_102 = arith.constant 2 : i32
          %add3A_103 = arith.addi %scan3A_51, %add3A_102 : i32
          %mul3A_104 = arith.constant 400 : i32
          %mul3A_105 = arith.muli %add3A_103, %mul3A_104 : i32
          %add3A_106 = arith.addi %mul3A_2, %mul3A_105 : i32
          %multiple_of3A_107 = tpu.assume_multiple %add3A_106, 8 : i32
          %dma_start3A_108 = arith.constant 1 : i32
          %dma_start3A_109 = tpu.memref_slice %arg3[%dma_start3A_108, %multiple_of3A_107] : memref<2x320000xi32, #tpu.memory_space<hbm>> -> memref<1x400xi32, #tpu.memory_space<hbm>>
          %dma_start3A_110 = tpu.memref_squeeze %dma_start3A_109 : memref<1x400xi32, #tpu.memory_space<hbm>> -> memref<400xi32, #tpu.memory_space<hbm>>
          %dma_start3A_111 = tpu.memref_slice %arg3[%dma_start3A_108, %multiple_of3A_107] : memref<2x320000xi32, #tpu.memory_space<hbm>> -> memref<1x400xi32, #tpu.memory_space<hbm>>
          %dma_start3A_112 = tpu.memref_squeeze %dma_start3A_111 : memref<1x400xi32, #tpu.memory_space<hbm>> -> memref<400xi32, #tpu.memory_space<hbm>>
          tpu.enqueue_dma source(%dma_start3A_112 : memref<400xi32, #tpu.memory_space<hbm>>) target(%arg10 : memref<400xi32, #tpu.memory_space<vmem>>) target_semaphore(%arg19 : memref<!tpu.dma_semaphore, #tpu.memory_space<semaphore_mem>>)
          %mul3A_113 = arith.constant 400 : i32
          %mul3A_114 = arith.muli %add3A_103, %mul3A_113 : i32
          %add3A_115 = arith.constant 0 : i32
          %add3A_116 = arith.addi %add3A_115, %mul3A_114 : i32
          %multiple_of3A_117 = tpu.assume_multiple %add3A_116, 8 : i32
          %dma_start3A_118 = tpu.memref_slice %arg6[%multiple_of3A_117] : memref<10000xi32, #tpu.memory_space<vmem>> -> memref<400xi32, #tpu.memory_space<vmem>>
          %dma_start3A_119 = arith.constant 0 : i32
          %dma_start3A_120 = arith.constant 0 : i32
          %dma_start3A_121 = tpu.memref_slice %arg2[%dma_start3A_119, %dma_start3A_120] : memref<10000x32xf32, #tpu.memory_space<hbm>> -> memref<10000x32xf32, #tpu.memory_space<hbm>>
          tpu.enqueue_indirect_dma source(%dma_start3A_121 : memref<10000x32xf32, #tpu.memory_space<hbm>>) target(%arg14 : memref<400x32xf32, #tpu.memory_space<vmem>>) offsets(%dma_start3A_118 : memref<400xi32, #tpu.memory_space<vmem>>) semaphore(%arg19 : memref<!tpu.dma_semaphore, #tpu.memory_space<semaphore_mem>>)
        } else {
        }
        %mul3A_85 = arith.constant 400 : i32
        %mul3A_86 = arith.muli %scan3A_51, %mul3A_85 : i32
        %add3A_87 = arith.addi %mul3A_2, %mul3A_86 : i32
        %multiple_of3A_88 = tpu.assume_multiple %add3A_87, 8 : i32
        %dma_wait3A = arith.constant 1 : i32
        %dma_wait3A_89 = tpu.memref_slice %arg3[%dma_wait3A, %multiple_of3A_88] : memref<2x320000xi32, #tpu.memory_space<hbm>> -> memref<1x400xi32, #tpu.memory_space<hbm>>
        %dma_wait3A_90 = tpu.memref_squeeze %dma_wait3A_89 : memref<1x400xi32, #tpu.memory_space<hbm>> -> memref<400xi32, #tpu.memory_space<hbm>>
        %dma_wait3A_91 = tpu.memref_slice %arg3[%dma_wait3A, %multiple_of3A_88] : memref<2x320000xi32, #tpu.memory_space<hbm>> -> memref<1x400xi32, #tpu.memory_space<hbm>>
        %dma_wait3A_92 = tpu.memref_squeeze %dma_wait3A_91 : memref<1x400xi32, #tpu.memory_space<hbm>> -> memref<400xi32, #tpu.memory_space<hbm>>
        tpu.wait_dma2 semaphore(%arg17 : memref<!tpu.dma_semaphore, #tpu.memory_space<semaphore_mem>>) src(%dma_wait3A_92 : memref<400xi32, #tpu.memory_space<hbm>>) dst(%arg8 : memref<400xi32, #tpu.memory_space<vmem>>)
        %mul3A_93 = arith.constant 400 : i32
        %mul3A_94 = arith.muli %scan3A_51, %mul3A_93 : i32
        %add3A_95 = arith.constant 0 : i32
        %add3A_96 = arith.addi %add3A_95, %mul3A_94 : i32
        %multiple_of3A_97 = tpu.assume_multiple %add3A_96, 8 : i32
        %dma_wait3A_98 = tpu.memref_slice %arg6[%multiple_of3A_97] : memref<10000xi32, #tpu.memory_space<vmem>> -> memref<400xi32, #tpu.memory_space<vmem>>
        %dma_wait3A_99 = arith.constant 0 : i32
        %dma_wait3A_100 = arith.constant 0 : i32
        %dma_wait3A_101 = tpu.memref_slice %arg2[%dma_wait3A_99, %dma_wait3A_100] : memref<10000x32xf32, #tpu.memory_space<hbm>> -> memref<10000x32xf32, #tpu.memory_space<hbm>>
        tpu.wait_indirect_dma semaphore(%arg17 : memref<!tpu.dma_semaphore, #tpu.memory_space<semaphore_mem>>) src(%dma_wait3A_101 : memref<10000x32xf32, #tpu.memory_space<hbm>>) dst(%arg12 : memref<400x32xf32, #tpu.memory_space<vmem>>)
        "tpu.region"() ({
          %run_scoped3A_102 = tpu.sem_alloc : memref<!tpu.dma_semaphore, #tpu.memory_space<semaphore_mem>>
          %dma_start3A_103 = arith.constant 0 : i32
          %dma_start3A_104 = arith.constant 0 : i32
          %dma_start3A_105 = tpu.memref_slice %arg15[%dma_start3A_103, %dma_start3A_104] : memref<10000x32xf32, #tpu.memory_space<vmem_shared>> -> memref<10000x32xf32, #tpu.memory_space<vmem_shared>>
          tpu.enqueue_indirect_dma source(%arg12 : memref<400x32xf32, #tpu.memory_space<vmem>>) target(%dma_start3A_105 : memref<10000x32xf32, #tpu.memory_space<vmem_shared>>) offsets(%arg8 : memref<400xi32, #tpu.memory_space<vmem>>) semaphore(%run_scoped3A_102 : memref<!tpu.dma_semaphore, #tpu.memory_space<semaphore_mem>>) {add = true}
          %dma_wait3A_106 = arith.constant 0 : i32
          %dma_wait3A_107 = arith.constant 0 : i32
          %dma_wait3A_108 = tpu.memref_slice %arg15[%dma_wait3A_106, %dma_wait3A_107] : memref<10000x32xf32, #tpu.memory_space<vmem_shared>> -> memref<10000x32xf32, #tpu.memory_space<vmem_shared>>
          tpu.wait_indirect_dma semaphore(%run_scoped3A_102 : memref<!tpu.dma_semaphore, #tpu.memory_space<semaphore_mem>>) src(%arg12 : memref<400x32xf32, #tpu.memory_space<vmem>>) dst(%dma_wait3A_108 : memref<10000x32xf32, #tpu.memory_space<vmem_shared>>)
          tpu.yield
        }) : () -> ()
      } else {
      }
      %rem3A_65 = arith.constant 4 : i32
      %rem3A_66 = arith.remsi %scan3A_51, %rem3A_65 : i32
      %eq3A_67 = arith.constant 2 : i32
      %eq3A_68 = arith.cmpi eq, %rem3A_66, %eq3A_67 : i32
      %convert_element_type3A_69 = arith.extui %eq3A_68 : i1 to i32
      %cond3A_70 = arith.constant 0 : i32
      %cond3A_71 = arith.cmpi ne, %convert_element_type3A_69, %cond3A_70 : i32
      scf.if %cond3A_71 {
        %add3A_79 = arith.constant 2 : i32
        %add3A_80 = arith.addi %scan3A_51, %add3A_79 : i32
        %lt3A = arith.constant 25 : i32
        %lt3A_81 = arith.cmpi slt, %add3A_80, %lt3A : i32
        %convert_element_type3A_82 = arith.extui %lt3A_81 : i1 to i32
        %cond3A_83 = arith.constant 0 : i32
        %cond3A_84 = arith.cmpi ne, %convert_element_type3A_82, %cond3A_83 : i32
        scf.if %cond3A_84 {
          %add3A_102 = arith.constant 2 : i32
          %add3A_103 = arith.addi %scan3A_51, %add3A_102 : i32
          %mul3A_104 = arith.constant 400 : i32
          %mul3A_105 = arith.muli %add3A_103, %mul3A_104 : i32
          %add3A_106 = arith.addi %mul3A_2, %mul3A_105 : i32
          %multiple_of3A_107 = tpu.assume_multiple %add3A_106, 8 : i32
          %dma_start3A_108 = arith.constant 1 : i32
          %dma_start3A_109 = tpu.memref_slice %arg3[%dma_start3A_108, %multiple_of3A_107] : memref<2x320000xi32, #tpu.memory_space<hbm>> -> memref<1x400xi32, #tpu.memory_space<hbm>>
          %dma_start3A_110 = tpu.memref_squeeze %dma_start3A_109 : memref<1x400xi32, #tpu.memory_space<hbm>> -> memref<400xi32, #tpu.memory_space<hbm>>
          %dma_start3A_111 = tpu.memref_slice %arg3[%dma_start3A_108, %multiple_of3A_107] : memref<2x320000xi32, #tpu.memory_space<hbm>> -> memref<1x400xi32, #tpu.memory_space<hbm>>
          %dma_start3A_112 = tpu.memref_squeeze %dma_start3A_111 : memref<1x400xi32, #tpu.memory_space<hbm>> -> memref<400xi32, #tpu.memory_space<hbm>>
          tpu.enqueue_dma source(%dma_start3A_112 : memref<400xi32, #tpu.memory_space<hbm>>) target(%arg7 : memref<400xi32, #tpu.memory_space<vmem>>) target_semaphore(%arg16 : memref<!tpu.dma_semaphore, #tpu.memory_space<semaphore_mem>>)
          %mul3A_113 = arith.constant 400 : i32
          %mul3A_114 = arith.muli %add3A_103, %mul3A_113 : i32
          %add3A_115 = arith.constant 0 : i32
          %add3A_116 = arith.addi %add3A_115, %mul3A_114 : i32
          %multiple_of3A_117 = tpu.assume_multiple %add3A_116, 8 : i32
          %dma_start3A_118 = tpu.memref_slice %arg6[%multiple_of3A_117] : memref<10000xi32, #tpu.memory_space<vmem>> -> memref<400xi32, #tpu.memory_space<vmem>>
          %dma_start3A_119 = arith.constant 0 : i32
          %dma_start3A_120 = arith.constant 0 : i32
          %dma_start3A_121 = tpu.memref_slice %arg2[%dma_start3A_119, %dma_start3A_120] : memref<10000x32xf32, #tpu.memory_space<hbm>> -> memref<10000x32xf32, #tpu.memory_space<hbm>>
          tpu.enqueue_indirect_dma source(%dma_start3A_121 : memref<10000x32xf32, #tpu.memory_space<hbm>>) target(%arg11 : memref<400x32xf32, #tpu.memory_space<vmem>>) offsets(%dma_start3A_118 : memref<400xi32, #tpu.memory_space<vmem>>) semaphore(%arg16 : memref<!tpu.dma_semaphore, #tpu.memory_space<semaphore_mem>>)
        } else {
        }
        %mul3A_85 = arith.constant 400 : i32
        %mul3A_86 = arith.muli %scan3A_51, %mul3A_85 : i32
        %add3A_87 = arith.addi %mul3A_2, %mul3A_86 : i32
        %multiple_of3A_88 = tpu.assume_multiple %add3A_87, 8 : i32
        %dma_wait3A = arith.constant 1 : i32
        %dma_wait3A_89 = tpu.memref_slice %arg3[%dma_wait3A, %multiple_of3A_88] : memref<2x320000xi32, #tpu.memory_space<hbm>> -> memref<1x400xi32, #tpu.memory_space<hbm>>
        %dma_wait3A_90 = tpu.memref_squeeze %dma_wait3A_89 : memref<1x400xi32, #tpu.memory_space<hbm>> -> memref<400xi32, #tpu.memory_space<hbm>>
        %dma_wait3A_91 = tpu.memref_slice %arg3[%dma_wait3A, %multiple_of3A_88] : memref<2x320000xi32, #tpu.memory_space<hbm>> -> memref<1x400xi32, #tpu.memory_space<hbm>>
        %dma_wait3A_92 = tpu.memref_squeeze %dma_wait3A_91 : memref<1x400xi32, #tpu.memory_space<hbm>> -> memref<400xi32, #tpu.memory_space<hbm>>
        tpu.wait_dma2 semaphore(%arg18 : memref<!tpu.dma_semaphore, #tpu.memory_space<semaphore_mem>>) src(%dma_wait3A_92 : memref<400xi32, #tpu.memory_space<hbm>>) dst(%arg9 : memref<400xi32, #tpu.memory_space<vmem>>)
        %mul3A_93 = arith.constant 400 : i32
        %mul3A_94 = arith.muli %scan3A_51, %mul3A_93 : i32
        %add3A_95 = arith.constant 0 : i32
        %add3A_96 = arith.addi %add3A_95, %mul3A_94 : i32
        %multiple_of3A_97 = tpu.assume_multiple %add3A_96, 8 : i32
        %dma_wait3A_98 = tpu.memref_slice %arg6[%multiple_of3A_97] : memref<10000xi32, #tpu.memory_space<vmem>> -> memref<400xi32, #tpu.memory_space<vmem>>
        %dma_wait3A_99 = arith.constant 0 : i32
        %dma_wait3A_100 = arith.constant 0 : i32
        %dma_wait3A_101 = tpu.memref_slice %arg2[%dma_wait3A_99, %dma_wait3A_100] : memref<10000x32xf32, #tpu.memory_space<hbm>> -> memref<10000x32xf32, #tpu.memory_space<hbm>>
        tpu.wait_indirect_dma semaphore(%arg18 : memref<!tpu.dma_semaphore, #tpu.memory_space<semaphore_mem>>) src(%dma_wait3A_101 : memref<10000x32xf32, #tpu.memory_space<hbm>>) dst(%arg13 : memref<400x32xf32, #tpu.memory_space<vmem>>)
        "tpu.region"() ({
          %run_scoped3A_102 = tpu.sem_alloc : memref<!tpu.dma_semaphore, #tpu.memory_space<semaphore_mem>>
          %dma_start3A_103 = arith.constant 0 : i32
          %dma_start3A_104 = arith.constant 0 : i32
          %dma_start3A_105 = tpu.memref_slice %arg15[%dma_start3A_103, %dma_start3A_104] : memref<10000x32xf32, #tpu.memory_space<vmem_shared>> -> memref<10000x32xf32, #tpu.memory_space<vmem_shared>>
          tpu.enqueue_indirect_dma source(%arg13 : memref<400x32xf32, #tpu.memory_space<vmem>>) target(%dma_start3A_105 : memref<10000x32xf32, #tpu.memory_space<vmem_shared>>) offsets(%arg9 : memref<400xi32, #tpu.memory_space<vmem>>) semaphore(%run_scoped3A_102 : memref<!tpu.dma_semaphore, #tpu.memory_space<semaphore_mem>>) {add = true}
          %dma_wait3A_106 = arith.constant 0 : i32
          %dma_wait3A_107 = arith.constant 0 : i32
          %dma_wait3A_108 = tpu.memref_slice %arg15[%dma_wait3A_106, %dma_wait3A_107] : memref<10000x32xf32, #tpu.memory_space<vmem_shared>> -> memref<10000x32xf32, #tpu.memory_space<vmem_shared>>
          tpu.wait_indirect_dma semaphore(%run_scoped3A_102 : memref<!tpu.dma_semaphore, #tpu.memory_space<semaphore_mem>>) src(%arg13 : memref<400x32xf32, #tpu.memory_space<vmem>>) dst(%dma_wait3A_108 : memref<10000x32xf32, #tpu.memory_space<vmem_shared>>)
          tpu.yield
        }) : () -> ()
      } else {
      }
      %rem3A_72 = arith.constant 4 : i32
      %rem3A_73 = arith.remsi %scan3A_51, %rem3A_72 : i32
      %eq3A_74 = arith.constant 3 : i32
      %eq3A_75 = arith.cmpi eq, %rem3A_73, %eq3A_74 : i32
      %convert_element_type3A_76 = arith.extui %eq3A_75 : i1 to i32
      %cond3A_77 = arith.constant 0 : i32
      %cond3A_78 = arith.cmpi ne, %convert_element_type3A_76, %cond3A_77 : i32
      scf.if %cond3A_78 {
        %add3A_79 = arith.constant 2 : i32
        %add3A_80 = arith.addi %scan3A_51, %add3A_79 : i32
        %lt3A = arith.constant 25 : i32
        %lt3A_81 = arith.cmpi slt, %add3A_80, %lt3A : i32
        %convert_element_type3A_82 = arith.extui %lt3A_81 : i1 to i32
        %cond3A_83 = arith.constant 0 : i32
        %cond3A_84 = arith.cmpi ne, %convert_element_type3A_82, %cond3A_83 : i32
        scf.if %cond3A_84 {
          %add3A_102 = arith.constant 2 : i32
          %add3A_103 = arith.addi %scan3A_51, %add3A_102 : i32
          %mul3A_104 = arith.constant 400 : i32
          %mul3A_105 = arith.muli %add3A_103, %mul3A_104 : i32
          %add3A_106 = arith.addi %mul3A_2, %mul3A_105 : i32
          %multiple_of3A_107 = tpu.assume_multiple %add3A_106, 8 : i32
          %dma_start3A_108 = arith.constant 1 : i32
          %dma_start3A_109 = tpu.memref_slice %arg3[%dma_start3A_108, %multiple_of3A_107] : memref<2x320000xi32, #tpu.memory_space<hbm>> -> memref<1x400xi32, #tpu.memory_space<hbm>>
          %dma_start3A_110 = tpu.memref_squeeze %dma_start3A_109 : memref<1x400xi32, #tpu.memory_space<hbm>> -> memref<400xi32, #tpu.memory_space<hbm>>
          %dma_start3A_111 = tpu.memref_slice %arg3[%dma_start3A_108, %multiple_of3A_107] : memref<2x320000xi32, #tpu.memory_space<hbm>> -> memref<1x400xi32, #tpu.memory_space<hbm>>
          %dma_start3A_112 = tpu.memref_squeeze %dma_start3A_111 : memref<1x400xi32, #tpu.memory_space<hbm>> -> memref<400xi32, #tpu.memory_space<hbm>>
          tpu.enqueue_dma source(%dma_start3A_112 : memref<400xi32, #tpu.memory_space<hbm>>) target(%arg8 : memref<400xi32, #tpu.memory_space<vmem>>) target_semaphore(%arg17 : memref<!tpu.dma_semaphore, #tpu.memory_space<semaphore_mem>>)
          %mul3A_113 = arith.constant 400 : i32
          %mul3A_114 = arith.muli %add3A_103, %mul3A_113 : i32
          %add3A_115 = arith.constant 0 : i32
          %add3A_116 = arith.addi %add3A_115, %mul3A_114 : i32
          %multiple_of3A_117 = tpu.assume_multiple %add3A_116, 8 : i32
          %dma_start3A_118 = tpu.memref_slice %arg6[%multiple_of3A_117] : memref<10000xi32, #tpu.memory_space<vmem>> -> memref<400xi32, #tpu.memory_space<vmem>>
          %dma_start3A_119 = arith.constant 0 : i32
          %dma_start3A_120 = arith.constant 0 : i32
          %dma_start3A_121 = tpu.memref_slice %arg2[%dma_start3A_119, %dma_start3A_120] : memref<10000x32xf32, #tpu.memory_space<hbm>> -> memref<10000x32xf32, #tpu.memory_space<hbm>>
          tpu.enqueue_indirect_dma source(%dma_start3A_121 : memref<10000x32xf32, #tpu.memory_space<hbm>>) target(%arg12 : memref<400x32xf32, #tpu.memory_space<vmem>>) offsets(%dma_start3A_118 : memref<400xi32, #tpu.memory_space<vmem>>) semaphore(%arg17 : memref<!tpu.dma_semaphore, #tpu.memory_space<semaphore_mem>>)
        } else {
        }
        %mul3A_85 = arith.constant 400 : i32
        %mul3A_86 = arith.muli %scan3A_51, %mul3A_85 : i32
        %add3A_87 = arith.addi %mul3A_2, %mul3A_86 : i32
        %multiple_of3A_88 = tpu.assume_multiple %add3A_87, 8 : i32
        %dma_wait3A = arith.constant 1 : i32
        %dma_wait3A_89 = tpu.memref_slice %arg3[%dma_wait3A, %multiple_of3A_88] : memref<2x320000xi32, #tpu.memory_space<hbm>> -> memref<1x400xi32, #tpu.memory_space<hbm>>
        %dma_wait3A_90 = tpu.memref_squeeze %dma_wait3A_89 : memref<1x400xi32, #tpu.memory_space<hbm>> -> memref<400xi32, #tpu.memory_space<hbm>>
        %dma_wait3A_91 = tpu.memref_slice %arg3[%dma_wait3A, %multiple_of3A_88] : memref<2x320000xi32, #tpu.memory_space<hbm>> -> memref<1x400xi32, #tpu.memory_space<hbm>>
        %dma_wait3A_92 = tpu.memref_squeeze %dma_wait3A_91 : memref<1x400xi32, #tpu.memory_space<hbm>> -> memref<400xi32, #tpu.memory_space<hbm>>
        tpu.wait_dma2 semaphore(%arg19 : memref<!tpu.dma_semaphore, #tpu.memory_space<semaphore_mem>>) src(%dma_wait3A_92 : memref<400xi32, #tpu.memory_space<hbm>>) dst(%arg10 : memref<400xi32, #tpu.memory_space<vmem>>)
        %mul3A_93 = arith.constant 400 : i32
        %mul3A_94 = arith.muli %scan3A_51, %mul3A_93 : i32
        %add3A_95 = arith.constant 0 : i32
        %add3A_96 = arith.addi %add3A_95, %mul3A_94 : i32
        %multiple_of3A_97 = tpu.assume_multiple %add3A_96, 8 : i32
        %dma_wait3A_98 = tpu.memref_slice %arg6[%multiple_of3A_97] : memref<10000xi32, #tpu.memory_space<vmem>> -> memref<400xi32, #tpu.memory_space<vmem>>
        %dma_wait3A_99 = arith.constant 0 : i32
        %dma_wait3A_100 = arith.constant 0 : i32
        %dma_wait3A_101 = tpu.memref_slice %arg2[%dma_wait3A_99, %dma_wait3A_100] : memref<10000x32xf32, #tpu.memory_space<hbm>> -> memref<10000x32xf32, #tpu.memory_space<hbm>>
        tpu.wait_indirect_dma semaphore(%arg19 : memref<!tpu.dma_semaphore, #tpu.memory_space<semaphore_mem>>) src(%dma_wait3A_101 : memref<10000x32xf32, #tpu.memory_space<hbm>>) dst(%arg14 : memref<400x32xf32, #tpu.memory_space<vmem>>)
        "tpu.region"() ({
          %run_scoped3A_102 = tpu.sem_alloc : memref<!tpu.dma_semaphore, #tpu.memory_space<semaphore_mem>>
          %dma_start3A_103 = arith.constant 0 : i32
          %dma_start3A_104 = arith.constant 0 : i32
          %dma_start3A_105 = tpu.memref_slice %arg15[%dma_start3A_103, %dma_start3A_104] : memref<10000x32xf32, #tpu.memory_space<vmem_shared>> -> memref<10000x32xf32, #tpu.memory_space<vmem_shared>>
          tpu.enqueue_indirect_dma source(%arg14 : memref<400x32xf32, #tpu.memory_space<vmem>>) target(%dma_start3A_105 : memref<10000x32xf32, #tpu.memory_space<vmem_shared>>) offsets(%arg10 : memref<400xi32, #tpu.memory_space<vmem>>) semaphore(%run_scoped3A_102 : memref<!tpu.dma_semaphore, #tpu.memory_space<semaphore_mem>>) {add = true}
          %dma_wait3A_106 = arith.constant 0 : i32
          %dma_wait3A_107 = arith.constant 0 : i32
          %dma_wait3A_108 = tpu.memref_slice %arg15[%dma_wait3A_106, %dma_wait3A_107] : memref<10000x32xf32, #tpu.memory_space<vmem_shared>> -> memref<10000x32xf32, #tpu.memory_space<vmem_shared>>
          tpu.wait_indirect_dma semaphore(%run_scoped3A_102 : memref<!tpu.dma_semaphore, #tpu.memory_space<semaphore_mem>>) src(%arg14 : memref<400x32xf32, #tpu.memory_space<vmem>>) dst(%dma_wait3A_108 : memref<10000x32xf32, #tpu.memory_space<vmem_shared>>)
          tpu.yield
        }) : () -> ()
      } else {
      }
    }
    %scan3A_39 = arith.constant 25 : i32
    %barrier3A_40 = arith.constant 0 : index
    tpu.barrier barrier_id(%barrier3A_40)
    %eq3A_41 = arith.constant 0 : i32
    %eq3A_42 = arith.cmpi eq, %arg0, %eq3A_41 : i32
    %convert_element_type3A_43 = arith.extui %eq3A_42 : i1 to i32
    %cond3A_44 = arith.constant 0 : i32
    %cond3A_45 = arith.cmpi ne, %convert_element_type3A_43, %cond3A_44 : i32
    scf.if %cond3A_45 {
      %mul3A_51 = arith.constant 624 : i32
      %mul3A_52 = arith.muli %arg1, %mul3A_51 : i32
      "tpu.region"() ({
        %run_scoped3A_58 = tpu.sem_alloc : memref<!tpu.dma_semaphore, #tpu.memory_space<semaphore_mem>>
        %dma_start3A_59 = arith.constant 0 : i32
        %dma_start3A_60 = tpu.memref_slice %arg5[%mul3A_52, %dma_start3A_59] : memref<10000x128xf32, #tpu.memory_space<hbm>> -> memref<624x32xf32, #tpu.memory_space<hbm>>
        %dma_start3A_61 = arith.constant 0 : i32
        %dma_start3A_62 = tpu.memref_slice %arg15[%mul3A_52, %dma_start3A_61] : memref<10000x32xf32, #tpu.memory_space<vmem_shared>> -> memref<624x32xf32, #tpu.memory_space<vmem_shared>>
        tpu.enqueue_dma source(%dma_start3A_62 : memref<624x32xf32, #tpu.memory_space<vmem_shared>>) target(%dma_start3A_60 : memref<624x32xf32, #tpu.memory_space<hbm>>) target_semaphore(%run_scoped3A_58 : memref<!tpu.dma_semaphore, #tpu.memory_space<semaphore_mem>>)
        %dma_wait3A = arith.constant 0 : i32
        %dma_wait3A_63 = tpu.memref_slice %arg5[%mul3A_52, %dma_wait3A] : memref<10000x128xf32, #tpu.memory_space<hbm>> -> memref<624x32xf32, #tpu.memory_space<hbm>>
        %dma_wait3A_64 = arith.constant 0 : i32
        %dma_wait3A_65 = tpu.memref_slice %arg15[%mul3A_52, %dma_wait3A_64] : memref<10000x32xf32, #tpu.memory_space<vmem_shared>> -> memref<624x32xf32, #tpu.memory_space<vmem_shared>>
        tpu.wait_dma2 semaphore(%run_scoped3A_58 : memref<!tpu.dma_semaphore, #tpu.memory_space<semaphore_mem>>) src(%dma_wait3A_65 : memref<624x32xf32, #tpu.memory_space<vmem_shared>>) dst(%dma_wait3A_63 : memref<624x32xf32, #tpu.memory_space<hbm>>)
        tpu.yield
      }) : () -> ()
      %eq3A_53 = arith.constant 15 : i32
      %eq3A_54 = arith.cmpi eq, %arg1, %eq3A_53 : i32
      %convert_element_type3A_55 = arith.extui %eq3A_54 : i1 to i32
      %cond3A_56 = arith.constant 0 : i32
      %cond3A_57 = arith.cmpi ne, %convert_element_type3A_55, %cond3A_56 : i32
      scf.if %cond3A_57 {
        "tpu.region"() ({
          %run_scoped3A_58 = tpu.sem_alloc : memref<!tpu.dma_semaphore, #tpu.memory_space<semaphore_mem>>
          %dma_start3A_59 = arith.constant 9984 : i32
          %dma_start3A_60 = arith.constant 0 : i32
          %dma_start3A_61 = tpu.memref_slice %arg5[%dma_start3A_59, %dma_start3A_60] : memref<10000x128xf32, #tpu.memory_space<hbm>> -> memref<16x32xf32, #tpu.memory_space<hbm>>
          %dma_start3A_62 = arith.constant 9984 : i32
          %dma_start3A_63 = arith.constant 0 : i32
          %dma_start3A_64 = tpu.memref_slice %arg15[%dma_start3A_62, %dma_start3A_63] : memref<10000x32xf32, #tpu.memory_space<vmem_shared>> -> memref<16x32xf32, #tpu.memory_space<vmem_shared>>
          tpu.enqueue_dma source(%dma_start3A_64 : memref<16x32xf32, #tpu.memory_space<vmem_shared>>) target(%dma_start3A_61 : memref<16x32xf32, #tpu.memory_space<hbm>>) target_semaphore(%run_scoped3A_58 : memref<!tpu.dma_semaphore, #tpu.memory_space<semaphore_mem>>)
          %dma_wait3A = arith.constant 9984 : i32
          %dma_wait3A_65 = arith.constant 0 : i32
          %dma_wait3A_66 = tpu.memref_slice %arg5[%dma_wait3A, %dma_wait3A_65] : memref<10000x128xf32, #tpu.memory_space<hbm>> -> memref<16x32xf32, #tpu.memory_space<hbm>>
          %dma_wait3A_67 = arith.constant 9984 : i32
          %dma_wait3A_68 = arith.constant 0 : i32
          %dma_wait3A_69 = tpu.memref_slice %arg15[%dma_wait3A_67, %dma_wait3A_68] : memref<10000x32xf32, #tpu.memory_space<vmem_shared>> -> memref<16x32xf32, #tpu.memory_space<vmem_shared>>
          tpu.wait_dma2 semaphore(%run_scoped3A_58 : memref<!tpu.dma_semaphore, #tpu.memory_space<semaphore_mem>>) src(%dma_wait3A_69 : memref<16x32xf32, #tpu.memory_space<vmem_shared>>) dst(%dma_wait3A_66 : memref<16x32xf32, #tpu.memory_space<hbm>>)
          tpu.yield
        }) : () -> ()
      } else {
      }
    } else {
    }
    %eq3A_46 = arith.constant 1 : i32
    %eq3A_47 = arith.cmpi eq, %arg0, %eq3A_46 : i32
    %convert_element_type3A_48 = arith.extui %eq3A_47 : i1 to i32
    %cond3A_49 = arith.constant 0 : i32
    %cond3A_50 = arith.cmpi ne, %convert_element_type3A_48, %cond3A_49 : i32
    scf.if %cond3A_50 {
      %mul3A_51 = arith.constant 624 : i32
      %mul3A_52 = arith.muli %arg1, %mul3A_51 : i32
      "tpu.region"() ({
        %run_scoped3A_58 = tpu.sem_alloc : memref<!tpu.dma_semaphore, #tpu.memory_space<semaphore_mem>>
        %dma_start3A_59 = arith.constant 64 : i32
        %dma_start3A_60 = tpu.memref_slice %arg5[%mul3A_52, %dma_start3A_59] : memref<10000x128xf32, #tpu.memory_space<hbm>> -> memref<624x32xf32, #tpu.memory_space<hbm>>
        %dma_start3A_61 = arith.constant 0 : i32
        %dma_start3A_62 = tpu.memref_slice %arg15[%mul3A_52, %dma_start3A_61] : memref<10000x32xf32, #tpu.memory_space<vmem_shared>> -> memref<624x32xf32, #tpu.memory_space<vmem_shared>>
        tpu.enqueue_dma source(%dma_start3A_62 : memref<624x32xf32, #tpu.memory_space<vmem_shared>>) target(%dma_start3A_60 : memref<624x32xf32, #tpu.memory_space<hbm>>) target_semaphore(%run_scoped3A_58 : memref<!tpu.dma_semaphore, #tpu.memory_space<semaphore_mem>>)
        %dma_wait3A = arith.constant 64 : i32
        %dma_wait3A_63 = tpu.memref_slice %arg5[%mul3A_52, %dma_wait3A] : memref<10000x128xf32, #tpu.memory_space<hbm>> -> memref<624x32xf32, #tpu.memory_space<hbm>>
        %dma_wait3A_64 = arith.constant 0 : i32
        %dma_wait3A_65 = tpu.memref_slice %arg15[%mul3A_52, %dma_wait3A_64] : memref<10000x32xf32, #tpu.memory_space<vmem_shared>> -> memref<624x32xf32, #tpu.memory_space<vmem_shared>>
        tpu.wait_dma2 semaphore(%run_scoped3A_58 : memref<!tpu.dma_semaphore, #tpu.memory_space<semaphore_mem>>) src(%dma_wait3A_65 : memref<624x32xf32, #tpu.memory_space<vmem_shared>>) dst(%dma_wait3A_63 : memref<624x32xf32, #tpu.memory_space<hbm>>)
        tpu.yield
      }) : () -> ()
      %eq3A_53 = arith.constant 15 : i32
      %eq3A_54 = arith.cmpi eq, %arg1, %eq3A_53 : i32
      %convert_element_type3A_55 = arith.extui %eq3A_54 : i1 to i32
      %cond3A_56 = arith.constant 0 : i32
      %cond3A_57 = arith.cmpi ne, %convert_element_type3A_55, %cond3A_56 : i32
      scf.if %cond3A_57 {
        "tpu.region"() ({
          %run_scoped3A_58 = tpu.sem_alloc : memref<!tpu.dma_semaphore, #tpu.memory_space<semaphore_mem>>
          %dma_start3A_59 = arith.constant 9984 : i32
          %dma_start3A_60 = arith.constant 64 : i32
          %dma_start3A_61 = tpu.memref_slice %arg5[%dma_start3A_59, %dma_start3A_60] : memref<10000x128xf32, #tpu.memory_space<hbm>> -> memref<16x32xf32, #tpu.memory_space<hbm>>
          %dma_start3A_62 = arith.constant 9984 : i32
          %dma_start3A_63 = arith.constant 0 : i32
          %dma_start3A_64 = tpu.memref_slice %arg15[%dma_start3A_62, %dma_start3A_63] : memref<10000x32xf32, #tpu.memory_space<vmem_shared>> -> memref<16x32xf32, #tpu.memory_space<vmem_shared>>
          tpu.enqueue_dma source(%dma_start3A_64 : memref<16x32xf32, #tpu.memory_space<vmem_shared>>) target(%dma_start3A_61 : memref<16x32xf32, #tpu.memory_space<hbm>>) target_semaphore(%run_scoped3A_58 : memref<!tpu.dma_semaphore, #tpu.memory_space<semaphore_mem>>)
          %dma_wait3A = arith.constant 9984 : i32
          %dma_wait3A_65 = arith.constant 64 : i32
          %dma_wait3A_66 = tpu.memref_slice %arg5[%dma_wait3A, %dma_wait3A_65] : memref<10000x128xf32, #tpu.memory_space<hbm>> -> memref<16x32xf32, #tpu.memory_space<hbm>>
          %dma_wait3A_67 = arith.constant 9984 : i32
          %dma_wait3A_68 = arith.constant 0 : i32
          %dma_wait3A_69 = tpu.memref_slice %arg15[%dma_wait3A_67, %dma_wait3A_68] : memref<10000x32xf32, #tpu.memory_space<vmem_shared>> -> memref<16x32xf32, #tpu.memory_space<vmem_shared>>
          tpu.wait_dma2 semaphore(%run_scoped3A_58 : memref<!tpu.dma_semaphore, #tpu.memory_space<semaphore_mem>>) src(%dma_wait3A_69 : memref<16x32xf32, #tpu.memory_space<vmem_shared>>) dst(%dma_wait3A_66 : memref<16x32xf32, #tpu.memory_space<hbm>>)
          tpu.yield
        }) : () -> ()
      } else {
      }
    } else {
    }
    return
  }
}

#map = affine_map<(d0, d1) -> (0, 0)>
module attributes {stable_mosaic.version = 14 : i64} {
  func.func @body_fn(%arg0: i32, %arg1: i32, %arg2: memref<10000x16xf32, #tpu.memory_space<hbm>>, %arg3: memref<2x320000xi32, #tpu.memory_space<hbm>>, %arg4: memref<10000x16xf32, #tpu.memory_space<hbm>>, %arg5: memref<10000x128xf32, #tpu.memory_space<hbm>>, %arg6: memref<10000xi32, #tpu.memory_space<vmem>>, %arg7: memref<1000xi32, #tpu.memory_space<vmem>>, %arg8: memref<1000xi32, #tpu.memory_space<vmem>>, %arg9: memref<1000xi32, #tpu.memory_space<vmem>>, %arg10: memref<1000xi32, #tpu.memory_space<vmem>>, %arg11: memref<1000x16xf32, #tpu.memory_space<vmem>>, %arg12: memref<1000x16xf32, #tpu.memory_space<vmem>>, %arg13: memref<1000x16xf32, #tpu.memory_space<vmem>>, %arg14: memref<1000x16xf32, #tpu.memory_space<vmem>>, %arg15: memref<10000x16xf32, #tpu.memory_space<vmem_shared>>, %arg16: memref<!tpu.dma_semaphore, #tpu.memory_space<semaphore_mem>>, %arg17: memref<!tpu.dma_semaphore, #tpu.memory_space<semaphore_mem>>, %arg18: memref<!tpu.dma_semaphore, #tpu.memory_space<semaphore_mem>>, %arg19: memref<!tpu.dma_semaphore, #tpu.memory_space<semaphore_mem>>, %arg20: memref<!tpu.dma_semaphore, #tpu.memory_space<semaphore_mem>>, %arg21: memref<!tpu.dma_semaphore, #tpu.memory_space<semaphore_mem>>, %arg22: memref<!tpu.dma_semaphore, #tpu.memory_space<semaphore_mem>>, %arg23: memref<!tpu.dma_semaphore, #tpu.memory_space<semaphore_mem>>) attributes {dimension_semantics = [#tpu.dimension_semantics<core_parallel>, #tpu.dimension_semantics<subcore_parallel>], iteration_bounds = array<i64: 2, 16>, scalar_prefetch = 0 : i64, scratch_operands = 18 : i64, tpu.core_type = #tpu.core_type<sc_vector_subcore>, window_params = [{transform_indices = #map}, {transform_indices = #map}, {transform_indices = #map}, {transform_indices = #map}]} {
    %mul3A = arith.constant 16 : i32
    %mul3A_0 = arith.muli %arg0, %mul3A : i32
    %add3A = arith.addi %mul3A_0, %arg1 : i32
    %mul3A_1 = arith.constant 10000 : i32
    %mul3A_2 = arith.muli %add3A, %mul3A_1 : i32
    %run_scoped3A = arith.constant 0 : i32
    "tpu.region"() ({
      %run_scoped3A_51 = tpu.sem_alloc : memref<!tpu.dma_semaphore, #tpu.memory_space<semaphore_mem>>
      %dma_start3A_52 = tpu.memref_slice %arg3[%run_scoped3A, %mul3A_2] : memref<2x320000xi32, #tpu.memory_space<hbm>> -> memref<1x10000xi32, #tpu.memory_space<hbm>>
      %dma_start3A_53 = tpu.memref_squeeze %dma_start3A_52 : memref<1x10000xi32, #tpu.memory_space<hbm>> -> memref<10000xi32, #tpu.memory_space<hbm>>
      %dma_start3A_54 = tpu.memref_slice %arg3[%run_scoped3A, %mul3A_2] : memref<2x320000xi32, #tpu.memory_space<hbm>> -> memref<1x10000xi32, #tpu.memory_space<hbm>>
      %dma_start3A_55 = tpu.memref_squeeze %dma_start3A_54 : memref<1x10000xi32, #tpu.memory_space<hbm>> -> memref<10000xi32, #tpu.memory_space<hbm>>
      tpu.enqueue_dma source(%dma_start3A_55 : memref<10000xi32, #tpu.memory_space<hbm>>) target(%arg6 : memref<10000xi32, #tpu.memory_space<vmem>>) target_semaphore(%run_scoped3A_51 : memref<!tpu.dma_semaphore, #tpu.memory_space<semaphore_mem>>)
      %dma_wait3A = tpu.memref_slice %arg3[%run_scoped3A, %mul3A_2] : memref<2x320000xi32, #tpu.memory_space<hbm>> -> memref<1x10000xi32, #tpu.memory_space<hbm>>
      %dma_wait3A_56 = tpu.memref_squeeze %dma_wait3A : memref<1x10000xi32, #tpu.memory_space<hbm>> -> memref<10000xi32, #tpu.memory_space<hbm>>
      %dma_wait3A_57 = tpu.memref_slice %arg3[%run_scoped3A, %mul3A_2] : memref<2x320000xi32, #tpu.memory_space<hbm>> -> memref<1x10000xi32, #tpu.memory_space<hbm>>
      %dma_wait3A_58 = tpu.memref_squeeze %dma_wait3A_57 : memref<1x10000xi32, #tpu.memory_space<hbm>> -> memref<10000xi32, #tpu.memory_space<hbm>>
      tpu.wait_dma2 semaphore(%run_scoped3A_51 : memref<!tpu.dma_semaphore, #tpu.memory_space<semaphore_mem>>) src(%dma_wait3A_58 : memref<10000xi32, #tpu.memory_space<hbm>>) dst(%arg6 : memref<10000xi32, #tpu.memory_space<vmem>>)
      tpu.yield
    }) : () -> ()
    %eq3A = arith.constant 0 : i32
    %eq3A_3 = arith.cmpi eq, %arg0, %eq3A : i32
    %convert_element_type3A = arith.extui %eq3A_3 : i1 to i32
    %cond3A = arith.constant 0 : i32
    %cond3A_4 = arith.cmpi ne, %convert_element_type3A, %cond3A : i32
    scf.if %cond3A_4 {
      %mul3A_51 = arith.constant 624 : i32
      %mul3A_52 = arith.muli %arg1, %mul3A_51 : i32
      "tpu.region"() ({
        %run_scoped3A_58 = tpu.sem_alloc : memref<!tpu.dma_semaphore, #tpu.memory_space<semaphore_mem>>
        %dma_start3A_59 = arith.constant 0 : i32
        %dma_start3A_60 = tpu.memref_slice %arg15[%mul3A_52, %dma_start3A_59] : memref<10000x16xf32, #tpu.memory_space<vmem_shared>> -> memref<624x16xf32, #tpu.memory_space<vmem_shared>>
        %dma_start3A_61 = arith.constant 0 : i32
        %dma_start3A_62 = tpu.memref_slice %arg2[%mul3A_52, %dma_start3A_61] : memref<10000x16xf32, #tpu.memory_space<hbm>> -> memref<624x16xf32, #tpu.memory_space<hbm>>
        tpu.enqueue_dma source(%dma_start3A_62 : memref<624x16xf32, #tpu.memory_space<hbm>>) target(%dma_start3A_60 : memref<624x16xf32, #tpu.memory_space<vmem_shared>>) target_semaphore(%run_scoped3A_58 : memref<!tpu.dma_semaphore, #tpu.memory_space<semaphore_mem>>)
        %dma_wait3A = arith.constant 0 : i32
        %dma_wait3A_63 = tpu.memref_slice %arg15[%mul3A_52, %dma_wait3A] : memref<10000x16xf32, #tpu.memory_space<vmem_shared>> -> memref<624x16xf32, #tpu.memory_space<vmem_shared>>
        %dma_wait3A_64 = arith.constant 0 : i32
        %dma_wait3A_65 = tpu.memref_slice %arg2[%mul3A_52, %dma_wait3A_64] : memref<10000x16xf32, #tpu.memory_space<hbm>> -> memref<624x16xf32, #tpu.memory_space<hbm>>
        tpu.wait_dma2 semaphore(%run_scoped3A_58 : memref<!tpu.dma_semaphore, #tpu.memory_space<semaphore_mem>>) src(%dma_wait3A_65 : memref<624x16xf32, #tpu.memory_space<hbm>>) dst(%dma_wait3A_63 : memref<624x16xf32, #tpu.memory_space<vmem_shared>>)
        tpu.yield
      }) : () -> ()
      %eq3A_53 = arith.constant 15 : i32
      %eq3A_54 = arith.cmpi eq, %arg1, %eq3A_53 : i32
      %convert_element_type3A_55 = arith.extui %eq3A_54 : i1 to i32
      %cond3A_56 = arith.constant 0 : i32
      %cond3A_57 = arith.cmpi ne, %convert_element_type3A_55, %cond3A_56 : i32
      scf.if %cond3A_57 {
        "tpu.region"() ({
          %run_scoped3A_58 = tpu.sem_alloc : memref<!tpu.dma_semaphore, #tpu.memory_space<semaphore_mem>>
          %dma_start3A_59 = arith.constant 9984 : i32
          %dma_start3A_60 = arith.constant 0 : i32
          %dma_start3A_61 = tpu.memref_slice %arg15[%dma_start3A_59, %dma_start3A_60] : memref<10000x16xf32, #tpu.memory_space<vmem_shared>> -> memref<16x16xf32, #tpu.memory_space<vmem_shared>>
          %dma_start3A_62 = arith.constant 9984 : i32
          %dma_start3A_63 = arith.constant 0 : i32
          %dma_start3A_64 = tpu.memref_slice %arg2[%dma_start3A_62, %dma_start3A_63] : memref<10000x16xf32, #tpu.memory_space<hbm>> -> memref<16x16xf32, #tpu.memory_space<hbm>>
          tpu.enqueue_dma source(%dma_start3A_64 : memref<16x16xf32, #tpu.memory_space<hbm>>) target(%dma_start3A_61 : memref<16x16xf32, #tpu.memory_space<vmem_shared>>) target_semaphore(%run_scoped3A_58 : memref<!tpu.dma_semaphore, #tpu.memory_space<semaphore_mem>>)
          %dma_wait3A = arith.constant 9984 : i32
          %dma_wait3A_65 = arith.constant 0 : i32
          %dma_wait3A_66 = tpu.memref_slice %arg15[%dma_wait3A, %dma_wait3A_65] : memref<10000x16xf32, #tpu.memory_space<vmem_shared>> -> memref<16x16xf32, #tpu.memory_space<vmem_shared>>
          %dma_wait3A_67 = arith.constant 9984 : i32
          %dma_wait3A_68 = arith.constant 0 : i32
          %dma_wait3A_69 = tpu.memref_slice %arg2[%dma_wait3A_67, %dma_wait3A_68] : memref<10000x16xf32, #tpu.memory_space<hbm>> -> memref<16x16xf32, #tpu.memory_space<hbm>>
          tpu.wait_dma2 semaphore(%run_scoped3A_58 : memref<!tpu.dma_semaphore, #tpu.memory_space<semaphore_mem>>) src(%dma_wait3A_69 : memref<16x16xf32, #tpu.memory_space<hbm>>) dst(%dma_wait3A_66 : memref<16x16xf32, #tpu.memory_space<vmem_shared>>)
          tpu.yield
        }) : () -> ()
      } else {
      }
    } else {
    }
    %ne3A = arith.constant 0 : i32
    %ne3A_5 = arith.cmpi ne, %arg0, %ne3A : i32
    %convert_element_type3A_6 = arith.extui %ne3A_5 : i1 to i32
    %cond3A_7 = arith.constant 0 : i32
    %cond3A_8 = arith.cmpi ne, %convert_element_type3A_6, %cond3A_7 : i32
    scf.if %cond3A_8 {
      %mul3A_51 = arith.constant 624 : i32
      %mul3A_52 = arith.muli %arg1, %mul3A_51 : i32
      "tpu.region"() ({
        %run_scoped3A_58 = tpu.sem_alloc : memref<!tpu.dma_semaphore, #tpu.memory_space<semaphore_mem>>
        %dma_start3A_59 = arith.constant 0 : i32
        %dma_start3A_60 = tpu.memref_slice %arg15[%mul3A_52, %dma_start3A_59] : memref<10000x16xf32, #tpu.memory_space<vmem_shared>> -> memref<624x16xf32, #tpu.memory_space<vmem_shared>>
        %dma_start3A_61 = arith.constant 0 : i32
        %dma_start3A_62 = tpu.memref_slice %arg4[%mul3A_52, %dma_start3A_61] : memref<10000x16xf32, #tpu.memory_space<hbm>> -> memref<624x16xf32, #tpu.memory_space<hbm>>
        tpu.enqueue_dma source(%dma_start3A_62 : memref<624x16xf32, #tpu.memory_space<hbm>>) target(%dma_start3A_60 : memref<624x16xf32, #tpu.memory_space<vmem_shared>>) target_semaphore(%run_scoped3A_58 : memref<!tpu.dma_semaphore, #tpu.memory_space<semaphore_mem>>)
        %dma_wait3A = arith.constant 0 : i32
        %dma_wait3A_63 = tpu.memref_slice %arg15[%mul3A_52, %dma_wait3A] : memref<10000x16xf32, #tpu.memory_space<vmem_shared>> -> memref<624x16xf32, #tpu.memory_space<vmem_shared>>
        %dma_wait3A_64 = arith.constant 0 : i32
        %dma_wait3A_65 = tpu.memref_slice %arg4[%mul3A_52, %dma_wait3A_64] : memref<10000x16xf32, #tpu.memory_space<hbm>> -> memref<624x16xf32, #tpu.memory_space<hbm>>
        tpu.wait_dma2 semaphore(%run_scoped3A_58 : memref<!tpu.dma_semaphore, #tpu.memory_space<semaphore_mem>>) src(%dma_wait3A_65 : memref<624x16xf32, #tpu.memory_space<hbm>>) dst(%dma_wait3A_63 : memref<624x16xf32, #tpu.memory_space<vmem_shared>>)
        tpu.yield
      }) : () -> ()
      %eq3A_53 = arith.constant 15 : i32
      %eq3A_54 = arith.cmpi eq, %arg1, %eq3A_53 : i32
      %convert_element_type3A_55 = arith.extui %eq3A_54 : i1 to i32
      %cond3A_56 = arith.constant 0 : i32
      %cond3A_57 = arith.cmpi ne, %convert_element_type3A_55, %cond3A_56 : i32
      scf.if %cond3A_57 {
        "tpu.region"() ({
          %run_scoped3A_58 = tpu.sem_alloc : memref<!tpu.dma_semaphore, #tpu.memory_space<semaphore_mem>>
          %dma_start3A_59 = arith.constant 9984 : i32
          %dma_start3A_60 = arith.constant 0 : i32
          %dma_start3A_61 = tpu.memref_slice %arg15[%dma_start3A_59, %dma_start3A_60] : memref<10000x16xf32, #tpu.memory_space<vmem_shared>> -> memref<16x16xf32, #tpu.memory_space<vmem_shared>>
          %dma_start3A_62 = arith.constant 9984 : i32
          %dma_start3A_63 = arith.constant 0 : i32
          %dma_start3A_64 = tpu.memref_slice %arg4[%dma_start3A_62, %dma_start3A_63] : memref<10000x16xf32, #tpu.memory_space<hbm>> -> memref<16x16xf32, #tpu.memory_space<hbm>>
          tpu.enqueue_dma source(%dma_start3A_64 : memref<16x16xf32, #tpu.memory_space<hbm>>) target(%dma_start3A_61 : memref<16x16xf32, #tpu.memory_space<vmem_shared>>) target_semaphore(%run_scoped3A_58 : memref<!tpu.dma_semaphore, #tpu.memory_space<semaphore_mem>>)
          %dma_wait3A = arith.constant 9984 : i32
          %dma_wait3A_65 = arith.constant 0 : i32
          %dma_wait3A_66 = tpu.memref_slice %arg15[%dma_wait3A, %dma_wait3A_65] : memref<10000x16xf32, #tpu.memory_space<vmem_shared>> -> memref<16x16xf32, #tpu.memory_space<vmem_shared>>
          %dma_wait3A_67 = arith.constant 9984 : i32
          %dma_wait3A_68 = arith.constant 0 : i32
          %dma_wait3A_69 = tpu.memref_slice %arg4[%dma_wait3A_67, %dma_wait3A_68] : memref<10000x16xf32, #tpu.memory_space<hbm>> -> memref<16x16xf32, #tpu.memory_space<hbm>>
          tpu.wait_dma2 semaphore(%run_scoped3A_58 : memref<!tpu.dma_semaphore, #tpu.memory_space<semaphore_mem>>) src(%dma_wait3A_69 : memref<16x16xf32, #tpu.memory_space<hbm>>) dst(%dma_wait3A_66 : memref<16x16xf32, #tpu.memory_space<vmem_shared>>)
          tpu.yield
        }) : () -> ()
      } else {
      }
    } else {
    }
    %barrier3A = arith.constant 0 : index
    tpu.barrier barrier_id(%barrier3A)
    %add3A_9 = arith.constant 0 : i32
    %add3A_10 = arith.addi %mul3A_2, %add3A_9 : i32
    %multiple_of3A = tpu.assume_multiple %add3A_10, 8 : i32
    %dma_start3A = arith.constant 1 : i32
    %dma_start3A_11 = tpu.memref_slice %arg3[%dma_start3A, %multiple_of3A] : memref<2x320000xi32, #tpu.memory_space<hbm>> -> memref<1x1000xi32, #tpu.memory_space<hbm>>
    %dma_start3A_12 = tpu.memref_squeeze %dma_start3A_11 : memref<1x1000xi32, #tpu.memory_space<hbm>> -> memref<1000xi32, #tpu.memory_space<hbm>>
    %dma_start3A_13 = tpu.memref_slice %arg3[%dma_start3A, %multiple_of3A] : memref<2x320000xi32, #tpu.memory_space<hbm>> -> memref<1x1000xi32, #tpu.memory_space<hbm>>
    %dma_start3A_14 = tpu.memref_squeeze %dma_start3A_13 : memref<1x1000xi32, #tpu.memory_space<hbm>> -> memref<1000xi32, #tpu.memory_space<hbm>>
    tpu.enqueue_dma source(%dma_start3A_14 : memref<1000xi32, #tpu.memory_space<hbm>>) target(%arg7 : memref<1000xi32, #tpu.memory_space<vmem>>) target_semaphore(%arg16 : memref<!tpu.dma_semaphore, #tpu.memory_space<semaphore_mem>>)
    %multiple_of3A_15 = arith.constant 0 : i32
    %multiple_of3A_16 = tpu.assume_multiple %multiple_of3A_15, 8 : i32
    %dma_start3A_17 = tpu.memref_slice %arg6[%multiple_of3A_16] : memref<10000xi32, #tpu.memory_space<vmem>> -> memref<1000xi32, #tpu.memory_space<vmem>>
    %dma_start3A_18 = arith.constant 0 : i32
    %dma_start3A_19 = arith.constant 0 : i32
    %dma_start3A_20 = tpu.memref_slice %arg2[%dma_start3A_18, %dma_start3A_19] : memref<10000x16xf32, #tpu.memory_space<hbm>> -> memref<10000x16xf32, #tpu.memory_space<hbm>>
    tpu.enqueue_indirect_dma source(%dma_start3A_20 : memref<10000x16xf32, #tpu.memory_space<hbm>>) target(%arg11 : memref<1000x16xf32, #tpu.memory_space<vmem>>) offsets(%dma_start3A_17 : memref<1000xi32, #tpu.memory_space<vmem>>) semaphore(%arg16 : memref<!tpu.dma_semaphore, #tpu.memory_space<semaphore_mem>>)
    %add3A_21 = arith.constant 1000 : i32
    %add3A_22 = arith.addi %mul3A_2, %add3A_21 : i32
    %multiple_of3A_23 = tpu.assume_multiple %add3A_22, 8 : i32
    %dma_start3A_24 = arith.constant 1 : i32
    %dma_start3A_25 = tpu.memref_slice %arg3[%dma_start3A_24, %multiple_of3A_23] : memref<2x320000xi32, #tpu.memory_space<hbm>> -> memref<1x1000xi32, #tpu.memory_space<hbm>>
    %dma_start3A_26 = tpu.memref_squeeze %dma_start3A_25 : memref<1x1000xi32, #tpu.memory_space<hbm>> -> memref<1000xi32, #tpu.memory_space<hbm>>
    %dma_start3A_27 = tpu.memref_slice %arg3[%dma_start3A_24, %multiple_of3A_23] : memref<2x320000xi32, #tpu.memory_space<hbm>> -> memref<1x1000xi32, #tpu.memory_space<hbm>>
    %dma_start3A_28 = tpu.memref_squeeze %dma_start3A_27 : memref<1x1000xi32, #tpu.memory_space<hbm>> -> memref<1000xi32, #tpu.memory_space<hbm>>
    tpu.enqueue_dma source(%dma_start3A_28 : memref<1000xi32, #tpu.memory_space<hbm>>) target(%arg8 : memref<1000xi32, #tpu.memory_space<vmem>>) target_semaphore(%arg17 : memref<!tpu.dma_semaphore, #tpu.memory_space<semaphore_mem>>)
    %multiple_of3A_29 = arith.constant 1000 : i32
    %multiple_of3A_30 = tpu.assume_multiple %multiple_of3A_29, 8 : i32
    %dma_start3A_31 = tpu.memref_slice %arg6[%multiple_of3A_30] : memref<10000xi32, #tpu.memory_space<vmem>> -> memref<1000xi32, #tpu.memory_space<vmem>>
    %dma_start3A_32 = arith.constant 0 : i32
    %dma_start3A_33 = arith.constant 0 : i32
    %dma_start3A_34 = tpu.memref_slice %arg2[%dma_start3A_32, %dma_start3A_33] : memref<10000x16xf32, #tpu.memory_space<hbm>> -> memref<10000x16xf32, #tpu.memory_space<hbm>>
    tpu.enqueue_indirect_dma source(%dma_start3A_34 : memref<10000x16xf32, #tpu.memory_space<hbm>>) target(%arg12 : memref<1000x16xf32, #tpu.memory_space<vmem>>) offsets(%dma_start3A_31 : memref<1000xi32, #tpu.memory_space<vmem>>) semaphore(%arg17 : memref<!tpu.dma_semaphore, #tpu.memory_space<semaphore_mem>>)
    %scan3A = arith.constant 0 : i32
    %scan3A_35 = arith.constant 0 : i32
    %scan3A_36 = arith.constant 10 : i32
    %scan3A_37 = arith.addi %scan3A_35, %scan3A_36 : i32
    %scan3A_38 = arith.constant 1 : i32
    scf.for %scan3A_51 = %scan3A_35 to %scan3A_37 step %scan3A_38  : i32 {
      %rem3A = arith.constant 4 : i32
      %rem3A_52 = arith.remsi %scan3A_51, %rem3A : i32
      %eq3A_53 = arith.constant 0 : i32
      %eq3A_54 = arith.cmpi eq, %rem3A_52, %eq3A_53 : i32
      %convert_element_type3A_55 = arith.extui %eq3A_54 : i1 to i32
      %cond3A_56 = arith.constant 0 : i32
      %cond3A_57 = arith.cmpi ne, %convert_element_type3A_55, %cond3A_56 : i32
      scf.if %cond3A_57 {
        %add3A_79 = arith.constant 2 : i32
        %add3A_80 = arith.addi %scan3A_51, %add3A_79 : i32
        %lt3A = arith.constant 10 : i32
        %lt3A_81 = arith.cmpi slt, %add3A_80, %lt3A : i32
        %convert_element_type3A_82 = arith.extui %lt3A_81 : i1 to i32
        %cond3A_83 = arith.constant 0 : i32
        %cond3A_84 = arith.cmpi ne, %convert_element_type3A_82, %cond3A_83 : i32
        scf.if %cond3A_84 {
          %add3A_102 = arith.constant 2 : i32
          %add3A_103 = arith.addi %scan3A_51, %add3A_102 : i32
          %mul3A_104 = arith.constant 1000 : i32
          %mul3A_105 = arith.muli %add3A_103, %mul3A_104 : i32
          %add3A_106 = arith.addi %mul3A_2, %mul3A_105 : i32
          %multiple_of3A_107 = tpu.assume_multiple %add3A_106, 8 : i32
          %dma_start3A_108 = arith.constant 1 : i32
          %dma_start3A_109 = tpu.memref_slice %arg3[%dma_start3A_108, %multiple_of3A_107] : memref<2x320000xi32, #tpu.memory_space<hbm>> -> memref<1x1000xi32, #tpu.memory_space<hbm>>
          %dma_start3A_110 = tpu.memref_squeeze %dma_start3A_109 : memref<1x1000xi32, #tpu.memory_space<hbm>> -> memref<1000xi32, #tpu.memory_space<hbm>>
          %dma_start3A_111 = tpu.memref_slice %arg3[%dma_start3A_108, %multiple_of3A_107] : memref<2x320000xi32, #tpu.memory_space<hbm>> -> memref<1x1000xi32, #tpu.memory_space<hbm>>
          %dma_start3A_112 = tpu.memref_squeeze %dma_start3A_111 : memref<1x1000xi32, #tpu.memory_space<hbm>> -> memref<1000xi32, #tpu.memory_space<hbm>>
          tpu.enqueue_dma source(%dma_start3A_112 : memref<1000xi32, #tpu.memory_space<hbm>>) target(%arg9 : memref<1000xi32, #tpu.memory_space<vmem>>) target_semaphore(%arg18 : memref<!tpu.dma_semaphore, #tpu.memory_space<semaphore_mem>>)
          %mul3A_113 = arith.constant 1000 : i32
          %mul3A_114 = arith.muli %add3A_103, %mul3A_113 : i32
          %add3A_115 = arith.constant 0 : i32
          %add3A_116 = arith.addi %add3A_115, %mul3A_114 : i32
          %multiple_of3A_117 = tpu.assume_multiple %add3A_116, 8 : i32
          %dma_start3A_118 = tpu.memref_slice %arg6[%multiple_of3A_117] : memref<10000xi32, #tpu.memory_space<vmem>> -> memref<1000xi32, #tpu.memory_space<vmem>>
          %dma_start3A_119 = arith.constant 0 : i32
          %dma_start3A_120 = arith.constant 0 : i32
          %dma_start3A_121 = tpu.memref_slice %arg2[%dma_start3A_119, %dma_start3A_120] : memref<10000x16xf32, #tpu.memory_space<hbm>> -> memref<10000x16xf32, #tpu.memory_space<hbm>>
          tpu.enqueue_indirect_dma source(%dma_start3A_121 : memref<10000x16xf32, #tpu.memory_space<hbm>>) target(%arg13 : memref<1000x16xf32, #tpu.memory_space<vmem>>) offsets(%dma_start3A_118 : memref<1000xi32, #tpu.memory_space<vmem>>) semaphore(%arg18 : memref<!tpu.dma_semaphore, #tpu.memory_space<semaphore_mem>>)
        } else {
        }
        %mul3A_85 = arith.constant 1000 : i32
        %mul3A_86 = arith.muli %scan3A_51, %mul3A_85 : i32
        %add3A_87 = arith.addi %mul3A_2, %mul3A_86 : i32
        %multiple_of3A_88 = tpu.assume_multiple %add3A_87, 8 : i32
        %dma_wait3A = arith.constant 1 : i32
        %dma_wait3A_89 = tpu.memref_slice %arg3[%dma_wait3A, %multiple_of3A_88] : memref<2x320000xi32, #tpu.memory_space<hbm>> -> memref<1x1000xi32, #tpu.memory_space<hbm>>
        %dma_wait3A_90 = tpu.memref_squeeze %dma_wait3A_89 : memref<1x1000xi32, #tpu.memory_space<hbm>> -> memref<1000xi32, #tpu.memory_space<hbm>>
        %dma_wait3A_91 = tpu.memref_slice %arg3[%dma_wait3A, %multiple_of3A_88] : memref<2x320000xi32, #tpu.memory_space<hbm>> -> memref<1x1000xi32, #tpu.memory_space<hbm>>
        %dma_wait3A_92 = tpu.memref_squeeze %dma_wait3A_91 : memref<1x1000xi32, #tpu.memory_space<hbm>> -> memref<1000xi32, #tpu.memory_space<hbm>>
        tpu.wait_dma2 semaphore(%arg16 : memref<!tpu.dma_semaphore, #tpu.memory_space<semaphore_mem>>) src(%dma_wait3A_92 : memref<1000xi32, #tpu.memory_space<hbm>>) dst(%arg7 : memref<1000xi32, #tpu.memory_space<vmem>>)
        %mul3A_93 = arith.constant 1000 : i32
        %mul3A_94 = arith.muli %scan3A_51, %mul3A_93 : i32
        %add3A_95 = arith.constant 0 : i32
        %add3A_96 = arith.addi %add3A_95, %mul3A_94 : i32
        %multiple_of3A_97 = tpu.assume_multiple %add3A_96, 8 : i32
        %dma_wait3A_98 = tpu.memref_slice %arg6[%multiple_of3A_97] : memref<10000xi32, #tpu.memory_space<vmem>> -> memref<1000xi32, #tpu.memory_space<vmem>>
        %dma_wait3A_99 = arith.constant 0 : i32
        %dma_wait3A_100 = arith.constant 0 : i32
        %dma_wait3A_101 = tpu.memref_slice %arg2[%dma_wait3A_99, %dma_wait3A_100] : memref<10000x16xf32, #tpu.memory_space<hbm>> -> memref<10000x16xf32, #tpu.memory_space<hbm>>
        tpu.wait_indirect_dma semaphore(%arg16 : memref<!tpu.dma_semaphore, #tpu.memory_space<semaphore_mem>>) src(%dma_wait3A_101 : memref<10000x16xf32, #tpu.memory_space<hbm>>) dst(%arg11 : memref<1000x16xf32, #tpu.memory_space<vmem>>)
        "tpu.region"() ({
          %run_scoped3A_102 = tpu.sem_alloc : memref<!tpu.dma_semaphore, #tpu.memory_space<semaphore_mem>>
          %dma_start3A_103 = arith.constant 0 : i32
          %dma_start3A_104 = arith.constant 0 : i32
          %dma_start3A_105 = tpu.memref_slice %arg15[%dma_start3A_103, %dma_start3A_104] : memref<10000x16xf32, #tpu.memory_space<vmem_shared>> -> memref<10000x16xf32, #tpu.memory_space<vmem_shared>>
          tpu.enqueue_indirect_dma source(%arg11 : memref<1000x16xf32, #tpu.memory_space<vmem>>) target(%dma_start3A_105 : memref<10000x16xf32, #tpu.memory_space<vmem_shared>>) offsets(%arg7 : memref<1000xi32, #tpu.memory_space<vmem>>) semaphore(%run_scoped3A_102 : memref<!tpu.dma_semaphore, #tpu.memory_space<semaphore_mem>>) {add = true}
          %dma_wait3A_106 = arith.constant 0 : i32
          %dma_wait3A_107 = arith.constant 0 : i32
          %dma_wait3A_108 = tpu.memref_slice %arg15[%dma_wait3A_106, %dma_wait3A_107] : memref<10000x16xf32, #tpu.memory_space<vmem_shared>> -> memref<10000x16xf32, #tpu.memory_space<vmem_shared>>
          tpu.wait_indirect_dma semaphore(%run_scoped3A_102 : memref<!tpu.dma_semaphore, #tpu.memory_space<semaphore_mem>>) src(%arg11 : memref<1000x16xf32, #tpu.memory_space<vmem>>) dst(%dma_wait3A_108 : memref<10000x16xf32, #tpu.memory_space<vmem_shared>>)
          tpu.yield
        }) : () -> ()
      } else {
      }
      %rem3A_58 = arith.constant 4 : i32
      %rem3A_59 = arith.remsi %scan3A_51, %rem3A_58 : i32
      %eq3A_60 = arith.constant 1 : i32
      %eq3A_61 = arith.cmpi eq, %rem3A_59, %eq3A_60 : i32
      %convert_element_type3A_62 = arith.extui %eq3A_61 : i1 to i32
      %cond3A_63 = arith.constant 0 : i32
      %cond3A_64 = arith.cmpi ne, %convert_element_type3A_62, %cond3A_63 : i32
      scf.if %cond3A_64 {
        %add3A_79 = arith.constant 2 : i32
        %add3A_80 = arith.addi %scan3A_51, %add3A_79 : i32
        %lt3A = arith.constant 10 : i32
        %lt3A_81 = arith.cmpi slt, %add3A_80, %lt3A : i32
        %convert_element_type3A_82 = arith.extui %lt3A_81 : i1 to i32
        %cond3A_83 = arith.constant 0 : i32
        %cond3A_84 = arith.cmpi ne, %convert_element_type3A_82, %cond3A_83 : i32
        scf.if %cond3A_84 {
          %add3A_102 = arith.constant 2 : i32
          %add3A_103 = arith.addi %scan3A_51, %add3A_102 : i32
          %mul3A_104 = arith.constant 1000 : i32
          %mul3A_105 = arith.muli %add3A_103, %mul3A_104 : i32
          %add3A_106 = arith.addi %mul3A_2, %mul3A_105 : i32
          %multiple_of3A_107 = tpu.assume_multiple %add3A_106, 8 : i32
          %dma_start3A_108 = arith.constant 1 : i32
          %dma_start3A_109 = tpu.memref_slice %arg3[%dma_start3A_108, %multiple_of3A_107] : memref<2x320000xi32, #tpu.memory_space<hbm>> -> memref<1x1000xi32, #tpu.memory_space<hbm>>
          %dma_start3A_110 = tpu.memref_squeeze %dma_start3A_109 : memref<1x1000xi32, #tpu.memory_space<hbm>> -> memref<1000xi32, #tpu.memory_space<hbm>>
          %dma_start3A_111 = tpu.memref_slice %arg3[%dma_start3A_108, %multiple_of3A_107] : memref<2x320000xi32, #tpu.memory_space<hbm>> -> memref<1x1000xi32, #tpu.memory_space<hbm>>
          %dma_start3A_112 = tpu.memref_squeeze %dma_start3A_111 : memref<1x1000xi32, #tpu.memory_space<hbm>> -> memref<1000xi32, #tpu.memory_space<hbm>>
          tpu.enqueue_dma source(%dma_start3A_112 : memref<1000xi32, #tpu.memory_space<hbm>>) target(%arg10 : memref<1000xi32, #tpu.memory_space<vmem>>) target_semaphore(%arg19 : memref<!tpu.dma_semaphore, #tpu.memory_space<semaphore_mem>>)
          %mul3A_113 = arith.constant 1000 : i32
          %mul3A_114 = arith.muli %add3A_103, %mul3A_113 : i32
          %add3A_115 = arith.constant 0 : i32
          %add3A_116 = arith.addi %add3A_115, %mul3A_114 : i32
          %multiple_of3A_117 = tpu.assume_multiple %add3A_116, 8 : i32
          %dma_start3A_118 = tpu.memref_slice %arg6[%multiple_of3A_117] : memref<10000xi32, #tpu.memory_space<vmem>> -> memref<1000xi32, #tpu.memory_space<vmem>>
          %dma_start3A_119 = arith.constant 0 : i32
          %dma_start3A_120 = arith.constant 0 : i32
          %dma_start3A_121 = tpu.memref_slice %arg2[%dma_start3A_119, %dma_start3A_120] : memref<10000x16xf32, #tpu.memory_space<hbm>> -> memref<10000x16xf32, #tpu.memory_space<hbm>>
          tpu.enqueue_indirect_dma source(%dma_start3A_121 : memref<10000x16xf32, #tpu.memory_space<hbm>>) target(%arg14 : memref<1000x16xf32, #tpu.memory_space<vmem>>) offsets(%dma_start3A_118 : memref<1000xi32, #tpu.memory_space<vmem>>) semaphore(%arg19 : memref<!tpu.dma_semaphore, #tpu.memory_space<semaphore_mem>>)
        } else {
        }
        %mul3A_85 = arith.constant 1000 : i32
        %mul3A_86 = arith.muli %scan3A_51, %mul3A_85 : i32
        %add3A_87 = arith.addi %mul3A_2, %mul3A_86 : i32
        %multiple_of3A_88 = tpu.assume_multiple %add3A_87, 8 : i32
        %dma_wait3A = arith.constant 1 : i32
        %dma_wait3A_89 = tpu.memref_slice %arg3[%dma_wait3A, %multiple_of3A_88] : memref<2x320000xi32, #tpu.memory_space<hbm>> -> memref<1x1000xi32, #tpu.memory_space<hbm>>
        %dma_wait3A_90 = tpu.memref_squeeze %dma_wait3A_89 : memref<1x1000xi32, #tpu.memory_space<hbm>> -> memref<1000xi32, #tpu.memory_space<hbm>>
        %dma_wait3A_91 = tpu.memref_slice %arg3[%dma_wait3A, %multiple_of3A_88] : memref<2x320000xi32, #tpu.memory_space<hbm>> -> memref<1x1000xi32, #tpu.memory_space<hbm>>
        %dma_wait3A_92 = tpu.memref_squeeze %dma_wait3A_91 : memref<1x1000xi32, #tpu.memory_space<hbm>> -> memref<1000xi32, #tpu.memory_space<hbm>>
        tpu.wait_dma2 semaphore(%arg17 : memref<!tpu.dma_semaphore, #tpu.memory_space<semaphore_mem>>) src(%dma_wait3A_92 : memref<1000xi32, #tpu.memory_space<hbm>>) dst(%arg8 : memref<1000xi32, #tpu.memory_space<vmem>>)
        %mul3A_93 = arith.constant 1000 : i32
        %mul3A_94 = arith.muli %scan3A_51, %mul3A_93 : i32
        %add3A_95 = arith.constant 0 : i32
        %add3A_96 = arith.addi %add3A_95, %mul3A_94 : i32
        %multiple_of3A_97 = tpu.assume_multiple %add3A_96, 8 : i32
        %dma_wait3A_98 = tpu.memref_slice %arg6[%multiple_of3A_97] : memref<10000xi32, #tpu.memory_space<vmem>> -> memref<1000xi32, #tpu.memory_space<vmem>>
        %dma_wait3A_99 = arith.constant 0 : i32
        %dma_wait3A_100 = arith.constant 0 : i32
        %dma_wait3A_101 = tpu.memref_slice %arg2[%dma_wait3A_99, %dma_wait3A_100] : memref<10000x16xf32, #tpu.memory_space<hbm>> -> memref<10000x16xf32, #tpu.memory_space<hbm>>
        tpu.wait_indirect_dma semaphore(%arg17 : memref<!tpu.dma_semaphore, #tpu.memory_space<semaphore_mem>>) src(%dma_wait3A_101 : memref<10000x16xf32, #tpu.memory_space<hbm>>) dst(%arg12 : memref<1000x16xf32, #tpu.memory_space<vmem>>)
        "tpu.region"() ({
          %run_scoped3A_102 = tpu.sem_alloc : memref<!tpu.dma_semaphore, #tpu.memory_space<semaphore_mem>>
          %dma_start3A_103 = arith.constant 0 : i32
          %dma_start3A_104 = arith.constant 0 : i32
          %dma_start3A_105 = tpu.memref_slice %arg15[%dma_start3A_103, %dma_start3A_104] : memref<10000x16xf32, #tpu.memory_space<vmem_shared>> -> memref<10000x16xf32, #tpu.memory_space<vmem_shared>>
          tpu.enqueue_indirect_dma source(%arg12 : memref<1000x16xf32, #tpu.memory_space<vmem>>) target(%dma_start3A_105 : memref<10000x16xf32, #tpu.memory_space<vmem_shared>>) offsets(%arg8 : memref<1000xi32, #tpu.memory_space<vmem>>) semaphore(%run_scoped3A_102 : memref<!tpu.dma_semaphore, #tpu.memory_space<semaphore_mem>>) {add = true}
          %dma_wait3A_106 = arith.constant 0 : i32
          %dma_wait3A_107 = arith.constant 0 : i32
          %dma_wait3A_108 = tpu.memref_slice %arg15[%dma_wait3A_106, %dma_wait3A_107] : memref<10000x16xf32, #tpu.memory_space<vmem_shared>> -> memref<10000x16xf32, #tpu.memory_space<vmem_shared>>
          tpu.wait_indirect_dma semaphore(%run_scoped3A_102 : memref<!tpu.dma_semaphore, #tpu.memory_space<semaphore_mem>>) src(%arg12 : memref<1000x16xf32, #tpu.memory_space<vmem>>) dst(%dma_wait3A_108 : memref<10000x16xf32, #tpu.memory_space<vmem_shared>>)
          tpu.yield
        }) : () -> ()
      } else {
      }
      %rem3A_65 = arith.constant 4 : i32
      %rem3A_66 = arith.remsi %scan3A_51, %rem3A_65 : i32
      %eq3A_67 = arith.constant 2 : i32
      %eq3A_68 = arith.cmpi eq, %rem3A_66, %eq3A_67 : i32
      %convert_element_type3A_69 = arith.extui %eq3A_68 : i1 to i32
      %cond3A_70 = arith.constant 0 : i32
      %cond3A_71 = arith.cmpi ne, %convert_element_type3A_69, %cond3A_70 : i32
      scf.if %cond3A_71 {
        %add3A_79 = arith.constant 2 : i32
        %add3A_80 = arith.addi %scan3A_51, %add3A_79 : i32
        %lt3A = arith.constant 10 : i32
        %lt3A_81 = arith.cmpi slt, %add3A_80, %lt3A : i32
        %convert_element_type3A_82 = arith.extui %lt3A_81 : i1 to i32
        %cond3A_83 = arith.constant 0 : i32
        %cond3A_84 = arith.cmpi ne, %convert_element_type3A_82, %cond3A_83 : i32
        scf.if %cond3A_84 {
          %add3A_102 = arith.constant 2 : i32
          %add3A_103 = arith.addi %scan3A_51, %add3A_102 : i32
          %mul3A_104 = arith.constant 1000 : i32
          %mul3A_105 = arith.muli %add3A_103, %mul3A_104 : i32
          %add3A_106 = arith.addi %mul3A_2, %mul3A_105 : i32
          %multiple_of3A_107 = tpu.assume_multiple %add3A_106, 8 : i32
          %dma_start3A_108 = arith.constant 1 : i32
          %dma_start3A_109 = tpu.memref_slice %arg3[%dma_start3A_108, %multiple_of3A_107] : memref<2x320000xi32, #tpu.memory_space<hbm>> -> memref<1x1000xi32, #tpu.memory_space<hbm>>
          %dma_start3A_110 = tpu.memref_squeeze %dma_start3A_109 : memref<1x1000xi32, #tpu.memory_space<hbm>> -> memref<1000xi32, #tpu.memory_space<hbm>>
          %dma_start3A_111 = tpu.memref_slice %arg3[%dma_start3A_108, %multiple_of3A_107] : memref<2x320000xi32, #tpu.memory_space<hbm>> -> memref<1x1000xi32, #tpu.memory_space<hbm>>
          %dma_start3A_112 = tpu.memref_squeeze %dma_start3A_111 : memref<1x1000xi32, #tpu.memory_space<hbm>> -> memref<1000xi32, #tpu.memory_space<hbm>>
          tpu.enqueue_dma source(%dma_start3A_112 : memref<1000xi32, #tpu.memory_space<hbm>>) target(%arg7 : memref<1000xi32, #tpu.memory_space<vmem>>) target_semaphore(%arg16 : memref<!tpu.dma_semaphore, #tpu.memory_space<semaphore_mem>>)
          %mul3A_113 = arith.constant 1000 : i32
          %mul3A_114 = arith.muli %add3A_103, %mul3A_113 : i32
          %add3A_115 = arith.constant 0 : i32
          %add3A_116 = arith.addi %add3A_115, %mul3A_114 : i32
          %multiple_of3A_117 = tpu.assume_multiple %add3A_116, 8 : i32
          %dma_start3A_118 = tpu.memref_slice %arg6[%multiple_of3A_117] : memref<10000xi32, #tpu.memory_space<vmem>> -> memref<1000xi32, #tpu.memory_space<vmem>>
          %dma_start3A_119 = arith.constant 0 : i32
          %dma_start3A_120 = arith.constant 0 : i32
          %dma_start3A_121 = tpu.memref_slice %arg2[%dma_start3A_119, %dma_start3A_120] : memref<10000x16xf32, #tpu.memory_space<hbm>> -> memref<10000x16xf32, #tpu.memory_space<hbm>>
          tpu.enqueue_indirect_dma source(%dma_start3A_121 : memref<10000x16xf32, #tpu.memory_space<hbm>>) target(%arg11 : memref<1000x16xf32, #tpu.memory_space<vmem>>) offsets(%dma_start3A_118 : memref<1000xi32, #tpu.memory_space<vmem>>) semaphore(%arg16 : memref<!tpu.dma_semaphore, #tpu.memory_space<semaphore_mem>>)
        } else {
        }
        %mul3A_85 = arith.constant 1000 : i32
        %mul3A_86 = arith.muli %scan3A_51, %mul3A_85 : i32
        %add3A_87 = arith.addi %mul3A_2, %mul3A_86 : i32
        %multiple_of3A_88 = tpu.assume_multiple %add3A_87, 8 : i32
        %dma_wait3A = arith.constant 1 : i32
        %dma_wait3A_89 = tpu.memref_slice %arg3[%dma_wait3A, %multiple_of3A_88] : memref<2x320000xi32, #tpu.memory_space<hbm>> -> memref<1x1000xi32, #tpu.memory_space<hbm>>
        %dma_wait3A_90 = tpu.memref_squeeze %dma_wait3A_89 : memref<1x1000xi32, #tpu.memory_space<hbm>> -> memref<1000xi32, #tpu.memory_space<hbm>>
        %dma_wait3A_91 = tpu.memref_slice %arg3[%dma_wait3A, %multiple_of3A_88] : memref<2x320000xi32, #tpu.memory_space<hbm>> -> memref<1x1000xi32, #tpu.memory_space<hbm>>
        %dma_wait3A_92 = tpu.memref_squeeze %dma_wait3A_91 : memref<1x1000xi32, #tpu.memory_space<hbm>> -> memref<1000xi32, #tpu.memory_space<hbm>>
        tpu.wait_dma2 semaphore(%arg18 : memref<!tpu.dma_semaphore, #tpu.memory_space<semaphore_mem>>) src(%dma_wait3A_92 : memref<1000xi32, #tpu.memory_space<hbm>>) dst(%arg9 : memref<1000xi32, #tpu.memory_space<vmem>>)
        %mul3A_93 = arith.constant 1000 : i32
        %mul3A_94 = arith.muli %scan3A_51, %mul3A_93 : i32
        %add3A_95 = arith.constant 0 : i32
        %add3A_96 = arith.addi %add3A_95, %mul3A_94 : i32
        %multiple_of3A_97 = tpu.assume_multiple %add3A_96, 8 : i32
        %dma_wait3A_98 = tpu.memref_slice %arg6[%multiple_of3A_97] : memref<10000xi32, #tpu.memory_space<vmem>> -> memref<1000xi32, #tpu.memory_space<vmem>>
        %dma_wait3A_99 = arith.constant 0 : i32
        %dma_wait3A_100 = arith.constant 0 : i32
        %dma_wait3A_101 = tpu.memref_slice %arg2[%dma_wait3A_99, %dma_wait3A_100] : memref<10000x16xf32, #tpu.memory_space<hbm>> -> memref<10000x16xf32, #tpu.memory_space<hbm>>
        tpu.wait_indirect_dma semaphore(%arg18 : memref<!tpu.dma_semaphore, #tpu.memory_space<semaphore_mem>>) src(%dma_wait3A_101 : memref<10000x16xf32, #tpu.memory_space<hbm>>) dst(%arg13 : memref<1000x16xf32, #tpu.memory_space<vmem>>)
        "tpu.region"() ({
          %run_scoped3A_102 = tpu.sem_alloc : memref<!tpu.dma_semaphore, #tpu.memory_space<semaphore_mem>>
          %dma_start3A_103 = arith.constant 0 : i32
          %dma_start3A_104 = arith.constant 0 : i32
          %dma_start3A_105 = tpu.memref_slice %arg15[%dma_start3A_103, %dma_start3A_104] : memref<10000x16xf32, #tpu.memory_space<vmem_shared>> -> memref<10000x16xf32, #tpu.memory_space<vmem_shared>>
          tpu.enqueue_indirect_dma source(%arg13 : memref<1000x16xf32, #tpu.memory_space<vmem>>) target(%dma_start3A_105 : memref<10000x16xf32, #tpu.memory_space<vmem_shared>>) offsets(%arg9 : memref<1000xi32, #tpu.memory_space<vmem>>) semaphore(%run_scoped3A_102 : memref<!tpu.dma_semaphore, #tpu.memory_space<semaphore_mem>>) {add = true}
          %dma_wait3A_106 = arith.constant 0 : i32
          %dma_wait3A_107 = arith.constant 0 : i32
          %dma_wait3A_108 = tpu.memref_slice %arg15[%dma_wait3A_106, %dma_wait3A_107] : memref<10000x16xf32, #tpu.memory_space<vmem_shared>> -> memref<10000x16xf32, #tpu.memory_space<vmem_shared>>
          tpu.wait_indirect_dma semaphore(%run_scoped3A_102 : memref<!tpu.dma_semaphore, #tpu.memory_space<semaphore_mem>>) src(%arg13 : memref<1000x16xf32, #tpu.memory_space<vmem>>) dst(%dma_wait3A_108 : memref<10000x16xf32, #tpu.memory_space<vmem_shared>>)
          tpu.yield
        }) : () -> ()
      } else {
      }
      %rem3A_72 = arith.constant 4 : i32
      %rem3A_73 = arith.remsi %scan3A_51, %rem3A_72 : i32
      %eq3A_74 = arith.constant 3 : i32
      %eq3A_75 = arith.cmpi eq, %rem3A_73, %eq3A_74 : i32
      %convert_element_type3A_76 = arith.extui %eq3A_75 : i1 to i32
      %cond3A_77 = arith.constant 0 : i32
      %cond3A_78 = arith.cmpi ne, %convert_element_type3A_76, %cond3A_77 : i32
      scf.if %cond3A_78 {
        %add3A_79 = arith.constant 2 : i32
        %add3A_80 = arith.addi %scan3A_51, %add3A_79 : i32
        %lt3A = arith.constant 10 : i32
        %lt3A_81 = arith.cmpi slt, %add3A_80, %lt3A : i32
        %convert_element_type3A_82 = arith.extui %lt3A_81 : i1 to i32
        %cond3A_83 = arith.constant 0 : i32
        %cond3A_84 = arith.cmpi ne, %convert_element_type3A_82, %cond3A_83 : i32
        scf.if %cond3A_84 {
          %add3A_102 = arith.constant 2 : i32
          %add3A_103 = arith.addi %scan3A_51, %add3A_102 : i32
          %mul3A_104 = arith.constant 1000 : i32
          %mul3A_105 = arith.muli %add3A_103, %mul3A_104 : i32
          %add3A_106 = arith.addi %mul3A_2, %mul3A_105 : i32
          %multiple_of3A_107 = tpu.assume_multiple %add3A_106, 8 : i32
          %dma_start3A_108 = arith.constant 1 : i32
          %dma_start3A_109 = tpu.memref_slice %arg3[%dma_start3A_108, %multiple_of3A_107] : memref<2x320000xi32, #tpu.memory_space<hbm>> -> memref<1x1000xi32, #tpu.memory_space<hbm>>
          %dma_start3A_110 = tpu.memref_squeeze %dma_start3A_109 : memref<1x1000xi32, #tpu.memory_space<hbm>> -> memref<1000xi32, #tpu.memory_space<hbm>>
          %dma_start3A_111 = tpu.memref_slice %arg3[%dma_start3A_108, %multiple_of3A_107] : memref<2x320000xi32, #tpu.memory_space<hbm>> -> memref<1x1000xi32, #tpu.memory_space<hbm>>
          %dma_start3A_112 = tpu.memref_squeeze %dma_start3A_111 : memref<1x1000xi32, #tpu.memory_space<hbm>> -> memref<1000xi32, #tpu.memory_space<hbm>>
          tpu.enqueue_dma source(%dma_start3A_112 : memref<1000xi32, #tpu.memory_space<hbm>>) target(%arg8 : memref<1000xi32, #tpu.memory_space<vmem>>) target_semaphore(%arg17 : memref<!tpu.dma_semaphore, #tpu.memory_space<semaphore_mem>>)
          %mul3A_113 = arith.constant 1000 : i32
          %mul3A_114 = arith.muli %add3A_103, %mul3A_113 : i32
          %add3A_115 = arith.constant 0 : i32
          %add3A_116 = arith.addi %add3A_115, %mul3A_114 : i32
          %multiple_of3A_117 = tpu.assume_multiple %add3A_116, 8 : i32
          %dma_start3A_118 = tpu.memref_slice %arg6[%multiple_of3A_117] : memref<10000xi32, #tpu.memory_space<vmem>> -> memref<1000xi32, #tpu.memory_space<vmem>>
          %dma_start3A_119 = arith.constant 0 : i32
          %dma_start3A_120 = arith.constant 0 : i32
          %dma_start3A_121 = tpu.memref_slice %arg2[%dma_start3A_119, %dma_start3A_120] : memref<10000x16xf32, #tpu.memory_space<hbm>> -> memref<10000x16xf32, #tpu.memory_space<hbm>>
          tpu.enqueue_indirect_dma source(%dma_start3A_121 : memref<10000x16xf32, #tpu.memory_space<hbm>>) target(%arg12 : memref<1000x16xf32, #tpu.memory_space<vmem>>) offsets(%dma_start3A_118 : memref<1000xi32, #tpu.memory_space<vmem>>) semaphore(%arg17 : memref<!tpu.dma_semaphore, #tpu.memory_space<semaphore_mem>>)
        } else {
        }
        %mul3A_85 = arith.constant 1000 : i32
        %mul3A_86 = arith.muli %scan3A_51, %mul3A_85 : i32
        %add3A_87 = arith.addi %mul3A_2, %mul3A_86 : i32
        %multiple_of3A_88 = tpu.assume_multiple %add3A_87, 8 : i32
        %dma_wait3A = arith.constant 1 : i32
        %dma_wait3A_89 = tpu.memref_slice %arg3[%dma_wait3A, %multiple_of3A_88] : memref<2x320000xi32, #tpu.memory_space<hbm>> -> memref<1x1000xi32, #tpu.memory_space<hbm>>
        %dma_wait3A_90 = tpu.memref_squeeze %dma_wait3A_89 : memref<1x1000xi32, #tpu.memory_space<hbm>> -> memref<1000xi32, #tpu.memory_space<hbm>>
        %dma_wait3A_91 = tpu.memref_slice %arg3[%dma_wait3A, %multiple_of3A_88] : memref<2x320000xi32, #tpu.memory_space<hbm>> -> memref<1x1000xi32, #tpu.memory_space<hbm>>
        %dma_wait3A_92 = tpu.memref_squeeze %dma_wait3A_91 : memref<1x1000xi32, #tpu.memory_space<hbm>> -> memref<1000xi32, #tpu.memory_space<hbm>>
        tpu.wait_dma2 semaphore(%arg19 : memref<!tpu.dma_semaphore, #tpu.memory_space<semaphore_mem>>) src(%dma_wait3A_92 : memref<1000xi32, #tpu.memory_space<hbm>>) dst(%arg10 : memref<1000xi32, #tpu.memory_space<vmem>>)
        %mul3A_93 = arith.constant 1000 : i32
        %mul3A_94 = arith.muli %scan3A_51, %mul3A_93 : i32
        %add3A_95 = arith.constant 0 : i32
        %add3A_96 = arith.addi %add3A_95, %mul3A_94 : i32
        %multiple_of3A_97 = tpu.assume_multiple %add3A_96, 8 : i32
        %dma_wait3A_98 = tpu.memref_slice %arg6[%multiple_of3A_97] : memref<10000xi32, #tpu.memory_space<vmem>> -> memref<1000xi32, #tpu.memory_space<vmem>>
        %dma_wait3A_99 = arith.constant 0 : i32
        %dma_wait3A_100 = arith.constant 0 : i32
        %dma_wait3A_101 = tpu.memref_slice %arg2[%dma_wait3A_99, %dma_wait3A_100] : memref<10000x16xf32, #tpu.memory_space<hbm>> -> memref<10000x16xf32, #tpu.memory_space<hbm>>
        tpu.wait_indirect_dma semaphore(%arg19 : memref<!tpu.dma_semaphore, #tpu.memory_space<semaphore_mem>>) src(%dma_wait3A_101 : memref<10000x16xf32, #tpu.memory_space<hbm>>) dst(%arg14 : memref<1000x16xf32, #tpu.memory_space<vmem>>)
        "tpu.region"() ({
          %run_scoped3A_102 = tpu.sem_alloc : memref<!tpu.dma_semaphore, #tpu.memory_space<semaphore_mem>>
          %dma_start3A_103 = arith.constant 0 : i32
          %dma_start3A_104 = arith.constant 0 : i32
          %dma_start3A_105 = tpu.memref_slice %arg15[%dma_start3A_103, %dma_start3A_104] : memref<10000x16xf32, #tpu.memory_space<vmem_shared>> -> memref<10000x16xf32, #tpu.memory_space<vmem_shared>>
          tpu.enqueue_indirect_dma source(%arg14 : memref<1000x16xf32, #tpu.memory_space<vmem>>) target(%dma_start3A_105 : memref<10000x16xf32, #tpu.memory_space<vmem_shared>>) offsets(%arg10 : memref<1000xi32, #tpu.memory_space<vmem>>) semaphore(%run_scoped3A_102 : memref<!tpu.dma_semaphore, #tpu.memory_space<semaphore_mem>>) {add = true}
          %dma_wait3A_106 = arith.constant 0 : i32
          %dma_wait3A_107 = arith.constant 0 : i32
          %dma_wait3A_108 = tpu.memref_slice %arg15[%dma_wait3A_106, %dma_wait3A_107] : memref<10000x16xf32, #tpu.memory_space<vmem_shared>> -> memref<10000x16xf32, #tpu.memory_space<vmem_shared>>
          tpu.wait_indirect_dma semaphore(%run_scoped3A_102 : memref<!tpu.dma_semaphore, #tpu.memory_space<semaphore_mem>>) src(%arg14 : memref<1000x16xf32, #tpu.memory_space<vmem>>) dst(%dma_wait3A_108 : memref<10000x16xf32, #tpu.memory_space<vmem_shared>>)
          tpu.yield
        }) : () -> ()
      } else {
      }
    }
    %scan3A_39 = arith.constant 10 : i32
    %barrier3A_40 = arith.constant 0 : index
    tpu.barrier barrier_id(%barrier3A_40)
    %eq3A_41 = arith.constant 0 : i32
    %eq3A_42 = arith.cmpi eq, %arg0, %eq3A_41 : i32
    %convert_element_type3A_43 = arith.extui %eq3A_42 : i1 to i32
    %cond3A_44 = arith.constant 0 : i32
    %cond3A_45 = arith.cmpi ne, %convert_element_type3A_43, %cond3A_44 : i32
    scf.if %cond3A_45 {
      %mul3A_51 = arith.constant 624 : i32
      %mul3A_52 = arith.muli %arg1, %mul3A_51 : i32
      "tpu.region"() ({
        %run_scoped3A_58 = tpu.sem_alloc : memref<!tpu.dma_semaphore, #tpu.memory_space<semaphore_mem>>
        %dma_start3A_59 = arith.constant 0 : i32
        %dma_start3A_60 = tpu.memref_slice %arg5[%mul3A_52, %dma_start3A_59] : memref<10000x128xf32, #tpu.memory_space<hbm>> -> memref<624x16xf32, #tpu.memory_space<hbm>>
        %dma_start3A_61 = arith.constant 0 : i32
        %dma_start3A_62 = tpu.memref_slice %arg15[%mul3A_52, %dma_start3A_61] : memref<10000x16xf32, #tpu.memory_space<vmem_shared>> -> memref<624x16xf32, #tpu.memory_space<vmem_shared>>
        tpu.enqueue_dma source(%dma_start3A_62 : memref<624x16xf32, #tpu.memory_space<vmem_shared>>) target(%dma_start3A_60 : memref<624x16xf32, #tpu.memory_space<hbm>>) target_semaphore(%run_scoped3A_58 : memref<!tpu.dma_semaphore, #tpu.memory_space<semaphore_mem>>)
        %dma_wait3A = arith.constant 0 : i32
        %dma_wait3A_63 = tpu.memref_slice %arg5[%mul3A_52, %dma_wait3A] : memref<10000x128xf32, #tpu.memory_space<hbm>> -> memref<624x16xf32, #tpu.memory_space<hbm>>
        %dma_wait3A_64 = arith.constant 0 : i32
        %dma_wait3A_65 = tpu.memref_slice %arg15[%mul3A_52, %dma_wait3A_64] : memref<10000x16xf32, #tpu.memory_space<vmem_shared>> -> memref<624x16xf32, #tpu.memory_space<vmem_shared>>
        tpu.wait_dma2 semaphore(%run_scoped3A_58 : memref<!tpu.dma_semaphore, #tpu.memory_space<semaphore_mem>>) src(%dma_wait3A_65 : memref<624x16xf32, #tpu.memory_space<vmem_shared>>) dst(%dma_wait3A_63 : memref<624x16xf32, #tpu.memory_space<hbm>>)
        tpu.yield
      }) : () -> ()
      %eq3A_53 = arith.constant 15 : i32
      %eq3A_54 = arith.cmpi eq, %arg1, %eq3A_53 : i32
      %convert_element_type3A_55 = arith.extui %eq3A_54 : i1 to i32
      %cond3A_56 = arith.constant 0 : i32
      %cond3A_57 = arith.cmpi ne, %convert_element_type3A_55, %cond3A_56 : i32
      scf.if %cond3A_57 {
        "tpu.region"() ({
          %run_scoped3A_58 = tpu.sem_alloc : memref<!tpu.dma_semaphore, #tpu.memory_space<semaphore_mem>>
          %dma_start3A_59 = arith.constant 9984 : i32
          %dma_start3A_60 = arith.constant 0 : i32
          %dma_start3A_61 = tpu.memref_slice %arg5[%dma_start3A_59, %dma_start3A_60] : memref<10000x128xf32, #tpu.memory_space<hbm>> -> memref<16x16xf32, #tpu.memory_space<hbm>>
          %dma_start3A_62 = arith.constant 9984 : i32
          %dma_start3A_63 = arith.constant 0 : i32
          %dma_start3A_64 = tpu.memref_slice %arg15[%dma_start3A_62, %dma_start3A_63] : memref<10000x16xf32, #tpu.memory_space<vmem_shared>> -> memref<16x16xf32, #tpu.memory_space<vmem_shared>>
          tpu.enqueue_dma source(%dma_start3A_64 : memref<16x16xf32, #tpu.memory_space<vmem_shared>>) target(%dma_start3A_61 : memref<16x16xf32, #tpu.memory_space<hbm>>) target_semaphore(%run_scoped3A_58 : memref<!tpu.dma_semaphore, #tpu.memory_space<semaphore_mem>>)
          %dma_wait3A = arith.constant 9984 : i32
          %dma_wait3A_65 = arith.constant 0 : i32
          %dma_wait3A_66 = tpu.memref_slice %arg5[%dma_wait3A, %dma_wait3A_65] : memref<10000x128xf32, #tpu.memory_space<hbm>> -> memref<16x16xf32, #tpu.memory_space<hbm>>
          %dma_wait3A_67 = arith.constant 9984 : i32
          %dma_wait3A_68 = arith.constant 0 : i32
          %dma_wait3A_69 = tpu.memref_slice %arg15[%dma_wait3A_67, %dma_wait3A_68] : memref<10000x16xf32, #tpu.memory_space<vmem_shared>> -> memref<16x16xf32, #tpu.memory_space<vmem_shared>>
          tpu.wait_dma2 semaphore(%run_scoped3A_58 : memref<!tpu.dma_semaphore, #tpu.memory_space<semaphore_mem>>) src(%dma_wait3A_69 : memref<16x16xf32, #tpu.memory_space<vmem_shared>>) dst(%dma_wait3A_66 : memref<16x16xf32, #tpu.memory_space<hbm>>)
          tpu.yield
        }) : () -> ()
      } else {
      }
    } else {
    }
    %eq3A_46 = arith.constant 1 : i32
    %eq3A_47 = arith.cmpi eq, %arg0, %eq3A_46 : i32
    %convert_element_type3A_48 = arith.extui %eq3A_47 : i1 to i32
    %cond3A_49 = arith.constant 0 : i32
    %cond3A_50 = arith.cmpi ne, %convert_element_type3A_48, %cond3A_49 : i32
    scf.if %cond3A_50 {
      %mul3A_51 = arith.constant 624 : i32
      %mul3A_52 = arith.muli %arg1, %mul3A_51 : i32
      "tpu.region"() ({
        %run_scoped3A_58 = tpu.sem_alloc : memref<!tpu.dma_semaphore, #tpu.memory_space<semaphore_mem>>
        %dma_start3A_59 = arith.constant 64 : i32
        %dma_start3A_60 = tpu.memref_slice %arg5[%mul3A_52, %dma_start3A_59] : memref<10000x128xf32, #tpu.memory_space<hbm>> -> memref<624x16xf32, #tpu.memory_space<hbm>>
        %dma_start3A_61 = arith.constant 0 : i32
        %dma_start3A_62 = tpu.memref_slice %arg15[%mul3A_52, %dma_start3A_61] : memref<10000x16xf32, #tpu.memory_space<vmem_shared>> -> memref<624x16xf32, #tpu.memory_space<vmem_shared>>
        tpu.enqueue_dma source(%dma_start3A_62 : memref<624x16xf32, #tpu.memory_space<vmem_shared>>) target(%dma_start3A_60 : memref<624x16xf32, #tpu.memory_space<hbm>>) target_semaphore(%run_scoped3A_58 : memref<!tpu.dma_semaphore, #tpu.memory_space<semaphore_mem>>)
        %dma_wait3A = arith.constant 64 : i32
        %dma_wait3A_63 = tpu.memref_slice %arg5[%mul3A_52, %dma_wait3A] : memref<10000x128xf32, #tpu.memory_space<hbm>> -> memref<624x16xf32, #tpu.memory_space<hbm>>
        %dma_wait3A_64 = arith.constant 0 : i32
        %dma_wait3A_65 = tpu.memref_slice %arg15[%mul3A_52, %dma_wait3A_64] : memref<10000x16xf32, #tpu.memory_space<vmem_shared>> -> memref<624x16xf32, #tpu.memory_space<vmem_shared>>
        tpu.wait_dma2 semaphore(%run_scoped3A_58 : memref<!tpu.dma_semaphore, #tpu.memory_space<semaphore_mem>>) src(%dma_wait3A_65 : memref<624x16xf32, #tpu.memory_space<vmem_shared>>) dst(%dma_wait3A_63 : memref<624x16xf32, #tpu.memory_space<hbm>>)
        tpu.yield
      }) : () -> ()
      %eq3A_53 = arith.constant 15 : i32
      %eq3A_54 = arith.cmpi eq, %arg1, %eq3A_53 : i32
      %convert_element_type3A_55 = arith.extui %eq3A_54 : i1 to i32
      %cond3A_56 = arith.constant 0 : i32
      %cond3A_57 = arith.cmpi ne, %convert_element_type3A_55, %cond3A_56 : i32
      scf.if %cond3A_57 {
        "tpu.region"() ({
          %run_scoped3A_58 = tpu.sem_alloc : memref<!tpu.dma_semaphore, #tpu.memory_space<semaphore_mem>>
          %dma_start3A_59 = arith.constant 9984 : i32
          %dma_start3A_60 = arith.constant 64 : i32
          %dma_start3A_61 = tpu.memref_slice %arg5[%dma_start3A_59, %dma_start3A_60] : memref<10000x128xf32, #tpu.memory_space<hbm>> -> memref<16x16xf32, #tpu.memory_space<hbm>>
          %dma_start3A_62 = arith.constant 9984 : i32
          %dma_start3A_63 = arith.constant 0 : i32
          %dma_start3A_64 = tpu.memref_slice %arg15[%dma_start3A_62, %dma_start3A_63] : memref<10000x16xf32, #tpu.memory_space<vmem_shared>> -> memref<16x16xf32, #tpu.memory_space<vmem_shared>>
          tpu.enqueue_dma source(%dma_start3A_64 : memref<16x16xf32, #tpu.memory_space<vmem_shared>>) target(%dma_start3A_61 : memref<16x16xf32, #tpu.memory_space<hbm>>) target_semaphore(%run_scoped3A_58 : memref<!tpu.dma_semaphore, #tpu.memory_space<semaphore_mem>>)
          %dma_wait3A = arith.constant 9984 : i32
          %dma_wait3A_65 = arith.constant 64 : i32
          %dma_wait3A_66 = tpu.memref_slice %arg5[%dma_wait3A, %dma_wait3A_65] : memref<10000x128xf32, #tpu.memory_space<hbm>> -> memref<16x16xf32, #tpu.memory_space<hbm>>
          %dma_wait3A_67 = arith.constant 9984 : i32
          %dma_wait3A_68 = arith.constant 0 : i32
          %dma_wait3A_69 = tpu.memref_slice %arg15[%dma_wait3A_67, %dma_wait3A_68] : memref<10000x16xf32, #tpu.memory_space<vmem_shared>> -> memref<16x16xf32, #tpu.memory_space<vmem_shared>>
          tpu.wait_dma2 semaphore(%run_scoped3A_58 : memref<!tpu.dma_semaphore, #tpu.memory_space<semaphore_mem>>) src(%dma_wait3A_69 : memref<16x16xf32, #tpu.memory_space<vmem_shared>>) dst(%dma_wait3A_66 : memref<16x16xf32, #tpu.memory_space<hbm>>)
          tpu.yield
        }) : () -> ()
      } else {
      }
    } else {
    }
    return
  }
}

module attributes {stable_mosaic.version = 14 : i64} {
  func.func @_first_body(%arg0: memref<10000x128xf32, #tpu.memory_space<vmem>>, %arg1: memref<128x64xf32, #tpu.memory_space<vmem>>, %arg2: memref<10000x128xf32, #tpu.memory_space<vmem>>, %arg3: memref<10000x64xf32, #tpu.memory_space<vmem>>) attributes {dimension_semantics = [], scalar_prefetch = 0 : i64, scratch_operands = 0 : i64, tpu.core_type = #tpu.core_type<tc>} {
    %get3A = arith.constant 0 : index
    %get3A_0 = arith.constant 0 : index
    %get3A_1 = vector.load %arg0[%get3A, %get3A_0] : memref<10000x128xf32, #tpu.memory_space<vmem>>, vector<10000x128xf32>
    %get3A_2 = arith.constant 0 : index
    %get3A_3 = arith.constant 0 : index
    %get3A_4 = vector.load %arg1[%get3A_2, %get3A_3] : memref<128x64xf32, #tpu.memory_space<vmem>>, vector<128x64xf32>
    %dot_general3A = arith.constant dense<0.000000e+00> : vector<10000x64xf32>
    %dot_general3A_5 = tpu.matmul %get3A_1, %get3A_4, %dot_general3A {dimension_numbers = #tpu.dot_dimension_numbers<[1], [0], [0], [1], [0, 0, 1, 1], [], []>, transpose_lhs_hint = false} : vector<10000x128xf32>, vector<128x64xf32>, vector<10000x64xf32> -> vector<10000x64xf32>
    %get3A_6 = arith.constant 0 : index
    %get3A_7 = arith.constant 0 : index
    %get3A_8 = vector.load %arg2[%get3A_6, %get3A_7] : memref<10000x128xf32, #tpu.memory_space<vmem>>, vector<10000x1xf32>
    %get3A_9 = arith.constant 0 : index
    %get3A_10 = arith.constant 64 : index
    %get3A_11 = vector.load %arg2[%get3A_9, %get3A_10] : memref<10000x128xf32, #tpu.memory_space<vmem>>, vector<10000x1xf32>
    %add3A = arith.addf %get3A_8, %get3A_11 : vector<10000x1xf32>
    %add3A_12 = arith.constant 1.000000e+00 : f32
    %add3A_13 = vector.broadcast %add3A_12 : f32 to vector<10000x1xf32>
    %add3A_14 = arith.addf %add3A, %add3A_13 : vector<10000x1xf32>
    %rsqrt3A = math.rsqrt %add3A_14 : vector<10000x1xf32>
    %mul3A = vector.broadcast %rsqrt3A : vector<10000x1xf32> to vector<10000x64xf32>
    %mul3A_15 = arith.mulf %dot_general3A_5, %mul3A : vector<10000x64xf32>
    %swap3A = arith.constant 0 : index
    %swap3A_16 = arith.constant 0 : index
    %swap3A_17 = vector.load %arg3[%swap3A, %swap3A_16] : memref<10000x64xf32, #tpu.memory_space<vmem>>, vector<10000x64xf32>
    tpu.vector_store %arg3[%swap3A, %swap3A_16], %mul3A_15 {strides = array<i32>} : memref<10000x64xf32, #tpu.memory_space<vmem>>, vector<10000x64xf32>,
    return
  }
}

module attributes {stable_mosaic.version = 14 : i64} {
  func.func @body(%arg0: memref<10000x128xf32, #tpu.memory_space<vmem>>, %arg1: memref<10000x128xf32, #tpu.memory_space<vmem>>, %arg2: memref<64xf32, #tpu.memory_space<vmem>>, %arg3: memref<64x32xf32, #tpu.memory_space<vmem>>, %arg4: memref<10000x32xf32, #tpu.memory_space<vmem>>) attributes {dimension_semantics = [], scalar_prefetch = 0 : i64, scratch_operands = 0 : i64, tpu.core_type = #tpu.core_type<tc>} {
    %get3A = arith.constant 0 : index
    %get3A_0 = arith.constant 0 : index
    %get3A_1 = vector.load %arg0[%get3A, %get3A_0] : memref<10000x128xf32, #tpu.memory_space<vmem>>, vector<10000x64xf32>
    %get3A_2 = arith.constant 0 : index
    %get3A_3 = arith.constant 64 : index
    %get3A_4 = vector.load %arg0[%get3A_2, %get3A_3] : memref<10000x128xf32, #tpu.memory_space<vmem>>, vector<10000x64xf32>
    %add3A = arith.addf %get3A_1, %get3A_4 : vector<10000x64xf32>
    %get3A_5 = arith.constant 0 : index
    %get3A_6 = arith.constant 0 : index
    %get3A_7 = vector.load %arg1[%get3A_5, %get3A_6] : memref<10000x128xf32, #tpu.memory_space<vmem>>, vector<10000x1xf32>
    %get3A_8 = arith.constant 0 : index
    %get3A_9 = arith.constant 64 : index
    %get3A_10 = vector.load %arg1[%get3A_8, %get3A_9] : memref<10000x128xf32, #tpu.memory_space<vmem>>, vector<10000x1xf32>
    %add3A_11 = arith.addf %get3A_7, %get3A_10 : vector<10000x1xf32>
    %add3A_12 = arith.constant 1.000000e+00 : f32
    %add3A_13 = vector.broadcast %add3A_12 : f32 to vector<10000x1xf32>
    %add3A_14 = arith.addf %add3A_11, %add3A_13 : vector<10000x1xf32>
    %rsqrt3A = math.rsqrt %add3A_14 : vector<10000x1xf32>
    %mul3A = vector.broadcast %rsqrt3A : vector<10000x1xf32> to vector<10000x64xf32>
    %mul3A_15 = arith.mulf %add3A, %mul3A : vector<10000x64xf32>
    %get3A_16 = arith.constant 0 : index
    %get3A_17 = vector.load %arg2[%get3A_16] : memref<64xf32, #tpu.memory_space<vmem>>, vector<64xf32>
    %broadcast_in_dim3A = vector.shape_cast %get3A_17 : vector<64xf32> to vector<1x64xf32>
    %add3A_18 = vector.broadcast %broadcast_in_dim3A : vector<1x64xf32> to vector<10000x64xf32>
    %add3A_19 = arith.addf %mul3A_15, %add3A_18 : vector<10000x64xf32>
    %max3A = arith.constant 0.000000e+00 : f32
    %max3A_20 = vector.broadcast %max3A : f32 to vector<10000x64xf32>
    %max3A_21 = arith.maximumf %add3A_19, %max3A_20 : vector<10000x64xf32>
    %get3A_22 = arith.constant 0 : index
    %get3A_23 = arith.constant 0 : index
    %get3A_24 = vector.load %arg3[%get3A_22, %get3A_23] : memref<64x32xf32, #tpu.memory_space<vmem>>, vector<64x32xf32>
    %dot_general3A = arith.constant dense<0.000000e+00> : vector<10000x32xf32>
    %dot_general3A_25 = tpu.matmul %max3A_21, %get3A_24, %dot_general3A {dimension_numbers = #tpu.dot_dimension_numbers<[1], [0], [0], [1], [0, 0, 1, 1], [], []>, transpose_lhs_hint = false} : vector<10000x64xf32>, vector<64x32xf32>, vector<10000x32xf32> -> vector<10000x32xf32>
    %get3A_26 = arith.constant 0 : index
    %get3A_27 = arith.constant 16 : index
    %get3A_28 = vector.load %arg1[%get3A_26, %get3A_27] : memref<10000x128xf32, #tpu.memory_space<vmem>>, vector<10000x1xf32>
    %get3A_29 = arith.constant 0 : index
    %get3A_30 = arith.constant 80 : index
    %get3A_31 = vector.load %arg1[%get3A_29, %get3A_30] : memref<10000x128xf32, #tpu.memory_space<vmem>>, vector<10000x1xf32>
    %add3A_32 = arith.addf %get3A_28, %get3A_31 : vector<10000x1xf32>
    %add3A_33 = arith.constant 1.000000e+00 : f32
    %add3A_34 = vector.broadcast %add3A_33 : f32 to vector<10000x1xf32>
    %add3A_35 = arith.addf %add3A_32, %add3A_34 : vector<10000x1xf32>
    %rsqrt3A_36 = math.rsqrt %add3A_35 : vector<10000x1xf32>
    %mul3A_37 = vector.broadcast %rsqrt3A_36 : vector<10000x1xf32> to vector<10000x32xf32>
    %mul3A_38 = arith.mulf %dot_general3A_25, %mul3A_37 : vector<10000x32xf32>
    %swap3A = arith.constant 0 : index
    %swap3A_39 = arith.constant 0 : index
    %swap3A_40 = vector.load %arg4[%swap3A, %swap3A_39] : memref<10000x32xf32, #tpu.memory_space<vmem>>, vector<10000x32xf32>
    tpu.vector_store %arg4[%swap3A, %swap3A_39], %mul3A_38 {strides = array<i32>} : memref<10000x32xf32, #tpu.memory_space<vmem>>, vector<10000x32xf32>,
    return
  }
}

module attributes {stable_mosaic.version = 14 : i64} {
  func.func @body(%arg0: memref<10000x128xf32, #tpu.memory_space<vmem>>, %arg1: memref<10000x128xf32, #tpu.memory_space<vmem>>, %arg2: memref<32xf32, #tpu.memory_space<vmem>>, %arg3: memref<32x16xf32, #tpu.memory_space<vmem>>, %arg4: memref<10000x16xf32, #tpu.memory_space<vmem>>) attributes {dimension_semantics = [], scalar_prefetch = 0 : i64, scratch_operands = 0 : i64, tpu.core_type = #tpu.core_type<tc>} {
    %get3A = arith.constant 0 : index
    %get3A_0 = arith.constant 0 : index
    %get3A_1 = vector.load %arg0[%get3A, %get3A_0] : memref<10000x128xf32, #tpu.memory_space<vmem>>, vector<10000x32xf32>
    %get3A_2 = arith.constant 0 : index
    %get3A_3 = arith.constant 64 : index
    %get3A_4 = vector.load %arg0[%get3A_2, %get3A_3] : memref<10000x128xf32, #tpu.memory_space<vmem>>, vector<10000x32xf32>
    %add3A = arith.addf %get3A_1, %get3A_4 : vector<10000x32xf32>
    %get3A_5 = arith.constant 0 : index
    %get3A_6 = arith.constant 16 : index
    %get3A_7 = vector.load %arg1[%get3A_5, %get3A_6] : memref<10000x128xf32, #tpu.memory_space<vmem>>, vector<10000x1xf32>
    %get3A_8 = arith.constant 0 : index
    %get3A_9 = arith.constant 80 : index
    %get3A_10 = vector.load %arg1[%get3A_8, %get3A_9] : memref<10000x128xf32, #tpu.memory_space<vmem>>, vector<10000x1xf32>
    %add3A_11 = arith.addf %get3A_7, %get3A_10 : vector<10000x1xf32>
    %add3A_12 = arith.constant 1.000000e+00 : f32
    %add3A_13 = vector.broadcast %add3A_12 : f32 to vector<10000x1xf32>
    %add3A_14 = arith.addf %add3A_11, %add3A_13 : vector<10000x1xf32>
    %rsqrt3A = math.rsqrt %add3A_14 : vector<10000x1xf32>
    %mul3A = vector.broadcast %rsqrt3A : vector<10000x1xf32> to vector<10000x32xf32>
    %mul3A_15 = arith.mulf %add3A, %mul3A : vector<10000x32xf32>
    %get3A_16 = arith.constant 0 : index
    %get3A_17 = vector.load %arg2[%get3A_16] : memref<32xf32, #tpu.memory_space<vmem>>, vector<32xf32>
    %broadcast_in_dim3A = vector.shape_cast %get3A_17 : vector<32xf32> to vector<1x32xf32>
    %add3A_18 = vector.broadcast %broadcast_in_dim3A : vector<1x32xf32> to vector<10000x32xf32>
    %add3A_19 = arith.addf %mul3A_15, %add3A_18 : vector<10000x32xf32>
    %max3A = arith.constant 0.000000e+00 : f32
    %max3A_20 = vector.broadcast %max3A : f32 to vector<10000x32xf32>
    %max3A_21 = arith.maximumf %add3A_19, %max3A_20 : vector<10000x32xf32>
    %get3A_22 = arith.constant 0 : index
    %get3A_23 = arith.constant 0 : index
    %get3A_24 = vector.load %arg3[%get3A_22, %get3A_23] : memref<32x16xf32, #tpu.memory_space<vmem>>, vector<32x16xf32>
    %dot_general3A = arith.constant dense<0.000000e+00> : vector<10000x16xf32>
    %dot_general3A_25 = tpu.matmul %max3A_21, %get3A_24, %dot_general3A {dimension_numbers = #tpu.dot_dimension_numbers<[1], [0], [0], [1], [0, 0, 1, 1], [], []>, transpose_lhs_hint = false} : vector<10000x32xf32>, vector<32x16xf32>, vector<10000x16xf32> -> vector<10000x16xf32>
    %get3A_26 = arith.constant 0 : index
    %get3A_27 = arith.constant 32 : index
    %get3A_28 = vector.load %arg1[%get3A_26, %get3A_27] : memref<10000x128xf32, #tpu.memory_space<vmem>>, vector<10000x1xf32>
    %get3A_29 = arith.constant 0 : index
    %get3A_30 = arith.constant 96 : index
    %get3A_31 = vector.load %arg1[%get3A_29, %get3A_30] : memref<10000x128xf32, #tpu.memory_space<vmem>>, vector<10000x1xf32>
    %add3A_32 = arith.addf %get3A_28, %get3A_31 : vector<10000x1xf32>
    %add3A_33 = arith.constant 1.000000e+00 : f32
    %add3A_34 = vector.broadcast %add3A_33 : f32 to vector<10000x1xf32>
    %add3A_35 = arith.addf %add3A_32, %add3A_34 : vector<10000x1xf32>
    %rsqrt3A_36 = math.rsqrt %add3A_35 : vector<10000x1xf32>
    %mul3A_37 = vector.broadcast %rsqrt3A_36 : vector<10000x1xf32> to vector<10000x16xf32>
    %mul3A_38 = arith.mulf %dot_general3A_25, %mul3A_37 : vector<10000x16xf32>
    %swap3A = arith.constant 0 : index
    %swap3A_39 = arith.constant 0 : index
    %swap3A_40 = vector.load %arg4[%swap3A, %swap3A_39] : memref<10000x16xf32, #tpu.memory_space<vmem>>, vector<10000x16xf32>
    tpu.vector_store %arg4[%swap3A, %swap3A_39], %mul3A_38 {strides = array<i32>} : memref<10000x16xf32, #tpu.memory_space<vmem>>, vector<10000x16xf32>,
    return
  }
}

module attributes {stable_mosaic.version = 14 : i64} {
  func.func @_final_body(%arg0: memref<10000x128xf32, #tpu.memory_space<vmem>>, %arg1: memref<10000x128xf32, #tpu.memory_space<vmem>>, %arg2: memref<16xf32, #tpu.memory_space<vmem>>, %arg3: memref<10000x16xf32, #tpu.memory_space<vmem>>) attributes {dimension_semantics = [], scalar_prefetch = 0 : i64, scratch_operands = 0 : i64, tpu.core_type = #tpu.core_type<tc>} {
    %get3A = arith.constant 0 : index
    %get3A_0 = arith.constant 0 : index
    %get3A_1 = vector.load %arg0[%get3A, %get3A_0] : memref<10000x128xf32, #tpu.memory_space<vmem>>, vector<10000x16xf32>
    %get3A_2 = arith.constant 0 : index
    %get3A_3 = arith.constant 64 : index
    %get3A_4 = vector.load %arg0[%get3A_2, %get3A_3] : memref<10000x128xf32, #tpu.memory_space<vmem>>, vector<10000x16xf32>
    %add3A = arith.addf %get3A_1, %get3A_4 : vector<10000x16xf32>
    %get3A_5 = arith.constant 0 : index
    %get3A_6 = arith.constant 32 : index
    %get3A_7 = vector.load %arg1[%get3A_5, %get3A_6] : memref<10000x128xf32, #tpu.memory_space<vmem>>, vector<10000x1xf32>
    %get3A_8 = arith.constant 0 : index
    %get3A_9 = arith.constant 96 : index
    %get3A_10 = vector.load %arg1[%get3A_8, %get3A_9] : memref<10000x128xf32, #tpu.memory_space<vmem>>, vector<10000x1xf32>
    %add3A_11 = arith.addf %get3A_7, %get3A_10 : vector<10000x1xf32>
    %add3A_12 = arith.constant 1.000000e+00 : f32
    %add3A_13 = vector.broadcast %add3A_12 : f32 to vector<10000x1xf32>
    %add3A_14 = arith.addf %add3A_11, %add3A_13 : vector<10000x1xf32>
    %rsqrt3A = math.rsqrt %add3A_14 : vector<10000x1xf32>
    %mul3A = vector.broadcast %rsqrt3A : vector<10000x1xf32> to vector<10000x16xf32>
    %mul3A_15 = arith.mulf %add3A, %mul3A : vector<10000x16xf32>
    %get3A_16 = arith.constant 0 : index
    %get3A_17 = vector.load %arg2[%get3A_16] : memref<16xf32, #tpu.memory_space<vmem>>, vector<16xf32>
    %broadcast_in_dim3A = vector.shape_cast %get3A_17 : vector<16xf32> to vector<1x16xf32>
    %add3A_18 = vector.broadcast %broadcast_in_dim3A : vector<1x16xf32> to vector<10000x16xf32>
    %add3A_19 = arith.addf %mul3A_15, %add3A_18 : vector<10000x16xf32>
    %max3A = arith.constant 0.000000e+00 : f32
    %max3A_20 = vector.broadcast %max3A : f32 to vector<10000x16xf32>
    %max3A_21 = arith.maximumf %add3A_19, %max3A_20 : vector<10000x16xf32>
    %swap3A = arith.constant 0 : index
    %swap3A_22 = arith.constant 0 : index
    %swap3A_23 = vector.load %arg3[%swap3A, %swap3A_22] : memref<10000x16xf32, #tpu.memory_space<vmem>>, vector<10000x16xf32>
    tpu.vector_store %arg3[%swap3A, %swap3A_22], %max3A_21 {strides = array<i32>} : memref<10000x16xf32, #tpu.memory_space<vmem>>, vector<10000x16xf32>,
    return
  }
}

</mosaic_0001>

<sc_bundles>
// kernel: kernel.10.cloned.1.call-start
scs
__scs_entry_jumppad:
0x0: {  	(pc) =	sbr.rel $0x88, $3  }
0x1: {  	(tag) =	ssettag $0x0;
	lr =	simm.s32 $0x1  }
0x2: {  	[smem:$0x3F97] =	sst lr;
	_ =	strace $0xD0000000  }
0x3: {  	_ = 	snop  }
0x4: {  	_ = 	snop  }
0x5: {  	_ = 	snop  }
0x6: {  	_ = 	snop  }
0x7: {  	_ = 	snop  }
__scs_overlays_trampoline_lowered:
0x8: {  	[smem:$0x3FA6] =	sst s0  }
0x9: {  	[smem:$0x3FA7] =	sst s1  }
0xa: {  	[smem:$0x3FA8] =	sst s2  }
0xb: {  	[smem:$0x3FA9] =	sst s3  }
0xc: {  	[smem:$0x3FAA] =	sst s4  }
0xd: {  	[smem:$0x3FAB] =	sst s5  }
0xe: {  	[smem:$0x3FAC] =	sst s6  }
0xf: {  	[smem:$0x3FAD] =	sst s7  }
0x10: {  	[smem:$0x3FAE] =	sst s8  }
0x11: {  	[smem:$0x3FAF] =	sst s9;
	s0 =	simm.s32 @!p0 $0x0  }
0x12: {  	s1 =	sld [smem:$0x3F95];
	s0 =	simm.s32 @p0 $0x1  }
0x13: {  	[smem:$0x3FB0] =	sst s0;
	s0 =	simm.s32 @!p1 $0x0  }
0x14: {  	s2 =	sld [smem:$0x3F94];
	s0 =	simm.s32 @p1 $0x1  }
0x15: {  	[smem:$0x3FB1] =	sst s0;
	s0 =	simm.s32 @!p2 $0x0  }
0x16: {  	s3 =	sld [smem:$0x3FDB];
	s0 =	simm.s32 @p2 $0x1  }
0x17: {  	s4 =	simm.s32 $0x1BF5;
	[smem:$0x3FB3] =	sst s0  }
0x18: {  	s0 =	sld [smem:$0x3F96];
	_ =	swait.ge [sflag:s4], $0x0  }
0x19: {  	s7 =	sld [smem:$0x3F97]  }
0x1a: {  	s8 =	sadd.s32 $0xFFFFE003, lr  }
0x1b: {  	s9 =	sadd.s32 $0xFFFFFEF7, lr;
	s5 =	simm.s32 $0xFFFFFFFF;
	p2 =	slt.u32 s8, $0xFFFFF086  }
0x1c: {  	p1 =	slt.u32 s9, $0xF7A;
	s5 =	simm.s32 @!p2 $0x0  }
0x1d: {  	s5 =	simm.s32 @p1 $0x1;
	p0 =	seq.s32 s7, s2  }
0x1e: {  	s7 =	smul.u32 @!p0 $0xF7A, s2;
	p2 =	seq.s32 @!p0 s5, $0x0  }
0x1f: {  	s9 =	smul.u32 $0xF7A, s1;
	s8 =	simm.s32 @!p0 $0x1BF5;
	p2 =	por !p2, p0  }
0x20: {  	[sflag:s8] =	ssyncset.s32 @!p0 $0xFFFFF086;
	s6 =	sadd.s32 @!p0 s3, s7;
	s7 =	simm.s32 @!p0 $0x108  }
0x21: {  	s3 =	sadd.s32 s3, s9;
	s6 =	sadd.s32 @!p0 $0x88, s6;
	s7 =	simm.s32 @p2 $0x1082  }
0x22: {  	[simem:s7], [sflag:s8] =	dma.local @!p0 [hbm:s6], $0xF7A  }
0x23: {  	s9 =	sor.u32 $0xD0000000, s2;
	s6 =	simm.s32 $0x108;
	_ =	swait.ge @!p0 [sflag:s8], $0x0  }
0x24: {  	s3 =	sadd.s32 $0x88, s3;
	s6 =	simm.s32 @!p1 $0x1082;
	[sflag:s4] =	ssyncset.s32 $0xFFFFF086  }
0x25: {  	[simem:s6], [sflag:s4] =	dma.local [hbm:s3], $0xF7A  }
0x26: {  	[smem:$0x3F97] =	sst s1;
	(tag) =	ssettag s2;
	_ =	strace s9  }
0x27: {  	s1 =	sld [smem:$0x3FA7]  }
0x28: {  	s2 =	sld [smem:$0x3FA8]  }
0x29: {  	s4 =	sld [smem:$0x3FAA]  }
0x2a: {  	p0 =	seq.s32 s5, $0x0;
	s5 =	sld [smem:$0x3FAB]  }
0x2b: {  	s6 =	sld [smem:$0x3FAC]  }
0x2c: {  	s7 =	sld [smem:$0x3FAD]  }
0x2d: {  	s3 =	simm.s32 $0x108;
	s8 =	sld [smem:$0x3FAE]  }
0x2e: {  	s3 =	simm.s32 @!p0 $0x1082;
	s9 =	sld [smem:$0x3FAF]  }
0x2f: {  	lr =	sadd.s32 s0, s3;
	s0 =	sld [smem:$0x3FA6]  }
0x30: {  	s3 =	sld [smem:$0x3FA9]  }
0x31: {  	[smem:$0x3FB2] =	sst s10  }
0x32: {  	s10 =	sld [smem:$0x3FB0];
	_ =	sdelay $0x3  }
0x33: {  	p0 =	seq.s32 s10, $0x1;
	s10 =	sld [smem:$0x3FB2];
	_ =	sdelay $0x3  }
0x34: {  	[smem:$0x3FB2] =	sst s10  }
0x35: {  	s10 =	sld [smem:$0x3FB1];
	_ =	sdelay $0x3  }
0x36: {  	p1 =	seq.s32 s10, $0x1;
	s10 =	sld [smem:$0x3FB2];
	_ =	sdelay $0x3  }
0x37: {  	[smem:$0x3FB2] =	sst s10  }
0x38: {  	s10 =	sld [smem:$0x3FB3]  }
0x39: {  	_ = 	snop;
	(pc) =	sbr.ind lr, $3  }
0x3a: {  	_ = 	snop  }
0x3b: {  	_ = 	snop  }
0x3c: {  	p2 =	seq.s32 s10, $0x1;
	s10 =	sld [smem:$0x3FB2]  }
0x3d: {  	_ =	shalt  }
0x3e: {  	_ =	shalt  }
0x3f: {  	_ =	shalt  }
0x40: {  	_ =	shalt  }
0x41: {  	_ =	shalt  }
0x42: {  	_ =	shalt  }
0x43: {  	_ =	shalt  }
0x44: {  	_ =	shalt  }
0x45: {  	_ =	shalt  }
0x46: {  	_ =	shalt  }
0x47: {  	_ =	shalt  }
0x48: {  	_ =	shalt  }
0x49: {  	_ =	shalt  }
0x4a: {  	_ =	shalt  }
0x4b: {  	_ =	shalt  }
0x4c: {  	_ =	shalt  }
0x4d: {  	_ =	shalt  }
0x4e: {  	_ =	shalt  }
0x4f: {  	_ =	shalt  }
0x50: {  	_ =	shalt  }
0x51: {  	_ =	shalt  }
0x52: {  	_ =	shalt  }
0x53: {  	_ =	shalt  }
0x54: {  	_ =	shalt  }
0x55: {  	_ =	shalt  }
0x56: {  	_ =	shalt  }
0x57: {  	_ =	shalt  }
0x58: {  	_ =	shalt  }
0x59: {  	_ =	shalt  }
0x5a: {  	_ =	shalt  }
0x5b: {  	_ =	shalt  }
0x5c: {  	_ =	shalt  }
0x5d: {  	_ =	shalt  }
0x5e: {  	_ =	shalt  }
0x5f: {  	_ =	shalt  }
0x60: {  	_ =	shalt  }
0x61: {  	_ =	shalt  }
0x62: {  	_ =	shalt  }
0x63: {  	_ =	shalt  }
0x64: {  	_ =	shalt  }
0x65: {  	_ =	shalt  }
0x66: {  	_ =	shalt  }
0x67: {  	_ =	shalt  }
0x68: {  	_ =	shalt  }
0x69: {  	_ =	shalt  }
0x6a: {  	_ =	shalt  }
0x6b: {  	_ =	shalt  }
0x6c: {  	_ =	shalt  }
0x6d: {  	_ =	shalt  }
0x6e: {  	_ =	shalt  }
0x6f: {  	_ =	shalt  }
0x70: {  	_ =	shalt  }
0x71: {  	_ =	shalt  }
0x72: {  	_ =	shalt  }
0x73: {  	_ =	shalt  }
0x74: {  	_ =	shalt  }
0x75: {  	_ =	shalt  }
0x76: {  	_ =	shalt  }
0x77: {  	_ =	shalt  }
0x78: {  	_ =	shalt  }
0x79: {  	_ =	shalt  }
0x7a: {  	_ =	shalt  }
0x7b: {  	_ =	shalt  }
0x7c: {  	_ =	shalt  }
0x7d: {  	_ =	shalt  }
0x7e: {  	_ =	shalt  }
0x7f: {  	_ =	shalt  }
0x80: {  	_ =	shalt  }
0x81: {  	_ =	shalt  }
0x82: {  	_ =	shalt  }
0x83: {  	_ =	shalt  }
0x84: {  	_ =	shalt  }
0x85: {  	_ =	shalt  }
0x86: {  	_ =	shalt  }
0x87: {  	_ =	shalt  }
.Lfunc_end0:
.L_simem_size_0:
called_computation_lowered:
.L_overlay_start_0:
0x88: {  	s2 =	sld [smem:$0x3FD9]  }
0x89: {  	s3 =	sld [smem:$0x3FFE];
	_ =	sdelay $0x1  }
0x8a: {  	s1 =	srdreg.scid  }
0x8b: {  	s0 =	sand.u32 $0x1, s1  }
0x8c: {  	s17 =	sshll.u32 s0, $0xA;
	s2 =	sadd.s32 s3, s2  }
0x8d: {  	s2 =	sadd.s32 s2, s17  }
0x8e: {  	[smem:$0x3FBE] =	sst s2  }
0x8f: {  	_ = 	snop  }
0x90: {  	s2 =	sld [smem:$0x3FD0];
	(tm) =	ssettm $0x1  }
0x91: {  	s18 =	sld [smem:$0x3FFB];
	_ =	sdelay $0x3  }
0x92: {  	_ =	strace s18  }
0x93: {  	s3 =	sld [smem:$0x3FFC];
	_ =	sdelay $0x3  }
0x94: {  	_ =	strace s3  }
0x95: {  	s3 =	sld [smem:$0x3FFD];
	_ =	sdelay $0x3  }
0x96: {  	_ =	strace s3  }
0x97: {  	_ =	strace $0x8FFFFFFF  }
0x98: {  	s19 =	sld [smem:$0x3FDB];
	_ =	sdelay $0x1  }
0x99: {  	s4 =	simm.s32 $_scs_section_size  }
0x9a: {  	s5 =	simm.s32 $_size__tile_overlayer_lowered;
	s6 =	simm.s32 $_tile_overlayer_lowered  }
0x9b: {  	s22 =	simm.s32 $0x1BFF;
	s21 =	sshll.u32 s6, $0x1;
	s3 =	sadd.s32 s4, s19  }
0x9c: {  	s7 =	simm.s32 $0x0;
	s20 =	sshll.u32 s5, $0x1;
	s5 =	sadd.s32 s21, s3  }
0x9d: {  	[timem:s7], [sflag:s22] =	dma.local [hbm:s5], s20  }
0x9e: {  	_ =	swait.ge [sflag:s22], s20  }
0x9f: {  	s4 =	ssub.s32 $0x0, s20;
	[sflag:s22] =	ssyncset.done $0x0  }
0xa0: {  	[sflag:s22] =	ssyncadd.s32 s4;
	_ =	sdelay $0x1  }
0xa1: {  	s23 =	simm.s32 $0x1B8B  }
0xa2: {  	_ =	swait.ge [sflag:s23], $0x1  }
0xa3: {  	[sflag:s23] =	ssyncset.done $0x0  }
0xa4: {  	s25 =	simm.s32 $0x1B8E;
	s24 =	sld [smem:$0x3FFE];
	[sflag:s23] =	ssyncadd.s32 $0xFFFFFFFF  }
0xa5: {  	s26 =	simm.s32 $execute0_lowered;
	[smem:$0x3FD2] =	sst s25  }
0xa6: {  	s5 =	sshll.u32 s26, $0x1;
	_ =	strace $0x80000046;
	[dreg:$0x1] =	wrdreg $0xFFFFFFFF  }
0xa7: {  	s28 =	simm.s32 $_size_execute0_lowered;
	s3 =	sadd.s32 s3, s5;
	[dreg:$0x0] =	wrdreg $0x0  }
0xa8: {  	s5 =	sshll.u32 s28, $0x1;
	[dreg:$0x2] =	wrdreg s3  }
0xa9: {  	[dreg:$0x3] =	wrdreg s5  }
0xaa: {  	[dreg:$0x4] =	wrdreg $0xC0  }
0xab: {  	_ =	task [dreg:s7], $0x5FFFF  }
0xac: {  	[dreg:$0x1] =	wrdreg $0xFFFFFFFF  }
0xad: {  	[dreg:$0x0] =	wrdreg $0x60  }
0xae: {  	[dreg:$0x2] =	wrdreg s24  }
0xaf: {  	[dreg:$0x3] =	wrdreg s2  }
0xb0: {  	[dreg:$0x4] =	wrdreg $0x27100  }
0xb1: {  	[dreg:$0x5] =	wrdreg $0x3A980  }
0xb2: {  	[dreg:$0x6] =	wrdreg $0x4E200  }
0xb3: {  	[dreg:$0x7] =	wrdreg $0x9  }
0xb4: {  	_ =	task.clear_ibuf [dreg:s7], $0x8FFFF;
	_ =	strace $0x90000046  }
0xb5: {  	s29 =	simm.s32 $0x9;
	_ =	strace $0x80000048  }
0xb6: {  	_ =	swait.ge [sflag:s29], $0x1  }
0xb7: {  	[sflag:s29] =	ssyncadd.s32 $0xFFFFFFFF  }
0xb8: {  	_ =	strace $0x90000048  }
0xb9: {  	_ =	sfence  }
0xba: {  	s30 =	sld [smem:$0x0];
	_ =	sdelay $0x2  }
0xbb: {  	s31 =	sshll.u32 s1, $0xD;
	s1 =	sshrl.u32 s1, $0x2  }
0xbc: {  	s3 =	sand.u32 $0x4000, s31;
	s1 =	sadd.s32 s1, s30  }
0xbd: {  	s0 =	sor.u32 s3, s0;
	s1 =	sshll.u32 s1, $0x11  }
0xbe: {  	s0 =	sor.u32 s1, s0  }
0xbf: {  	s0 =	sadd.s32 $0x8F2B, s0  }
0xc0: {  	[sflag:s0] =	ssyncadd.remote.s32 $0x1  }
0xc1: {  	_ =	sfence.sel $0xFFFF  }
0xc2: {  	[dreg:$0x0] =	wrdreg $0xFFFFFFFF;
	(pc) =	sbr.abs _section_cstart, $3  }
0xc3: {  	[dreg:$0x1] =	wrdreg $0xFFFFFFFF  }
0xc4: {  	_ =	task.clear_ibuf [dreg:s7], $0x2FFFF;
	_ =	strace $0x9FFFFFFF  }
0xc5: {  	(tm) =	ssettm $0x7FFFFFFF  }
tec
execute0_lowered:
.L_overlay_start_1:
0x0: {  	(tag) =	ssettag $0x1  }
0x1: {  	s0 =	srdreg.scid  }
0x2: {  	s0 =	sand.u32 $0x1, s0  }
0x3: {  	s16 =	stileid.u32;
	s2 =	rddreg [dreg:$0x0];
	s1 =	sshll.u32 s0, $0x4  }
0x4: {  	s29 =	rddreg [dreg:$0x2];
	s3 =	sor.u32 s16, s1  }
0x5: {  	s5 =	sadd.s32 $0x2A400, s2;
	s7 =	sadd.s32 $0x16A00, s2;
	s3 =	smul.u32 $0x2710, s3  }
0x6: {  	s10 =	sadd.s32 $0x3000, s2;
	s4 =	ssub.s32 $0x2, s0;
	p0 =	seq.s32 s0, $0x1  }
0x7: {  	s1 =	simm.s32 $0x0;
	s8 =	sshrl.u32 s4, $0x1;
	s6 =	sshrl.u32 s3, $0x3  }
0x8: {  	[smem:$0x7FF] =	sst s1;
	s4 =	ssub.s32 s4, s8;
	s9 =	sadd.s32 $0x9C40, s6  }
0x9: {  	s17 =	sadd.s32 $0x4E5E8, s3;
	s12 =	sadd.s32 $0x4F588, s3;
	s15 =	sadd.s32 s5, s9  }
0xa: {  	s14 =	sadd.s32 $0x4FD58, s3;
	s11 =	sadd.s32 s7, s9;
	[dreg:$0x6] =	wrdreg s15  }
0xb: {  	s0 =	sshrl.u32 s17, $0x3;
	s9 =	sadd.s32 s10, s9;
	[dreg:$0x7] =	wrdreg s11  }
0xc: {  	s8 =	sadd.s32 $0x9D3A, s6;
	s18 =	sadd.s32 s5, s0;
	[dreg:$0x8] =	wrdreg s9  }
0xd: {  	s12 =	sshrl.u32 s12, $0x3;
	s19 =	sadd.s32 s5, s8;
	[dreg:$0x9] =	wrdreg s18  }
0xe: {  	s14 =	sshrl.u32 s14, $0x3;
	s22 =	sadd.s32 s5, s12;
	[dreg:$0xa] =	wrdreg s19  }
0xf: {  	s23 =	sadd.s32 s5, s14;
	[dreg:$0xd] =	wrdreg s22  }
0x10: {  	s26 =	sadd.s32 s7, s0;
	[dreg:$0xf] =	wrdreg s23  }
0x11: {  	s28 =	sadd.s32 s7, s8;
	[dreg:$0x12] =	wrdreg s26  }
0x12: {  	s0 =	sadd.s32 s10, s0;
	[dreg:$0x13] =	wrdreg s28  }
0x13: {  	[dreg:$0x1b] =	wrdreg s0  }
0x14: {  	s23 =	rddreg [dreg:$0x1]  }
0x15: {  	s20 =	sadd.s32 $0x4EDB8, s3;
	s18 =	sadd.s32 s7, s14;
	s0 =	rddreg [dreg:$0x3]  }
0x16: {  	s9 =	sshrl.u32 s20, $0x3;
	s28 =	sadd.s32 s10, s14;
	[dreg:$0x18] =	wrdreg s18  }
0x17: {  	s11 =	sadd.s32 $0x9E34, s6;
	s13 =	sadd.s32 s5, s9;
	[smem:$0x7EB] =	sst s28  }
0x18: {  	s21 =	sadd.s32 s5, s11;
	[dreg:$0xb] =	wrdreg s13  }
0x19: {  	s30 =	sadd.s32 s7, s9;
	[dreg:$0xc] =	wrdreg s21  }
0x1a: {  	s31 =	sadd.s32 s7, s11;
	[dreg:$0x14] =	wrdreg s30  }
0x1b: {  	s22 =	sadd.s32 s10, s9;
	[dreg:$0x15] =	wrdreg s31  }
0x1c: {  	s13 =	sadd.s32 $0x9F2E, s6;
	s21 =	sadd.s32 s10, s8;
	[dreg:$0x1d] =	wrdreg s22  }
0x1d: {  	s6 =	sadd.s32 $0xA028, s6;
	s15 =	sadd.s32 s5, s13;
	[dreg:$0x1c] =	wrdreg s21  }
0x1e: {  	s24 =	sadd.s32 s5, s6;
	[dreg:$0xe] =	wrdreg s15  }
0x1f: {  	s17 =	sadd.s32 s7, s13;
	[dreg:$0x10] =	wrdreg s24  }
0x20: {  	s19 =	sadd.s32 s7, s6;
	[dreg:$0x17] =	wrdreg s17  }
0x21: {  	s26 =	sadd.s32 s10, s13;
	[dreg:$0x19] =	wrdreg s19  }
0x22: {  	s30 =	sadd.s32 s10, s6;
	[smem:$0x7EA] =	sst s26  }
0x23: {  	s3 =	sadd.s32 $0x50528, s3;
	[smem:$0x7EC] =	sst s30  }
0x24: {  	s15 =	sshrl.u32 s3, $0x3;
	s24 =	sadd.s32 s10, s11;
	s3 =	rddreg [dreg:$0x4]  }
0x25: {  	s25 =	sadd.s32 s5, s15;
	[dreg:$0x1e] =	wrdreg s24  }
0x26: {  	s5 =	sadd.s32 s7, s12;
	[dreg:$0x11] =	wrdreg s25  }
0x27: {  	s9 =	smul.u32 $0x2700, s16;
	s20 =	sadd.s32 s7, s15;
	[dreg:$0x16] =	wrdreg s5  }
0x28: {  	s31 =	smul.u32 $0x1380, s16;
	s8 =	sadd.s32 s10, s15;
	[dreg:$0x1a] =	wrdreg s20  }
0x29: {  	s25 =	sadd.s32 s10, s12;
	[smem:$0x7ED] =	sst s8  }
0x2a: {  	s13 =	sadd.s32 s9, s2;
	s14 =	sadd.s32 s31, s29;
	[dreg:$0x1f] =	wrdreg s25  }
0x2b: {  	s15 =	sadd.s32 $0x3E200, s13;
	_ =	strace $0x80000047;
	[smem:$0x7EE] =	sst s14  }
0x2c: {  	s17 =	sadd.s32 $0x3E202, s13;
	[smem:$0x7EF] =	sst s15  }
0x2d: {  	s18 =	sadd.s32 $0x3E204, s13;
	[smem:$0x7F0] =	sst s17  }
0x2e: {  	s19 =	sadd.s32 $0x3E208, s13;
	[smem:$0x7F1] =	sst s18  }
0x2f: {  	p1 =	sne.s32 s16, $0xF;
	s20 =	sadd.s32 $0x3E20A, s13;
	[smem:$0x7F2] =	sst s19  }
0x30: {  	s22 =	sadd.s32 $0x3DE00, s2;
	s21 =	sadd.s32 $0x3E20C, s13;
	[smem:$0x7F3] =	sst s20  }
0x31: {  	s7 =	sadd.s32 $0x2700, s23;
	s10 =	sshrl.u32 s31, $0x3;
	[smem:$0x7F4] =	sst s21  }
0x32: {  	s5 =	sadd.s32 s23, s10;
	s23 =	sadd.s32 $0x65200, s2;
	[smem:$0x7F5] =	sst s22  }
0x33: {  	p2 =	seq.s32 s16, $0xF;
	s24 =	sadd.s32 $0x62B02, s2;
	[smem:$0x7F6] =	sst s23  }
0x34: {  	s28 =	sadd.s32 $0x65208, s2;
	s25 =	sadd.s32 $0x65202, s2;
	[smem:$0x7F7] =	sst s24  }
0x35: {  	s9 =	sadd.s32 s31, s0;
	s26 =	sadd.s32 $0x65204, s2;
	[smem:$0x7F8] =	sst s25  }
0x36: {  	s30 =	sadd.s32 $0x62B0A, s2;
	s12 =	sshll.u32 s16, $0x6;
	[smem:$0x7F9] =	sst s26  }
0x37: {  	s13 =	sadd.s32 $0x13800, s29;
	s16 =	simm.s32 $0x3;
	[smem:$0x7FA] =	sst s28  }
0x38: {  	s10 =	sadd.s32 s31, s3;
	s31 =	sadd.s32 $0x6520A, s2;
	[smem:$0x7FB] =	sst s30  }
.Ltmp0:
0x39: {  	s2 =	sadd.s32 $0x6520C, s2;
	[smem:$0x7FC] =	sst s31;
	(pc) =	sbr.rel .LBB2_1-.Ltmp0, $4  }
0x3a: {  	s6 =	sor.u32 $0x1C03, s12;
	s12 =	smax.u32 s4, $0x1;
	[smem:$0x7FD] =	sst s2  }
0x3b: {  	s14 =	sadd.s32 $0x13800, s0;
	s15 =	sadd.s32 $0x13800, s3;
	s17 =	simm.s32 $0x1F40  }
0x3c: {  	s18 =	simm.s32 $0x2328;
	s19 =	simm.s32 $0x1;
	s20 =	simm.s32 $0x3E8  }
0x3d: {  	s21 =	simm.s32 $0x4;
	s22 =	simm.s32 $0x2;
	s23 =	simm.s32 $0x10  }
.LBB2_4:
0x3e: {  	s4 =	sshrl.u32 s15, $0x3  }
0x3f: {  	[hbm:s2@s23], [sflag:s6] =	dma.strided [spmem:s4@s19], $0x10, s19, $0x1   }
0x40: {  	_ =	swait.ge [sflag:s16], $0x10  }
0x41: {  	[sflag:s16] =	ssyncset.done $0x0  }
0x42: {  	[sflag:s16] =	ssyncadd.s32 $0xFFFFFFF0  }
.LBB2_5:
0x43: {  	s12 =	sadd.s32 $0xFFFFFFFF, s12  }
0x44: {  	p3 =	sne.s32 s12, $0x0  }
.Ltmp1:
0x45: {  	_ = 	snop;
	(pc) =	sbr.rel @!p3 .LBB2_6-.Ltmp1, $1  }
0x46: {  	_ =	sdelay $0x3  }
.LBB2_1:
0x47: {  	s2 =	sld [smem:$0x7EE];
	_ =	sdelay $0x2  }
0x48: {  	s4 =	sshrl.u32 s2, $0x3  }
0x49: {  	[spmem:s4], [sflag:s6] =	dma.local [hbm:s5], $0x270  }
0x4a: {  	_ =	swait.ge [sflag:s16], $0x270  }
0x4b: {  	[sflag:s16] =	ssyncset.done $0x0  }
0x4c: {  	s31 =	simm.s32 @p1 $0x3;
	s2 =	sshrl.u32 @p1 s9, $0x3;
	[sflag:s16] =	ssyncadd.s32 $0xFFFFFD90  }
0x4d: {  	[spmem:s2], [sflag:s6] =	dma.local @p1 [hbm:s5], $0x270  }
0x4e: {  	_ =	swait.ge @p1 [sflag:s31], $0x270  }
0x4f: {  	[sflag:s31] =	ssyncset.done @p1 $0x0  }
0x50: {  	s30 =	sshrl.u32 @!p1 s13, $0x3;
	s24 =	simm.s32 @!p1 $0x3;
	[sflag:s31] =	ssyncadd.s32 @p1 $0xFFFFFD90  }
0x51: {  	[spmem:s30], [sflag:s6] =	dma.local @!p1 [hbm:s7], $0x10  }
0x52: {  	_ =	swait.ge @!p1 [sflag:s24], $0x10  }
0x53: {  	[sflag:s24] =	ssyncset.done @!p1 $0x0  }
0x54: {  	s28 =	sshrl.u32 @!p1 s9, $0x3;
	[sflag:s24] =	ssyncadd.s32 @!p1 $0xFFFFFFF0  }
0x55: {  	[spmem:s28], [sflag:s6] =	dma.local @!p1 [hbm:s5], $0x270  }
0x56: {  	_ =	swait.ge @!p1 [sflag:s24], $0x270  }
0x57: {  	[sflag:s24] =	ssyncset.done @!p1 $0x0  }
0x58: {  	s26 =	sshrl.u32 @!p1 s14, $0x3;
	[sflag:s24] =	ssyncadd.s32 @!p1 $0xFFFFFD90  }
0x59: {  	[spmem:s26], [sflag:s6] =	dma.local @!p1 [hbm:s7], $0x10  }
0x5a: {  	_ =	swait.ge @!p1 [sflag:s24], $0x10  }
0x5b: {  	[sflag:s24] =	ssyncset.done @!p1 $0x0  }
0x5c: {  	s25 =	sshrl.u32 s10, $0x3;
	[sflag:s24] =	ssyncadd.s32 @!p1 $0xFFFFFFF0  }
0x5d: {  	[spmem:s25], [sflag:s6] =	dma.local [hbm:s5], $0x270  }
0x5e: {  	_ =	swait.ge [sflag:s16], $0x270  }
0x5f: {  	[sflag:s16] =	ssyncset.done $0x0  }
0x60: {  	s8 =	sshrl.u32 @!p1 s15, $0x3;
	[sflag:s16] =	ssyncadd.s32 $0xFFFFFD90  }
0x61: {  	[spmem:s8], [sflag:s6] =	dma.local @!p1 [hbm:s7], $0x10  }
0x62: {  	_ =	swait.ge @!p1 [sflag:s24], $0x10  }
0x63: {  	s11 =	sld [smem:$0x7F5]  }
0x64: {  	[sflag:s24] =	ssyncset.done @!p1 $0x0  }
0x65: {  	[sflag:s24] =	ssyncadd.s32 @!p1 $0xFFFFFFF0  }
0x66: {  	[tilespmem:s1], [sflag:$0x3] =	stream.linear.gather [hbm4b:s11+s1], $0x1F40, $0x38;
	[tilespmem:$0x61A8] =	vst v63  }
0x67: {  	_ =	swait.ge [sflag:s16], $0x1F40  }
0x68: {  	[sflag:s16] =	ssyncset.done $0x0  }
0x69: {  	[sflag:s16] =	ssyncadd.s32 $0xFFFFE0C0  }
0x6a: {  	[bflag:$0x0] =	sbarrier.arrive $0xFFFF  }
0x6b: {  	s11 =	rddreg [dreg:$0x6]  }
0x6c: {  	[tilespmem:s17], [sflag:$0x1] =	stream.linear.gather [hbm4b:s11+s1], $0x3E8, $0x38;
	[tilespmem:$0x61A8] =	vst v63  }
0x6d: {  	s11 =	rddreg [dreg:$0x9]  }
0x6e: {  	[tilespmem:s18], [sflag:$0x2] =	stream.linear.gather [hbm4b:s11+s1], $0x3E8, $0x38;
	[tilespmem:$0x61A8] =	vst v63  }
0x6f: {  	_ =	swait.ge [sflag:s19], $0x3E8  }
0x70: {  	[sflag:s19] =	ssyncset.done $0x0  }
0x71: {  	[sflag:s19] =	ssyncadd.s32 $0xFFFFFC18  }
0x72: {  	[spmem:s29] =	stream.indirect.scatter.add.f32 [tilespmem:s1], [sflag:$0x4], $0x8, s17, s20, $0xb8;
	[tilespmem:$0x61A8] =	vst v63  }
0x73: {  	_ =	swait.ge [sflag:s21], $0x1F40  }
0x74: {  	[sflag:s21] =	ssyncset.done $0x0  }
0x75: {  	s11 =	rddreg [dreg:$0xa];
	[sflag:s21] =	ssyncadd.s32 $0xFFFFE0C0  }
0x76: {  	[tilespmem:s17], [sflag:$0x1] =	stream.linear.gather [hbm4b:s11+s1], $0x3E8, $0x38;
	[tilespmem:$0x61A8] =	vst v63  }
0x77: {  	_ =	swait.ge [sflag:s22], $0x3E8  }
0x78: {  	[sflag:s22] =	ssyncset.done $0x0  }
0x79: {  	[sflag:s22] =	ssyncadd.s32 $0xFFFFFC18  }
0x7a: {  	[spmem:s29] =	stream.indirect.scatter.add.f32 [tilespmem:s1], [sflag:$0x3], $0x8, s18, s20, $0xb8;
	[tilespmem:$0x61A8] =	vst v63  }
0x7b: {  	_ =	swait.ge [sflag:s16], $0x1F40  }
0x7c: {  	[sflag:s16] =	ssyncset.done $0x0  }
0x7d: {  	s11 =	rddreg [dreg:$0xb];
	[sflag:s16] =	ssyncadd.s32 $0xFFFFE0C0  }
0x7e: {  	[tilespmem:s18], [sflag:$0x2] =	stream.linear.gather [hbm4b:s11+s1], $0x3E8, $0x38;
	[tilespmem:$0x61A8] =	vst v63  }
0x7f: {  	_ =	swait.ge [sflag:s19], $0x3E8  }
0x80: {  	[sflag:s19] =	ssyncset.done $0x0  }
0x81: {  	[sflag:s19] =	ssyncadd.s32 $0xFFFFFC18  }
0x82: {  	[spmem:s29] =	stream.indirect.scatter.add.f32 [tilespmem:s1], [sflag:$0x4], $0x8, s17, s20, $0xb8;
	[tilespmem:$0x61A8] =	vst v63  }
0x83: {  	_ =	swait.ge [sflag:s21], $0x1F40  }
0x84: {  	[sflag:s21] =	ssyncset.done $0x0  }
0x85: {  	s11 =	rddreg [dreg:$0xc];
	[sflag:s21] =	ssyncadd.s32 $0xFFFFE0C0  }
0x86: {  	[tilespmem:s17], [sflag:$0x1] =	stream.linear.gather [hbm4b:s11+s1], $0x3E8, $0x38;
	[tilespmem:$0x61A8] =	vst v63  }
0x87: {  	_ =	swait.ge [sflag:s22], $0x3E8  }
0x88: {  	[sflag:s22] =	ssyncset.done $0x0  }
0x89: {  	[sflag:s22] =	ssyncadd.s32 $0xFFFFFC18  }
0x8a: {  	[spmem:s29] =	stream.indirect.scatter.add.f32 [tilespmem:s1], [sflag:$0x3], $0x8, s18, s20, $0xb8;
	[tilespmem:$0x61A8] =	vst v63  }
0x8b: {  	_ =	swait.ge [sflag:s16], $0x1F40  }
0x8c: {  	[sflag:s16] =	ssyncset.done $0x0  }
0x8d: {  	s11 =	rddreg [dreg:$0xd];
	[sflag:s16] =	ssyncadd.s32 $0xFFFFE0C0  }
0x8e: {  	[tilespmem:s18], [sflag:$0x2] =	stream.linear.gather [hbm4b:s11+s1], $0x3E8, $0x38;
	[tilespmem:$0x61A8] =	vst v63  }
0x8f: {  	_ =	swait.ge [sflag:s19], $0x3E8  }
0x90: {  	[sflag:s19] =	ssyncset.done $0x0  }
0x91: {  	[sflag:s19] =	ssyncadd.s32 $0xFFFFFC18  }
0x92: {  	[spmem:s29] =	stream.indirect.scatter.add.f32 [tilespmem:s1], [sflag:$0x4], $0x8, s17, s20, $0xb8;
	[tilespmem:$0x61A8] =	vst v63  }
0x93: {  	_ =	swait.ge [sflag:s21], $0x1F40  }
0x94: {  	[sflag:s21] =	ssyncset.done $0x0  }
0x95: {  	s11 =	rddreg [dreg:$0xe];
	[sflag:s21] =	ssyncadd.s32 $0xFFFFE0C0  }
0x96: {  	[tilespmem:s17], [sflag:$0x1] =	stream.linear.gather [hbm4b:s11+s1], $0x3E8, $0x38;
	[tilespmem:$0x61A8] =	vst v63  }
0x97: {  	_ =	swait.ge [sflag:s22], $0x3E8  }
0x98: {  	[sflag:s22] =	ssyncset.done $0x0  }
0x99: {  	[sflag:s22] =	ssyncadd.s32 $0xFFFFFC18  }
0x9a: {  	[spmem:s29] =	stream.indirect.scatter.add.f32 [tilespmem:s1], [sflag:$0x3], $0x8, s18, s20, $0xb8;
	[tilespmem:$0x61A8] =	vst v63  }
0x9b: {  	_ =	swait.ge [sflag:s16], $0x1F40  }
0x9c: {  	[sflag:s16] =	ssyncset.done $0x0  }
0x9d: {  	s11 =	rddreg [dreg:$0xf];
	[sflag:s16] =	ssyncadd.s32 $0xFFFFE0C0  }
0x9e: {  	[tilespmem:s18], [sflag:$0x2] =	stream.linear.gather [hbm4b:s11+s1], $0x3E8, $0x38;
	[tilespmem:$0x61A8] =	vst v63  }
0x9f: {  	_ =	swait.ge [sflag:s19], $0x3E8  }
0xa0: {  	[sflag:s19] =	ssyncset.done $0x0  }
0xa1: {  	[sflag:s19] =	ssyncadd.s32 $0xFFFFFC18  }
0xa2: {  	[spmem:s29] =	stream.indirect.scatter.add.f32 [tilespmem:s1], [sflag:$0x4], $0x8, s17, s20, $0xb8;
	[tilespmem:$0x61A8] =	vst v63  }
0xa3: {  	_ =	swait.ge [sflag:s21], $0x1F40  }
0xa4: {  	[sflag:s21] =	ssyncset.done $0x0  }
0xa5: {  	s11 =	rddreg [dreg:$0x10];
	[sflag:s21] =	ssyncadd.s32 $0xFFFFE0C0  }
0xa6: {  	[tilespmem:s17], [sflag:$0x1] =	stream.linear.gather [hbm4b:s11+s1], $0x3E8, $0x38;
	[tilespmem:$0x61A8] =	vst v63  }
0xa7: {  	_ =	swait.ge [sflag:s22], $0x3E8  }
0xa8: {  	[sflag:s22] =	ssyncset.done $0x0  }
0xa9: {  	[sflag:s22] =	ssyncadd.s32 $0xFFFFFC18  }
0xaa: {  	[spmem:s29] =	stream.indirect.scatter.add.f32 [tilespmem:s1], [sflag:$0x3], $0x8, s18, s20, $0xb8;
	[tilespmem:$0x61A8] =	vst v63  }
0xab: {  	_ =	swait.ge [sflag:s16], $0x1F40  }
0xac: {  	[sflag:s16] =	ssyncset.done $0x0  }
0xad: {  	s11 =	rddreg [dreg:$0x11];
	[sflag:s16] =	ssyncadd.s32 $0xFFFFE0C0  }
0xae: {  	[tilespmem:s18], [sflag:$0x2] =	stream.linear.gather [hbm4b:s11+s1], $0x3E8, $0x38;
	[tilespmem:$0x61A8] =	vst v63  }
0xaf: {  	_ =	swait.ge [sflag:s19], $0x3E8  }
0xb0: {  	[sflag:s19] =	ssyncset.done $0x0  }
0xb1: {  	[sflag:s19] =	ssyncadd.s32 $0xFFFFFC18  }
0xb2: {  	[spmem:s29] =	stream.indirect.scatter.add.f32 [tilespmem:s1], [sflag:$0x4], $0x8, s17, s20, $0xb8;
	[tilespmem:$0x61A8] =	vst v63  }
0xb3: {  	_ =	swait.ge [sflag:s21], $0x1F40  }
0xb4: {  	[sflag:s21] =	ssyncset.done $0x0  }
0xb5: {  	[sflag:s21] =	ssyncadd.s32 $0xFFFFE0C0  }
0xb6: {  	_ =	swait.ge [sflag:s22], $0x3E8  }
0xb7: {  	[sflag:s22] =	ssyncset.done $0x0  }
0xb8: {  	[sflag:s22] =	ssyncadd.s32 $0xFFFFFC18  }
0xb9: {  	[spmem:s29] =	stream.indirect.scatter.add.f32 [tilespmem:s1], [sflag:$0x3], $0x8, s18, s20, $0xb8;
	[tilespmem:$0x61A8] =	vst v63  }
0xba: {  	_ =	swait.ge [sflag:s16], $0x1F40  }
0xbb: {  	[sflag:s16] =	ssyncset.done $0x0  }
0xbc: {  	s11 =	rddreg [dreg:$0x7];
	[sflag:s16] =	ssyncadd.s32 $0xFFFFE0C0  }
0xbd: {  	[tilespmem:s17], [sflag:$0x1] =	stream.linear.gather [hbm4b:s11+s1], $0x3E8, $0x38;
	[tilespmem:$0x61A8] =	vst v63  }
0xbe: {  	s11 =	rddreg [dreg:$0x12]  }
0xbf: {  	[tilespmem:s18], [sflag:$0x2] =	stream.linear.gather [hbm4b:s11+s1], $0x3E8, $0x38;
	[tilespmem:$0x61A8] =	vst v63  }
0xc0: {  	_ =	swait.ge [sflag:s19], $0x3E8  }
0xc1: {  	[sflag:s19] =	ssyncset.done $0x0  }
0xc2: {  	[sflag:s19] =	ssyncadd.s32 $0xFFFFFC18  }
0xc3: {  	[spmem:s0] =	stream.indirect.scatter.add.f32 [tilespmem:s1], [sflag:$0x4], $0x8, s17, s20, $0xb8;
	[tilespmem:$0x61A8] =	vst v63  }
0xc4: {  	_ =	swait.ge [sflag:s21], $0x1F40  }
0xc5: {  	[sflag:s21] =	ssyncset.done $0x0  }
0xc6: {  	s11 =	rddreg [dreg:$0x13];
	[sflag:s21] =	ssyncadd.s32 $0xFFFFE0C0  }
0xc7: {  	[tilespmem:s17], [sflag:$0x1] =	stream.linear.gather [hbm4b:s11+s1], $0x3E8, $0x38;
	[tilespmem:$0x61A8] =	vst v63  }
0xc8: {  	_ =	swait.ge [sflag:s22], $0x3E8  }
0xc9: {  	[sflag:s22] =	ssyncset.done $0x0  }
0xca: {  	[sflag:s22] =	ssyncadd.s32 $0xFFFFFC18  }
0xcb: {  	[spmem:s0] =	stream.indirect.scatter.add.f32 [tilespmem:s1], [sflag:$0x3], $0x8, s18, s20, $0xb8;
	[tilespmem:$0x61A8] =	vst v63  }
0xcc: {  	_ =	swait.ge [sflag:s16], $0x1F40  }
0xcd: {  	[sflag:s16] =	ssyncset.done $0x0  }
0xce: {  	s11 =	rddreg [dreg:$0x14];
	[sflag:s16] =	ssyncadd.s32 $0xFFFFE0C0  }
0xcf: {  	[tilespmem:s18], [sflag:$0x2] =	stream.linear.gather [hbm4b:s11+s1], $0x3E8, $0x38;
	[tilespmem:$0x61A8] =	vst v63  }
0xd0: {  	_ =	swait.ge [sflag:s19], $0x3E8  }
0xd1: {  	[sflag:s19] =	ssyncset.done $0x0  }
0xd2: {  	[sflag:s19] =	ssyncadd.s32 $0xFFFFFC18  }
0xd3: {  	[spmem:s0] =	stream.indirect.scatter.add.f32 [tilespmem:s1], [sflag:$0x4], $0x8, s17, s20, $0xb8;
	[tilespmem:$0x61A8] =	vst v63  }
0xd4: {  	_ =	swait.ge [sflag:s21], $0x1F40  }
0xd5: {  	[sflag:s21] =	ssyncset.done $0x0  }
0xd6: {  	s11 =	rddreg [dreg:$0x15];
	[sflag:s21] =	ssyncadd.s32 $0xFFFFE0C0  }
0xd7: {  	[tilespmem:s17], [sflag:$0x1] =	stream.linear.gather [hbm4b:s11+s1], $0x3E8, $0x38;
	[tilespmem:$0x61A8] =	vst v63  }
0xd8: {  	_ =	swait.ge [sflag:s22], $0x3E8  }
0xd9: {  	[sflag:s22] =	ssyncset.done $0x0  }
0xda: {  	[sflag:s22] =	ssyncadd.s32 $0xFFFFFC18  }
0xdb: {  	[spmem:s0] =	stream.indirect.scatter.add.f32 [tilespmem:s1], [sflag:$0x3], $0x8, s18, s20, $0xb8;
	[tilespmem:$0x61A8] =	vst v63  }
0xdc: {  	_ =	swait.ge [sflag:s16], $0x1F40  }
0xdd: {  	[sflag:s16] =	ssyncset.done $0x0  }
0xde: {  	s11 =	rddreg [dreg:$0x16];
	[sflag:s16] =	ssyncadd.s32 $0xFFFFE0C0  }
0xdf: {  	[tilespmem:s18], [sflag:$0x2] =	stream.linear.gather [hbm4b:s11+s1], $0x3E8, $0x38;
	[tilespmem:$0x61A8] =	vst v63  }
0xe0: {  	_ =	swait.ge [sflag:s19], $0x3E8  }
0xe1: {  	[sflag:s19] =	ssyncset.done $0x0  }
0xe2: {  	[sflag:s19] =	ssyncadd.s32 $0xFFFFFC18  }
0xe3: {  	[spmem:s0] =	stream.indirect.scatter.add.f32 [tilespmem:s1], [sflag:$0x4], $0x8, s17, s20, $0xb8;
	[tilespmem:$0x61A8] =	vst v63  }
0xe4: {  	_ =	swait.ge [sflag:s21], $0x1F40  }
0xe5: {  	[sflag:s21] =	ssyncset.done $0x0  }
0xe6: {  	s11 =	rddreg [dreg:$0x17];
	[sflag:s21] =	ssyncadd.s32 $0xFFFFE0C0  }
0xe7: {  	[tilespmem:s17], [sflag:$0x1] =	stream.linear.gather [hbm4b:s11+s1], $0x3E8, $0x38;
	[tilespmem:$0x61A8] =	vst v63  }
0xe8: {  	_ =	swait.ge [sflag:s22], $0x3E8  }
0xe9: {  	[sflag:s22] =	ssyncset.done $0x0  }
0xea: {  	[sflag:s22] =	ssyncadd.s32 $0xFFFFFC18  }
0xeb: {  	[spmem:s0] =	stream.indirect.scatter.add.f32 [tilespmem:s1], [sflag:$0x3], $0x8, s18, s20, $0xb8;
	[tilespmem:$0x61A8] =	vst v63  }
0xec: {  	_ =	swait.ge [sflag:s16], $0x1F40  }
0xed: {  	[sflag:s16] =	ssyncset.done $0x0  }
0xee: {  	s11 =	rddreg [dreg:$0x18];
	[sflag:s16] =	ssyncadd.s32 $0xFFFFE0C0  }
0xef: {  	[tilespmem:s18], [sflag:$0x2] =	stream.linear.gather [hbm4b:s11+s1], $0x3E8, $0x38;
	[tilespmem:$0x61A8] =	vst v63  }
0xf0: {  	_ =	swait.ge [sflag:s19], $0x3E8  }
0xf1: {  	[sflag:s19] =	ssyncset.done $0x0  }
0xf2: {  	[sflag:s19] =	ssyncadd.s32 $0xFFFFFC18  }
0xf3: {  	[spmem:s0] =	stream.indirect.scatter.add.f32 [tilespmem:s1], [sflag:$0x4], $0x8, s17, s20, $0xb8;
	[tilespmem:$0x61A8] =	vst v63  }
0xf4: {  	_ =	swait.ge [sflag:s21], $0x1F40  }
0xf5: {  	[sflag:s21] =	ssyncset.done $0x0  }
0xf6: {  	s11 =	rddreg [dreg:$0x19];
	[sflag:s21] =	ssyncadd.s32 $0xFFFFE0C0  }
0xf7: {  	[tilespmem:s17], [sflag:$0x1] =	stream.linear.gather [hbm4b:s11+s1], $0x3E8, $0x38;
	[tilespmem:$0x61A8] =	vst v63  }
0xf8: {  	_ =	swait.ge [sflag:s22], $0x3E8  }
0xf9: {  	[sflag:s22] =	ssyncset.done $0x0  }
0xfa: {  	[sflag:s22] =	ssyncadd.s32 $0xFFFFFC18  }
0xfb: {  	[spmem:s0] =	stream.indirect.scatter.add.f32 [tilespmem:s1], [sflag:$0x3], $0x8, s18, s20, $0xb8;
	[tilespmem:$0x61A8] =	vst v63  }
0xfc: {  	_ =	swait.ge [sflag:s16], $0x1F40  }
0xfd: {  	[sflag:s16] =	ssyncset.done $0x0  }
0xfe: {  	s11 =	rddreg [dreg:$0x1a];
	[sflag:s16] =	ssyncadd.s32 $0xFFFFE0C0  }
0xff: {  	[tilespmem:s18], [sflag:$0x2] =	stream.linear.gather [hbm4b:s11+s1], $0x3E8, $0x38;
	[tilespmem:$0x61A8] =	vst v63  }
0x100: {  	_ =	swait.ge [sflag:s19], $0x3E8  }
0x101: {  	[sflag:s19] =	ssyncset.done $0x0  }
0x102: {  	[sflag:s19] =	ssyncadd.s32 $0xFFFFFC18  }
0x103: {  	[spmem:s0] =	stream.indirect.scatter.add.f32 [tilespmem:s1], [sflag:$0x4], $0x8, s17, s20, $0xb8;
	[tilespmem:$0x61A8] =	vst v63  }
0x104: {  	_ =	swait.ge [sflag:s21], $0x1F40  }
0x105: {  	[sflag:s21] =	ssyncset.done $0x0  }
0x106: {  	[sflag:s21] =	ssyncadd.s32 $0xFFFFE0C0  }
0x107: {  	_ =	swait.ge [sflag:s22], $0x3E8  }
0x108: {  	[sflag:s22] =	ssyncset.done $0x0  }
0x109: {  	[sflag:s22] =	ssyncadd.s32 $0xFFFFFC18  }
0x10a: {  	[spmem:s0] =	stream.indirect.scatter.add.f32 [tilespmem:s1], [sflag:$0x3], $0x8, s18, s20, $0xb8;
	[tilespmem:$0x61A8] =	vst v63  }
0x10b: {  	_ =	swait.ge [sflag:s16], $0x1F40  }
0x10c: {  	[sflag:s16] =	ssyncset.done $0x0  }
0x10d: {  	s11 =	rddreg [dreg:$0x8];
	[sflag:s16] =	ssyncadd.s32 $0xFFFFE0C0  }
0x10e: {  	[tilespmem:s17], [sflag:$0x1] =	stream.linear.gather [hbm4b:s11+s1], $0x3E8, $0x38;
	[tilespmem:$0x61A8] =	vst v63  }
0x10f: {  	s11 =	rddreg [dreg:$0x1b]  }
0x110: {  	[tilespmem:s18], [sflag:$0x2] =	stream.linear.gather [hbm4b:s11+s1], $0x3E8, $0x38;
	[tilespmem:$0x61A8] =	vst v63  }
0x111: {  	_ =	swait.ge [sflag:s19], $0x3E8  }
0x112: {  	[sflag:s19] =	ssyncset.done $0x0  }
0x113: {  	[sflag:s19] =	ssyncadd.s32 $0xFFFFFC18  }
0x114: {  	[spmem:s3] =	stream.indirect.scatter.add.f32 [tilespmem:s1], [sflag:$0x4], $0x8, s17, s20, $0xb8;
	[tilespmem:$0x61A8] =	vst v63  }
0x115: {  	_ =	swait.ge [sflag:s21], $0x1F40  }
0x116: {  	[sflag:s21] =	ssyncset.done $0x0  }
0x117: {  	s11 =	rddreg [dreg:$0x1c];
	[sflag:s21] =	ssyncadd.s32 $0xFFFFE0C0  }
0x118: {  	[tilespmem:s17], [sflag:$0x1] =	stream.linear.gather [hbm4b:s11+s1], $0x3E8, $0x38;
	[tilespmem:$0x61A8] =	vst v63  }
0x119: {  	_ =	swait.ge [sflag:s22], $0x3E8  }
0x11a: {  	[sflag:s22] =	ssyncset.done $0x0  }
0x11b: {  	[sflag:s22] =	ssyncadd.s32 $0xFFFFFC18  }
0x11c: {  	[spmem:s3] =	stream.indirect.scatter.add.f32 [tilespmem:s1], [sflag:$0x3], $0x8, s18, s20, $0xb8;
	[tilespmem:$0x61A8] =	vst v63  }
0x11d: {  	_ =	swait.ge [sflag:s16], $0x1F40  }
0x11e: {  	[sflag:s16] =	ssyncset.done $0x0  }
0x11f: {  	s11 =	rddreg [dreg:$0x1d];
	[sflag:s16] =	ssyncadd.s32 $0xFFFFE0C0  }
0x120: {  	[tilespmem:s18], [sflag:$0x2] =	stream.linear.gather [hbm4b:s11+s1], $0x3E8, $0x38;
	[tilespmem:$0x61A8] =	vst v63  }
0x121: {  	_ =	swait.ge [sflag:s19], $0x3E8  }
0x122: {  	[sflag:s19] =	ssyncset.done $0x0  }
0x123: {  	[sflag:s19] =	ssyncadd.s32 $0xFFFFFC18  }
0x124: {  	[spmem:s3] =	stream.indirect.scatter.add.f32 [tilespmem:s1], [sflag:$0x4], $0x8, s17, s20, $0xb8;
	[tilespmem:$0x61A8] =	vst v63  }
0x125: {  	_ =	swait.ge [sflag:s21], $0x1F40  }
0x126: {  	[sflag:s21] =	ssyncset.done $0x0  }
0x127: {  	s11 =	rddreg [dreg:$0x1e];
	[sflag:s21] =	ssyncadd.s32 $0xFFFFE0C0  }
0x128: {  	[tilespmem:s17], [sflag:$0x1] =	stream.linear.gather [hbm4b:s11+s1], $0x3E8, $0x38;
	[tilespmem:$0x61A8] =	vst v63  }
0x129: {  	_ =	swait.ge [sflag:s22], $0x3E8  }
0x12a: {  	[sflag:s22] =	ssyncset.done $0x0  }
0x12b: {  	[sflag:s22] =	ssyncadd.s32 $0xFFFFFC18  }
0x12c: {  	[spmem:s3] =	stream.indirect.scatter.add.f32 [tilespmem:s1], [sflag:$0x3], $0x8, s18, s20, $0xb8;
	[tilespmem:$0x61A8] =	vst v63  }
0x12d: {  	_ =	swait.ge [sflag:s16], $0x1F40  }
0x12e: {  	[sflag:s16] =	ssyncset.done $0x0  }
0x12f: {  	s11 =	rddreg [dreg:$0x1f];
	[sflag:s16] =	ssyncadd.s32 $0xFFFFE0C0  }
0x130: {  	[tilespmem:s18], [sflag:$0x2] =	stream.linear.gather [hbm4b:s11+s1], $0x3E8, $0x38;
	[tilespmem:$0x61A8] =	vst v63  }
0x131: {  	_ =	swait.ge [sflag:s19], $0x3E8  }
0x132: {  	[sflag:s19] =	ssyncset.done $0x0  }
0x133: {  	[sflag:s19] =	ssyncadd.s32 $0xFFFFFC18  }
0x134: {  	[spmem:s3] =	stream.indirect.scatter.add.f32 [tilespmem:s1], [sflag:$0x4], $0x8, s17, s20, $0xb8;
	[tilespmem:$0x61A8] =	vst v63  }
0x135: {  	_ =	swait.ge [sflag:s21], $0x1F40  }
0x136: {  	s11 =	sld [smem:$0x7EA]  }
0x137: {  	[sflag:s21] =	ssyncset.done $0x0  }
0x138: {  	[sflag:s21] =	ssyncadd.s32 $0xFFFFE0C0  }
0x139: {  	[tilespmem:s17], [sflag:$0x1] =	stream.linear.gather [hbm4b:s11+s1], $0x3E8, $0x38;
	[tilespmem:$0x61A8] =	vst v63  }
0x13a: {  	_ =	swait.ge [sflag:s22], $0x3E8  }
0x13b: {  	[sflag:s22] =	ssyncset.done $0x0  }
0x13c: {  	[sflag:s22] =	ssyncadd.s32 $0xFFFFFC18  }
0x13d: {  	[spmem:s3] =	stream.indirect.scatter.add.f32 [tilespmem:s1], [sflag:$0x3], $0x8, s18, s20, $0xb8;
	[tilespmem:$0x61A8] =	vst v63  }
0x13e: {  	_ =	swait.ge [sflag:s16], $0x1F40  }
0x13f: {  	s11 =	sld [smem:$0x7EB]  }
0x140: {  	[sflag:s16] =	ssyncset.done $0x0  }
0x141: {  	[sflag:s16] =	ssyncadd.s32 $0xFFFFE0C0  }
0x142: {  	[tilespmem:s18], [sflag:$0x2] =	stream.linear.gather [hbm4b:s11+s1], $0x3E8, $0x38;
	[tilespmem:$0x61A8] =	vst v63  }
0x143: {  	_ =	swait.ge [sflag:s19], $0x3E8  }
0x144: {  	[sflag:s19] =	ssyncset.done $0x0  }
0x145: {  	[sflag:s19] =	ssyncadd.s32 $0xFFFFFC18  }
0x146: {  	[spmem:s3] =	stream.indirect.scatter.add.f32 [tilespmem:s1], [sflag:$0x4], $0x8, s17, s20, $0xb8;
	[tilespmem:$0x61A8] =	vst v63  }
0x147: {  	_ =	swait.ge [sflag:s21], $0x1F40  }
0x148: {  	s11 =	sld [smem:$0x7EC]  }
0x149: {  	[sflag:s21] =	ssyncset.done $0x0  }
0x14a: {  	[sflag:s21] =	ssyncadd.s32 $0xFFFFE0C0  }
0x14b: {  	[tilespmem:s17], [sflag:$0x1] =	stream.linear.gather [hbm4b:s11+s1], $0x3E8, $0x38;
	[tilespmem:$0x61A8] =	vst v63  }
0x14c: {  	_ =	swait.ge [sflag:s22], $0x3E8  }
0x14d: {  	[sflag:s22] =	ssyncset.done $0x0  }
0x14e: {  	[sflag:s22] =	ssyncadd.s32 $0xFFFFFC18  }
0x14f: {  	[spmem:s3] =	stream.indirect.scatter.add.f32 [tilespmem:s1], [sflag:$0x3], $0x8, s18, s20, $0xb8;
	[tilespmem:$0x61A8] =	vst v63  }
0x150: {  	_ =	swait.ge [sflag:s16], $0x1F40  }
0x151: {  	s11 =	sld [smem:$0x7ED]  }
0x152: {  	[sflag:s16] =	ssyncset.done $0x0  }
0x153: {  	[sflag:s16] =	ssyncadd.s32 $0xFFFFE0C0  }
0x154: {  	[tilespmem:s18], [sflag:$0x2] =	stream.linear.gather [hbm4b:s11+s1], $0x3E8, $0x38;
	[tilespmem:$0x61A8] =	vst v63  }
0x155: {  	_ =	swait.ge [sflag:s19], $0x3E8  }
0x156: {  	[sflag:s19] =	ssyncset.done $0x0  }
0x157: {  	[sflag:s19] =	ssyncadd.s32 $0xFFFFFC18  }
0x158: {  	[spmem:s3] =	stream.indirect.scatter.add.f32 [tilespmem:s1], [sflag:$0x4], $0x8, s17, s20, $0xb8;
	[tilespmem:$0x61A8] =	vst v63  }
0x159: {  	_ =	swait.ge [sflag:s21], $0x1F40  }
0x15a: {  	[sflag:s21] =	ssyncset.done $0x0  }
0x15b: {  	[sflag:s21] =	ssyncadd.s32 $0xFFFFE0C0  }
0x15c: {  	_ =	swait.ge [sflag:s22], $0x3E8  }
0x15d: {  	[sflag:s22] =	ssyncset.done $0x0  }
0x15e: {  	[sflag:s22] =	ssyncadd.s32 $0xFFFFFC18  }
0x15f: {  	[spmem:s3] =	stream.indirect.scatter.add.f32 [tilespmem:s1], [sflag:$0x3], $0x8, s18, s20, $0xb8;
	[tilespmem:$0x61A8] =	vst v63  }
.Ltmp2:
0x160: {  	_ =	swait.ge [sflag:s16], $0x1F40;
	(pc) =	sbr.rel @!p0 .LBB2_2-.Ltmp2, $3  }
0x161: {  	[sflag:s16] =	ssyncset.done $0x0  }
0x162: {  	[sflag:s16] =	ssyncadd.s32 $0xFFFFE0C0  }
0x163: {  	[bflag:$0x0] =	sbarrier.arrive $0xFFFF;
	_ =	sdelay $0x1  }
0x164: {  	s8 =	sld [smem:$0x7F2];
	_ =	sdelay $0x2  }
0x165: {  	[hbm:s8@s23], [sflag:s6] =	dma.strided [spmem:s4@s19], $0x270, s19, $0x1   }
0x166: {  	_ =	swait.ge [sflag:s16], $0x270  }
0x167: {  	s11 =	sld [smem:$0x7F3]  }
0x168: {  	[sflag:s16] =	ssyncset.done $0x0  }
0x169: {  	s4 =	simm.s32 @p1 $0x10;
	s8 =	simm.s32 @p1 $0x1;
	[sflag:s16] =	ssyncadd.s32 $0xFFFFFD90  }
0x16a: {  	[hbm:s11@s4], [sflag:s6] =	dma.strided @p1 [spmem:s2@s8], $0x270, s8, $0x1   }
0x16b: {  	_ =	swait.ge @p1 [sflag:s31], $0x270  }
0x16c: {  	s8 =	sld [smem:$0x7FA]  }
0x16d: {  	[sflag:s31] =	ssyncset.done @p1 $0x0  }
0x16e: {  	s2 =	simm.s32 @!p1 $0x10;
	s4 =	simm.s32 @!p1 $0x1;
	[sflag:s31] =	ssyncadd.s32 @p1 $0xFFFFFD90  }
0x16f: {  	[hbm:s8@s2], [sflag:s6] =	dma.strided @!p1 [spmem:s30@s4], $0x10, s4, $0x1   }
0x170: {  	_ =	swait.ge @!p1 [sflag:s24], $0x10  }
0x171: {  	s8 =	sld [smem:$0x7FB]  }
0x172: {  	[sflag:s24] =	ssyncset.done @!p1 $0x0  }
0x173: {  	[sflag:s24] =	ssyncadd.s32 @!p1 $0xFFFFFFF0  }
0x174: {  	[hbm:s8@s2], [sflag:s6] =	dma.strided @!p1 [spmem:s28@s4], $0x270, s4, $0x1   }
0x175: {  	_ =	swait.ge @!p1 [sflag:s24], $0x270  }
0x176: {  	s8 =	sld [smem:$0x7FC]  }
0x177: {  	[sflag:s24] =	ssyncset.done @!p1 $0x0  }
0x178: {  	[sflag:s24] =	ssyncadd.s32 @!p1 $0xFFFFFD90  }
0x179: {  	[hbm:s8@s2], [sflag:s6] =	dma.strided @!p1 [spmem:s26@s4], $0x10, s4, $0x1   }
0x17a: {  	_ =	swait.ge @!p1 [sflag:s24], $0x10  }
0x17b: {  	s31 =	sld [smem:$0x7F4]  }
0x17c: {  	[sflag:s24] =	ssyncset.done @!p1 $0x0  }
0x17d: {  	[sflag:s24] =	ssyncadd.s32 @!p1 $0xFFFFFFF0  }
0x17e: {  	[hbm:s31@s23], [sflag:s6] =	dma.strided [spmem:s25@s19], $0x270, s19, $0x1   }
.Ltmp3:
0x17f: {  	_ = 	snop;
	(pc) =	sbr.rel @p1 .LBB2_5-.Ltmp3, $4  }
.Ltmp4:
0x180: {  	_ = 	snop;
	(pc) =	sbr.rel @!p1 .LBB2_4-.Ltmp4, $4  }
0x181: {  	_ =	swait.ge [sflag:s16], $0x270  }
0x182: {  	[sflag:s16] =	ssyncset.done $0x0  }
0x183: {  	s2 =	sld [smem:$0x7FD];
	[sflag:s16] =	ssyncadd.s32 $0xFFFFFD90  }
0x184: {  	_ = 	snop  }
.LBB2_2:
0x185: {  	s8 =	sld [smem:$0x7EF];
	_ =	sdelay $0x2  }
0x186: {  	[hbm:s8@s23], [sflag:s6] =	dma.strided [spmem:s4@s19], $0x270, s19, $0x1   }
0x187: {  	_ =	swait.ge [sflag:s16], $0x270  }
0x188: {  	s11 =	smov.u32 s10;
	s10 =	sld [smem:$0x7F0]  }
0x189: {  	[sflag:s16] =	ssyncset.done $0x0  }
0x18a: {  	s4 =	simm.s32 @p1 $0x10;
	s8 =	simm.s32 @p1 $0x1;
	[sflag:s16] =	ssyncadd.s32 $0xFFFFFD90  }
0x18b: {  	[hbm:s10@s4], [sflag:s6] =	dma.strided @p1 [spmem:s2@s8], $0x270, s8, $0x1   }
0x18c: {  	_ =	swait.ge @p1 [sflag:s31], $0x270  }
0x18d: {  	s8 =	sld [smem:$0x7F6]  }
0x18e: {  	[sflag:s31] =	ssyncset.done @p1 $0x0  }
0x18f: {  	s2 =	simm.s32 @!p1 $0x10;
	s4 =	simm.s32 @!p1 $0x1;
	[sflag:s31] =	ssyncadd.s32 @p1 $0xFFFFFD90  }
0x190: {  	[hbm:s8@s2], [sflag:s6] =	dma.strided @!p1 [spmem:s30@s4], $0x10, s4, $0x1   }
0x191: {  	_ =	swait.ge @!p1 [sflag:s24], $0x10  }
0x192: {  	s8 =	sld [smem:$0x7F7]  }
0x193: {  	[sflag:s24] =	ssyncset.done @!p1 $0x0  }
0x194: {  	[sflag:s24] =	ssyncadd.s32 @!p1 $0xFFFFFFF0  }
0x195: {  	[hbm:s8@s2], [sflag:s6] =	dma.strided @!p1 [spmem:s28@s4], $0x270, s4, $0x1   }
0x196: {  	_ =	swait.ge @!p1 [sflag:s24], $0x270  }
0x197: {  	s8 =	sld [smem:$0x7F8]  }
0x198: {  	[sflag:s24] =	ssyncset.done @!p1 $0x0  }
0x199: {  	[sflag:s24] =	ssyncadd.s32 @!p1 $0xFFFFFD90  }
0x19a: {  	[hbm:s8@s2], [sflag:s6] =	dma.strided @!p1 [spmem:s26@s4], $0x10, s4, $0x1   }
0x19b: {  	_ =	swait.ge @!p1 [sflag:s24], $0x10  }
0x19c: {  	s31 =	sld [smem:$0x7F1]  }
0x19d: {  	[sflag:s24] =	ssyncset.done @!p1 $0x0  }
0x19e: {  	[sflag:s24] =	ssyncadd.s32 @!p1 $0xFFFFFFF0  }
0x19f: {  	[hbm:s31@s23], [sflag:s6] =	dma.strided [spmem:s25@s19], $0x270, s19, $0x1   }
.Ltmp5:
0x1a0: {  	_ = 	snop;
	(pc) =	sbr.rel @p2 .LBB2_4-.Ltmp5, $4  }
.Ltmp6:
0x1a1: {  	_ = 	snop;
	(pc) =	sbr.rel @!p2 .LBB2_5-.Ltmp6, $4  }
0x1a2: {  	_ =	swait.ge [sflag:s16], $0x270  }
0x1a3: {  	[sflag:s16] =	ssyncset.done $0x0  }
0x1a4: {  	s10 =	smov.u32 s11;
	s2 =	sld [smem:$0x7F9];
	[sflag:s16] =	ssyncadd.s32 $0xFFFFFD90  }
0x1a5: {  	_ = 	snop  }
.LBB2_6:
0x1a6: {  	_ =	sfence.sel $0x180000  }
0x1a7: {  	[bflag:$0x0] =	sbarrier.arrive $0xFFFF  }
0x1a8: {  	_ =	strace $0x90000047  }
0x1a9: {  	s0 =	stileid.u32;
	[bflag:$0x2] =	sbarrier.arrive $0xFFFF  }
0x1aa: {  	p0 =	sne.s32 s0, $0x0;
	s0 =	rddreg [dreg:$0x5]  }
0x1ab: {  	s0 =	sadd.s32 @!p0 $0x100000, s0  }
0x1ac: {  	[sflag:s0] =	ssyncadd.tile.s32 @!p0 $0x1;
	_ =	shalt  }
.Lfunc_end2:
_tile_overlayer_lowered:
.L_overlay_start_2:
0x1ad: {  	(tag) =	ssettag $0x2  }
0x1ae: {  	s0 =	rddreg [dreg:$0x0];
	s2 =	stileid.u32  }
0x1af: {  	s1 =	rddreg [dreg:$0x1];
	p0 =	sne.s32 s2, $0x0  }
0x1b0: {  	s3 =	rddreg [dreg:$0x2];
	[bflag:$0x3] =	sbarrier.arrive $0xFFFF;
	s2 =	simm.s32 @!p0 $0x1C03  }
0x1b1: {  	[timem:s3], [sflag:s2] =	dma.local @!p0 [hbm:s0], s1  }
0x1b2: {  	s0 =	simm.s32 @!p0 $0x3  }
0x1b3: {  	_ =	swait.ge @!p0 [sflag:s0], s1  }
0x1b4: {  	s1 =	ssub.s32 @!p0 $0x0, s1;
	[sflag:s0] =	ssyncset.done @!p0 $0x0  }
0x1b5: {  	[sflag:s0] =	ssyncadd.s32 @!p0 s1  }
0x1b6: {  	[bflag:$0x3] =	sbarrier.arrive $0xFFFF  }
0x1b7: {  	_ =	shalt  }

// kernel: kernel.13.cloned.1.call-start
scs
__scs_entry_jumppad:
0x0: {  	(pc) =	sbr.rel $0x88, $3  }
0x1: {  	(tag) =	ssettag $0x0;
	lr =	simm.s32 $0x1  }
0x2: {  	[smem:$0x3F97] =	sst lr;
	_ =	strace $0xD0000000  }
0x3: {  	_ = 	snop  }
0x4: {  	_ = 	snop  }
0x5: {  	_ = 	snop  }
0x6: {  	_ = 	snop  }
0x7: {  	_ = 	snop  }
__scs_overlays_trampoline_lowered:
0x8: {  	[smem:$0x3FA6] =	sst s0  }
0x9: {  	[smem:$0x3FA7] =	sst s1  }
0xa: {  	[smem:$0x3FA8] =	sst s2  }
0xb: {  	[smem:$0x3FA9] =	sst s3  }
0xc: {  	[smem:$0x3FAA] =	sst s4  }
0xd: {  	[smem:$0x3FAB] =	sst s5  }
0xe: {  	[smem:$0x3FAC] =	sst s6  }
0xf: {  	[smem:$0x3FAD] =	sst s7  }
0x10: {  	[smem:$0x3FAE] =	sst s8  }
0x11: {  	[smem:$0x3FAF] =	sst s9;
	s0 =	simm.s32 @!p0 $0x0  }
0x12: {  	s1 =	sld [smem:$0x3F95];
	s0 =	simm.s32 @p0 $0x1  }
0x13: {  	[smem:$0x3FB0] =	sst s0;
	s0 =	simm.s32 @!p1 $0x0  }
0x14: {  	s2 =	sld [smem:$0x3F94];
	s0 =	simm.s32 @p1 $0x1  }
0x15: {  	[smem:$0x3FB1] =	sst s0;
	s0 =	simm.s32 @!p2 $0x0  }
0x16: {  	s3 =	sld [smem:$0x3FDB];
	s0 =	simm.s32 @p2 $0x1  }
0x17: {  	s4 =	simm.s32 $0x1BF5;
	[smem:$0x3FB3] =	sst s0  }
0x18: {  	s0 =	sld [smem:$0x3F96];
	_ =	swait.ge [sflag:s4], $0x0  }
0x19: {  	s7 =	sld [smem:$0x3F97]  }
0x1a: {  	s8 =	sadd.s32 $0xFFFFE003, lr  }
0x1b: {  	s9 =	sadd.s32 $0xFFFFFEF7, lr;
	s5 =	simm.s32 $0xFFFFFFFF;
	p2 =	slt.u32 s8, $0xFFFFF086  }
0x1c: {  	p1 =	slt.u32 s9, $0xF7A;
	s5 =	simm.s32 @!p2 $0x0  }
0x1d: {  	s5 =	simm.s32 @p1 $0x1;
	p0 =	seq.s32 s7, s2  }
0x1e: {  	s7 =	smul.u32 @!p0 $0xF7A, s2;
	p2 =	seq.s32 @!p0 s5, $0x0  }
0x1f: {  	s9 =	smul.u32 $0xF7A, s1;
	s8 =	simm.s32 @!p0 $0x1BF5;
	p2 =	por !p2, p0  }
0x20: {  	[sflag:s8] =	ssyncset.s32 @!p0 $0xFFFFF086;
	s6 =	sadd.s32 @!p0 s3, s7;
	s7 =	simm.s32 @!p0 $0x108  }
0x21: {  	s3 =	sadd.s32 s3, s9;
	s6 =	sadd.s32 @!p0 $0x88, s6;
	s7 =	simm.s32 @p2 $0x1082  }
0x22: {  	[simem:s7], [sflag:s8] =	dma.local @!p0 [hbm:s6], $0xF7A  }
0x23: {  	s9 =	sor.u32 $0xD0000000, s2;
	s6 =	simm.s32 $0x108;
	_ =	swait.ge @!p0 [sflag:s8], $0x0  }
0x24: {  	s3 =	sadd.s32 $0x88, s3;
	s6 =	simm.s32 @!p1 $0x1082;
	[sflag:s4] =	ssyncset.s32 $0xFFFFF086  }
0x25: {  	[simem:s6], [sflag:s4] =	dma.local [hbm:s3], $0xF7A  }
0x26: {  	[smem:$0x3F97] =	sst s1;
	(tag) =	ssettag s2;
	_ =	strace s9  }
0x27: {  	s1 =	sld [smem:$0x3FA7]  }
0x28: {  	s2 =	sld [smem:$0x3FA8]  }
0x29: {  	s4 =	sld [smem:$0x3FAA]  }
0x2a: {  	p0 =	seq.s32 s5, $0x0;
	s5 =	sld [smem:$0x3FAB]  }
0x2b: {  	s6 =	sld [smem:$0x3FAC]  }
0x2c: {  	s7 =	sld [smem:$0x3FAD]  }
0x2d: {  	s3 =	simm.s32 $0x108;
	s8 =	sld [smem:$0x3FAE]  }
0x2e: {  	s3 =	simm.s32 @!p0 $0x1082;
	s9 =	sld [smem:$0x3FAF]  }
0x2f: {  	lr =	sadd.s32 s0, s3;
	s0 =	sld [smem:$0x3FA6]  }
0x30: {  	s3 =	sld [smem:$0x3FA9]  }
0x31: {  	[smem:$0x3FB2] =	sst s10  }
0x32: {  	s10 =	sld [smem:$0x3FB0];
	_ =	sdelay $0x3  }
0x33: {  	p0 =	seq.s32 s10, $0x1;
	s10 =	sld [smem:$0x3FB2];
	_ =	sdelay $0x3  }
0x34: {  	[smem:$0x3FB2] =	sst s10  }
0x35: {  	s10 =	sld [smem:$0x3FB1];
	_ =	sdelay $0x3  }
0x36: {  	p1 =	seq.s32 s10, $0x1;
	s10 =	sld [smem:$0x3FB2];
	_ =	sdelay $0x3  }
0x37: {  	[smem:$0x3FB2] =	sst s10  }
0x38: {  	s10 =	sld [smem:$0x3FB3]  }
0x39: {  	_ = 	snop;
	(pc) =	sbr.ind lr, $3  }
0x3a: {  	_ = 	snop  }
0x3b: {  	_ = 	snop  }
0x3c: {  	p2 =	seq.s32 s10, $0x1;
	s10 =	sld [smem:$0x3FB2]  }
0x3d: {  	_ =	shalt  }
0x3e: {  	_ =	shalt  }
0x3f: {  	_ =	shalt  }
0x40: {  	_ =	shalt  }
0x41: {  	_ =	shalt  }
0x42: {  	_ =	shalt  }
0x43: {  	_ =	shalt  }
0x44: {  	_ =	shalt  }
0x45: {  	_ =	shalt  }
0x46: {  	_ =	shalt  }
0x47: {  	_ =	shalt  }
0x48: {  	_ =	shalt  }
0x49: {  	_ =	shalt  }
0x4a: {  	_ =	shalt  }
0x4b: {  	_ =	shalt  }
0x4c: {  	_ =	shalt  }
0x4d: {  	_ =	shalt  }
0x4e: {  	_ =	shalt  }
0x4f: {  	_ =	shalt  }
0x50: {  	_ =	shalt  }
0x51: {  	_ =	shalt  }
0x52: {  	_ =	shalt  }
0x53: {  	_ =	shalt  }
0x54: {  	_ =	shalt  }
0x55: {  	_ =	shalt  }
0x56: {  	_ =	shalt  }
0x57: {  	_ =	shalt  }
0x58: {  	_ =	shalt  }
0x59: {  	_ =	shalt  }
0x5a: {  	_ =	shalt  }
0x5b: {  	_ =	shalt  }
0x5c: {  	_ =	shalt  }
0x5d: {  	_ =	shalt  }
0x5e: {  	_ =	shalt  }
0x5f: {  	_ =	shalt  }
0x60: {  	_ =	shalt  }
0x61: {  	_ =	shalt  }
0x62: {  	_ =	shalt  }
0x63: {  	_ =	shalt  }
0x64: {  	_ =	shalt  }
0x65: {  	_ =	shalt  }
0x66: {  	_ =	shalt  }
0x67: {  	_ =	shalt  }
0x68: {  	_ =	shalt  }
0x69: {  	_ =	shalt  }
0x6a: {  	_ =	shalt  }
0x6b: {  	_ =	shalt  }
0x6c: {  	_ =	shalt  }
0x6d: {  	_ =	shalt  }
0x6e: {  	_ =	shalt  }
0x6f: {  	_ =	shalt  }
0x70: {  	_ =	shalt  }
0x71: {  	_ =	shalt  }
0x72: {  	_ =	shalt  }
0x73: {  	_ =	shalt  }
0x74: {  	_ =	shalt  }
0x75: {  	_ =	shalt  }
0x76: {  	_ =	shalt  }
0x77: {  	_ =	shalt  }
0x78: {  	_ =	shalt  }
0x79: {  	_ =	shalt  }
0x7a: {  	_ =	shalt  }
0x7b: {  	_ =	shalt  }
0x7c: {  	_ =	shalt  }
0x7d: {  	_ =	shalt  }
0x7e: {  	_ =	shalt  }
0x7f: {  	_ =	shalt  }
0x80: {  	_ =	shalt  }
0x81: {  	_ =	shalt  }
0x82: {  	_ =	shalt  }
0x83: {  	_ =	shalt  }
0x84: {  	_ =	shalt  }
0x85: {  	_ =	shalt  }
0x86: {  	_ =	shalt  }
0x87: {  	_ =	shalt  }
.Lfunc_end0:
.L_simem_size_0:
called_computation.1_lowered:
.L_overlay_start_0:
0x88: {  	s2 =	sld [smem:$0x3FD9]  }
0x89: {  	s3 =	sld [smem:$0x3FFE];
	_ =	sdelay $0x1  }
0x8a: {  	s1 =	srdreg.scid  }
0x8b: {  	s0 =	sand.u32 $0x1, s1  }
0x8c: {  	s16 =	sshll.u32 s0, $0xA;
	s2 =	sadd.s32 s3, s2  }
0x8d: {  	s2 =	sadd.s32 s2, s16  }
0x8e: {  	[smem:$0x3FBE] =	sst s2  }
0x8f: {  	_ = 	snop  }
0x90: {  	(tm) =	ssettm $0x1  }
0x91: {  	s17 =	sld [smem:$0x3FFB];
	_ =	sdelay $0x3  }
0x92: {  	_ =	strace s17  }
0x93: {  	s2 =	sld [smem:$0x3FFC];
	_ =	sdelay $0x3  }
0x94: {  	_ =	strace s2  }
0x95: {  	s2 =	sld [smem:$0x3FFD];
	_ =	sdelay $0x3  }
0x96: {  	_ =	strace s2  }
0x97: {  	_ =	strace $0x8FFFFFFF  }
0x98: {  	s18 =	sld [smem:$0x3FDB];
	_ =	sdelay $0x1  }
0x99: {  	s19 =	simm.s32 $_scs_section_size  }
0x9a: {  	s4 =	simm.s32 $_size__tile_overlayer_lowered;
	s5 =	simm.s32 $_tile_overlayer_lowered  }
0x9b: {  	s22 =	simm.s32 $0x1BFF;
	s21 =	sshll.u32 s5, $0x1;
	s2 =	sadd.s32 s19, s18  }
0x9c: {  	s6 =	simm.s32 $0x0;
	s20 =	sshll.u32 s4, $0x1;
	s4 =	sadd.s32 s21, s2  }
0x9d: {  	[timem:s6], [sflag:s22] =	dma.local [hbm:s4], s20  }
0x9e: {  	_ =	swait.ge [sflag:s22], s20  }
0x9f: {  	s3 =	ssub.s32 $0x0, s20;
	[sflag:s22] =	ssyncset.done $0x0  }
0xa0: {  	[sflag:s22] =	ssyncadd.s32 s3;
	_ =	sdelay $0x1  }
0xa1: {  	s23 =	simm.s32 $0x1B8B  }
0xa2: {  	_ =	swait.ge [sflag:s23], $0x1  }
0xa3: {  	[sflag:s23] =	ssyncset.done $0x0  }
0xa4: {  	s25 =	simm.s32 $0x1B8E;
	s24 =	sld [smem:$0x3FFE];
	[sflag:s23] =	ssyncadd.s32 $0xFFFFFFFF  }
0xa5: {  	s26 =	simm.s32 $execute0_lowered;
	[smem:$0x3FD2] =	sst s25  }
0xa6: {  	s4 =	sshll.u32 s26, $0x1;
	_ =	strace $0x80000049;
	[dreg:$0x1] =	wrdreg $0xFFFFFFFF  }
0xa7: {  	s28 =	simm.s32 $_size_execute0_lowered;
	s2 =	sadd.s32 s2, s4;
	[dreg:$0x0] =	wrdreg $0x0  }
0xa8: {  	s4 =	sshll.u32 s28, $0x1;
	[dreg:$0x2] =	wrdreg s2  }
0xa9: {  	[dreg:$0x3] =	wrdreg s4  }
0xaa: {  	[dreg:$0x4] =	wrdreg $0xC0  }
0xab: {  	_ =	task [dreg:s6], $0x5FFFF  }
0xac: {  	[dreg:$0x1] =	wrdreg $0xFFFFFFFF  }
0xad: {  	[dreg:$0x0] =	wrdreg $0x60  }
0xae: {  	[dreg:$0x2] =	wrdreg s24  }
0xaf: {  	[dreg:$0x3] =	wrdreg $0xF2300  }
0xb0: {  	[dreg:$0x4] =	wrdreg $0x9  }
0xb1: {  	_ =	task.clear_ibuf [dreg:s6], $0x5FFFF;
	_ =	strace $0x90000049  }
0xb2: {  	s29 =	simm.s32 $0x9;
	_ =	strace $0x8000004B  }
0xb3: {  	_ =	swait.ge [sflag:s29], $0x1  }
0xb4: {  	[sflag:s29] =	ssyncadd.s32 $0xFFFFFFFF  }
0xb5: {  	_ =	strace $0x9000004B  }
0xb6: {  	_ =	sfence  }
0xb7: {  	s30 =	sld [smem:$0x0];
	_ =	sdelay $0x2  }
0xb8: {  	s31 =	sshll.u32 s1, $0xD;
	s1 =	sshrl.u32 s1, $0x2  }
0xb9: {  	s3 =	sand.u32 $0x4000, s31;
	s1 =	sadd.s32 s1, s30  }
0xba: {  	s0 =	sor.u32 s3, s0;
	s1 =	sshll.u32 s1, $0x11  }
0xbb: {  	s0 =	sor.u32 s1, s0  }
0xbc: {  	s0 =	sadd.s32 $0x8F2B, s0  }
0xbd: {  	[sflag:s0] =	ssyncadd.remote.s32 $0x1  }
0xbe: {  	_ =	sfence.sel $0xFFFF  }
0xbf: {  	[dreg:$0x0] =	wrdreg $0xFFFFFFFF;
	(pc) =	sbr.abs _section_cstart, $3  }
0xc0: {  	[dreg:$0x1] =	wrdreg $0xFFFFFFFF  }
0xc1: {  	_ =	task.clear_ibuf [dreg:s6], $0x2FFFF;
	_ =	strace $0x9FFFFFFF  }
0xc2: {  	(tm) =	ssettm $0x7FFFFFFF  }
0xc3: {  	_ =	shalt  }
tec
execute0_lowered:
.L_overlay_start_1:
0x0: {  	(tag) =	ssettag $0x1  }
0x1: {  	s0 =	rddreg [dreg:$0x0]  }
0x2: {  	s1 =	rddreg [dreg:$0x1]  }
0x3: {  	s2 =	srdreg.scid;
	s3 =	simm.s32 $0x0;
	s12 =	stileid.u32  }
0x4: {  	s28 =	simm.s32 $0x5C30;
	s29 =	simm.s32 $0x1;
	s30 =	simm.s32 $0x10  }
0x5: {  	s31 =	simm.s32 $0x8;
	s2 =	sand.u32 $0x1, s2;
	s6 =	smul.u32 $0x2700, s12  }
0x6: {  	[smem:$0x7FF] =	sst s3;
	s4 =	sadd.s32 $0x3DE00, s0;
	s10 =	smul.u32 $0x9C00, s12  }
0x7: {  	s5 =	sadd.s32 $0x2A400, s0;
	s11 =	sadd.s32 $0x51800, s0;
	s13 =	smul.u32 $0x27000, s12  }
0x8: {  	s18 =	sadd.s32 $0x9C000, s1;
	s16 =	smul.u32 $0x2710, s12;
	s23 =	sadd.s32 $0x8C208, s0  }
0x9: {  	p1 =	seq.s32 s12, $0xF;
	s19 =	sshll.u32 s2, $0x4;
	_ =	strace $0x8000004A  }
0xa: {  	s7 =	ssub.s32 $0x2, s2;
	[dreg:$0x3] =	wrdreg s11;
	s14 =	smul.u32 $0x27100, s2  }
0xb: {  	[dreg:$0x7] =	wrdreg s23;
	p0 =	sne.s32 s2, $0x0;
	s23 =	simm.s32 $0x2710  }
0xc: {  	s3 =	sor.u32 s12, s19;
	s8 =	sshrl.u32 s7, $0x1;
	s15 =	sadd.s32 s6, s0  }
0xd: {  	s20 =	sshrl.u32 s10, $0x3;
	s22 =	sshrl.u32 s13, $0x2;
	s19 =	simm.s32 $0x5  }
0xe: {  	s3 =	smul.u32 $0x2710, s3;
	s8 =	ssub.s32 s7, s8;
	s7 =	sadd.s32 s10, s1  }
0xf: {  	s10 =	sadd.s32 s11, s20;
	s21 =	sadd.s32 $0x65208, s15;
	s16 =	sadd.s32 s16, s14  }
0x10: {  	s13 =	sadd.s32 s22, s1;
	s25 =	sadd.s32 $0x65200, s15;
	[dreg:$0x4] =	wrdreg s10  }
0x11: {  	s22 =	sshrl.u32 s18, $0x3;
	[dreg:$0x6] =	wrdreg s21;
	s24 =	sadd.s32 $0x4E390, s16  }
0x12: {  	[dreg:$0x8] =	wrdreg s25;
	s16 =	sadd.s32 $0x8C200, s0;
	s17 =	smax.u32 s8, $0x1  }
0x13: {  	s0 =	simm.s32 @!p1 $0x0;
	s25 =	simm.s32 $0x2A30;
	s9 =	sshrl.u32 s3, $0x3  }
0x14: {  	s3 =	sadd.s32 $0x4E2C8, s3;
	s26 =	sshrl.u32 s24, $0x3;
	s0 =	simm.s32 @p1 $0x1  }
0x15: {  	s24 =	simm.s32 $0xC8;
	p1 =	sne.s32 s12, $0xF;
	s6 =	sadd.s32 s5, s9  }
.Ltmp0:
0x16: {  	s3 =	sshrl.u32 s3, $0x3;
	s9 =	sadd.s32 s4, s20;
	(pc) =	sbr.rel .LBB2_1-.Ltmp0, $4  }
0x17: {  	s8 =	sadd.s32 s26, s5;
	[smem:$0x7FC] =	sst s0;
	s20 =	sshll.u32 s12, $0x6  }
0x18: {  	s0 =	simm.s32 @!p1 $0x0;
	s26 =	simm.s32 $0x27D8;
	[dreg:$0x5] =	wrdreg s9  }
0x19: {  	s10 =	sadd.s32 $0x9C40, s6;
	s11 =	sadd.s32 s5, s3;
	s0 =	simm.s32 @p1 $0x1  }
0x1a: {  	s21 =	sor.u32 $0x1C05, s20;
	[smem:$0x7FD] =	sst s0;
	s0 =	simm.s32 $0x0  }
.LBB2_10:
0x1b: {  	[hbm:s3@s30], [sflag:s2] =	dma.strided [spmem:s22@s31], $0x80, s29, $0x8   }
0x1c: {  	_ =	swait.ge [sflag:s19], $0x80  }
0x1d: {  	[sflag:s19] =	ssyncset.done $0x0  }
0x1e: {  	[sflag:s19] =	ssyncadd.s32 $0xFFFFFF80  }
.LBB2_11:
0x1f: {  	s0 =	sadd.s32 $0x1, s0  }
0x20: {  	p1 =	sne.s32 s0, s17  }
.Ltmp1:
0x21: {  	_ = 	snop;
	(pc) =	sbr.rel @!p1 .LBB2_12-.Ltmp1, $1  }
0x22: {  	_ =	sdelay $0x3  }
.LBB2_1:
.Ltmp2:
0x23: {  	s2 =	simm.s32 $0x0;
	(pc) =	sbr.rel @p0 .LBB2_3-.Ltmp2, $4  }
0x24: {  	[tilespmem:s2], [sflag:$0x5] =	stream.linear.gather [hbm4b:s6+s2], $0x2710, $0x38;
	[tilespmem:$0x18E70] =	vst v63  }
0x25: {  	_ =	swait.ge [sflag:s19], $0x2710  }
0x26: {  	[sflag:s19] =	ssyncset.done $0x0  }
0x27: {  	s3 =	sshrl.u32 s7, $0x3;
	[sflag:s19] =	ssyncadd.s32 $0xFFFFD8F0  }
0x28: {  	s2 =	rddreg [dreg:$0x5]  }
0x29: {  	[spmem:s3], [sflag:s21] =	dma.local [hbm:s2], $0x1380  }
0x2a: {  	_ =	swait.ge [sflag:s19], $0x1380  }
0x2b: {  	s5 =	sld [smem:$0x7FC];
	_ =	sdelay $0x2  }
0x2c: {  	p1 =	seq.s32 s5, $0x1  }
.Ltmp3:
0x2d: {  	_ = 	snop;
	(pc) =	sbr.rel @p1 .LBB2_4-.Ltmp3, $4  }
.Ltmp4:
0x2e: {  	_ = 	snop;
	(pc) =	sbr.rel @!p1 .LBB2_5-.Ltmp4, $4  }
0x2f: {  	_ = 	snop  }
0x30: {  	[sflag:s19] =	ssyncset.done $0x0  }
0x31: {  	s3 =	smov.u32 s4;
	s2 =	smov.u32 s21;
	[sflag:s19] =	ssyncadd.s32 $0xFFFFEC80  }
0x32: {  	_ = 	snop  }
.LBB2_3:
0x33: {  	s2 =	sor.u32 $0x1C05, s20;
	s5 =	rddreg [dreg:$0x4]  }
0x34: {  	[spmem:s3], [sflag:s2] =	dma.local [hbm:s5], $0x1380  }
0x35: {  	_ =	swait.ge [sflag:s19], $0x1380  }
0x36: {  	s18 =	sld [smem:$0x7FD];
	_ =	sdelay $0x2  }
0x37: {  	p1 =	seq.s32 s18, $0x1  }
.Ltmp5:
0x38: {  	_ = 	snop;
	(pc) =	sbr.rel @p1 .LBB2_5-.Ltmp5, $3  }
0x39: {  	_ =	sdelay $0x1  }
0x3a: {  	[sflag:s19] =	ssyncset.done $0x0  }
0x3b: {  	s3 =	rddreg [dreg:$0x3];
	[sflag:s19] =	ssyncadd.s32 $0xFFFFEC80  }
.LBB2_4:
0x3c: {  	s3 =	sadd.s32 $0x13800, s3  }
0x3d: {  	[spmem:s22], [sflag:s2] =	dma.local [hbm:s3], $0x80  }
0x3e: {  	_ =	swait.ge [sflag:s19], $0x80  }
0x3f: {  	[sflag:s19] =	ssyncset.done $0x0  }
0x40: {  	[sflag:s19] =	ssyncadd.s32 $0xFFFFFF80  }
.LBB2_5:
0x41: {  	[bflag:$0x0] =	sbarrier.arrive $0xFFFF;
	s2 =	simm.s32 $0x0  }
0x42: {  	[tilespmem:s23], [sflag:$0x1] =	stream.linear.gather [hbm4b:s10+s2], $0xC8, $0x38;
	[tilespmem:$0x18E70] =	vst v63  }
0x43: {  	_ = 	snop  }
0x44: {  	[tilespmem:s25], [sflag:$0x1] =	stream.indirect.gather [hbm4b:s4+s24], $0x40, s2, s24, $0xb8;
	[tilespmem:$0x18E70] =	vst v63  }
0x45: {  	_ = 	snop  }
0x46: {  	[tilespmem:s26], [sflag:$0x2] =	stream.linear.gather [hbm4b:s11+s2], $0xC8, $0x38;
	[tilespmem:$0x18E70] =	vst v63  }
0x47: {  	s3 =	simm.s32 $0x190;
	s18 =	smov.u32 s8  }
0x48: {  	[tilespmem:s28], [sflag:$0x2] =	stream.indirect.gather [hbm4b:s4+s24], $0x40, s24, s24, $0xb8;
	[tilespmem:$0x18E70] =	vst v63  }
.LBB2_6:
0x49: {  	s5 =	sand.u32 $0x3, s2  }
0x4a: {  	p3 =	sgt.s32 s5, $0x1  }
0x4b: {  	p5 =	seq.s32 @p3 s5, $0x2  }
0x4c: {  	p4 =	por !p5, !p3  }
0x4d: {  	p1 =	sgt.u32 @!p4 s2, $0x2F  }
0x4e: {  	p1 =	por @p3 p1, !p5  }
0x4f: {  	p1 =	por p1, !p3  }
0x50: {  	s9 =	simm.s32 @!p1 $0x0;
	s12 =	simm.s32 @!p1 $0x2710  }
0x51: {  	[tilespmem:s12], [sflag:$0x1] =	stream.linear.gather @!p1 [hbm4b:s18+s9], $0xC8, $0x38;
	[tilespmem:$0x18E70] =	vst v63  }
0x52: {  	s9 =	simm.s32 @!p1 $0xC8;
	s12 =	simm.s32 @!p1 $0x2A30  }
0x53: {  	[tilespmem:s12], [sflag:$0x1] =	stream.indirect.gather @!p1 [hbm4b:s4+s9], $0x40, s3, s9, $0xb8;
	[tilespmem:$0x18E70] =	vst v63  }
0x54: {  	s9 =	simm.s32 @!p4 $0x3  }
0x55: {  	_ =	swait.ge @!p4 [sflag:s9], $0xC8  }
0x56: {  	[sflag:s9] =	ssyncset.done @!p4 $0x0  }
0x57: {  	p6 =	por p5, !p3;
	[sflag:s9] =	ssyncadd.s32 @!p4 $0xFFFFFF38  }
0x58: {  	s15 =	simm.s32 @!p4 $0x8E30;
	p1 =	sgt.u32 @!p6 s2, $0x2F;
	_ =	swait.ge @!p4 [sflag:s9], $0x3200  }
0x59: {  	s12 =	simm.s32 @!p4 $0x28A0;
	p1 =	por @p3 p1, p5;
	[sflag:s9] =	ssyncset.done @!p4 $0x0  }
0x5a: {  	p1 =	por p1, !p3;
	[sflag:s9] =	ssyncadd.s32 @!p4 $0xFFFFCE00;
	s9 =	simm.s32 @!p4 $0xC8  }
0x5b: {  	[spmem:s1] =	stream.indirect.scatter.add.f32 @!p4 [tilespmem:s15], [sflag:$0x6], $0x40, s12, s9, $0xb8;
	[tilespmem:$0x18E70] =	vst v63  }
0x5c: {  	s9 =	simm.s32 @!p1 $0x0;
	s12 =	simm.s32 @!p1 $0x27D8  }
0x5d: {  	[tilespmem:s12], [sflag:$0x2] =	stream.linear.gather @!p1 [hbm4b:s18+s9], $0xC8, $0x38;
	[tilespmem:$0x18E70] =	vst v63  }
0x5e: {  	s9 =	simm.s32 @!p1 $0xC8;
	s12 =	simm.s32 @!p1 $0x5C30  }
0x5f: {  	[tilespmem:s12], [sflag:$0x2] =	stream.indirect.gather @!p1 [hbm4b:s4+s9], $0x40, s3, s9, $0xb8;
	[tilespmem:$0x18E70] =	vst v63  }
0x60: {  	s9 =	simm.s32 @!p6 $0x4  }
0x61: {  	_ =	swait.ge @!p6 [sflag:s9], $0xC8  }
0x62: {  	[sflag:s9] =	ssyncset.done @!p6 $0x0  }
0x63: {  	[sflag:s9] =	ssyncadd.s32 @!p6 $0xFFFFFF38  }
0x64: {  	s15 =	simm.s32 @!p6 $0xC030;
	_ =	swait.ge @!p6 [sflag:s9], $0x3200  }
0x65: {  	s12 =	simm.s32 @!p6 $0x2968;
	p1 =	seq.s32 @!p3 s5, $0x0;
	[sflag:s9] =	ssyncset.done @!p6 $0x0  }
0x66: {  	p5 =	por !p1, p3;
	[sflag:s9] =	ssyncadd.s32 @!p6 $0xFFFFCE00;
	s9 =	simm.s32 @!p6 $0xC8  }
0x67: {  	[spmem:s1] =	stream.indirect.scatter.add.f32 @!p6 [tilespmem:s15], [sflag:$0x5], $0x40, s12, s9, $0xb8;
	[tilespmem:$0x18E70] =	vst v63  }
0x68: {  	p6 =	sgt.u32 @!p5 s2, $0x2F  }
0x69: {  	p6 =	por @!p3 p6, !p1  }
0x6a: {  	p6 =	por p6, p3  }
0x6b: {  	s5 =	simm.s32 @!p6 $0x0;
	s9 =	simm.s32 @!p6 $0x28A0  }
0x6c: {  	[tilespmem:s9], [sflag:$0x3] =	stream.linear.gather @!p6 [hbm4b:s18+s5], $0xC8, $0x38;
	[tilespmem:$0x18E70] =	vst v63  }
0x6d: {  	s5 =	simm.s32 @!p6 $0xC8;
	s9 =	simm.s32 @!p6 $0x8E30  }
0x6e: {  	[tilespmem:s9], [sflag:$0x3] =	stream.indirect.gather @!p6 [hbm4b:s4+s5], $0x40, s3, s5, $0xb8;
	[tilespmem:$0x18E70] =	vst v63  }
0x6f: {  	s5 =	simm.s32 @!p5 $0x1  }
0x70: {  	_ =	swait.ge @!p5 [sflag:s5], $0xC8  }
0x71: {  	[sflag:s5] =	ssyncset.done @!p5 $0x0  }
0x72: {  	p6 =	por p1, p3;
	[sflag:s5] =	ssyncadd.s32 @!p5 $0xFFFFFF38  }
0x73: {  	s12 =	simm.s32 @!p5 $0x2A30;
	p2 =	sgt.u32 @!p6 s2, $0x2F;
	_ =	swait.ge @!p5 [sflag:s5], $0x3200  }
0x74: {  	s9 =	simm.s32 @!p5 $0x2710;
	p1 =	por @!p3 p2, p1;
	[sflag:s5] =	ssyncset.done @!p5 $0x0  }
0x75: {  	p1 =	por p1, p3;
	[sflag:s5] =	ssyncadd.s32 @!p5 $0xFFFFCE00;
	s5 =	simm.s32 @!p5 $0xC8  }
0x76: {  	[spmem:s1] =	stream.indirect.scatter.add.f32 @!p5 [tilespmem:s12], [sflag:$0x6], $0x40, s9, s5, $0xb8;
	[tilespmem:$0x18E70] =	vst v63  }
0x77: {  	s5 =	simm.s32 @!p1 $0x0;
	s9 =	simm.s32 @!p1 $0x2968  }
0x78: {  	[tilespmem:s9], [sflag:$0x4] =	stream.linear.gather @!p1 [hbm4b:s18+s5], $0xC8, $0x38;
	[tilespmem:$0x18E70] =	vst v63  }
0x79: {  	s5 =	simm.s32 @!p1 $0xC8;
	s9 =	simm.s32 @!p1 $0xC030  }
0x7a: {  	[tilespmem:s9], [sflag:$0x4] =	stream.indirect.gather @!p1 [hbm4b:s4+s5], $0x40, s3, s5, $0xb8;
	[tilespmem:$0x18E70] =	vst v63  }
0x7b: {  	s9 =	simm.s32 @!p6 $0x2  }
0x7c: {  	s15 =	simm.s32 @!p6 $0x27D8;
	_ =	swait.ge @!p6 [sflag:s9], $0xC8  }
0x7d: {  	s14 =	simm.s32 @!p6 $0x5C30;
	s2 =	sadd.s32 $0x1, s2;
	[sflag:s9] =	ssyncset.done @!p6 $0x0  }
0x7e: {  	s12 =	simm.s32 @!p4 $0x6;
	s5 =	simm.s32 @!p5 $0x6;
	[sflag:s9] =	ssyncadd.s32 @!p6 $0xFFFFFF38  }
0x7f: {  	s12 =	simm.s32 @p4 $0x5;
	s5 =	simm.s32 @p5 $0x6;
	_ =	swait.ge @!p6 [sflag:s9], $0x3200  }
0x80: {  	p1 =	sne.s32 s2, $0x32;
	s5 =	smov.u32 @p3 s12;
	[sflag:s9] =	ssyncset.done @!p6 $0x0  }
.Ltmp6:
0x81: {  	[sflag:s9] =	ssyncadd.s32 @!p6 $0xFFFFCE00;
	s9 =	simm.s32 @!p6 $0xC8;
	(pc) =	sbr.rel @p1 .LBB2_6-.Ltmp6, $4  }
0x82: {  	[spmem:s1] =	stream.indirect.scatter.add.f32 @!p6 [tilespmem:s14], [sflag:$0x6], $0x40, s15, s9, $0xb8;
	[tilespmem:$0x18E70] =	vst v63  }
0x83: {  	_ =	swait.ge [sflag:s5], $0x3200  }
0x84: {  	[sflag:s5] =	ssyncset.done $0x0  }
0x85: {  	s18 =	sadd.s32 $0x19, s18;
	s3 =	sadd.s32 $0xC8, s3;
	[sflag:s5] =	ssyncadd.s32 $0xFFFFCE00  }
.Ltmp7:
0x86: {  	(pc) =	sbr.rel @p0 .LBB2_9-.Ltmp7, $3  }
0x87: {  	_ =	sdelay $0x1  }
0x88: {  	[bflag:$0x0] =	sbarrier.arrive $0xFFFF  }
0x89: {  	s3 =	sshrl.u32 s13, $0x3;
	s2 =	sor.u32 $0x1C05, s20  }
0x8a: {  	s5 =	rddreg [dreg:$0x8]  }
0x8b: {  	[hbm:s5@s30], [sflag:s2] =	dma.strided [spmem:s3@s31], $0x1380, s29, $0x8   }
0x8c: {  	_ =	swait.ge [sflag:s19], $0x1380  }
0x8d: {  	s18 =	sld [smem:$0x7FC];
	_ =	sdelay $0x2  }
0x8e: {  	p1 =	seq.s32 s18, $0x1  }
.Ltmp8:
0x8f: {  	_ = 	snop;
	(pc) =	sbr.rel @p1 .LBB2_10-.Ltmp8, $4  }
.Ltmp9:
0x90: {  	_ = 	snop;
	(pc) =	sbr.rel @!p1 .LBB2_11-.Ltmp9, $4  }
0x91: {  	_ = 	snop  }
0x92: {  	[sflag:s19] =	ssyncset.done $0x0  }
0x93: {  	s3 =	smov.u32 s16;
	[sflag:s19] =	ssyncadd.s32 $0xFFFFEC80  }
0x94: {  	_ = 	snop  }
.LBB2_9:
0x95: {  	s5 =	rddreg [dreg:$0x6]  }
0x96: {  	[hbm:s5@s30], [sflag:s2] =	dma.strided [spmem:s3@s31], $0x1380, s29, $0x8   }
0x97: {  	_ =	swait.ge [sflag:s19], $0x1380  }
0x98: {  	s18 =	sld [smem:$0x7FD];
	_ =	sdelay $0x2  }
0x99: {  	p1 =	seq.s32 s18, $0x1  }
.Ltmp10:
0x9a: {  	_ = 	snop;
	(pc) =	sbr.rel @p1 .LBB2_11-.Ltmp10, $4  }
.Ltmp11:
0x9b: {  	_ = 	snop;
	(pc) =	sbr.rel @!p1 .LBB2_10-.Ltmp11, $4  }
0x9c: {  	_ = 	snop  }
0x9d: {  	[sflag:s19] =	ssyncset.done $0x0  }
0x9e: {  	s3 =	rddreg [dreg:$0x7];
	[sflag:s19] =	ssyncadd.s32 $0xFFFFEC80  }
0x9f: {  	_ = 	snop  }
.LBB2_12:
0xa0: {  	_ =	sfence.sel $0x180000  }
0xa1: {  	[bflag:$0x0] =	sbarrier.arrive $0xFFFF  }
0xa2: {  	_ =	strace $0x9000004A  }
0xa3: {  	s0 =	stileid.u32;
	[bflag:$0x2] =	sbarrier.arrive $0xFFFF  }
0xa4: {  	p0 =	sne.s32 s0, $0x0;
	s0 =	rddreg [dreg:$0x2]  }
0xa5: {  	s0 =	sadd.s32 @!p0 $0x100000, s0  }
0xa6: {  	[sflag:s0] =	ssyncadd.tile.s32 @!p0 $0x1;
	_ =	shalt  }
.Lfunc_end2:
_tile_overlayer_lowered:
.L_overlay_start_2:
0xa7: {  	(tag) =	ssettag $0x2  }
0xa8: {  	s0 =	rddreg [dreg:$0x0];
	s2 =	stileid.u32  }
0xa9: {  	s1 =	rddreg [dreg:$0x1];
	p0 =	sne.s32 s2, $0x0  }
0xaa: {  	s3 =	rddreg [dreg:$0x2];
	[bflag:$0x3] =	sbarrier.arrive $0xFFFF;
	s2 =	simm.s32 @!p0 $0x1C05  }
0xab: {  	[timem:s3], [sflag:s2] =	dma.local @!p0 [hbm:s0], s1  }
0xac: {  	s0 =	simm.s32 @!p0 $0x5  }
0xad: {  	_ =	swait.ge @!p0 [sflag:s0], s1  }
0xae: {  	s1 =	ssub.s32 @!p0 $0x0, s1;
	[sflag:s0] =	ssyncset.done @!p0 $0x0  }
0xaf: {  	[sflag:s0] =	ssyncadd.s32 @!p0 s1  }
0xb0: {  	[bflag:$0x3] =	sbarrier.arrive $0xFFFF  }
0xb1: {  	_ =	shalt  }

// kernel: kernel.16.cloned.1.call-start
scs
__scs_entry_jumppad:
0x0: {  	(pc) =	sbr.rel $0x88, $3  }
0x1: {  	(tag) =	ssettag $0x0;
	lr =	simm.s32 $0x1  }
0x2: {  	[smem:$0x3F97] =	sst lr;
	_ =	strace $0xD0000000  }
0x3: {  	_ = 	snop  }
0x4: {  	_ = 	snop  }
0x5: {  	_ = 	snop  }
0x6: {  	_ = 	snop  }
0x7: {  	_ = 	snop  }
__scs_overlays_trampoline_lowered:
0x8: {  	[smem:$0x3FA6] =	sst s0  }
0x9: {  	[smem:$0x3FA7] =	sst s1  }
0xa: {  	[smem:$0x3FA8] =	sst s2  }
0xb: {  	[smem:$0x3FA9] =	sst s3  }
0xc: {  	[smem:$0x3FAA] =	sst s4  }
0xd: {  	[smem:$0x3FAB] =	sst s5  }
0xe: {  	[smem:$0x3FAC] =	sst s6  }
0xf: {  	[smem:$0x3FAD] =	sst s7  }
0x10: {  	[smem:$0x3FAE] =	sst s8  }
0x11: {  	[smem:$0x3FAF] =	sst s9;
	s0 =	simm.s32 @!p0 $0x0  }
0x12: {  	s1 =	sld [smem:$0x3F95];
	s0 =	simm.s32 @p0 $0x1  }
0x13: {  	[smem:$0x3FB0] =	sst s0;
	s0 =	simm.s32 @!p1 $0x0  }
0x14: {  	s2 =	sld [smem:$0x3F94];
	s0 =	simm.s32 @p1 $0x1  }
0x15: {  	[smem:$0x3FB1] =	sst s0;
	s0 =	simm.s32 @!p2 $0x0  }
0x16: {  	s3 =	sld [smem:$0x3FDB];
	s0 =	simm.s32 @p2 $0x1  }
0x17: {  	s4 =	simm.s32 $0x1BF5;
	[smem:$0x3FB3] =	sst s0  }
0x18: {  	s0 =	sld [smem:$0x3F96];
	_ =	swait.ge [sflag:s4], $0x0  }
0x19: {  	s7 =	sld [smem:$0x3F97]  }
0x1a: {  	s8 =	sadd.s32 $0xFFFFE003, lr  }
0x1b: {  	s9 =	sadd.s32 $0xFFFFFEF7, lr;
	s5 =	simm.s32 $0xFFFFFFFF;
	p2 =	slt.u32 s8, $0xFFFFF086  }
0x1c: {  	p1 =	slt.u32 s9, $0xF7A;
	s5 =	simm.s32 @!p2 $0x0  }
0x1d: {  	s5 =	simm.s32 @p1 $0x1;
	p0 =	seq.s32 s7, s2  }
0x1e: {  	s7 =	smul.u32 @!p0 $0xF7A, s2;
	p2 =	seq.s32 @!p0 s5, $0x0  }
0x1f: {  	s9 =	smul.u32 $0xF7A, s1;
	s8 =	simm.s32 @!p0 $0x1BF5;
	p2 =	por !p2, p0  }
0x20: {  	[sflag:s8] =	ssyncset.s32 @!p0 $0xFFFFF086;
	s6 =	sadd.s32 @!p0 s3, s7;
	s7 =	simm.s32 @!p0 $0x108  }
0x21: {  	s3 =	sadd.s32 s3, s9;
	s6 =	sadd.s32 @!p0 $0x88, s6;
	s7 =	simm.s32 @p2 $0x1082  }
0x22: {  	[simem:s7], [sflag:s8] =	dma.local @!p0 [hbm:s6], $0xF7A  }
0x23: {  	s9 =	sor.u32 $0xD0000000, s2;
	s6 =	simm.s32 $0x108;
	_ =	swait.ge @!p0 [sflag:s8], $0x0  }
0x24: {  	s3 =	sadd.s32 $0x88, s3;
	s6 =	simm.s32 @!p1 $0x1082;
	[sflag:s4] =	ssyncset.s32 $0xFFFFF086  }
0x25: {  	[simem:s6], [sflag:s4] =	dma.local [hbm:s3], $0xF7A  }
0x26: {  	[smem:$0x3F97] =	sst s1;
	(tag) =	ssettag s2;
	_ =	strace s9  }
0x27: {  	s1 =	sld [smem:$0x3FA7]  }
0x28: {  	s2 =	sld [smem:$0x3FA8]  }
0x29: {  	s4 =	sld [smem:$0x3FAA]  }
0x2a: {  	p0 =	seq.s32 s5, $0x0;
	s5 =	sld [smem:$0x3FAB]  }
0x2b: {  	s6 =	sld [smem:$0x3FAC]  }
0x2c: {  	s7 =	sld [smem:$0x3FAD]  }
0x2d: {  	s3 =	simm.s32 $0x108;
	s8 =	sld [smem:$0x3FAE]  }
0x2e: {  	s3 =	simm.s32 @!p0 $0x1082;
	s9 =	sld [smem:$0x3FAF]  }
0x2f: {  	lr =	sadd.s32 s0, s3;
	s0 =	sld [smem:$0x3FA6]  }
0x30: {  	s3 =	sld [smem:$0x3FA9]  }
0x31: {  	[smem:$0x3FB2] =	sst s10  }
0x32: {  	s10 =	sld [smem:$0x3FB0];
	_ =	sdelay $0x3  }
0x33: {  	p0 =	seq.s32 s10, $0x1;
	s10 =	sld [smem:$0x3FB2];
	_ =	sdelay $0x3  }
0x34: {  	[smem:$0x3FB2] =	sst s10  }
0x35: {  	s10 =	sld [smem:$0x3FB1];
	_ =	sdelay $0x3  }
0x36: {  	p1 =	seq.s32 s10, $0x1;
	s10 =	sld [smem:$0x3FB2];
	_ =	sdelay $0x3  }
0x37: {  	[smem:$0x3FB2] =	sst s10  }
0x38: {  	s10 =	sld [smem:$0x3FB3]  }
0x39: {  	_ = 	snop;
	(pc) =	sbr.ind lr, $3  }
0x3a: {  	_ = 	snop  }
0x3b: {  	_ = 	snop  }
0x3c: {  	p2 =	seq.s32 s10, $0x1;
	s10 =	sld [smem:$0x3FB2]  }
0x3d: {  	_ =	shalt  }
0x3e: {  	_ =	shalt  }
0x3f: {  	_ =	shalt  }
0x40: {  	_ =	shalt  }
0x41: {  	_ =	shalt  }
0x42: {  	_ =	shalt  }
0x43: {  	_ =	shalt  }
0x44: {  	_ =	shalt  }
0x45: {  	_ =	shalt  }
0x46: {  	_ =	shalt  }
0x47: {  	_ =	shalt  }
0x48: {  	_ =	shalt  }
0x49: {  	_ =	shalt  }
0x4a: {  	_ =	shalt  }
0x4b: {  	_ =	shalt  }
0x4c: {  	_ =	shalt  }
0x4d: {  	_ =	shalt  }
0x4e: {  	_ =	shalt  }
0x4f: {  	_ =	shalt  }
0x50: {  	_ =	shalt  }
0x51: {  	_ =	shalt  }
0x52: {  	_ =	shalt  }
0x53: {  	_ =	shalt  }
0x54: {  	_ =	shalt  }
0x55: {  	_ =	shalt  }
0x56: {  	_ =	shalt  }
0x57: {  	_ =	shalt  }
0x58: {  	_ =	shalt  }
0x59: {  	_ =	shalt  }
0x5a: {  	_ =	shalt  }
0x5b: {  	_ =	shalt  }
0x5c: {  	_ =	shalt  }
0x5d: {  	_ =	shalt  }
0x5e: {  	_ =	shalt  }
0x5f: {  	_ =	shalt  }
0x60: {  	_ =	shalt  }
0x61: {  	_ =	shalt  }
0x62: {  	_ =	shalt  }
0x63: {  	_ =	shalt  }
0x64: {  	_ =	shalt  }
0x65: {  	_ =	shalt  }
0x66: {  	_ =	shalt  }
0x67: {  	_ =	shalt  }
0x68: {  	_ =	shalt  }
0x69: {  	_ =	shalt  }
0x6a: {  	_ =	shalt  }
0x6b: {  	_ =	shalt  }
0x6c: {  	_ =	shalt  }
0x6d: {  	_ =	shalt  }
0x6e: {  	_ =	shalt  }
0x6f: {  	_ =	shalt  }
0x70: {  	_ =	shalt  }
0x71: {  	_ =	shalt  }
0x72: {  	_ =	shalt  }
0x73: {  	_ =	shalt  }
0x74: {  	_ =	shalt  }
0x75: {  	_ =	shalt  }
0x76: {  	_ =	shalt  }
0x77: {  	_ =	shalt  }
0x78: {  	_ =	shalt  }
0x79: {  	_ =	shalt  }
0x7a: {  	_ =	shalt  }
0x7b: {  	_ =	shalt  }
0x7c: {  	_ =	shalt  }
0x7d: {  	_ =	shalt  }
0x7e: {  	_ =	shalt  }
0x7f: {  	_ =	shalt  }
0x80: {  	_ =	shalt  }
0x81: {  	_ =	shalt  }
0x82: {  	_ =	shalt  }
0x83: {  	_ =	shalt  }
0x84: {  	_ =	shalt  }
0x85: {  	_ =	shalt  }
0x86: {  	_ =	shalt  }
0x87: {  	_ =	shalt  }
.Lfunc_end0:
.L_simem_size_0:
called_computation.2_lowered:
.L_overlay_start_0:
0x88: {  	s2 =	sld [smem:$0x3FD9]  }
0x89: {  	s3 =	sld [smem:$0x3FFE];
	_ =	sdelay $0x1  }
0x8a: {  	s1 =	srdreg.scid  }
0x8b: {  	s0 =	sand.u32 $0x1, s1  }
0x8c: {  	s16 =	sshll.u32 s0, $0xA;
	s2 =	sadd.s32 s3, s2  }
0x8d: {  	s2 =	sadd.s32 s2, s16  }
0x8e: {  	[smem:$0x3FBE] =	sst s2  }
0x8f: {  	_ = 	snop  }
0x90: {  	(tm) =	ssettm $0x1  }
0x91: {  	s17 =	sld [smem:$0x3FFB];
	_ =	sdelay $0x3  }
0x92: {  	_ =	strace s17  }
0x93: {  	s2 =	sld [smem:$0x3FFC];
	_ =	sdelay $0x3  }
0x94: {  	_ =	strace s2  }
0x95: {  	s2 =	sld [smem:$0x3FFD];
	_ =	sdelay $0x3  }
0x96: {  	_ =	strace s2  }
0x97: {  	_ =	strace $0x8FFFFFFF  }
0x98: {  	s18 =	sld [smem:$0x3FDB];
	_ =	sdelay $0x1  }
0x99: {  	s19 =	simm.s32 $_scs_section_size  }
0x9a: {  	s4 =	simm.s32 $_size__tile_overlayer_lowered;
	s5 =	simm.s32 $_tile_overlayer_lowered  }
0x9b: {  	s22 =	simm.s32 $0x1BFF;
	s21 =	sshll.u32 s5, $0x1;
	s2 =	sadd.s32 s19, s18  }
0x9c: {  	s6 =	simm.s32 $0x0;
	s20 =	sshll.u32 s4, $0x1;
	s4 =	sadd.s32 s21, s2  }
0x9d: {  	[timem:s6], [sflag:s22] =	dma.local [hbm:s4], s20  }
0x9e: {  	_ =	swait.ge [sflag:s22], s20  }
0x9f: {  	s3 =	ssub.s32 $0x0, s20;
	[sflag:s22] =	ssyncset.done $0x0  }
0xa0: {  	[sflag:s22] =	ssyncadd.s32 s3;
	_ =	sdelay $0x1  }
0xa1: {  	s23 =	simm.s32 $0x1B8B  }
0xa2: {  	_ =	swait.ge [sflag:s23], $0x1  }
0xa3: {  	[sflag:s23] =	ssyncset.done $0x0  }
0xa4: {  	s25 =	simm.s32 $0x1B8E;
	s24 =	sld [smem:$0x3FFE];
	[sflag:s23] =	ssyncadd.s32 $0xFFFFFFFF  }
0xa5: {  	s26 =	simm.s32 $execute0_lowered;
	[smem:$0x3FD2] =	sst s25  }
0xa6: {  	s4 =	sshll.u32 s26, $0x1;
	_ =	strace $0x8000004C;
	[dreg:$0x1] =	wrdreg $0xFFFFFFFF  }
0xa7: {  	s28 =	simm.s32 $_size_execute0_lowered;
	s2 =	sadd.s32 s2, s4;
	[dreg:$0x0] =	wrdreg $0x0  }
0xa8: {  	s4 =	sshll.u32 s28, $0x1;
	[dreg:$0x2] =	wrdreg s2  }
0xa9: {  	[dreg:$0x3] =	wrdreg s4  }
0xaa: {  	[dreg:$0x4] =	wrdreg $0xC0  }
0xab: {  	_ =	task [dreg:s6], $0x5FFFF  }
0xac: {  	[dreg:$0x1] =	wrdreg $0xFFFFFFFF  }
0xad: {  	[dreg:$0x0] =	wrdreg $0x60  }
0xae: {  	[dreg:$0x2] =	wrdreg s24  }
0xaf: {  	[dreg:$0x3] =	wrdreg $0xF5500  }
0xb0: {  	[dreg:$0x4] =	wrdreg $0x9  }
0xb1: {  	_ =	task.clear_ibuf [dreg:s6], $0x5FFFF;
	_ =	strace $0x9000004C  }
0xb2: {  	s29 =	simm.s32 $0x9;
	_ =	strace $0x8000004E  }
0xb3: {  	_ =	swait.ge [sflag:s29], $0x1  }
0xb4: {  	[sflag:s29] =	ssyncadd.s32 $0xFFFFFFFF  }
0xb5: {  	_ =	strace $0x9000004E  }
0xb6: {  	_ =	sfence  }
0xb7: {  	s30 =	sld [smem:$0x0];
	_ =	sdelay $0x2  }
0xb8: {  	s31 =	sshll.u32 s1, $0xD;
	s1 =	sshrl.u32 s1, $0x2  }
0xb9: {  	s3 =	sand.u32 $0x4000, s31;
	s1 =	sadd.s32 s1, s30  }
0xba: {  	s0 =	sor.u32 s3, s0;
	s1 =	sshll.u32 s1, $0x11  }
0xbb: {  	s0 =	sor.u32 s1, s0  }
0xbc: {  	s0 =	sadd.s32 $0x8F2B, s0  }
0xbd: {  	[sflag:s0] =	ssyncadd.remote.s32 $0x1  }
0xbe: {  	_ =	sfence.sel $0xFFFF  }
0xbf: {  	[dreg:$0x0] =	wrdreg $0xFFFFFFFF;
	(pc) =	sbr.abs _section_cstart, $3  }
0xc0: {  	[dreg:$0x1] =	wrdreg $0xFFFFFFFF  }
0xc1: {  	_ =	task.clear_ibuf [dreg:s6], $0x2FFFF;
	_ =	strace $0x9FFFFFFF  }
0xc2: {  	(tm) =	ssettm $0x7FFFFFFF  }
0xc3: {  	_ =	shalt  }
tec
execute0_lowered:
.L_overlay_start_1:
0x0: {  	(tag) =	ssettag $0x1  }
0x1: {  	s0 =	rddreg [dreg:$0x0]  }
0x2: {  	s1 =	rddreg [dreg:$0x1];
	s3 =	simm.s32 $0x0;
	s2 =	srdreg.scid  }
0x3: {  	s5 =	stileid.u32;
	s28 =	simm.s32 $0x5F50;
	s29 =	simm.s32 $0x1  }
0x4: {  	s30 =	simm.s32 $0x10;
	s31 =	simm.s32 $0x4;
	s6 =	smul.u32 $0x2700, s5  }
0x5: {  	[smem:$0x7FF] =	sst s3;
	s2 =	sand.u32 $0x1, s2;
	s10 =	smul.u32 $0x4E00, s5  }
0x6: {  	s4 =	sadd.s32 $0x2A400, s0;
	s7 =	sadd.s32 $0x16A00, s0;
	s11 =	smul.u32 $0x13800, s5  }
0x7: {  	s12 =	sadd.s32 $0x34200, s0;
	s22 =	sadd.s32 $0x4E000, s1;
	s20 =	smul.u32 $0x2710, s5  }
0x8: {  	s24 =	sadd.s32 $0x65008, s0;
	s15 =	sadd.s32 $0x65000, s0;
	p1 =	seq.s32 s5, $0xF  }
0x9: {  	_ =	strace $0x8000004D;
	s17 =	sshll.u32 s2, $0x4;
	[dreg:$0x3] =	wrdreg s12  }
0xa: {  	s8 =	ssub.s32 $0x2, s2;
	s13 =	smul.u32 $0x27100, s2;
	[dreg:$0x7] =	wrdreg s24  }
0xb: {  	p0 =	sne.s32 s2, $0x0;
	s22 =	sshrl.u32 s22, $0x3;
	s24 =	simm.s32 $0x190  }
0xc: {  	s3 =	sor.u32 s5, s17;
	s9 =	sshrl.u32 s8, $0x1;
	s14 =	sadd.s32 s6, s0  }
0xd: {  	s18 =	sshrl.u32 s10, $0x3;
	s17 =	sadd.s32 s10, s1;
	s21 =	sshrl.u32 s11, $0x2  }
0xe: {  	s0 =	simm.s32 @!p1 $0x0;
	s3 =	smul.u32 $0x2710, s3;
	s8 =	ssub.s32 s8, s9  }
0xf: {  	s19 =	sadd.s32 s12, s18;
	s23 =	sadd.s32 $0x3E008, s14;
	s12 =	sadd.s32 s21, s1  }
0x10: {  	s25 =	sadd.s32 $0x3E000, s14;
	s0 =	simm.s32 @p1 $0x1;
	[dreg:$0x4] =	wrdreg s19  }
0x11: {  	s21 =	sshrl.u32 s17, $0x3;
	p1 =	sne.s32 s5, $0xF;
	[dreg:$0x6] =	wrdreg s23  }
0x12: {  	[dreg:$0x8] =	wrdreg s25;
	s16 =	smax.u32 s8, $0x1;
	s19 =	simm.s32 $0x5  }
0x13: {  	[smem:$0x7FC] =	sst s0;
	s23 =	simm.s32 $0x2710;
	s0 =	simm.s32 @!p1 $0x0  }
0x14: {  	s25 =	simm.s32 $0x2D50;
	s3 =	sshrl.u32 s3, $0x3;
	s0 =	simm.s32 @p1 $0x1  }
.Ltmp0:
0x15: {  	s6 =	sadd.s32 s7, s3;
	s3 =	sadd.s32 s4, s18;
	(pc) =	sbr.rel .LBB2_1-.Ltmp0, $4  }
0x16: {  	s18 =	sshll.u32 s5, $0x6;
	[dreg:$0x5] =	wrdreg s3;
	s3 =	sadd.s32 s20, s13  }
0x17: {  	[smem:$0x7FD] =	sst s0;
	s0 =	simm.s32 $0x0;
	s3 =	sadd.s32 $0x4E520, s3  }
0x18: {  	s9 =	sadd.s32 $0x9C40, s6;
	s10 =	sadd.s32 $0x9C72, s6;
	s26 =	sshrl.u32 s3, $0x3  }
0x19: {  	s20 =	sor.u32 $0x1C05, s18;
	s7 =	sadd.s32 s26, s7;
	s26 =	simm.s32 $0x28A0  }
.LBB2_10:
0x1a: {  	[hbm:s3@s30], [sflag:s2] =	dma.strided [spmem:s22@s31], $0x40, s29, $0x4   }
0x1b: {  	_ =	swait.ge [sflag:s19], $0x40  }
0x1c: {  	[sflag:s19] =	ssyncset.done $0x0  }
0x1d: {  	[sflag:s19] =	ssyncadd.s32 $0xFFFFFFC0  }
.LBB2_11:
0x1e: {  	s0 =	sadd.s32 $0x1, s0  }
0x1f: {  	p1 =	sne.s32 s0, s16  }
.Ltmp1:
0x20: {  	_ = 	snop;
	(pc) =	sbr.rel @!p1 .LBB2_12-.Ltmp1, $1  }
0x21: {  	_ =	sdelay $0x3  }
.LBB2_1:
.Ltmp2:
0x22: {  	s2 =	simm.s32 $0x0;
	(pc) =	sbr.rel @p0 .LBB2_3-.Ltmp2, $4  }
0x23: {  	[tilespmem:s2], [sflag:$0x5] =	stream.linear.gather [hbm4b:s6+s2], $0x2710, $0x38;
	[tilespmem:$0x14370] =	vst v63  }
0x24: {  	_ =	swait.ge [sflag:s19], $0x2710  }
0x25: {  	[sflag:s19] =	ssyncset.done $0x0  }
0x26: {  	[sflag:s19] =	ssyncadd.s32 $0xFFFFD8F0  }
0x27: {  	s2 =	rddreg [dreg:$0x5]  }
0x28: {  	[spmem:s21], [sflag:s20] =	dma.local [hbm:s2], $0x9C0  }
0x29: {  	_ =	swait.ge [sflag:s19], $0x9C0  }
0x2a: {  	s5 =	sld [smem:$0x7FC];
	_ =	sdelay $0x2  }
0x2b: {  	p1 =	seq.s32 s5, $0x1  }
.Ltmp3:
0x2c: {  	_ = 	snop;
	(pc) =	sbr.rel @p1 .LBB2_4-.Ltmp3, $4  }
.Ltmp4:
0x2d: {  	_ = 	snop;
	(pc) =	sbr.rel @!p1 .LBB2_5-.Ltmp4, $4  }
0x2e: {  	_ = 	snop  }
0x2f: {  	[sflag:s19] =	ssyncset.done $0x0  }
0x30: {  	s3 =	smov.u32 s4;
	s2 =	smov.u32 s20;
	[sflag:s19] =	ssyncadd.s32 $0xFFFFF640  }
0x31: {  	_ = 	snop  }
.LBB2_3:
0x32: {  	s2 =	sor.u32 $0x1C05, s18;
	s3 =	rddreg [dreg:$0x4]  }
0x33: {  	[spmem:s21], [sflag:s2] =	dma.local [hbm:s3], $0x9C0  }
0x34: {  	_ =	swait.ge [sflag:s19], $0x9C0  }
0x35: {  	s5 =	sld [smem:$0x7FD];
	_ =	sdelay $0x2  }
0x36: {  	p1 =	seq.s32 s5, $0x1  }
.Ltmp5:
0x37: {  	_ = 	snop;
	(pc) =	sbr.rel @p1 .LBB2_5-.Ltmp5, $3  }
0x38: {  	_ =	sdelay $0x1  }
0x39: {  	[sflag:s19] =	ssyncset.done $0x0  }
0x3a: {  	s3 =	rddreg [dreg:$0x3];
	[sflag:s19] =	ssyncadd.s32 $0xFFFFF640  }
.LBB2_4:
0x3b: {  	s3 =	sadd.s32 $0x9C00, s3  }
0x3c: {  	[spmem:s22], [sflag:s2] =	dma.local [hbm:s3], $0x40  }
0x3d: {  	_ =	swait.ge [sflag:s19], $0x40  }
0x3e: {  	[sflag:s19] =	ssyncset.done $0x0  }
0x3f: {  	[sflag:s19] =	ssyncadd.s32 $0xFFFFFFC0  }
.LBB2_5:
0x40: {  	[bflag:$0x0] =	sbarrier.arrive $0xFFFF;
	s3 =	simm.s32 $0x0  }
0x41: {  	[tilespmem:s23], [sflag:$0x1] =	stream.linear.gather [hbm4b:s9+s3], $0x190, $0x38;
	[tilespmem:$0x14370] =	vst v63  }
0x42: {  	_ = 	snop  }
0x43: {  	[tilespmem:s25], [sflag:$0x1] =	stream.indirect.gather [hbm4b:s4+s24], $0x20, s3, s24, $0xb8;
	[tilespmem:$0x14370] =	vst v63  }
0x44: {  	_ = 	snop  }
0x45: {  	[tilespmem:s26], [sflag:$0x2] =	stream.linear.gather [hbm4b:s10+s3], $0x190, $0x38;
	[tilespmem:$0x14370] =	vst v63  }
0x46: {  	s2 =	simm.s32 $0x320;
	s17 =	smov.u32 s7  }
0x47: {  	[tilespmem:s28], [sflag:$0x2] =	stream.indirect.gather [hbm4b:s4+s24], $0x20, s24, s24, $0xb8;
	[tilespmem:$0x14370] =	vst v63  }
.LBB2_6:
0x48: {  	s8 =	sand.u32 $0x3, s3  }
0x49: {  	p3 =	sgt.s32 s8, $0x1  }
0x4a: {  	p5 =	seq.s32 @p3 s8, $0x2  }
0x4b: {  	p4 =	por !p5, !p3  }
0x4c: {  	p1 =	sgt.u32 @!p4 s3, $0x16  }
0x4d: {  	p1 =	por @p3 p1, !p5  }
0x4e: {  	p1 =	por p1, !p3  }
0x4f: {  	s5 =	simm.s32 @!p1 $0x0;
	s11 =	simm.s32 @!p1 $0x2710  }
0x50: {  	[tilespmem:s11], [sflag:$0x1] =	stream.linear.gather @!p1 [hbm4b:s17+s5], $0x190, $0x38;
	[tilespmem:$0x14370] =	vst v63  }
0x51: {  	s5 =	simm.s32 @!p1 $0x190;
	s11 =	simm.s32 @!p1 $0x2D50  }
0x52: {  	[tilespmem:s11], [sflag:$0x1] =	stream.indirect.gather @!p1 [hbm4b:s4+s5], $0x20, s2, s5, $0xb8;
	[tilespmem:$0x14370] =	vst v63  }
0x53: {  	s5 =	simm.s32 @!p4 $0x3  }
0x54: {  	_ =	swait.ge @!p4 [sflag:s5], $0x190  }
0x55: {  	[sflag:s5] =	ssyncset.done @!p4 $0x0  }
0x56: {  	p6 =	por p5, !p3;
	[sflag:s5] =	ssyncadd.s32 @!p4 $0xFFFFFE70  }
0x57: {  	s14 =	simm.s32 @!p4 $0x9150;
	p1 =	sgt.u32 @!p6 s3, $0x16;
	_ =	swait.ge @!p4 [sflag:s5], $0x3200  }
0x58: {  	s11 =	simm.s32 @!p4 $0x2A30;
	p1 =	por @p3 p1, p5;
	[sflag:s5] =	ssyncset.done @!p4 $0x0  }
0x59: {  	p1 =	por p1, !p3;
	[sflag:s5] =	ssyncadd.s32 @!p4 $0xFFFFCE00;
	s5 =	simm.s32 @!p4 $0x190  }
0x5a: {  	[spmem:s1] =	stream.indirect.scatter.add.f32 @!p4 [tilespmem:s14], [sflag:$0x6], $0x20, s11, s5, $0xb8;
	[tilespmem:$0x14370] =	vst v63  }
0x5b: {  	s5 =	simm.s32 @!p1 $0x0;
	s11 =	simm.s32 @!p1 $0x28A0  }
0x5c: {  	[tilespmem:s11], [sflag:$0x2] =	stream.linear.gather @!p1 [hbm4b:s17+s5], $0x190, $0x38;
	[tilespmem:$0x14370] =	vst v63  }
0x5d: {  	s5 =	simm.s32 @!p1 $0x190;
	s11 =	simm.s32 @!p1 $0x5F50  }
0x5e: {  	[tilespmem:s11], [sflag:$0x2] =	stream.indirect.gather @!p1 [hbm4b:s4+s5], $0x20, s2, s5, $0xb8;
	[tilespmem:$0x14370] =	vst v63  }
0x5f: {  	s5 =	simm.s32 @!p6 $0x4  }
0x60: {  	_ =	swait.ge @!p6 [sflag:s5], $0x190  }
0x61: {  	[sflag:s5] =	ssyncset.done @!p6 $0x0  }
0x62: {  	[sflag:s5] =	ssyncadd.s32 @!p6 $0xFFFFFE70  }
0x63: {  	s14 =	simm.s32 @!p6 $0xC350;
	_ =	swait.ge @!p6 [sflag:s5], $0x3200  }
0x64: {  	s11 =	simm.s32 @!p6 $0x2BC0;
	p1 =	seq.s32 @!p3 s8, $0x0;
	[sflag:s5] =	ssyncset.done @!p6 $0x0  }
0x65: {  	p5 =	por !p1, p3;
	[sflag:s5] =	ssyncadd.s32 @!p6 $0xFFFFCE00;
	s5 =	simm.s32 @!p6 $0x190  }
0x66: {  	[spmem:s1] =	stream.indirect.scatter.add.f32 @!p6 [tilespmem:s14], [sflag:$0x5], $0x20, s11, s5, $0xb8;
	[tilespmem:$0x14370] =	vst v63  }
0x67: {  	p6 =	sgt.u32 @!p5 s3, $0x16  }
0x68: {  	p6 =	por @!p3 p6, !p1  }
0x69: {  	p6 =	por p6, p3  }
0x6a: {  	s5 =	simm.s32 @!p6 $0x0;
	s8 =	simm.s32 @!p6 $0x2A30  }
0x6b: {  	[tilespmem:s8], [sflag:$0x3] =	stream.linear.gather @!p6 [hbm4b:s17+s5], $0x190, $0x38;
	[tilespmem:$0x14370] =	vst v63  }
0x6c: {  	s5 =	simm.s32 @!p6 $0x190;
	s8 =	simm.s32 @!p6 $0x9150  }
0x6d: {  	[tilespmem:s8], [sflag:$0x3] =	stream.indirect.gather @!p6 [hbm4b:s4+s5], $0x20, s2, s5, $0xb8;
	[tilespmem:$0x14370] =	vst v63  }
0x6e: {  	s5 =	simm.s32 @!p5 $0x1  }
0x6f: {  	_ =	swait.ge @!p5 [sflag:s5], $0x190  }
0x70: {  	[sflag:s5] =	ssyncset.done @!p5 $0x0  }
0x71: {  	p6 =	por p1, p3;
	[sflag:s5] =	ssyncadd.s32 @!p5 $0xFFFFFE70  }
0x72: {  	s11 =	simm.s32 @!p5 $0x2D50;
	p2 =	sgt.u32 @!p6 s3, $0x16;
	_ =	swait.ge @!p5 [sflag:s5], $0x3200  }
0x73: {  	s8 =	simm.s32 @!p5 $0x2710;
	p1 =	por @!p3 p2, p1;
	[sflag:s5] =	ssyncset.done @!p5 $0x0  }
0x74: {  	p1 =	por p1, p3;
	[sflag:s5] =	ssyncadd.s32 @!p5 $0xFFFFCE00;
	s5 =	simm.s32 @!p5 $0x190  }
0x75: {  	[spmem:s1] =	stream.indirect.scatter.add.f32 @!p5 [tilespmem:s11], [sflag:$0x6], $0x20, s8, s5, $0xb8;
	[tilespmem:$0x14370] =	vst v63  }
0x76: {  	s5 =	simm.s32 @!p1 $0x0;
	s8 =	simm.s32 @!p1 $0x2BC0  }
0x77: {  	[tilespmem:s8], [sflag:$0x4] =	stream.linear.gather @!p1 [hbm4b:s17+s5], $0x190, $0x38;
	[tilespmem:$0x14370] =	vst v63  }
0x78: {  	s5 =	simm.s32 @!p1 $0x190;
	s8 =	simm.s32 @!p1 $0xC350  }
0x79: {  	[tilespmem:s8], [sflag:$0x4] =	stream.indirect.gather @!p1 [hbm4b:s4+s5], $0x20, s2, s5, $0xb8;
	[tilespmem:$0x14370] =	vst v63  }
0x7a: {  	s5 =	simm.s32 @!p6 $0x2  }
0x7b: {  	s14 =	simm.s32 @!p6 $0x28A0;
	_ =	swait.ge @!p6 [sflag:s5], $0x190  }
0x7c: {  	s13 =	simm.s32 @!p6 $0x5F50;
	s3 =	sadd.s32 $0x1, s3;
	[sflag:s5] =	ssyncset.done @!p6 $0x0  }
0x7d: {  	s11 =	simm.s32 @!p4 $0x6;
	s8 =	simm.s32 @!p5 $0x6;
	[sflag:s5] =	ssyncadd.s32 @!p6 $0xFFFFFE70  }
0x7e: {  	s11 =	simm.s32 @p4 $0x5;
	s8 =	simm.s32 @p5 $0x6;
	_ =	swait.ge @!p6 [sflag:s5], $0x3200  }
0x7f: {  	p1 =	sne.s32 s3, $0x19;
	s8 =	smov.u32 @p3 s11;
	[sflag:s5] =	ssyncset.done @!p6 $0x0  }
.Ltmp6:
0x80: {  	[sflag:s5] =	ssyncadd.s32 @!p6 $0xFFFFCE00;
	s5 =	simm.s32 @!p6 $0x190;
	(pc) =	sbr.rel @p1 .LBB2_6-.Ltmp6, $4  }
0x81: {  	[spmem:s1] =	stream.indirect.scatter.add.f32 @!p6 [tilespmem:s13], [sflag:$0x6], $0x20, s14, s5, $0xb8;
	[tilespmem:$0x14370] =	vst v63  }
0x82: {  	_ =	swait.ge [sflag:s8], $0x3200  }
0x83: {  	[sflag:s8] =	ssyncset.done $0x0  }
0x84: {  	s17 =	sadd.s32 $0x32, s17;
	s2 =	sadd.s32 $0x190, s2;
	[sflag:s8] =	ssyncadd.s32 $0xFFFFCE00  }
.Ltmp7:
0x85: {  	(pc) =	sbr.rel @p0 .LBB2_9-.Ltmp7, $3  }
0x86: {  	_ =	sdelay $0x1  }
0x87: {  	[bflag:$0x0] =	sbarrier.arrive $0xFFFF  }
0x88: {  	s3 =	sshrl.u32 s12, $0x3;
	s2 =	sor.u32 $0x1C05, s18  }
0x89: {  	s5 =	rddreg [dreg:$0x8]  }
0x8a: {  	[hbm:s5@s30], [sflag:s2] =	dma.strided [spmem:s3@s31], $0x9C0, s29, $0x4   }
0x8b: {  	_ =	swait.ge [sflag:s19], $0x9C0  }
0x8c: {  	s17 =	sld [smem:$0x7FC];
	_ =	sdelay $0x2  }
0x8d: {  	p1 =	seq.s32 s17, $0x1  }
.Ltmp8:
0x8e: {  	_ = 	snop;
	(pc) =	sbr.rel @p1 .LBB2_10-.Ltmp8, $4  }
.Ltmp9:
0x8f: {  	_ = 	snop;
	(pc) =	sbr.rel @!p1 .LBB2_11-.Ltmp9, $4  }
0x90: {  	_ = 	snop  }
0x91: {  	[sflag:s19] =	ssyncset.done $0x0  }
0x92: {  	s3 =	smov.u32 s15;
	[sflag:s19] =	ssyncadd.s32 $0xFFFFF640  }
0x93: {  	_ = 	snop  }
.LBB2_9:
0x94: {  	s5 =	rddreg [dreg:$0x6]  }
0x95: {  	[hbm:s5@s30], [sflag:s2] =	dma.strided [spmem:s3@s31], $0x9C0, s29, $0x4   }
0x96: {  	_ =	swait.ge [sflag:s19], $0x9C0  }
0x97: {  	s17 =	sld [smem:$0x7FD];
	_ =	sdelay $0x2  }
0x98: {  	p1 =	seq.s32 s17, $0x1  }
.Ltmp10:
0x99: {  	_ = 	snop;
	(pc) =	sbr.rel @p1 .LBB2_11-.Ltmp10, $4  }
.Ltmp11:
0x9a: {  	_ = 	snop;
	(pc) =	sbr.rel @!p1 .LBB2_10-.Ltmp11, $4  }
0x9b: {  	_ = 	snop  }
0x9c: {  	[sflag:s19] =	ssyncset.done $0x0  }
0x9d: {  	s3 =	rddreg [dreg:$0x7];
	[sflag:s19] =	ssyncadd.s32 $0xFFFFF640  }
0x9e: {  	_ = 	snop  }
.LBB2_12:
0x9f: {  	_ =	sfence.sel $0x180000  }
0xa0: {  	[bflag:$0x0] =	sbarrier.arrive $0xFFFF  }
0xa1: {  	_ =	strace $0x9000004D  }
0xa2: {  	s0 =	stileid.u32;
	[bflag:$0x2] =	sbarrier.arrive $0xFFFF  }
0xa3: {  	p0 =	sne.s32 s0, $0x0;
	s0 =	rddreg [dreg:$0x2]  }
0xa4: {  	s0 =	sadd.s32 @!p0 $0x100000, s0  }
0xa5: {  	[sflag:s0] =	ssyncadd.tile.s32 @!p0 $0x1;
	_ =	shalt  }
.Lfunc_end2:
_tile_overlayer_lowered:
.L_overlay_start_2:
0xa6: {  	(tag) =	ssettag $0x2  }
0xa7: {  	s0 =	rddreg [dreg:$0x0];
	s2 =	stileid.u32  }
0xa8: {  	s1 =	rddreg [dreg:$0x1];
	p0 =	sne.s32 s2, $0x0  }
0xa9: {  	s3 =	rddreg [dreg:$0x2];
	[bflag:$0x3] =	sbarrier.arrive $0xFFFF;
	s2 =	simm.s32 @!p0 $0x1C05  }
0xaa: {  	[timem:s3], [sflag:s2] =	dma.local @!p0 [hbm:s0], s1  }
0xab: {  	s0 =	simm.s32 @!p0 $0x5  }
0xac: {  	_ =	swait.ge @!p0 [sflag:s0], s1  }
0xad: {  	s1 =	ssub.s32 @!p0 $0x0, s1;
	[sflag:s0] =	ssyncset.done @!p0 $0x0  }
0xae: {  	[sflag:s0] =	ssyncadd.s32 @!p0 s1  }
0xaf: {  	[bflag:$0x3] =	sbarrier.arrive $0xFFFF  }
0xb0: {  	_ =	shalt  }

// kernel: kernel.19.cloned.1.call-start
scs
__scs_entry_jumppad:
0x0: {  	(pc) =	sbr.rel $0x88, $3  }
0x1: {  	(tag) =	ssettag $0x0;
	lr =	simm.s32 $0x1  }
0x2: {  	[smem:$0x3F97] =	sst lr;
	_ =	strace $0xD0000000  }
0x3: {  	_ = 	snop  }
0x4: {  	_ = 	snop  }
0x5: {  	_ = 	snop  }
0x6: {  	_ = 	snop  }
0x7: {  	_ = 	snop  }
__scs_overlays_trampoline_lowered:
0x8: {  	[smem:$0x3FA6] =	sst s0  }
0x9: {  	[smem:$0x3FA7] =	sst s1  }
0xa: {  	[smem:$0x3FA8] =	sst s2  }
0xb: {  	[smem:$0x3FA9] =	sst s3  }
0xc: {  	[smem:$0x3FAA] =	sst s4  }
0xd: {  	[smem:$0x3FAB] =	sst s5  }
0xe: {  	[smem:$0x3FAC] =	sst s6  }
0xf: {  	[smem:$0x3FAD] =	sst s7  }
0x10: {  	[smem:$0x3FAE] =	sst s8  }
0x11: {  	[smem:$0x3FAF] =	sst s9;
	s0 =	simm.s32 @!p0 $0x0  }
0x12: {  	s1 =	sld [smem:$0x3F95];
	s0 =	simm.s32 @p0 $0x1  }
0x13: {  	[smem:$0x3FB0] =	sst s0;
	s0 =	simm.s32 @!p1 $0x0  }
0x14: {  	s2 =	sld [smem:$0x3F94];
	s0 =	simm.s32 @p1 $0x1  }
0x15: {  	[smem:$0x3FB1] =	sst s0;
	s0 =	simm.s32 @!p2 $0x0  }
0x16: {  	s3 =	sld [smem:$0x3FDB];
	s0 =	simm.s32 @p2 $0x1  }
0x17: {  	s4 =	simm.s32 $0x1BF5;
	[smem:$0x3FB3] =	sst s0  }
0x18: {  	s0 =	sld [smem:$0x3F96];
	_ =	swait.ge [sflag:s4], $0x0  }
0x19: {  	s7 =	sld [smem:$0x3F97]  }
0x1a: {  	s8 =	sadd.s32 $0xFFFFE003, lr  }
0x1b: {  	s9 =	sadd.s32 $0xFFFFFEF7, lr;
	s5 =	simm.s32 $0xFFFFFFFF;
	p2 =	slt.u32 s8, $0xFFFFF086  }
0x1c: {  	p1 =	slt.u32 s9, $0xF7A;
	s5 =	simm.s32 @!p2 $0x0  }
0x1d: {  	s5 =	simm.s32 @p1 $0x1;
	p0 =	seq.s32 s7, s2  }
0x1e: {  	s7 =	smul.u32 @!p0 $0xF7A, s2;
	p2 =	seq.s32 @!p0 s5, $0x0  }
0x1f: {  	s9 =	smul.u32 $0xF7A, s1;
	s8 =	simm.s32 @!p0 $0x1BF5;
	p2 =	por !p2, p0  }
0x20: {  	[sflag:s8] =	ssyncset.s32 @!p0 $0xFFFFF086;
	s6 =	sadd.s32 @!p0 s3, s7;
	s7 =	simm.s32 @!p0 $0x108  }
0x21: {  	s3 =	sadd.s32 s3, s9;
	s6 =	sadd.s32 @!p0 $0x88, s6;
	s7 =	simm.s32 @p2 $0x1082  }
0x22: {  	[simem:s7], [sflag:s8] =	dma.local @!p0 [hbm:s6], $0xF7A  }
0x23: {  	s9 =	sor.u32 $0xD0000000, s2;
	s6 =	simm.s32 $0x108;
	_ =	swait.ge @!p0 [sflag:s8], $0x0  }
0x24: {  	s3 =	sadd.s32 $0x88, s3;
	s6 =	simm.s32 @!p1 $0x1082;
	[sflag:s4] =	ssyncset.s32 $0xFFFFF086  }
0x25: {  	[simem:s6], [sflag:s4] =	dma.local [hbm:s3], $0xF7A  }
0x26: {  	[smem:$0x3F97] =	sst s1;
	(tag) =	ssettag s2;
	_ =	strace s9  }
0x27: {  	s1 =	sld [smem:$0x3FA7]  }
0x28: {  	s2 =	sld [smem:$0x3FA8]  }
0x29: {  	s4 =	sld [smem:$0x3FAA]  }
0x2a: {  	p0 =	seq.s32 s5, $0x0;
	s5 =	sld [smem:$0x3FAB]  }
0x2b: {  	s6 =	sld [smem:$0x3FAC]  }
0x2c: {  	s7 =	sld [smem:$0x3FAD]  }
0x2d: {  	s3 =	simm.s32 $0x108;
	s8 =	sld [smem:$0x3FAE]  }
0x2e: {  	s3 =	simm.s32 @!p0 $0x1082;
	s9 =	sld [smem:$0x3FAF]  }
0x2f: {  	lr =	sadd.s32 s0, s3;
	s0 =	sld [smem:$0x3FA6]  }
0x30: {  	s3 =	sld [smem:$0x3FA9]  }
0x31: {  	[smem:$0x3FB2] =	sst s10  }
0x32: {  	s10 =	sld [smem:$0x3FB0];
	_ =	sdelay $0x3  }
0x33: {  	p0 =	seq.s32 s10, $0x1;
	s10 =	sld [smem:$0x3FB2];
	_ =	sdelay $0x3  }
0x34: {  	[smem:$0x3FB2] =	sst s10  }
0x35: {  	s10 =	sld [smem:$0x3FB1];
	_ =	sdelay $0x3  }
0x36: {  	p1 =	seq.s32 s10, $0x1;
	s10 =	sld [smem:$0x3FB2];
	_ =	sdelay $0x3  }
0x37: {  	[smem:$0x3FB2] =	sst s10  }
0x38: {  	s10 =	sld [smem:$0x3FB3]  }
0x39: {  	_ = 	snop;
	(pc) =	sbr.ind lr, $3  }
0x3a: {  	_ = 	snop  }
0x3b: {  	_ = 	snop  }
0x3c: {  	p2 =	seq.s32 s10, $0x1;
	s10 =	sld [smem:$0x3FB2]  }
0x3d: {  	_ =	shalt  }
0x3e: {  	_ =	shalt  }
0x3f: {  	_ =	shalt  }
0x40: {  	_ =	shalt  }
0x41: {  	_ =	shalt  }
0x42: {  	_ =	shalt  }
0x43: {  	_ =	shalt  }
0x44: {  	_ =	shalt  }
0x45: {  	_ =	shalt  }
0x46: {  	_ =	shalt  }
0x47: {  	_ =	shalt  }
0x48: {  	_ =	shalt  }
0x49: {  	_ =	shalt  }
0x4a: {  	_ =	shalt  }
0x4b: {  	_ =	shalt  }
0x4c: {  	_ =	shalt  }
0x4d: {  	_ =	shalt  }
0x4e: {  	_ =	shalt  }
0x4f: {  	_ =	shalt  }
0x50: {  	_ =	shalt  }
0x51: {  	_ =	shalt  }
0x52: {  	_ =	shalt  }
0x53: {  	_ =	shalt  }
0x54: {  	_ =	shalt  }
0x55: {  	_ =	shalt  }
0x56: {  	_ =	shalt  }
0x57: {  	_ =	shalt  }
0x58: {  	_ =	shalt  }
0x59: {  	_ =	shalt  }
0x5a: {  	_ =	shalt  }
0x5b: {  	_ =	shalt  }
0x5c: {  	_ =	shalt  }
0x5d: {  	_ =	shalt  }
0x5e: {  	_ =	shalt  }
0x5f: {  	_ =	shalt  }
0x60: {  	_ =	shalt  }
0x61: {  	_ =	shalt  }
0x62: {  	_ =	shalt  }
0x63: {  	_ =	shalt  }
0x64: {  	_ =	shalt  }
0x65: {  	_ =	shalt  }
0x66: {  	_ =	shalt  }
0x67: {  	_ =	shalt  }
0x68: {  	_ =	shalt  }
0x69: {  	_ =	shalt  }
0x6a: {  	_ =	shalt  }
0x6b: {  	_ =	shalt  }
0x6c: {  	_ =	shalt  }
0x6d: {  	_ =	shalt  }
0x6e: {  	_ =	shalt  }
0x6f: {  	_ =	shalt  }
0x70: {  	_ =	shalt  }
0x71: {  	_ =	shalt  }
0x72: {  	_ =	shalt  }
0x73: {  	_ =	shalt  }
0x74: {  	_ =	shalt  }
0x75: {  	_ =	shalt  }
0x76: {  	_ =	shalt  }
0x77: {  	_ =	shalt  }
0x78: {  	_ =	shalt  }
0x79: {  	_ =	shalt  }
0x7a: {  	_ =	shalt  }
0x7b: {  	_ =	shalt  }
0x7c: {  	_ =	shalt  }
0x7d: {  	_ =	shalt  }
0x7e: {  	_ =	shalt  }
0x7f: {  	_ =	shalt  }
0x80: {  	_ =	shalt  }
0x81: {  	_ =	shalt  }
0x82: {  	_ =	shalt  }
0x83: {  	_ =	shalt  }
0x84: {  	_ =	shalt  }
0x85: {  	_ =	shalt  }
0x86: {  	_ =	shalt  }
0x87: {  	_ =	shalt  }
.Lfunc_end0:
.L_simem_size_0:
called_computation.3_lowered:
.L_overlay_start_0:
0x88: {  	s2 =	sld [smem:$0x3FD9]  }
0x89: {  	s3 =	sld [smem:$0x3FFE];
	_ =	sdelay $0x1  }
0x8a: {  	s1 =	srdreg.scid  }
0x8b: {  	s0 =	sand.u32 $0x1, s1  }
0x8c: {  	s17 =	sshll.u32 s0, $0xA;
	s2 =	sadd.s32 s3, s2  }
0x8d: {  	s2 =	sadd.s32 s2, s17  }
0x8e: {  	[smem:$0x3FBE] =	sst s2  }
0x8f: {  	_ = 	snop  }
0x90: {  	s2 =	sld [smem:$0x3FD0];
	(tm) =	ssettm $0x1  }
0x91: {  	s18 =	sld [smem:$0x3FFB];
	_ =	sdelay $0x3  }
0x92: {  	_ =	strace s18  }
0x93: {  	s3 =	sld [smem:$0x3FFC];
	_ =	sdelay $0x3  }
0x94: {  	_ =	strace s3  }
0x95: {  	s3 =	sld [smem:$0x3FFD];
	_ =	sdelay $0x3  }
0x96: {  	_ =	strace s3  }
0x97: {  	_ =	strace $0x8FFFFFFF  }
0x98: {  	s19 =	sld [smem:$0x3FDB];
	_ =	sdelay $0x1  }
0x99: {  	s4 =	simm.s32 $_scs_section_size  }
0x9a: {  	s5 =	simm.s32 $_size__tile_overlayer_lowered;
	s6 =	simm.s32 $_tile_overlayer_lowered  }
0x9b: {  	s22 =	simm.s32 $0x1BFF;
	s21 =	sshll.u32 s6, $0x1;
	s3 =	sadd.s32 s4, s19  }
0x9c: {  	s7 =	simm.s32 $0x0;
	s20 =	sshll.u32 s5, $0x1;
	s5 =	sadd.s32 s21, s3  }
0x9d: {  	[timem:s7], [sflag:s22] =	dma.local [hbm:s5], s20  }
0x9e: {  	_ =	swait.ge [sflag:s22], s20  }
0x9f: {  	s4 =	ssub.s32 $0x0, s20;
	[sflag:s22] =	ssyncset.done $0x0  }
0xa0: {  	[sflag:s22] =	ssyncadd.s32 s4;
	_ =	sdelay $0x1  }
0xa1: {  	s23 =	simm.s32 $0x1B8B  }
0xa2: {  	_ =	swait.ge [sflag:s23], $0x1  }
0xa3: {  	[sflag:s23] =	ssyncset.done $0x0  }
0xa4: {  	s25 =	simm.s32 $0x1B8E;
	s24 =	sld [smem:$0x3FFE];
	[sflag:s23] =	ssyncadd.s32 $0xFFFFFFFF  }
0xa5: {  	s26 =	simm.s32 $execute0_lowered;
	[smem:$0x3FD2] =	sst s25  }
0xa6: {  	s5 =	sshll.u32 s26, $0x1;
	_ =	strace $0x8000004F;
	[dreg:$0x1] =	wrdreg $0xFFFFFFFF  }
0xa7: {  	s28 =	simm.s32 $_size_execute0_lowered;
	s3 =	sadd.s32 s3, s5;
	[dreg:$0x0] =	wrdreg $0x0  }
0xa8: {  	s5 =	sshll.u32 s28, $0x1;
	[dreg:$0x2] =	wrdreg s3  }
0xa9: {  	[dreg:$0x3] =	wrdreg s5  }
0xaa: {  	[dreg:$0x4] =	wrdreg $0xC0  }
0xab: {  	_ =	task [dreg:s7], $0x5FFFF  }
0xac: {  	[dreg:$0x1] =	wrdreg $0xFFFFFFFF  }
0xad: {  	[dreg:$0x0] =	wrdreg $0x60  }
0xae: {  	[dreg:$0x2] =	wrdreg s2  }
0xaf: {  	[dreg:$0x3] =	wrdreg s24  }
0xb0: {  	[dreg:$0x4] =	wrdreg $0x130B00  }
0xb1: {  	[dreg:$0x5] =	wrdreg $0x9  }
0xb2: {  	_ =	task.clear_ibuf [dreg:s7], $0x6FFFF;
	_ =	strace $0x9000004F  }
0xb3: {  	s29 =	simm.s32 $0x9;
	_ =	strace $0x80000051  }
0xb4: {  	_ =	swait.ge [sflag:s29], $0x1  }
0xb5: {  	[sflag:s29] =	ssyncadd.s32 $0xFFFFFFFF  }
0xb6: {  	_ =	strace $0x90000051  }
0xb7: {  	_ =	sfence  }
0xb8: {  	s30 =	sld [smem:$0x0];
	_ =	sdelay $0x2  }
0xb9: {  	s31 =	sshll.u32 s1, $0xD;
	s1 =	sshrl.u32 s1, $0x2  }
0xba: {  	s3 =	sand.u32 $0x4000, s31;
	s1 =	sadd.s32 s1, s30  }
0xbb: {  	s0 =	sor.u32 s3, s0;
	s1 =	sshll.u32 s1, $0x11  }
0xbc: {  	s0 =	sor.u32 s1, s0  }
0xbd: {  	s0 =	sadd.s32 $0x8F2B, s0  }
0xbe: {  	[sflag:s0] =	ssyncadd.remote.s32 $0x1  }
0xbf: {  	_ =	sfence.sel $0xFFFF  }
0xc0: {  	[dreg:$0x0] =	wrdreg $0xFFFFFFFF;
	(pc) =	sbr.abs _section_cstart, $3  }
0xc1: {  	[dreg:$0x1] =	wrdreg $0xFFFFFFFF  }
0xc2: {  	_ =	task.clear_ibuf [dreg:s7], $0x2FFFF;
	_ =	strace $0x9FFFFFFF  }
0xc3: {  	(tm) =	ssettm $0x7FFFFFFF  }
tec
execute0_lowered:
.L_overlay_start_1:
0x0: {  	(tag) =	ssettag $0x1  }
0x1: {  	s1 =	rddreg [dreg:$0x0]  }
0x2: {  	s0 =	rddreg [dreg:$0x1]  }
0x3: {  	s2 =	rddreg [dreg:$0x2]  }
0x4: {  	s3 =	srdreg.scid;
	s4 =	simm.s32 $0x0;
	s19 =	stileid.u32  }
0x5: {  	s28 =	simm.s32 $0x5;
	s29 =	simm.s32 $0x2710;
	s30 =	simm.s32 $0x3E8  }
0x6: {  	s31 =	simm.s32 $0x36B0;
	s3 =	sand.u32 $0x1, s3;
	[smem:$0x7FF] =	sst s4  }
0x7: {  	s7 =	smul.u32 $0x2700, s19;
	s8 =	sadd.s32 $0x3000, s0;
	s12 =	sadd.s32 $0x16A00, s0  }
0x8: {  	s20 =	sadd.s32 $0x27000, s2;
	s15 =	smul.u32 $0x9C00, s19;
	s21 =	sadd.s32 $0x42A08, s0  }
0x9: {  	p1 =	seq.s32 s19, $0xF;
	p2 =	sne.s32 s19, $0xF;
	s5 =	sshll.u32 s3, $0x4  }
0xa: {  	_ =	strace $0x80000050;
	s6 =	ssub.s32 $0x2, s3;
	[dreg:$0x4] =	wrdreg s12  }
0xb: {  	[dreg:$0xc] =	wrdreg s21;
	p0 =	sne.s32 s3, $0x0;
	s3 =	simm.s32 $0x2  }
0xc: {  	s9 =	sadd.s32 s7, s0;
	s11 =	sshrl.u32 s7, $0x3;
	s7 =	sadd.s32 s7, s2  }
0xd: {  	s5 =	sor.u32 s19, s5;
	s0 =	sadd.s32 $0x42A00, s0;
	[dreg:$0x5] =	wrdreg s7  }
0xe: {  	s10 =	sshrl.u32 s6, $0x1;
	s13 =	sadd.s32 s12, s11;
	[dreg:$0xe] =	wrdreg s0  }
0xf: {  	s18 =	sshrl.u32 s15, $0x2;
	s11 =	sadd.s32 s1, s11;
	[dreg:$0x6] =	wrdreg s13  }
0x10: {  	s15 =	simm.s32 $0x6;
	s17 =	sadd.s32 $0x1BA08, s9;
	[dreg:$0x7] =	wrdreg s11  }
0x11: {  	s5 =	smul.u32 $0x2710, s5;
	s9 =	sadd.s32 $0x1BA00, s9;
	[dreg:$0xa] =	wrdreg s17  }
0x12: {  	s10 =	ssub.s32 s6, s10;
	[dreg:$0xd] =	wrdreg s9;
	s17 =	simm.s32 $0x32C8  }
0x13: {  	s13 =	simm.s32 $0xF230;
	s9 =	simm.s32 $0x4;
	s26 =	sshrl.u32 s5, $0x3  }
0x14: {  	s14 =	sadd.s32 $0x4E5E8, s5;
	s22 =	sadd.s32 $0x4EDB8, s5;
	s25 =	sadd.s32 $0x4F588, s5  }
0x15: {  	s6 =	sadd.s32 s8, s26;
	s7 =	sshrl.u32 s14, $0x3;
	s23 =	sshrl.u32 s22, $0x3  }
0x16: {  	s26 =	sadd.s32 $0x4FD58, s5;
	s5 =	sadd.s32 $0x50528, s5;
	s16 =	sadd.s32 $0x9C40, s6  }
0x17: {  	s7 =	sadd.s32 s8, s7;
	s24 =	sadd.s32 $0x9D3A, s6;
	[dreg:$0x8] =	wrdreg s16  }
0x18: {  	s0 =	sadd.s32 s8, s23;
	s5 =	sshrl.u32 s5, $0x3;
	[dreg:$0x9] =	wrdreg s7  }
0x19: {  	s7 =	sadd.s32 s18, s2;
	s18 =	smax.u32 s10, $0x1;
	[dreg:$0xf] =	wrdreg s24  }
0x1a: {  	[dreg:$0x10] =	wrdreg s0;
	s0 =	sshrl.u32 s25, $0x3;
	s23 =	sadd.s32 s8, s5  }
.Ltmp0:
0x1b: {  	s24 =	sadd.s32 $0x9E34, s6;
	s25 =	sadd.s32 $0x9F2E, s6;
	(pc) =	sbr.rel .LBB2_1-.Ltmp0, $4  }
0x1c: {  	s10 =	simm.s32 $0x2EE0;
	s5 =	simm.s32 $0xB3B0;
	s16 =	simm.s32 $0x1  }
0x1d: {  	[dreg:$0xb] =	wrdreg s7;
	s7 =	sshrl.u32 s26, $0x3;
	s0 =	sadd.s32 s8, s0  }
0x1e: {  	s26 =	sadd.s32 $0xA028, s6;
	[dreg:$0x11] =	wrdreg s0;
	s22 =	sadd.s32 s8, s7  }
0x1f: {  	s0 =	simm.s32 $0x2AF8;
	s8 =	simm.s32 $0x7530;
	s7 =	simm.s32 $0x3  }
.LBB2_8:
0x20: {  	s14 =	sshrl.u32 s20, $0x3;
	s21 =	simm.s32 $0x10  }
0x21: {  	[hbm:s12@s21], [sflag:s11] =	dma.strided [spmem:s14@s3], $0x20, s16, $0x2   }
0x22: {  	_ =	swait.ge [sflag:s28], $0x20  }
0x23: {  	[sflag:s28] =	ssyncset.done $0x0  }
0x24: {  	[sflag:s28] =	ssyncadd.s32 $0xFFFFFFE0  }
.LBB2_9:
0x25: {  	s18 =	sadd.s32 $0xFFFFFFFF, s18  }
0x26: {  	p3 =	sne.s32 s18, $0x0  }
.Ltmp1:
0x27: {  	_ = 	snop;
	(pc) =	sbr.rel @!p3 .LBB2_10-.Ltmp1, $1  }
0x28: {  	_ =	sdelay $0x3  }
.LBB2_1:
.Ltmp2:
0x29: {  	(pc) =	sbr.rel @p0 .LBB2_3-.Ltmp2, $4  }
0x2a: {  	[tilespmem:s4], [sflag:$0x5] =	stream.linear.gather [hbm4b:s6+s4], $0x2710, $0x38;
	[tilespmem:$0x157C0] =	vst v63  }
0x2b: {  	_ =	swait.ge [sflag:s28], $0x2710  }
0x2c: {  	s11 =	sshll.u32 s19, $0x6;
	[sflag:s28] =	ssyncset.done $0x0;
	s12 =	rddreg [dreg:$0x5]  }
0x2d: {  	[sflag:s28] =	ssyncadd.s32 $0xFFFFD8F0;
	s14 =	sshrl.u32 s12, $0x3;
	s12 =	sor.u32 $0x1C05, s11  }
0x2e: {  	s12 =	sor.u32 $0x1C05, s11;
	s21 =	rddreg [dreg:$0x7]  }
0x2f: {  	[spmem:s14], [sflag:s12] =	dma.local [hbm:s21], $0x4E0  }
.Ltmp3:
0x30: {  	_ = 	snop;
	(pc) =	sbr.rel @p1 .LBB2_4-.Ltmp3, $4  }
.Ltmp4:
0x31: {  	_ = 	snop;
	(pc) =	sbr.rel @!p1 .LBB2_5-.Ltmp4, $4  }
0x32: {  	_ =	swait.ge [sflag:s28], $0x4E0  }
0x33: {  	[sflag:s28] =	ssyncset.done $0x0  }
0x34: {  	s14 =	smov.u32 s1;
	[sflag:s28] =	ssyncadd.s32 $0xFFFFFB20  }
0x35: {  	_ = 	snop  }
.LBB2_3:
.Ltmp5:
0x36: {  	s21 =	smov.u32 s20;
	s20 =	rddreg [dreg:$0x6];
	(pc) =	sbr.rel @p2 .LBB2_5-.Ltmp5, $4  }
0x37: {  	[spmem:s14], [sflag:s12] =	dma.local [hbm:s20], $0x4E0  }
0x38: {  	_ =	swait.ge [sflag:s28], $0x4E0  }
0x39: {  	[sflag:s28] =	ssyncset.done $0x0  }
0x3a: {  	s20 =	smov.u32 s21;
	s14 =	rddreg [dreg:$0x4];
	[sflag:s28] =	ssyncadd.s32 $0xFFFFFB20  }
.LBB2_4:
0x3b: {  	s14 =	sadd.s32 $0x4E00, s14;
	s19 =	sshrl.u32 s20, $0x3  }
0x3c: {  	[spmem:s19], [sflag:s12] =	dma.local [hbm:s14], $0x20  }
0x3d: {  	_ =	swait.ge [sflag:s28], $0x20  }
0x3e: {  	[sflag:s28] =	ssyncset.done $0x0  }
0x3f: {  	s19 =	stileid.u32;
	[sflag:s28] =	ssyncadd.s32 $0xFFFFFFE0  }
.LBB2_5:
0x40: {  	[bflag:$0x0] =	sbarrier.arrive $0xFFFF  }
0x41: {  	s12 =	rddreg [dreg:$0x8]  }
0x42: {  	[tilespmem:s29], [sflag:$0x1] =	stream.linear.gather [hbm4b:s12+s4], $0x3E8, $0x38;
	[tilespmem:$0x157C0] =	vst v63  }
0x43: {  	_ = 	snop  }
0x44: {  	[tilespmem:s31], [sflag:$0x1] =	stream.indirect.gather [hbm4b:s1+s30], $0x10, s4, s30, $0xb8;
	[tilespmem:$0x157C0] =	vst v63  }
0x45: {  	s21 =	rddreg [dreg:$0x9]  }
0x46: {  	[tilespmem:s0], [sflag:$0x2] =	stream.linear.gather [hbm4b:s21+s4], $0x3E8, $0x38;
	[tilespmem:$0x157C0] =	vst v63  }
0x47: {  	_ = 	snop  }
0x48: {  	[tilespmem:s8], [sflag:$0x2] =	stream.indirect.gather [hbm4b:s1+s30], $0x10, s30, s30, $0xb8;
	[tilespmem:$0x157C0] =	vst v63  }
0x49: {  	s14 =	rddreg [dreg:$0xf]  }
0x4a: {  	[tilespmem:s10], [sflag:$0x3] =	stream.linear.gather [hbm4b:s14+s4], $0x3E8, $0x38;
	[tilespmem:$0x157C0] =	vst v63  }
0x4b: {  	s21 =	simm.s32 $0x7D0  }
0x4c: {  	[tilespmem:s5], [sflag:$0x3] =	stream.indirect.gather [hbm4b:s1+s30], $0x10, s21, s30, $0xb8;
	[tilespmem:$0x157C0] =	vst v63  }
0x4d: {  	_ =	swait.ge [sflag:s16], $0x3E8  }
0x4e: {  	[sflag:s16] =	ssyncset.done $0x0  }
0x4f: {  	[sflag:s16] =	ssyncadd.s32 $0xFFFFFC18  }
0x50: {  	_ =	swait.ge [sflag:s16], $0x3E80  }
0x51: {  	[sflag:s16] =	ssyncset.done $0x0  }
0x52: {  	[sflag:s16] =	ssyncadd.s32 $0xFFFFC180  }
0x53: {  	[spmem:s2] =	stream.indirect.scatter.add.f32 [tilespmem:s31], [sflag:$0x6], $0x10, s29, s30, $0xb8;
	[tilespmem:$0x157C0] =	vst v63  }
0x54: {  	_ =	swait.ge [sflag:s15], $0x3E80  }
0x55: {  	[sflag:s15] =	ssyncset.done $0x0  }
0x56: {  	s14 =	rddreg [dreg:$0x10];
	[sflag:s15] =	ssyncadd.s32 $0xFFFFC180  }
0x57: {  	[tilespmem:s17], [sflag:$0x4] =	stream.linear.gather [hbm4b:s14+s4], $0x3E8, $0x38;
	[tilespmem:$0x157C0] =	vst v63  }
0x58: {  	s21 =	simm.s32 $0xBB8  }
0x59: {  	[tilespmem:s13], [sflag:$0x4] =	stream.indirect.gather [hbm4b:s1+s30], $0x10, s21, s30, $0xb8;
	[tilespmem:$0x157C0] =	vst v63  }
0x5a: {  	_ =	swait.ge [sflag:s3], $0x3E8  }
0x5b: {  	[sflag:s3] =	ssyncset.done $0x0  }
0x5c: {  	[sflag:s3] =	ssyncadd.s32 $0xFFFFFC18  }
0x5d: {  	_ =	swait.ge [sflag:s3], $0x3E80  }
0x5e: {  	[sflag:s3] =	ssyncset.done $0x0  }
0x5f: {  	[sflag:s3] =	ssyncadd.s32 $0xFFFFC180  }
0x60: {  	[spmem:s2] =	stream.indirect.scatter.add.f32 [tilespmem:s8], [sflag:$0x6], $0x10, s0, s30, $0xb8;
	[tilespmem:$0x157C0] =	vst v63  }
0x61: {  	_ =	swait.ge [sflag:s15], $0x3E80  }
0x62: {  	[sflag:s15] =	ssyncset.done $0x0  }
0x63: {  	[sflag:s15] =	ssyncadd.s32 $0xFFFFC180  }
0x64: {  	[tilespmem:s29], [sflag:$0x1] =	stream.linear.gather [hbm4b:s24+s4], $0x3E8, $0x38;
	[tilespmem:$0x157C0] =	vst v63  }
0x65: {  	s14 =	simm.s32 $0xFA0  }
0x66: {  	[tilespmem:s31], [sflag:$0x1] =	stream.indirect.gather [hbm4b:s1+s30], $0x10, s14, s30, $0xb8;
	[tilespmem:$0x157C0] =	vst v63  }
0x67: {  	_ =	swait.ge [sflag:s7], $0x3E8  }
0x68: {  	[sflag:s7] =	ssyncset.done $0x0  }
0x69: {  	[sflag:s7] =	ssyncadd.s32 $0xFFFFFC18  }
0x6a: {  	_ =	swait.ge [sflag:s7], $0x3E80  }
0x6b: {  	[sflag:s7] =	ssyncset.done $0x0  }
0x6c: {  	[sflag:s7] =	ssyncadd.s32 $0xFFFFC180  }
0x6d: {  	[spmem:s2] =	stream.indirect.scatter.add.f32 [tilespmem:s5], [sflag:$0x6], $0x10, s10, s30, $0xb8;
	[tilespmem:$0x157C0] =	vst v63  }
0x6e: {  	_ =	swait.ge [sflag:s15], $0x3E80  }
0x6f: {  	[sflag:s15] =	ssyncset.done $0x0  }
0x70: {  	s21 =	rddreg [dreg:$0x11];
	[sflag:s15] =	ssyncadd.s32 $0xFFFFC180  }
0x71: {  	[tilespmem:s0], [sflag:$0x2] =	stream.linear.gather [hbm4b:s21+s4], $0x3E8, $0x38;
	[tilespmem:$0x157C0] =	vst v63  }
0x72: {  	s14 =	simm.s32 $0x1388  }
0x73: {  	[tilespmem:s8], [sflag:$0x2] =	stream.indirect.gather [hbm4b:s1+s30], $0x10, s14, s30, $0xb8;
	[tilespmem:$0x157C0] =	vst v63  }
0x74: {  	_ =	swait.ge [sflag:s9], $0x3E8  }
0x75: {  	[sflag:s9] =	ssyncset.done $0x0  }
0x76: {  	[sflag:s9] =	ssyncadd.s32 $0xFFFFFC18  }
0x77: {  	_ =	swait.ge [sflag:s9], $0x3E80  }
0x78: {  	[sflag:s9] =	ssyncset.done $0x0  }
0x79: {  	[sflag:s9] =	ssyncadd.s32 $0xFFFFC180  }
0x7a: {  	[spmem:s2] =	stream.indirect.scatter.add.f32 [tilespmem:s13], [sflag:$0x5], $0x10, s17, s30, $0xb8;
	[tilespmem:$0x157C0] =	vst v63  }
0x7b: {  	_ =	swait.ge [sflag:s28], $0x3E80  }
0x7c: {  	[sflag:s28] =	ssyncset.done $0x0  }
0x7d: {  	[sflag:s28] =	ssyncadd.s32 $0xFFFFC180  }
0x7e: {  	[tilespmem:s10], [sflag:$0x3] =	stream.linear.gather [hbm4b:s25+s4], $0x3E8, $0x38;
	[tilespmem:$0x157C0] =	vst v63  }
0x7f: {  	s21 =	simm.s32 $0x1770  }
0x80: {  	[tilespmem:s5], [sflag:$0x3] =	stream.indirect.gather [hbm4b:s1+s30], $0x10, s21, s30, $0xb8;
	[tilespmem:$0x157C0] =	vst v63  }
0x81: {  	_ =	swait.ge [sflag:s16], $0x3E8  }
0x82: {  	[sflag:s16] =	ssyncset.done $0x0  }
0x83: {  	[sflag:s16] =	ssyncadd.s32 $0xFFFFFC18  }
0x84: {  	_ =	swait.ge [sflag:s16], $0x3E80  }
0x85: {  	[sflag:s16] =	ssyncset.done $0x0  }
0x86: {  	[sflag:s16] =	ssyncadd.s32 $0xFFFFC180  }
0x87: {  	[spmem:s2] =	stream.indirect.scatter.add.f32 [tilespmem:s31], [sflag:$0x6], $0x10, s29, s30, $0xb8;
	[tilespmem:$0x157C0] =	vst v63  }
0x88: {  	_ =	swait.ge [sflag:s15], $0x3E80  }
0x89: {  	[sflag:s15] =	ssyncset.done $0x0  }
0x8a: {  	[sflag:s15] =	ssyncadd.s32 $0xFFFFC180  }
0x8b: {  	[tilespmem:s17], [sflag:$0x4] =	stream.linear.gather [hbm4b:s22+s4], $0x3E8, $0x38;
	[tilespmem:$0x157C0] =	vst v63  }
0x8c: {  	s14 =	simm.s32 $0x1B58  }
0x8d: {  	[tilespmem:s13], [sflag:$0x4] =	stream.indirect.gather [hbm4b:s1+s30], $0x10, s14, s30, $0xb8;
	[tilespmem:$0x157C0] =	vst v63  }
0x8e: {  	_ =	swait.ge [sflag:s3], $0x3E8  }
0x8f: {  	[sflag:s3] =	ssyncset.done $0x0  }
0x90: {  	[sflag:s3] =	ssyncadd.s32 $0xFFFFFC18  }
0x91: {  	_ =	swait.ge [sflag:s3], $0x3E80  }
0x92: {  	[sflag:s3] =	ssyncset.done $0x0  }
0x93: {  	[sflag:s3] =	ssyncadd.s32 $0xFFFFC180  }
0x94: {  	[spmem:s2] =	stream.indirect.scatter.add.f32 [tilespmem:s8], [sflag:$0x6], $0x10, s0, s30, $0xb8;
	[tilespmem:$0x157C0] =	vst v63  }
0x95: {  	_ =	swait.ge [sflag:s15], $0x3E80  }
0x96: {  	[sflag:s15] =	ssyncset.done $0x0  }
0x97: {  	[sflag:s15] =	ssyncadd.s32 $0xFFFFC180  }
0x98: {  	[tilespmem:s29], [sflag:$0x1] =	stream.linear.gather [hbm4b:s26+s4], $0x3E8, $0x38;
	[tilespmem:$0x157C0] =	vst v63  }
0x99: {  	s21 =	simm.s32 $0x1F40  }
0x9a: {  	[tilespmem:s31], [sflag:$0x1] =	stream.indirect.gather [hbm4b:s1+s30], $0x10, s21, s30, $0xb8;
	[tilespmem:$0x157C0] =	vst v63  }
0x9b: {  	_ =	swait.ge [sflag:s7], $0x3E8  }
0x9c: {  	[sflag:s7] =	ssyncset.done $0x0  }
0x9d: {  	[sflag:s7] =	ssyncadd.s32 $0xFFFFFC18  }
0x9e: {  	_ =	swait.ge [sflag:s7], $0x3E80  }
0x9f: {  	[sflag:s7] =	ssyncset.done $0x0  }
0xa0: {  	[sflag:s7] =	ssyncadd.s32 $0xFFFFC180  }
0xa1: {  	[spmem:s2] =	stream.indirect.scatter.add.f32 [tilespmem:s5], [sflag:$0x6], $0x10, s10, s30, $0xb8;
	[tilespmem:$0x157C0] =	vst v63  }
0xa2: {  	_ =	swait.ge [sflag:s15], $0x3E80  }
0xa3: {  	[sflag:s15] =	ssyncset.done $0x0  }
0xa4: {  	[sflag:s15] =	ssyncadd.s32 $0xFFFFC180  }
0xa5: {  	[tilespmem:s0], [sflag:$0x2] =	stream.linear.gather [hbm4b:s23+s4], $0x3E8, $0x38;
	[tilespmem:$0x157C0] =	vst v63  }
0xa6: {  	s14 =	simm.s32 $0x2328  }
0xa7: {  	[tilespmem:s8], [sflag:$0x2] =	stream.indirect.gather [hbm4b:s1+s30], $0x10, s14, s30, $0xb8;
	[tilespmem:$0x157C0] =	vst v63  }
0xa8: {  	_ =	swait.ge [sflag:s9], $0x3E8  }
0xa9: {  	[sflag:s9] =	ssyncset.done $0x0  }
0xaa: {  	[sflag:s9] =	ssyncadd.s32 $0xFFFFFC18  }
0xab: {  	_ =	swait.ge [sflag:s9], $0x3E80  }
0xac: {  	[sflag:s9] =	ssyncset.done $0x0  }
0xad: {  	[sflag:s9] =	ssyncadd.s32 $0xFFFFC180  }
0xae: {  	[spmem:s2] =	stream.indirect.scatter.add.f32 [tilespmem:s13], [sflag:$0x5], $0x10, s17, s30, $0xb8;
	[tilespmem:$0x157C0] =	vst v63  }
0xaf: {  	_ =	swait.ge [sflag:s28], $0x3E80  }
0xb0: {  	[sflag:s28] =	ssyncset.done $0x0  }
0xb1: {  	[sflag:s28] =	ssyncadd.s32 $0xFFFFC180  }
0xb2: {  	_ =	swait.ge [sflag:s16], $0x3E8  }
0xb3: {  	[sflag:s16] =	ssyncset.done $0x0  }
0xb4: {  	[sflag:s16] =	ssyncadd.s32 $0xFFFFFC18  }
0xb5: {  	_ =	swait.ge [sflag:s16], $0x3E80  }
0xb6: {  	[sflag:s16] =	ssyncset.done $0x0  }
0xb7: {  	[sflag:s16] =	ssyncadd.s32 $0xFFFFC180  }
0xb8: {  	[spmem:s2] =	stream.indirect.scatter.add.f32 [tilespmem:s31], [sflag:$0x6], $0x10, s29, s30, $0xb8;
	[tilespmem:$0x157C0] =	vst v63  }
0xb9: {  	_ =	swait.ge [sflag:s15], $0x3E80  }
0xba: {  	[sflag:s15] =	ssyncset.done $0x0  }
0xbb: {  	[sflag:s15] =	ssyncadd.s32 $0xFFFFC180  }
0xbc: {  	_ =	swait.ge [sflag:s3], $0x3E8  }
0xbd: {  	[sflag:s3] =	ssyncset.done $0x0  }
0xbe: {  	[sflag:s3] =	ssyncadd.s32 $0xFFFFFC18  }
0xbf: {  	_ =	swait.ge [sflag:s3], $0x3E80  }
0xc0: {  	[sflag:s3] =	ssyncset.done $0x0  }
0xc1: {  	[sflag:s3] =	ssyncadd.s32 $0xFFFFC180  }
0xc2: {  	[spmem:s2] =	stream.indirect.scatter.add.f32 [tilespmem:s8], [sflag:$0x6], $0x10, s0, s30, $0xb8;
	[tilespmem:$0x157C0] =	vst v63  }
0xc3: {  	_ =	swait.ge [sflag:s15], $0x3E80  }
.Ltmp6:
0xc4: {  	[sflag:s15] =	ssyncset.done $0x0;
	(pc) =	sbr.rel @p0 .LBB2_7-.Ltmp6, $4  }
0xc5: {  	[sflag:s15] =	ssyncadd.s32 $0xFFFFC180  }
0xc6: {  	[bflag:$0x0] =	sbarrier.arrive $0xFFFF  }
0xc7: {  	s21 =	rddreg [dreg:$0xb]  }
0xc8: {  	s11 =	sor.u32 $0x1C05, s11;
	s12 =	sshrl.u32 s21, $0x3  }
0xc9: {  	s14 =	rddreg [dreg:$0xd];
	s21 =	simm.s32 $0x10  }
0xca: {  	[hbm:s14@s21], [sflag:s11] =	dma.strided [spmem:s12@s3], $0x4E0, s16, $0x2   }
.Ltmp7:
0xcb: {  	_ = 	snop;
	(pc) =	sbr.rel @p1 .LBB2_8-.Ltmp7, $4  }
.Ltmp8:
0xcc: {  	_ = 	snop;
	(pc) =	sbr.rel @!p1 .LBB2_9-.Ltmp8, $4  }
0xcd: {  	_ =	swait.ge [sflag:s28], $0x4E0  }
0xce: {  	[sflag:s28] =	ssyncset.done $0x0  }
0xcf: {  	s12 =	rddreg [dreg:$0xe];
	[sflag:s28] =	ssyncadd.s32 $0xFFFFFB20  }
0xd0: {  	_ = 	snop  }
.LBB2_7:
0xd1: {  	s14 =	rddreg [dreg:$0xa];
	s21 =	simm.s32 $0x10  }
0xd2: {  	[hbm:s14@s21], [sflag:s11] =	dma.strided [spmem:s12@s3], $0x4E0, s16, $0x2   }
.Ltmp9:
0xd3: {  	_ = 	snop;
	(pc) =	sbr.rel @p2 .LBB2_9-.Ltmp9, $4  }
.Ltmp10:
0xd4: {  	_ = 	snop;
	(pc) =	sbr.rel @!p2 .LBB2_8-.Ltmp10, $4  }
0xd5: {  	_ =	swait.ge [sflag:s28], $0x4E0  }
0xd6: {  	[sflag:s28] =	ssyncset.done $0x0  }
0xd7: {  	s12 =	rddreg [dreg:$0xc];
	[sflag:s28] =	ssyncadd.s32 $0xFFFFFB20  }
0xd8: {  	_ = 	snop  }
.LBB2_10:
0xd9: {  	_ =	sfence.sel $0x180000  }
0xda: {  	[bflag:$0x0] =	sbarrier.arrive $0xFFFF  }
0xdb: {  	_ =	strace $0x90000050  }
0xdc: {  	[bflag:$0x2] =	sbarrier.arrive $0xFFFF  }
0xdd: {  	p0 =	sne.s32 s19, $0x0;
	s0 =	rddreg [dreg:$0x3]  }
0xde: {  	s0 =	sadd.s32 @!p0 $0x100000, s0  }
0xdf: {  	[sflag:s0] =	ssyncadd.tile.s32 @!p0 $0x1;
	_ =	shalt  }
.Lfunc_end2:
_tile_overlayer_lowered:
.L_overlay_start_2:
0xe0: {  	(tag) =	ssettag $0x2  }
0xe1: {  	s0 =	rddreg [dreg:$0x0];
	s2 =	stileid.u32  }
0xe2: {  	s1 =	rddreg [dreg:$0x1];
	p0 =	sne.s32 s2, $0x0  }
0xe3: {  	s3 =	rddreg [dreg:$0x2];
	[bflag:$0x3] =	sbarrier.arrive $0xFFFF;
	s2 =	simm.s32 @!p0 $0x1C05  }
0xe4: {  	[timem:s3], [sflag:s2] =	dma.local @!p0 [hbm:s0], s1  }
0xe5: {  	s0 =	simm.s32 @!p0 $0x5  }
0xe6: {  	_ =	swait.ge @!p0 [sflag:s0], s1  }
0xe7: {  	s1 =	ssub.s32 @!p0 $0x0, s1;
	[sflag:s0] =	ssyncset.done @!p0 $0x0  }
0xe8: {  	[sflag:s0] =	ssyncadd.s32 @!p0 s1  }
0xe9: {  	[bflag:$0x3] =	sbarrier.arrive $0xFFFF  }
0xea: {  	_ =	shalt  }

</sc_bundles>
